<compile_context>
chip_gen: v7x
topology: tpu7x:2x2x1
jax: 0.10.2.dev20260603
libtpu: 0.0.44.dev20260713+nightly
codegen_flags: <defaults>
</compile_context>

<pallas_src>
import functools

import jax
import jax.numpy as jnp
from jax import lax
from jax.experimental import pallas as pl
from jax.experimental.pallas import tpu as pltpu
from jax.experimental.pallas import tpu_sc as plsc

NUM_COND = 1_000_000
DIM = 16
BATCH = 16384
LANES = 128

_info = plsc.get_sparse_core_info()
_NC, _NS = _info.num_cores, _info.num_subcores
_NW = _NC * _NS
_B_PER_W = BATCH // _NW
_GRP = 16
_NGRP = _B_PER_W // _GRP
_NSLOT = 3


def _build():
    mesh = plsc.VectorSubcoreMesh(core_axis_name="c", subcore_axis_name="s")

    @functools.partial(
        pl.kernel,
        mesh=mesh,
        out_type=jax.ShapeDtypeStruct((DIM, BATCH), jnp.float32),
        scratch_types=[
            pltpu.VMEM((_B_PER_W,), jnp.int32),
            pltpu.VMEM((_NSLOT, DIM, _GRP * LANES), jnp.float32),
            pltpu.VMEM((DIM, _B_PER_W), jnp.float32),
            pltpu.SemaphoreType.DMA,
            pltpu.SemaphoreType.DMA,
            pltpu.SemaphoreType.DMA,
        ],
        compiler_params=pltpu.CompilerParams(needs_layout_passes=False),
    )
    def gather_kernel(table_hbm, idx_hbm, out_hbm,
                      idx_v, stage_v, rows_v, semA, semB, semC):
        wid = lax.axis_index("s") * _NC + lax.axis_index("c")
        base = wid * _B_PER_W
        pltpu.sync_copy(idx_hbm.at[wid], idx_v)
        sems = (semA, semB, semC)

        def fire(g, slot, sem):
            idxvec = idx_v[pl.ds(g * _GRP, _GRP)]
            blkvec = idxvec & jnp.int32(~(LANES - 1))
            for j in range(_GRP):
                blk = pl.multiple_of(blkvec[j], LANES)
                pltpu.async_copy(
                    table_hbm.at[:, pl.ds(blk, LANES)],
                    stage_v.at[slot, :, pl.ds(j * LANES, LANES)], sem)

        def drain_extract(g, slot, sem):
            pltpu.make_async_copy(
                table_hbm.at[:, pl.ds(0, _GRP * LANES)],
                stage_v.at[slot], sem).wait()
            lanes = idx_v[pl.ds(g * _GRP, _GRP)] & jnp.int32(LANES - 1)
            cols = lax.iota(jnp.int32, _GRP) * LANES + lanes
            srow = jnp.full((_GRP,), slot, jnp.int32)
            for d in range(DIM):
                vals = plsc.load_gather(
                    stage_v, [srow, jnp.full((_GRP,), d, jnp.int32), cols])
                rows_v[d, pl.ds(g * _GRP, _GRP)] = vals

        for g in range(_NSLOT):
            fire(g, g, sems[g])

        def step(h, carry):
            for s in range(_NSLOT):
                g = _NSLOT * h + s
                drain_extract(g, s, sems[s])
                fire(g + _NSLOT, s, sems[s])
            return carry

        _NFULL = (_NGRP - _NSLOT) // _NSLOT
        lax.fori_loop(0, _NFULL, step, 0)
        for g in range(_NFULL * _NSLOT, _NGRP):
            s = g % _NSLOT
            drain_extract(g, s, sems[s])
            if g + _NSLOT < _NGRP:
                fire(g + _NSLOT, s, sems[s])

        pltpu.sync_copy(rows_v, out_hbm.at[:, pl.ds(base, _B_PER_W)])

    return gather_kernel


_gather = _build()


def kernel(embeddings, condition_idx):
    idx = condition_idx.astype(jnp.int32).reshape(_NW, _B_PER_W)
    out_t = _gather(embeddings.T, idx)
    return out_t.T

# --- scband reference (transcript-rebuilt; emitter-appended) ---
"""Pipeline reference for scband-condition-encoder-43894565765717 (READ-ONLY COPY).

The authoritative reference and input builder live on the scoring server;
editing this copy changes nothing except your own understanding.
"""

import jax, jax.numpy as jnp
import numpy as np

NUM_CONDITIONS = 1000000
EMBEDDING_DIM = 16
BATCH = 16384

def setup_inputs(seed: int = 0) -> dict:
    key = jax.random.key(seed)
    k_emb, k_idx = jax.random.split(key)
    embeddings = jax.random.normal(k_emb, (NUM_CONDITIONS, EMBEDDING_DIM), dtype=jnp.float32) * 0.1
    condition_idx = jax.random.randint(k_idx, (BATCH,), 0, NUM_CONDITIONS, dtype=jnp.int64 if jax.config.read('jax_enable_x64') else jnp.int32)
    return {"embeddings": embeddings, "condition_idx": condition_idx}

def reference(embeddings, condition_idx):
    # Faithful translation of ConditionEncoder.forward: self.embeddings[condition_idx]
    return jnp.take(embeddings, condition_idx, axis=0)

if __name__ == "__main__":
    import jax
    _d = setup_inputs()
    print(jax.jit(kernel)(*tuple(_d.values())))

</pallas_src>

<mosaic_0001>
#map = affine_map<(d0, d1) -> (0, 0)>
module attributes {stable_mosaic.version = 14 : i64} {
  func.func @gather_kernel(%arg0: i32, %arg1: i32, %arg2: memref<16x1000000xf32, #tpu.memory_space<hbm>>, %arg3: memref<32x512xi32, #tpu.memory_space<hbm>>, %arg4: memref<16x16384xf32, #tpu.memory_space<hbm>>, %arg5: memref<512xi32, #tpu.memory_space<vmem>>, %arg6: memref<3x16x2048xf32, #tpu.memory_space<vmem>>, %arg7: memref<16x512xf32, #tpu.memory_space<vmem>>, %arg8: memref<!tpu.dma_semaphore, #tpu.memory_space<semaphore_mem>>, %arg9: memref<!tpu.dma_semaphore, #tpu.memory_space<semaphore_mem>>, %arg10: memref<!tpu.dma_semaphore, #tpu.memory_space<semaphore_mem>>) attributes {dimension_semantics = [#tpu.dimension_semantics<core_parallel>, #tpu.dimension_semantics<subcore_parallel>], iteration_bounds = array<i64: 2, 16>, scalar_prefetch = 0 : i64, scratch_operands = 6 : i64, tpu.core_type = #tpu.core_type<sc_vector_subcore>, window_params = [{transform_indices = #map}, {transform_indices = #map}, {transform_indices = #map}]} {
    %mul3A = arith.constant 2 : i32
    %mul3A_0 = arith.muli %arg1, %mul3A : i32
    %add3A = arith.addi %mul3A_0, %arg0 : i32
    %mul3A_1 = arith.constant 512 : i32
    %mul3A_2 = arith.muli %add3A, %mul3A_1 : i32
    "tpu.region"() ({
      %run_scoped3A = tpu.sem_alloc : memref<!tpu.dma_semaphore, #tpu.memory_space<semaphore_mem>>
      %dma_start3A_1997 = arith.constant 0 : i32
      %dma_start3A_1998 = tpu.memref_slice %arg3[%add3A, %dma_start3A_1997] : memref<32x512xi32, #tpu.memory_space<hbm>> -> memref<1x512xi32, #tpu.memory_space<hbm>>
      %dma_start3A_1999 = tpu.memref_squeeze %dma_start3A_1998 : memref<1x512xi32, #tpu.memory_space<hbm>> -> memref<512xi32, #tpu.memory_space<hbm>>
      %dma_start3A_2000 = arith.constant 0 : i32
      %dma_start3A_2001 = tpu.memref_slice %arg3[%add3A, %dma_start3A_2000] : memref<32x512xi32, #tpu.memory_space<hbm>> -> memref<1x512xi32, #tpu.memory_space<hbm>>
      %dma_start3A_2002 = tpu.memref_squeeze %dma_start3A_2001 : memref<1x512xi32, #tpu.memory_space<hbm>> -> memref<512xi32, #tpu.memory_space<hbm>>
      tpu.enqueue_dma source(%dma_start3A_2002 : memref<512xi32, #tpu.memory_space<hbm>>) target(%arg5 : memref<512xi32, #tpu.memory_space<vmem>>) target_semaphore(%run_scoped3A : memref<!tpu.dma_semaphore, #tpu.memory_space<semaphore_mem>>)
      %dma_wait3A_2003 = arith.constant 0 : i32
      %dma_wait3A_2004 = tpu.memref_slice %arg3[%add3A, %dma_wait3A_2003] : memref<32x512xi32, #tpu.memory_space<hbm>> -> memref<1x512xi32, #tpu.memory_space<hbm>>
      %dma_wait3A_2005 = tpu.memref_squeeze %dma_wait3A_2004 : memref<1x512xi32, #tpu.memory_space<hbm>> -> memref<512xi32, #tpu.memory_space<hbm>>
      %dma_wait3A_2006 = arith.constant 0 : i32
      %dma_wait3A_2007 = tpu.memref_slice %arg3[%add3A, %dma_wait3A_2006] : memref<32x512xi32, #tpu.memory_space<hbm>> -> memref<1x512xi32, #tpu.memory_space<hbm>>
      %dma_wait3A_2008 = tpu.memref_squeeze %dma_wait3A_2007 : memref<1x512xi32, #tpu.memory_space<hbm>> -> memref<512xi32, #tpu.memory_space<hbm>>
      tpu.wait_dma2 semaphore(%run_scoped3A : memref<!tpu.dma_semaphore, #tpu.memory_space<semaphore_mem>>) src(%dma_wait3A_2008 : memref<512xi32, #tpu.memory_space<hbm>>) dst(%arg5 : memref<512xi32, #tpu.memory_space<vmem>>)
      tpu.yield
    }) : () -> ()
    %get3A = arith.constant 0 : index
    %get3A_3 = tpu.vector_load %arg5[%get3A] {strides = array<i32>} : memref<512xi32, #tpu.memory_space<vmem>>, vector<16xi32>,
    %and3A = arith.constant -128 : i32
    %and3A_4 = vector.broadcast %and3A : i32 to vector<16xi32>
    %and3A_5 = arith.andi %get3A_3, %and3A_4 : vector<16xi32>
    %slice3A = vector.extract_strided_slice %and3A_5 {offsets = [0], sizes = [1], strides = [1]} : vector<16xi32> to vector<1xi32>
    %squeeze3A = vector.extract %slice3A[0] : i32 from vector<1xi32>
    %multiple_of3A = tpu.assume_multiple %squeeze3A, 128 : i32
    %dma_start3A = arith.constant 0 : i32
    %dma_start3A_6 = arith.constant 0 : i32
    %dma_start3A_7 = arith.constant 0 : i32
    %dma_start3A_8 = tpu.memref_slice %arg6[%dma_start3A, %dma_start3A_6, %dma_start3A_7] : memref<3x16x2048xf32, #tpu.memory_space<vmem>> -> memref<1x16x128xf32, #tpu.memory_space<vmem>>
    %dma_start3A_9 = tpu.memref_squeeze %dma_start3A_8 : memref<1x16x128xf32, #tpu.memory_space<vmem>> -> memref<16x128xf32, #tpu.memory_space<vmem>>
    %dma_start3A_10 = arith.constant 0 : i32
    %dma_start3A_11 = tpu.memref_slice %arg2[%dma_start3A_10, %multiple_of3A] : memref<16x1000000xf32, #tpu.memory_space<hbm>> -> memref<16x128xf32, #tpu.memory_space<hbm>>
    %dma_start3A_12 = arith.constant 0 : i32
    %dma_start3A_13 = arith.constant 0 : i32
    %dma_start3A_14 = tpu.memref_slice %arg6[%dma_start3A, %dma_start3A_12, %dma_start3A_13] : memref<3x16x2048xf32, #tpu.memory_space<vmem>> -> memref<1x16x128xf32, #tpu.memory_space<vmem>>
    %dma_start3A_15 = tpu.memref_squeeze %dma_start3A_14 : memref<1x16x128xf32, #tpu.memory_space<vmem>> -> memref<16x128xf32, #tpu.memory_space<vmem>>
    %dma_start3A_16 = arith.constant 0 : i32
    %dma_start3A_17 = tpu.memref_slice %arg2[%dma_start3A_16, %multiple_of3A] : memref<16x1000000xf32, #tpu.memory_space<hbm>> -> memref<16x128xf32, #tpu.memory_space<hbm>>
    tpu.enqueue_dma source(%dma_start3A_17 : memref<16x128xf32, #tpu.memory_space<hbm>>) target(%dma_start3A_15 : memref<16x128xf32, #tpu.memory_space<vmem>>) target_semaphore(%arg8 : memref<!tpu.dma_semaphore, #tpu.memory_space<semaphore_mem>>)
    %slice3A_18 = vector.extract_strided_slice %and3A_5 {offsets = [1], sizes = [1], strides = [1]} : vector<16xi32> to vector<1xi32>
    %squeeze3A_19 = vector.extract %slice3A_18[0] : i32 from vector<1xi32>
    %multiple_of3A_20 = tpu.assume_multiple %squeeze3A_19, 128 : i32
    %dma_start3A_21 = arith.constant 0 : i32
    %dma_start3A_22 = arith.constant 0 : i32
    %dma_start3A_23 = arith.constant 128 : i32
    %dma_start3A_24 = tpu.memref_slice %arg6[%dma_start3A_21, %dma_start3A_22, %dma_start3A_23] : memref<3x16x2048xf32, #tpu.memory_space<vmem>> -> memref<1x16x128xf32, #tpu.memory_space<vmem>>
    %dma_start3A_25 = tpu.memref_squeeze %dma_start3A_24 : memref<1x16x128xf32, #tpu.memory_space<vmem>> -> memref<16x128xf32, #tpu.memory_space<vmem>>
    %dma_start3A_26 = arith.constant 0 : i32
    %dma_start3A_27 = tpu.memref_slice %arg2[%dma_start3A_26, %multiple_of3A_20] : memref<16x1000000xf32, #tpu.memory_space<hbm>> -> memref<16x128xf32, #tpu.memory_space<hbm>>
    %dma_start3A_28 = arith.constant 0 : i32
    %dma_start3A_29 = arith.constant 128 : i32
    %dma_start3A_30 = tpu.memref_slice %arg6[%dma_start3A_21, %dma_start3A_28, %dma_start3A_29] : memref<3x16x2048xf32, #tpu.memory_space<vmem>> -> memref<1x16x128xf32, #tpu.memory_space<vmem>>
    %dma_start3A_31 = tpu.memref_squeeze %dma_start3A_30 : memref<1x16x128xf32, #tpu.memory_space<vmem>> -> memref<16x128xf32, #tpu.memory_space<vmem>>
    %dma_start3A_32 = arith.constant 0 : i32
    %dma_start3A_33 = tpu.memref_slice %arg2[%dma_start3A_32, %multiple_of3A_20] : memref<16x1000000xf32, #tpu.memory_space<hbm>> -> memref<16x128xf32, #tpu.memory_space<hbm>>
    tpu.enqueue_dma source(%dma_start3A_33 : memref<16x128xf32, #tpu.memory_space<hbm>>) target(%dma_start3A_31 : memref<16x128xf32, #tpu.memory_space<vmem>>) target_semaphore(%arg8 : memref<!tpu.dma_semaphore, #tpu.memory_space<semaphore_mem>>)
    %slice3A_34 = vector.extract_strided_slice %and3A_5 {offsets = [2], sizes = [1], strides = [1]} : vector<16xi32> to vector<1xi32>
    %squeeze3A_35 = vector.extract %slice3A_34[0] : i32 from vector<1xi32>
    %multiple_of3A_36 = tpu.assume_multiple %squeeze3A_35, 128 : i32
    %dma_start3A_37 = arith.constant 0 : i32
    %dma_start3A_38 = arith.constant 0 : i32
    %dma_start3A_39 = arith.constant 256 : i32
    %dma_start3A_40 = tpu.memref_slice %arg6[%dma_start3A_37, %dma_start3A_38, %dma_start3A_39] : memref<3x16x2048xf32, #tpu.memory_space<vmem>> -> memref<1x16x128xf32, #tpu.memory_space<vmem>>
    %dma_start3A_41 = tpu.memref_squeeze %dma_start3A_40 : memref<1x16x128xf32, #tpu.memory_space<vmem>> -> memref<16x128xf32, #tpu.memory_space<vmem>>
    %dma_start3A_42 = arith.constant 0 : i32
    %dma_start3A_43 = tpu.memref_slice %arg2[%dma_start3A_42, %multiple_of3A_36] : memref<16x1000000xf32, #tpu.memory_space<hbm>> -> memref<16x128xf32, #tpu.memory_space<hbm>>
    %dma_start3A_44 = arith.constant 0 : i32
    %dma_start3A_45 = arith.constant 256 : i32
    %dma_start3A_46 = tpu.memref_slice %arg6[%dma_start3A_37, %dma_start3A_44, %dma_start3A_45] : memref<3x16x2048xf32, #tpu.memory_space<vmem>> -> memref<1x16x128xf32, #tpu.memory_space<vmem>>
    %dma_start3A_47 = tpu.memref_squeeze %dma_start3A_46 : memref<1x16x128xf32, #tpu.memory_space<vmem>> -> memref<16x128xf32, #tpu.memory_space<vmem>>
    %dma_start3A_48 = arith.constant 0 : i32
    %dma_start3A_49 = tpu.memref_slice %arg2[%dma_start3A_48, %multiple_of3A_36] : memref<16x1000000xf32, #tpu.memory_space<hbm>> -> memref<16x128xf32, #tpu.memory_space<hbm>>
    tpu.enqueue_dma source(%dma_start3A_49 : memref<16x128xf32, #tpu.memory_space<hbm>>) target(%dma_start3A_47 : memref<16x128xf32, #tpu.memory_space<vmem>>) target_semaphore(%arg8 : memref<!tpu.dma_semaphore, #tpu.memory_space<semaphore_mem>>)
    %slice3A_50 = vector.extract_strided_slice %and3A_5 {offsets = [3], sizes = [1], strides = [1]} : vector<16xi32> to vector<1xi32>
    %squeeze3A_51 = vector.extract %slice3A_50[0] : i32 from vector<1xi32>
    %multiple_of3A_52 = tpu.assume_multiple %squeeze3A_51, 128 : i32
    %dma_start3A_53 = arith.constant 0 : i32
    %dma_start3A_54 = arith.constant 0 : i32
    %dma_start3A_55 = arith.constant 384 : i32
    %dma_start3A_56 = tpu.memref_slice %arg6[%dma_start3A_53, %dma_start3A_54, %dma_start3A_55] : memref<3x16x2048xf32, #tpu.memory_space<vmem>> -> memref<1x16x128xf32, #tpu.memory_space<vmem>>
    %dma_start3A_57 = tpu.memref_squeeze %dma_start3A_56 : memref<1x16x128xf32, #tpu.memory_space<vmem>> -> memref<16x128xf32, #tpu.memory_space<vmem>>
    %dma_start3A_58 = arith.constant 0 : i32
    %dma_start3A_59 = tpu.memref_slice %arg2[%dma_start3A_58, %multiple_of3A_52] : memref<16x1000000xf32, #tpu.memory_space<hbm>> -> memref<16x128xf32, #tpu.memory_space<hbm>>
    %dma_start3A_60 = arith.constant 0 : i32
    %dma_start3A_61 = arith.constant 384 : i32
    %dma_start3A_62 = tpu.memref_slice %arg6[%dma_start3A_53, %dma_start3A_60, %dma_start3A_61] : memref<3x16x2048xf32, #tpu.memory_space<vmem>> -> memref<1x16x128xf32, #tpu.memory_space<vmem>>
    %dma_start3A_63 = tpu.memref_squeeze %dma_start3A_62 : memref<1x16x128xf32, #tpu.memory_space<vmem>> -> memref<16x128xf32, #tpu.memory_space<vmem>>
    %dma_start3A_64 = arith.constant 0 : i32
    %dma_start3A_65 = tpu.memref_slice %arg2[%dma_start3A_64, %multiple_of3A_52] : memref<16x1000000xf32, #tpu.memory_space<hbm>> -> memref<16x128xf32, #tpu.memory_space<hbm>>
    tpu.enqueue_dma source(%dma_start3A_65 : memref<16x128xf32, #tpu.memory_space<hbm>>) target(%dma_start3A_63 : memref<16x128xf32, #tpu.memory_space<vmem>>) target_semaphore(%arg8 : memref<!tpu.dma_semaphore, #tpu.memory_space<semaphore_mem>>)
    %slice3A_66 = vector.extract_strided_slice %and3A_5 {offsets = [4], sizes = [1], strides = [1]} : vector<16xi32> to vector<1xi32>
    %squeeze3A_67 = vector.extract %slice3A_66[0] : i32 from vector<1xi32>
    %multiple_of3A_68 = tpu.assume_multiple %squeeze3A_67, 128 : i32
    %dma_start3A_69 = arith.constant 0 : i32
    %dma_start3A_70 = arith.constant 0 : i32
    %dma_start3A_71 = arith.constant 512 : i32
    %dma_start3A_72 = tpu.memref_slice %arg6[%dma_start3A_69, %dma_start3A_70, %dma_start3A_71] : memref<3x16x2048xf32, #tpu.memory_space<vmem>> -> memref<1x16x128xf32, #tpu.memory_space<vmem>>
    %dma_start3A_73 = tpu.memref_squeeze %dma_start3A_72 : memref<1x16x128xf32, #tpu.memory_space<vmem>> -> memref<16x128xf32, #tpu.memory_space<vmem>>
    %dma_start3A_74 = arith.constant 0 : i32
    %dma_start3A_75 = tpu.memref_slice %arg2[%dma_start3A_74, %multiple_of3A_68] : memref<16x1000000xf32, #tpu.memory_space<hbm>> -> memref<16x128xf32, #tpu.memory_space<hbm>>
    %dma_start3A_76 = arith.constant 0 : i32
    %dma_start3A_77 = arith.constant 512 : i32
    %dma_start3A_78 = tpu.memref_slice %arg6[%dma_start3A_69, %dma_start3A_76, %dma_start3A_77] : memref<3x16x2048xf32, #tpu.memory_space<vmem>> -> memref<1x16x128xf32, #tpu.memory_space<vmem>>
    %dma_start3A_79 = tpu.memref_squeeze %dma_start3A_78 : memref<1x16x128xf32, #tpu.memory_space<vmem>> -> memref<16x128xf32, #tpu.memory_space<vmem>>
    %dma_start3A_80 = arith.constant 0 : i32
    %dma_start3A_81 = tpu.memref_slice %arg2[%dma_start3A_80, %multiple_of3A_68] : memref<16x1000000xf32, #tpu.memory_space<hbm>> -> memref<16x128xf32, #tpu.memory_space<hbm>>
    tpu.enqueue_dma source(%dma_start3A_81 : memref<16x128xf32, #tpu.memory_space<hbm>>) target(%dma_start3A_79 : memref<16x128xf32, #tpu.memory_space<vmem>>) target_semaphore(%arg8 : memref<!tpu.dma_semaphore, #tpu.memory_space<semaphore_mem>>)
    %slice3A_82 = vector.extract_strided_slice %and3A_5 {offsets = [5], sizes = [1], strides = [1]} : vector<16xi32> to vector<1xi32>
    %squeeze3A_83 = vector.extract %slice3A_82[0] : i32 from vector<1xi32>
    %multiple_of3A_84 = tpu.assume_multiple %squeeze3A_83, 128 : i32
    %dma_start3A_85 = arith.constant 0 : i32
    %dma_start3A_86 = arith.constant 0 : i32
    %dma_start3A_87 = arith.constant 640 : i32
    %dma_start3A_88 = tpu.memref_slice %arg6[%dma_start3A_85, %dma_start3A_86, %dma_start3A_87] : memref<3x16x2048xf32, #tpu.memory_space<vmem>> -> memref<1x16x128xf32, #tpu.memory_space<vmem>>
    %dma_start3A_89 = tpu.memref_squeeze %dma_start3A_88 : memref<1x16x128xf32, #tpu.memory_space<vmem>> -> memref<16x128xf32, #tpu.memory_space<vmem>>
    %dma_start3A_90 = arith.constant 0 : i32
    %dma_start3A_91 = tpu.memref_slice %arg2[%dma_start3A_90, %multiple_of3A_84] : memref<16x1000000xf32, #tpu.memory_space<hbm>> -> memref<16x128xf32, #tpu.memory_space<hbm>>
    %dma_start3A_92 = arith.constant 0 : i32
    %dma_start3A_93 = arith.constant 640 : i32
    %dma_start3A_94 = tpu.memref_slice %arg6[%dma_start3A_85, %dma_start3A_92, %dma_start3A_93] : memref<3x16x2048xf32, #tpu.memory_space<vmem>> -> memref<1x16x128xf32, #tpu.memory_space<vmem>>
    %dma_start3A_95 = tpu.memref_squeeze %dma_start3A_94 : memref<1x16x128xf32, #tpu.memory_space<vmem>> -> memref<16x128xf32, #tpu.memory_space<vmem>>
    %dma_start3A_96 = arith.constant 0 : i32
    %dma_start3A_97 = tpu.memref_slice %arg2[%dma_start3A_96, %multiple_of3A_84] : memref<16x1000000xf32, #tpu.memory_space<hbm>> -> memref<16x128xf32, #tpu.memory_space<hbm>>
    tpu.enqueue_dma source(%dma_start3A_97 : memref<16x128xf32, #tpu.memory_space<hbm>>) target(%dma_start3A_95 : memref<16x128xf32, #tpu.memory_space<vmem>>) target_semaphore(%arg8 : memref<!tpu.dma_semaphore, #tpu.memory_space<semaphore_mem>>)
    %slice3A_98 = vector.extract_strided_slice %and3A_5 {offsets = [6], sizes = [1], strides = [1]} : vector<16xi32> to vector<1xi32>
    %squeeze3A_99 = vector.extract %slice3A_98[0] : i32 from vector<1xi32>
    %multiple_of3A_100 = tpu.assume_multiple %squeeze3A_99, 128 : i32
    %dma_start3A_101 = arith.constant 0 : i32
    %dma_start3A_102 = arith.constant 0 : i32
    %dma_start3A_103 = arith.constant 768 : i32
    %dma_start3A_104 = tpu.memref_slice %arg6[%dma_start3A_101, %dma_start3A_102, %dma_start3A_103] : memref<3x16x2048xf32, #tpu.memory_space<vmem>> -> memref<1x16x128xf32, #tpu.memory_space<vmem>>
    %dma_start3A_105 = tpu.memref_squeeze %dma_start3A_104 : memref<1x16x128xf32, #tpu.memory_space<vmem>> -> memref<16x128xf32, #tpu.memory_space<vmem>>
    %dma_start3A_106 = arith.constant 0 : i32
    %dma_start3A_107 = tpu.memref_slice %arg2[%dma_start3A_106, %multiple_of3A_100] : memref<16x1000000xf32, #tpu.memory_space<hbm>> -> memref<16x128xf32, #tpu.memory_space<hbm>>
    %dma_start3A_108 = arith.constant 0 : i32
    %dma_start3A_109 = arith.constant 768 : i32
    %dma_start3A_110 = tpu.memref_slice %arg6[%dma_start3A_101, %dma_start3A_108, %dma_start3A_109] : memref<3x16x2048xf32, #tpu.memory_space<vmem>> -> memref<1x16x128xf32, #tpu.memory_space<vmem>>
    %dma_start3A_111 = tpu.memref_squeeze %dma_start3A_110 : memref<1x16x128xf32, #tpu.memory_space<vmem>> -> memref<16x128xf32, #tpu.memory_space<vmem>>
    %dma_start3A_112 = arith.constant 0 : i32
    %dma_start3A_113 = tpu.memref_slice %arg2[%dma_start3A_112, %multiple_of3A_100] : memref<16x1000000xf32, #tpu.memory_space<hbm>> -> memref<16x128xf32, #tpu.memory_space<hbm>>
    tpu.enqueue_dma source(%dma_start3A_113 : memref<16x128xf32, #tpu.memory_space<hbm>>) target(%dma_start3A_111 : memref<16x128xf32, #tpu.memory_space<vmem>>) target_semaphore(%arg8 : memref<!tpu.dma_semaphore, #tpu.memory_space<semaphore_mem>>)
    %slice3A_114 = vector.extract_strided_slice %and3A_5 {offsets = [7], sizes = [1], strides = [1]} : vector<16xi32> to vector<1xi32>
    %squeeze3A_115 = vector.extract %slice3A_114[0] : i32 from vector<1xi32>
    %multiple_of3A_116 = tpu.assume_multiple %squeeze3A_115, 128 : i32
    %dma_start3A_117 = arith.constant 0 : i32
    %dma_start3A_118 = arith.constant 0 : i32
    %dma_start3A_119 = arith.constant 896 : i32
    %dma_start3A_120 = tpu.memref_slice %arg6[%dma_start3A_117, %dma_start3A_118, %dma_start3A_119] : memref<3x16x2048xf32, #tpu.memory_space<vmem>> -> memref<1x16x128xf32, #tpu.memory_space<vmem>>
    %dma_start3A_121 = tpu.memref_squeeze %dma_start3A_120 : memref<1x16x128xf32, #tpu.memory_space<vmem>> -> memref<16x128xf32, #tpu.memory_space<vmem>>
    %dma_start3A_122 = arith.constant 0 : i32
    %dma_start3A_123 = tpu.memref_slice %arg2[%dma_start3A_122, %multiple_of3A_116] : memref<16x1000000xf32, #tpu.memory_space<hbm>> -> memref<16x128xf32, #tpu.memory_space<hbm>>
    %dma_start3A_124 = arith.constant 0 : i32
    %dma_start3A_125 = arith.constant 896 : i32
    %dma_start3A_126 = tpu.memref_slice %arg6[%dma_start3A_117, %dma_start3A_124, %dma_start3A_125] : memref<3x16x2048xf32, #tpu.memory_space<vmem>> -> memref<1x16x128xf32, #tpu.memory_space<vmem>>
    %dma_start3A_127 = tpu.memref_squeeze %dma_start3A_126 : memref<1x16x128xf32, #tpu.memory_space<vmem>> -> memref<16x128xf32, #tpu.memory_space<vmem>>
    %dma_start3A_128 = arith.constant 0 : i32
    %dma_start3A_129 = tpu.memref_slice %arg2[%dma_start3A_128, %multiple_of3A_116] : memref<16x1000000xf32, #tpu.memory_space<hbm>> -> memref<16x128xf32, #tpu.memory_space<hbm>>
    tpu.enqueue_dma source(%dma_start3A_129 : memref<16x128xf32, #tpu.memory_space<hbm>>) target(%dma_start3A_127 : memref<16x128xf32, #tpu.memory_space<vmem>>) target_semaphore(%arg8 : memref<!tpu.dma_semaphore, #tpu.memory_space<semaphore_mem>>)
    %slice3A_130 = vector.extract_strided_slice %and3A_5 {offsets = [8], sizes = [1], strides = [1]} : vector<16xi32> to vector<1xi32>
    %squeeze3A_131 = vector.extract %slice3A_130[0] : i32 from vector<1xi32>
    %multiple_of3A_132 = tpu.assume_multiple %squeeze3A_131, 128 : i32
    %dma_start3A_133 = arith.constant 0 : i32
    %dma_start3A_134 = arith.constant 0 : i32
    %dma_start3A_135 = arith.constant 1024 : i32
    %dma_start3A_136 = tpu.memref_slice %arg6[%dma_start3A_133, %dma_start3A_134, %dma_start3A_135] : memref<3x16x2048xf32, #tpu.memory_space<vmem>> -> memref<1x16x128xf32, #tpu.memory_space<vmem>>
    %dma_start3A_137 = tpu.memref_squeeze %dma_start3A_136 : memref<1x16x128xf32, #tpu.memory_space<vmem>> -> memref<16x128xf32, #tpu.memory_space<vmem>>
    %dma_start3A_138 = arith.constant 0 : i32
    %dma_start3A_139 = tpu.memref_slice %arg2[%dma_start3A_138, %multiple_of3A_132] : memref<16x1000000xf32, #tpu.memory_space<hbm>> -> memref<16x128xf32, #tpu.memory_space<hbm>>
    %dma_start3A_140 = arith.constant 0 : i32
    %dma_start3A_141 = arith.constant 1024 : i32
    %dma_start3A_142 = tpu.memref_slice %arg6[%dma_start3A_133, %dma_start3A_140, %dma_start3A_141] : memref<3x16x2048xf32, #tpu.memory_space<vmem>> -> memref<1x16x128xf32, #tpu.memory_space<vmem>>
    %dma_start3A_143 = tpu.memref_squeeze %dma_start3A_142 : memref<1x16x128xf32, #tpu.memory_space<vmem>> -> memref<16x128xf32, #tpu.memory_space<vmem>>
    %dma_start3A_144 = arith.constant 0 : i32
    %dma_start3A_145 = tpu.memref_slice %arg2[%dma_start3A_144, %multiple_of3A_132] : memref<16x1000000xf32, #tpu.memory_space<hbm>> -> memref<16x128xf32, #tpu.memory_space<hbm>>
    tpu.enqueue_dma source(%dma_start3A_145 : memref<16x128xf32, #tpu.memory_space<hbm>>) target(%dma_start3A_143 : memref<16x128xf32, #tpu.memory_space<vmem>>) target_semaphore(%arg8 : memref<!tpu.dma_semaphore, #tpu.memory_space<semaphore_mem>>)
    %slice3A_146 = vector.extract_strided_slice %and3A_5 {offsets = [9], sizes = [1], strides = [1]} : vector<16xi32> to vector<1xi32>
    %squeeze3A_147 = vector.extract %slice3A_146[0] : i32 from vector<1xi32>
    %multiple_of3A_148 = tpu.assume_multiple %squeeze3A_147, 128 : i32
    %dma_start3A_149 = arith.constant 0 : i32
    %dma_start3A_150 = arith.constant 0 : i32
    %dma_start3A_151 = arith.constant 1152 : i32
    %dma_start3A_152 = tpu.memref_slice %arg6[%dma_start3A_149, %dma_start3A_150, %dma_start3A_151] : memref<3x16x2048xf32, #tpu.memory_space<vmem>> -> memref<1x16x128xf32, #tpu.memory_space<vmem>>
    %dma_start3A_153 = tpu.memref_squeeze %dma_start3A_152 : memref<1x16x128xf32, #tpu.memory_space<vmem>> -> memref<16x128xf32, #tpu.memory_space<vmem>>
    %dma_start3A_154 = arith.constant 0 : i32
    %dma_start3A_155 = tpu.memref_slice %arg2[%dma_start3A_154, %multiple_of3A_148] : memref<16x1000000xf32, #tpu.memory_space<hbm>> -> memref<16x128xf32, #tpu.memory_space<hbm>>
    %dma_start3A_156 = arith.constant 0 : i32
    %dma_start3A_157 = arith.constant 1152 : i32
    %dma_start3A_158 = tpu.memref_slice %arg6[%dma_start3A_149, %dma_start3A_156, %dma_start3A_157] : memref<3x16x2048xf32, #tpu.memory_space<vmem>> -> memref<1x16x128xf32, #tpu.memory_space<vmem>>
    %dma_start3A_159 = tpu.memref_squeeze %dma_start3A_158 : memref<1x16x128xf32, #tpu.memory_space<vmem>> -> memref<16x128xf32, #tpu.memory_space<vmem>>
    %dma_start3A_160 = arith.constant 0 : i32
    %dma_start3A_161 = tpu.memref_slice %arg2[%dma_start3A_160, %multiple_of3A_148] : memref<16x1000000xf32, #tpu.memory_space<hbm>> -> memref<16x128xf32, #tpu.memory_space<hbm>>
    tpu.enqueue_dma source(%dma_start3A_161 : memref<16x128xf32, #tpu.memory_space<hbm>>) target(%dma_start3A_159 : memref<16x128xf32, #tpu.memory_space<vmem>>) target_semaphore(%arg8 : memref<!tpu.dma_semaphore, #tpu.memory_space<semaphore_mem>>)
    %slice3A_162 = vector.extract_strided_slice %and3A_5 {offsets = [10], sizes = [1], strides = [1]} : vector<16xi32> to vector<1xi32>
    %squeeze3A_163 = vector.extract %slice3A_162[0] : i32 from vector<1xi32>
    %multiple_of3A_164 = tpu.assume_multiple %squeeze3A_163, 128 : i32
    %dma_start3A_165 = arith.constant 0 : i32
    %dma_start3A_166 = arith.constant 0 : i32
    %dma_start3A_167 = arith.constant 1280 : i32
    %dma_start3A_168 = tpu.memref_slice %arg6[%dma_start3A_165, %dma_start3A_166, %dma_start3A_167] : memref<3x16x2048xf32, #tpu.memory_space<vmem>> -> memref<1x16x128xf32, #tpu.memory_space<vmem>>
    %dma_start3A_169 = tpu.memref_squeeze %dma_start3A_168 : memref<1x16x128xf32, #tpu.memory_space<vmem>> -> memref<16x128xf32, #tpu.memory_space<vmem>>
    %dma_start3A_170 = arith.constant 0 : i32
    %dma_start3A_171 = tpu.memref_slice %arg2[%dma_start3A_170, %multiple_of3A_164] : memref<16x1000000xf32, #tpu.memory_space<hbm>> -> memref<16x128xf32, #tpu.memory_space<hbm>>
    %dma_start3A_172 = arith.constant 0 : i32
    %dma_start3A_173 = arith.constant 1280 : i32
    %dma_start3A_174 = tpu.memref_slice %arg6[%dma_start3A_165, %dma_start3A_172, %dma_start3A_173] : memref<3x16x2048xf32, #tpu.memory_space<vmem>> -> memref<1x16x128xf32, #tpu.memory_space<vmem>>
    %dma_start3A_175 = tpu.memref_squeeze %dma_start3A_174 : memref<1x16x128xf32, #tpu.memory_space<vmem>> -> memref<16x128xf32, #tpu.memory_space<vmem>>
    %dma_start3A_176 = arith.constant 0 : i32
    %dma_start3A_177 = tpu.memref_slice %arg2[%dma_start3A_176, %multiple_of3A_164] : memref<16x1000000xf32, #tpu.memory_space<hbm>> -> memref<16x128xf32, #tpu.memory_space<hbm>>
    tpu.enqueue_dma source(%dma_start3A_177 : memref<16x128xf32, #tpu.memory_space<hbm>>) target(%dma_start3A_175 : memref<16x128xf32, #tpu.memory_space<vmem>>) target_semaphore(%arg8 : memref<!tpu.dma_semaphore, #tpu.memory_space<semaphore_mem>>)
    %slice3A_178 = vector.extract_strided_slice %and3A_5 {offsets = [11], sizes = [1], strides = [1]} : vector<16xi32> to vector<1xi32>
    %squeeze3A_179 = vector.extract %slice3A_178[0] : i32 from vector<1xi32>
    %multiple_of3A_180 = tpu.assume_multiple %squeeze3A_179, 128 : i32
    %dma_start3A_181 = arith.constant 0 : i32
    %dma_start3A_182 = arith.constant 0 : i32
    %dma_start3A_183 = arith.constant 1408 : i32
    %dma_start3A_184 = tpu.memref_slice %arg6[%dma_start3A_181, %dma_start3A_182, %dma_start3A_183] : memref<3x16x2048xf32, #tpu.memory_space<vmem>> -> memref<1x16x128xf32, #tpu.memory_space<vmem>>
    %dma_start3A_185 = tpu.memref_squeeze %dma_start3A_184 : memref<1x16x128xf32, #tpu.memory_space<vmem>> -> memref<16x128xf32, #tpu.memory_space<vmem>>
    %dma_start3A_186 = arith.constant 0 : i32
    %dma_start3A_187 = tpu.memref_slice %arg2[%dma_start3A_186, %multiple_of3A_180] : memref<16x1000000xf32, #tpu.memory_space<hbm>> -> memref<16x128xf32, #tpu.memory_space<hbm>>
    %dma_start3A_188 = arith.constant 0 : i32
    %dma_start3A_189 = arith.constant 1408 : i32
    %dma_start3A_190 = tpu.memref_slice %arg6[%dma_start3A_181, %dma_start3A_188, %dma_start3A_189] : memref<3x16x2048xf32, #tpu.memory_space<vmem>> -> memref<1x16x128xf32, #tpu.memory_space<vmem>>
    %dma_start3A_191 = tpu.memref_squeeze %dma_start3A_190 : memref<1x16x128xf32, #tpu.memory_space<vmem>> -> memref<16x128xf32, #tpu.memory_space<vmem>>
    %dma_start3A_192 = arith.constant 0 : i32
    %dma_start3A_193 = tpu.memref_slice %arg2[%dma_start3A_192, %multiple_of3A_180] : memref<16x1000000xf32, #tpu.memory_space<hbm>> -> memref<16x128xf32, #tpu.memory_space<hbm>>
    tpu.enqueue_dma source(%dma_start3A_193 : memref<16x128xf32, #tpu.memory_space<hbm>>) target(%dma_start3A_191 : memref<16x128xf32, #tpu.memory_space<vmem>>) target_semaphore(%arg8 : memref<!tpu.dma_semaphore, #tpu.memory_space<semaphore_mem>>)
    %slice3A_194 = vector.extract_strided_slice %and3A_5 {offsets = [12], sizes = [1], strides = [1]} : vector<16xi32> to vector<1xi32>
    %squeeze3A_195 = vector.extract %slice3A_194[0] : i32 from vector<1xi32>
    %multiple_of3A_196 = tpu.assume_multiple %squeeze3A_195, 128 : i32
    %dma_start3A_197 = arith.constant 0 : i32
    %dma_start3A_198 = arith.constant 0 : i32
    %dma_start3A_199 = arith.constant 1536 : i32
    %dma_start3A_200 = tpu.memref_slice %arg6[%dma_start3A_197, %dma_start3A_198, %dma_start3A_199] : memref<3x16x2048xf32, #tpu.memory_space<vmem>> -> memref<1x16x128xf32, #tpu.memory_space<vmem>>
    %dma_start3A_201 = tpu.memref_squeeze %dma_start3A_200 : memref<1x16x128xf32, #tpu.memory_space<vmem>> -> memref<16x128xf32, #tpu.memory_space<vmem>>
    %dma_start3A_202 = arith.constant 0 : i32
    %dma_start3A_203 = tpu.memref_slice %arg2[%dma_start3A_202, %multiple_of3A_196] : memref<16x1000000xf32, #tpu.memory_space<hbm>> -> memref<16x128xf32, #tpu.memory_space<hbm>>
    %dma_start3A_204 = arith.constant 0 : i32
    %dma_start3A_205 = arith.constant 1536 : i32
    %dma_start3A_206 = tpu.memref_slice %arg6[%dma_start3A_197, %dma_start3A_204, %dma_start3A_205] : memref<3x16x2048xf32, #tpu.memory_space<vmem>> -> memref<1x16x128xf32, #tpu.memory_space<vmem>>
    %dma_start3A_207 = tpu.memref_squeeze %dma_start3A_206 : memref<1x16x128xf32, #tpu.memory_space<vmem>> -> memref<16x128xf32, #tpu.memory_space<vmem>>
    %dma_start3A_208 = arith.constant 0 : i32
    %dma_start3A_209 = tpu.memref_slice %arg2[%dma_start3A_208, %multiple_of3A_196] : memref<16x1000000xf32, #tpu.memory_space<hbm>> -> memref<16x128xf32, #tpu.memory_space<hbm>>
    tpu.enqueue_dma source(%dma_start3A_209 : memref<16x128xf32, #tpu.memory_space<hbm>>) target(%dma_start3A_207 : memref<16x128xf32, #tpu.memory_space<vmem>>) target_semaphore(%arg8 : memref<!tpu.dma_semaphore, #tpu.memory_space<semaphore_mem>>)
    %slice3A_210 = vector.extract_strided_slice %and3A_5 {offsets = [13], sizes = [1], strides = [1]} : vector<16xi32> to vector<1xi32>
    %squeeze3A_211 = vector.extract %slice3A_210[0] : i32 from vector<1xi32>
    %multiple_of3A_212 = tpu.assume_multiple %squeeze3A_211, 128 : i32
    %dma_start3A_213 = arith.constant 0 : i32
    %dma_start3A_214 = arith.constant 0 : i32
    %dma_start3A_215 = arith.constant 1664 : i32
    %dma_start3A_216 = tpu.memref_slice %arg6[%dma_start3A_213, %dma_start3A_214, %dma_start3A_215] : memref<3x16x2048xf32, #tpu.memory_space<vmem>> -> memref<1x16x128xf32, #tpu.memory_space<vmem>>
    %dma_start3A_217 = tpu.memref_squeeze %dma_start3A_216 : memref<1x16x128xf32, #tpu.memory_space<vmem>> -> memref<16x128xf32, #tpu.memory_space<vmem>>
    %dma_start3A_218 = arith.constant 0 : i32
    %dma_start3A_219 = tpu.memref_slice %arg2[%dma_start3A_218, %multiple_of3A_212] : memref<16x1000000xf32, #tpu.memory_space<hbm>> -> memref<16x128xf32, #tpu.memory_space<hbm>>
    %dma_start3A_220 = arith.constant 0 : i32
    %dma_start3A_221 = arith.constant 1664 : i32
    %dma_start3A_222 = tpu.memref_slice %arg6[%dma_start3A_213, %dma_start3A_220, %dma_start3A_221] : memref<3x16x2048xf32, #tpu.memory_space<vmem>> -> memref<1x16x128xf32, #tpu.memory_space<vmem>>
    %dma_start3A_223 = tpu.memref_squeeze %dma_start3A_222 : memref<1x16x128xf32, #tpu.memory_space<vmem>> -> memref<16x128xf32, #tpu.memory_space<vmem>>
    %dma_start3A_224 = arith.constant 0 : i32
    %dma_start3A_225 = tpu.memref_slice %arg2[%dma_start3A_224, %multiple_of3A_212] : memref<16x1000000xf32, #tpu.memory_space<hbm>> -> memref<16x128xf32, #tpu.memory_space<hbm>>
    tpu.enqueue_dma source(%dma_start3A_225 : memref<16x128xf32, #tpu.memory_space<hbm>>) target(%dma_start3A_223 : memref<16x128xf32, #tpu.memory_space<vmem>>) target_semaphore(%arg8 : memref<!tpu.dma_semaphore, #tpu.memory_space<semaphore_mem>>)
    %slice3A_226 = vector.extract_strided_slice %and3A_5 {offsets = [14], sizes = [1], strides = [1]} : vector<16xi32> to vector<1xi32>
    %squeeze3A_227 = vector.extract %slice3A_226[0] : i32 from vector<1xi32>
    %multiple_of3A_228 = tpu.assume_multiple %squeeze3A_227, 128 : i32
    %dma_start3A_229 = arith.constant 0 : i32
    %dma_start3A_230 = arith.constant 0 : i32
    %dma_start3A_231 = arith.constant 1792 : i32
    %dma_start3A_232 = tpu.memref_slice %arg6[%dma_start3A_229, %dma_start3A_230, %dma_start3A_231] : memref<3x16x2048xf32, #tpu.memory_space<vmem>> -> memref<1x16x128xf32, #tpu.memory_space<vmem>>
    %dma_start3A_233 = tpu.memref_squeeze %dma_start3A_232 : memref<1x16x128xf32, #tpu.memory_space<vmem>> -> memref<16x128xf32, #tpu.memory_space<vmem>>
    %dma_start3A_234 = arith.constant 0 : i32
    %dma_start3A_235 = tpu.memref_slice %arg2[%dma_start3A_234, %multiple_of3A_228] : memref<16x1000000xf32, #tpu.memory_space<hbm>> -> memref<16x128xf32, #tpu.memory_space<hbm>>
    %dma_start3A_236 = arith.constant 0 : i32
    %dma_start3A_237 = arith.constant 1792 : i32
    %dma_start3A_238 = tpu.memref_slice %arg6[%dma_start3A_229, %dma_start3A_236, %dma_start3A_237] : memref<3x16x2048xf32, #tpu.memory_space<vmem>> -> memref<1x16x128xf32, #tpu.memory_space<vmem>>
    %dma_start3A_239 = tpu.memref_squeeze %dma_start3A_238 : memref<1x16x128xf32, #tpu.memory_space<vmem>> -> memref<16x128xf32, #tpu.memory_space<vmem>>
    %dma_start3A_240 = arith.constant 0 : i32
    %dma_start3A_241 = tpu.memref_slice %arg2[%dma_start3A_240, %multiple_of3A_228] : memref<16x1000000xf32, #tpu.memory_space<hbm>> -> memref<16x128xf32, #tpu.memory_space<hbm>>
    tpu.enqueue_dma source(%dma_start3A_241 : memref<16x128xf32, #tpu.memory_space<hbm>>) target(%dma_start3A_239 : memref<16x128xf32, #tpu.memory_space<vmem>>) target_semaphore(%arg8 : memref<!tpu.dma_semaphore, #tpu.memory_space<semaphore_mem>>)
    %slice3A_242 = vector.extract_strided_slice %and3A_5 {offsets = [15], sizes = [1], strides = [1]} : vector<16xi32> to vector<1xi32>
    %squeeze3A_243 = vector.extract %slice3A_242[0] : i32 from vector<1xi32>
    %multiple_of3A_244 = tpu.assume_multiple %squeeze3A_243, 128 : i32
    %dma_start3A_245 = arith.constant 0 : i32
    %dma_start3A_246 = arith.constant 0 : i32
    %dma_start3A_247 = arith.constant 1920 : i32
    %dma_start3A_248 = tpu.memref_slice %arg6[%dma_start3A_245, %dma_start3A_246, %dma_start3A_247] : memref<3x16x2048xf32, #tpu.memory_space<vmem>> -> memref<1x16x128xf32, #tpu.memory_space<vmem>>
    %dma_start3A_249 = tpu.memref_squeeze %dma_start3A_248 : memref<1x16x128xf32, #tpu.memory_space<vmem>> -> memref<16x128xf32, #tpu.memory_space<vmem>>
    %dma_start3A_250 = arith.constant 0 : i32
    %dma_start3A_251 = tpu.memref_slice %arg2[%dma_start3A_250, %multiple_of3A_244] : memref<16x1000000xf32, #tpu.memory_space<hbm>> -> memref<16x128xf32, #tpu.memory_space<hbm>>
    %dma_start3A_252 = arith.constant 0 : i32
    %dma_start3A_253 = arith.constant 1920 : i32
    %dma_start3A_254 = tpu.memref_slice %arg6[%dma_start3A_245, %dma_start3A_252, %dma_start3A_253] : memref<3x16x2048xf32, #tpu.memory_space<vmem>> -> memref<1x16x128xf32, #tpu.memory_space<vmem>>
    %dma_start3A_255 = tpu.memref_squeeze %dma_start3A_254 : memref<1x16x128xf32, #tpu.memory_space<vmem>> -> memref<16x128xf32, #tpu.memory_space<vmem>>
    %dma_start3A_256 = arith.constant 0 : i32
    %dma_start3A_257 = tpu.memref_slice %arg2[%dma_start3A_256, %multiple_of3A_244] : memref<16x1000000xf32, #tpu.memory_space<hbm>> -> memref<16x128xf32, #tpu.memory_space<hbm>>
    tpu.enqueue_dma source(%dma_start3A_257 : memref<16x128xf32, #tpu.memory_space<hbm>>) target(%dma_start3A_255 : memref<16x128xf32, #tpu.memory_space<vmem>>) target_semaphore(%arg8 : memref<!tpu.dma_semaphore, #tpu.memory_space<semaphore_mem>>)
    %get3A_258 = arith.constant 16 : index
    %get3A_259 = tpu.vector_load %arg5[%get3A_258] {strides = array<i32>} : memref<512xi32, #tpu.memory_space<vmem>>, vector<16xi32>,
    %and3A_260 = arith.constant -128 : i32
    %and3A_261 = vector.broadcast %and3A_260 : i32 to vector<16xi32>
    %and3A_262 = arith.andi %get3A_259, %and3A_261 : vector<16xi32>
    %slice3A_263 = vector.extract_strided_slice %and3A_262 {offsets = [0], sizes = [1], strides = [1]} : vector<16xi32> to vector<1xi32>
    %squeeze3A_264 = vector.extract %slice3A_263[0] : i32 from vector<1xi32>
    %multiple_of3A_265 = tpu.assume_multiple %squeeze3A_264, 128 : i32
    %dma_start3A_266 = arith.constant 1 : i32
    %dma_start3A_267 = arith.constant 0 : i32
    %dma_start3A_268 = arith.constant 0 : i32
    %dma_start3A_269 = tpu.memref_slice %arg6[%dma_start3A_266, %dma_start3A_267, %dma_start3A_268] : memref<3x16x2048xf32, #tpu.memory_space<vmem>> -> memref<1x16x128xf32, #tpu.memory_space<vmem>>
    %dma_start3A_270 = tpu.memref_squeeze %dma_start3A_269 : memref<1x16x128xf32, #tpu.memory_space<vmem>> -> memref<16x128xf32, #tpu.memory_space<vmem>>
    %dma_start3A_271 = arith.constant 0 : i32
    %dma_start3A_272 = tpu.memref_slice %arg2[%dma_start3A_271, %multiple_of3A_265] : memref<16x1000000xf32, #tpu.memory_space<hbm>> -> memref<16x128xf32, #tpu.memory_space<hbm>>
    %dma_start3A_273 = arith.constant 0 : i32
    %dma_start3A_274 = arith.constant 0 : i32
    %dma_start3A_275 = tpu.memref_slice %arg6[%dma_start3A_266, %dma_start3A_273, %dma_start3A_274] : memref<3x16x2048xf32, #tpu.memory_space<vmem>> -> memref<1x16x128xf32, #tpu.memory_space<vmem>>
    %dma_start3A_276 = tpu.memref_squeeze %dma_start3A_275 : memref<1x16x128xf32, #tpu.memory_space<vmem>> -> memref<16x128xf32, #tpu.memory_space<vmem>>
    %dma_start3A_277 = arith.constant 0 : i32
    %dma_start3A_278 = tpu.memref_slice %arg2[%dma_start3A_277, %multiple_of3A_265] : memref<16x1000000xf32, #tpu.memory_space<hbm>> -> memref<16x128xf32, #tpu.memory_space<hbm>>
    tpu.enqueue_dma source(%dma_start3A_278 : memref<16x128xf32, #tpu.memory_space<hbm>>) target(%dma_start3A_276 : memref<16x128xf32, #tpu.memory_space<vmem>>) target_semaphore(%arg9 : memref<!tpu.dma_semaphore, #tpu.memory_space<semaphore_mem>>)
    %slice3A_279 = vector.extract_strided_slice %and3A_262 {offsets = [1], sizes = [1], strides = [1]} : vector<16xi32> to vector<1xi32>
    %squeeze3A_280 = vector.extract %slice3A_279[0] : i32 from vector<1xi32>
    %multiple_of3A_281 = tpu.assume_multiple %squeeze3A_280, 128 : i32
    %dma_start3A_282 = arith.constant 1 : i32
    %dma_start3A_283 = arith.constant 0 : i32
    %dma_start3A_284 = arith.constant 128 : i32
    %dma_start3A_285 = tpu.memref_slice %arg6[%dma_start3A_282, %dma_start3A_283, %dma_start3A_284] : memref<3x16x2048xf32, #tpu.memory_space<vmem>> -> memref<1x16x128xf32, #tpu.memory_space<vmem>>
    %dma_start3A_286 = tpu.memref_squeeze %dma_start3A_285 : memref<1x16x128xf32, #tpu.memory_space<vmem>> -> memref<16x128xf32, #tpu.memory_space<vmem>>
    %dma_start3A_287 = arith.constant 0 : i32
    %dma_start3A_288 = tpu.memref_slice %arg2[%dma_start3A_287, %multiple_of3A_281] : memref<16x1000000xf32, #tpu.memory_space<hbm>> -> memref<16x128xf32, #tpu.memory_space<hbm>>
    %dma_start3A_289 = arith.constant 0 : i32
    %dma_start3A_290 = arith.constant 128 : i32
    %dma_start3A_291 = tpu.memref_slice %arg6[%dma_start3A_282, %dma_start3A_289, %dma_start3A_290] : memref<3x16x2048xf32, #tpu.memory_space<vmem>> -> memref<1x16x128xf32, #tpu.memory_space<vmem>>
    %dma_start3A_292 = tpu.memref_squeeze %dma_start3A_291 : memref<1x16x128xf32, #tpu.memory_space<vmem>> -> memref<16x128xf32, #tpu.memory_space<vmem>>
    %dma_start3A_293 = arith.constant 0 : i32
    %dma_start3A_294 = tpu.memref_slice %arg2[%dma_start3A_293, %multiple_of3A_281] : memref<16x1000000xf32, #tpu.memory_space<hbm>> -> memref<16x128xf32, #tpu.memory_space<hbm>>
    tpu.enqueue_dma source(%dma_start3A_294 : memref<16x128xf32, #tpu.memory_space<hbm>>) target(%dma_start3A_292 : memref<16x128xf32, #tpu.memory_space<vmem>>) target_semaphore(%arg9 : memref<!tpu.dma_semaphore, #tpu.memory_space<semaphore_mem>>)
    %slice3A_295 = vector.extract_strided_slice %and3A_262 {offsets = [2], sizes = [1], strides = [1]} : vector<16xi32> to vector<1xi32>
    %squeeze3A_296 = vector.extract %slice3A_295[0] : i32 from vector<1xi32>
    %multiple_of3A_297 = tpu.assume_multiple %squeeze3A_296, 128 : i32
    %dma_start3A_298 = arith.constant 1 : i32
    %dma_start3A_299 = arith.constant 0 : i32
    %dma_start3A_300 = arith.constant 256 : i32
    %dma_start3A_301 = tpu.memref_slice %arg6[%dma_start3A_298, %dma_start3A_299, %dma_start3A_300] : memref<3x16x2048xf32, #tpu.memory_space<vmem>> -> memref<1x16x128xf32, #tpu.memory_space<vmem>>
    %dma_start3A_302 = tpu.memref_squeeze %dma_start3A_301 : memref<1x16x128xf32, #tpu.memory_space<vmem>> -> memref<16x128xf32, #tpu.memory_space<vmem>>
    %dma_start3A_303 = arith.constant 0 : i32
    %dma_start3A_304 = tpu.memref_slice %arg2[%dma_start3A_303, %multiple_of3A_297] : memref<16x1000000xf32, #tpu.memory_space<hbm>> -> memref<16x128xf32, #tpu.memory_space<hbm>>
    %dma_start3A_305 = arith.constant 0 : i32
    %dma_start3A_306 = arith.constant 256 : i32
    %dma_start3A_307 = tpu.memref_slice %arg6[%dma_start3A_298, %dma_start3A_305, %dma_start3A_306] : memref<3x16x2048xf32, #tpu.memory_space<vmem>> -> memref<1x16x128xf32, #tpu.memory_space<vmem>>
    %dma_start3A_308 = tpu.memref_squeeze %dma_start3A_307 : memref<1x16x128xf32, #tpu.memory_space<vmem>> -> memref<16x128xf32, #tpu.memory_space<vmem>>
    %dma_start3A_309 = arith.constant 0 : i32
    %dma_start3A_310 = tpu.memref_slice %arg2[%dma_start3A_309, %multiple_of3A_297] : memref<16x1000000xf32, #tpu.memory_space<hbm>> -> memref<16x128xf32, #tpu.memory_space<hbm>>
    tpu.enqueue_dma source(%dma_start3A_310 : memref<16x128xf32, #tpu.memory_space<hbm>>) target(%dma_start3A_308 : memref<16x128xf32, #tpu.memory_space<vmem>>) target_semaphore(%arg9 : memref<!tpu.dma_semaphore, #tpu.memory_space<semaphore_mem>>)
    %slice3A_311 = vector.extract_strided_slice %and3A_262 {offsets = [3], sizes = [1], strides = [1]} : vector<16xi32> to vector<1xi32>
    %squeeze3A_312 = vector.extract %slice3A_311[0] : i32 from vector<1xi32>
    %multiple_of3A_313 = tpu.assume_multiple %squeeze3A_312, 128 : i32
    %dma_start3A_314 = arith.constant 1 : i32
    %dma_start3A_315 = arith.constant 0 : i32
    %dma_start3A_316 = arith.constant 384 : i32
    %dma_start3A_317 = tpu.memref_slice %arg6[%dma_start3A_314, %dma_start3A_315, %dma_start3A_316] : memref<3x16x2048xf32, #tpu.memory_space<vmem>> -> memref<1x16x128xf32, #tpu.memory_space<vmem>>
    %dma_start3A_318 = tpu.memref_squeeze %dma_start3A_317 : memref<1x16x128xf32, #tpu.memory_space<vmem>> -> memref<16x128xf32, #tpu.memory_space<vmem>>
    %dma_start3A_319 = arith.constant 0 : i32
    %dma_start3A_320 = tpu.memref_slice %arg2[%dma_start3A_319, %multiple_of3A_313] : memref<16x1000000xf32, #tpu.memory_space<hbm>> -> memref<16x128xf32, #tpu.memory_space<hbm>>
    %dma_start3A_321 = arith.constant 0 : i32
    %dma_start3A_322 = arith.constant 384 : i32
    %dma_start3A_323 = tpu.memref_slice %arg6[%dma_start3A_314, %dma_start3A_321, %dma_start3A_322] : memref<3x16x2048xf32, #tpu.memory_space<vmem>> -> memref<1x16x128xf32, #tpu.memory_space<vmem>>
    %dma_start3A_324 = tpu.memref_squeeze %dma_start3A_323 : memref<1x16x128xf32, #tpu.memory_space<vmem>> -> memref<16x128xf32, #tpu.memory_space<vmem>>
    %dma_start3A_325 = arith.constant 0 : i32
    %dma_start3A_326 = tpu.memref_slice %arg2[%dma_start3A_325, %multiple_of3A_313] : memref<16x1000000xf32, #tpu.memory_space<hbm>> -> memref<16x128xf32, #tpu.memory_space<hbm>>
    tpu.enqueue_dma source(%dma_start3A_326 : memref<16x128xf32, #tpu.memory_space<hbm>>) target(%dma_start3A_324 : memref<16x128xf32, #tpu.memory_space<vmem>>) target_semaphore(%arg9 : memref<!tpu.dma_semaphore, #tpu.memory_space<semaphore_mem>>)
    %slice3A_327 = vector.extract_strided_slice %and3A_262 {offsets = [4], sizes = [1], strides = [1]} : vector<16xi32> to vector<1xi32>
    %squeeze3A_328 = vector.extract %slice3A_327[0] : i32 from vector<1xi32>
    %multiple_of3A_329 = tpu.assume_multiple %squeeze3A_328, 128 : i32
    %dma_start3A_330 = arith.constant 1 : i32
    %dma_start3A_331 = arith.constant 0 : i32
    %dma_start3A_332 = arith.constant 512 : i32
    %dma_start3A_333 = tpu.memref_slice %arg6[%dma_start3A_330, %dma_start3A_331, %dma_start3A_332] : memref<3x16x2048xf32, #tpu.memory_space<vmem>> -> memref<1x16x128xf32, #tpu.memory_space<vmem>>
    %dma_start3A_334 = tpu.memref_squeeze %dma_start3A_333 : memref<1x16x128xf32, #tpu.memory_space<vmem>> -> memref<16x128xf32, #tpu.memory_space<vmem>>
    %dma_start3A_335 = arith.constant 0 : i32
    %dma_start3A_336 = tpu.memref_slice %arg2[%dma_start3A_335, %multiple_of3A_329] : memref<16x1000000xf32, #tpu.memory_space<hbm>> -> memref<16x128xf32, #tpu.memory_space<hbm>>
    %dma_start3A_337 = arith.constant 0 : i32
    %dma_start3A_338 = arith.constant 512 : i32
    %dma_start3A_339 = tpu.memref_slice %arg6[%dma_start3A_330, %dma_start3A_337, %dma_start3A_338] : memref<3x16x2048xf32, #tpu.memory_space<vmem>> -> memref<1x16x128xf32, #tpu.memory_space<vmem>>
    %dma_start3A_340 = tpu.memref_squeeze %dma_start3A_339 : memref<1x16x128xf32, #tpu.memory_space<vmem>> -> memref<16x128xf32, #tpu.memory_space<vmem>>
    %dma_start3A_341 = arith.constant 0 : i32
    %dma_start3A_342 = tpu.memref_slice %arg2[%dma_start3A_341, %multiple_of3A_329] : memref<16x1000000xf32, #tpu.memory_space<hbm>> -> memref<16x128xf32, #tpu.memory_space<hbm>>
    tpu.enqueue_dma source(%dma_start3A_342 : memref<16x128xf32, #tpu.memory_space<hbm>>) target(%dma_start3A_340 : memref<16x128xf32, #tpu.memory_space<vmem>>) target_semaphore(%arg9 : memref<!tpu.dma_semaphore, #tpu.memory_space<semaphore_mem>>)
    %slice3A_343 = vector.extract_strided_slice %and3A_262 {offsets = [5], sizes = [1], strides = [1]} : vector<16xi32> to vector<1xi32>
    %squeeze3A_344 = vector.extract %slice3A_343[0] : i32 from vector<1xi32>
    %multiple_of3A_345 = tpu.assume_multiple %squeeze3A_344, 128 : i32
    %dma_start3A_346 = arith.constant 1 : i32
    %dma_start3A_347 = arith.constant 0 : i32
    %dma_start3A_348 = arith.constant 640 : i32
    %dma_start3A_349 = tpu.memref_slice %arg6[%dma_start3A_346, %dma_start3A_347, %dma_start3A_348] : memref<3x16x2048xf32, #tpu.memory_space<vmem>> -> memref<1x16x128xf32, #tpu.memory_space<vmem>>
    %dma_start3A_350 = tpu.memref_squeeze %dma_start3A_349 : memref<1x16x128xf32, #tpu.memory_space<vmem>> -> memref<16x128xf32, #tpu.memory_space<vmem>>
    %dma_start3A_351 = arith.constant 0 : i32
    %dma_start3A_352 = tpu.memref_slice %arg2[%dma_start3A_351, %multiple_of3A_345] : memref<16x1000000xf32, #tpu.memory_space<hbm>> -> memref<16x128xf32, #tpu.memory_space<hbm>>
    %dma_start3A_353 = arith.constant 0 : i32
    %dma_start3A_354 = arith.constant 640 : i32
    %dma_start3A_355 = tpu.memref_slice %arg6[%dma_start3A_346, %dma_start3A_353, %dma_start3A_354] : memref<3x16x2048xf32, #tpu.memory_space<vmem>> -> memref<1x16x128xf32, #tpu.memory_space<vmem>>
    %dma_start3A_356 = tpu.memref_squeeze %dma_start3A_355 : memref<1x16x128xf32, #tpu.memory_space<vmem>> -> memref<16x128xf32, #tpu.memory_space<vmem>>
    %dma_start3A_357 = arith.constant 0 : i32
    %dma_start3A_358 = tpu.memref_slice %arg2[%dma_start3A_357, %multiple_of3A_345] : memref<16x1000000xf32, #tpu.memory_space<hbm>> -> memref<16x128xf32, #tpu.memory_space<hbm>>
    tpu.enqueue_dma source(%dma_start3A_358 : memref<16x128xf32, #tpu.memory_space<hbm>>) target(%dma_start3A_356 : memref<16x128xf32, #tpu.memory_space<vmem>>) target_semaphore(%arg9 : memref<!tpu.dma_semaphore, #tpu.memory_space<semaphore_mem>>)
    %slice3A_359 = vector.extract_strided_slice %and3A_262 {offsets = [6], sizes = [1], strides = [1]} : vector<16xi32> to vector<1xi32>
    %squeeze3A_360 = vector.extract %slice3A_359[0] : i32 from vector<1xi32>
    %multiple_of3A_361 = tpu.assume_multiple %squeeze3A_360, 128 : i32
    %dma_start3A_362 = arith.constant 1 : i32
    %dma_start3A_363 = arith.constant 0 : i32
    %dma_start3A_364 = arith.constant 768 : i32
    %dma_start3A_365 = tpu.memref_slice %arg6[%dma_start3A_362, %dma_start3A_363, %dma_start3A_364] : memref<3x16x2048xf32, #tpu.memory_space<vmem>> -> memref<1x16x128xf32, #tpu.memory_space<vmem>>
    %dma_start3A_366 = tpu.memref_squeeze %dma_start3A_365 : memref<1x16x128xf32, #tpu.memory_space<vmem>> -> memref<16x128xf32, #tpu.memory_space<vmem>>
    %dma_start3A_367 = arith.constant 0 : i32
    %dma_start3A_368 = tpu.memref_slice %arg2[%dma_start3A_367, %multiple_of3A_361] : memref<16x1000000xf32, #tpu.memory_space<hbm>> -> memref<16x128xf32, #tpu.memory_space<hbm>>
    %dma_start3A_369 = arith.constant 0 : i32
    %dma_start3A_370 = arith.constant 768 : i32
    %dma_start3A_371 = tpu.memref_slice %arg6[%dma_start3A_362, %dma_start3A_369, %dma_start3A_370] : memref<3x16x2048xf32, #tpu.memory_space<vmem>> -> memref<1x16x128xf32, #tpu.memory_space<vmem>>
    %dma_start3A_372 = tpu.memref_squeeze %dma_start3A_371 : memref<1x16x128xf32, #tpu.memory_space<vmem>> -> memref<16x128xf32, #tpu.memory_space<vmem>>
    %dma_start3A_373 = arith.constant 0 : i32
    %dma_start3A_374 = tpu.memref_slice %arg2[%dma_start3A_373, %multiple_of3A_361] : memref<16x1000000xf32, #tpu.memory_space<hbm>> -> memref<16x128xf32, #tpu.memory_space<hbm>>
    tpu.enqueue_dma source(%dma_start3A_374 : memref<16x128xf32, #tpu.memory_space<hbm>>) target(%dma_start3A_372 : memref<16x128xf32, #tpu.memory_space<vmem>>) target_semaphore(%arg9 : memref<!tpu.dma_semaphore, #tpu.memory_space<semaphore_mem>>)
    %slice3A_375 = vector.extract_strided_slice %and3A_262 {offsets = [7], sizes = [1], strides = [1]} : vector<16xi32> to vector<1xi32>
    %squeeze3A_376 = vector.extract %slice3A_375[0] : i32 from vector<1xi32>
    %multiple_of3A_377 = tpu.assume_multiple %squeeze3A_376, 128 : i32
    %dma_start3A_378 = arith.constant 1 : i32
    %dma_start3A_379 = arith.constant 0 : i32
    %dma_start3A_380 = arith.constant 896 : i32
    %dma_start3A_381 = tpu.memref_slice %arg6[%dma_start3A_378, %dma_start3A_379, %dma_start3A_380] : memref<3x16x2048xf32, #tpu.memory_space<vmem>> -> memref<1x16x128xf32, #tpu.memory_space<vmem>>
    %dma_start3A_382 = tpu.memref_squeeze %dma_start3A_381 : memref<1x16x128xf32, #tpu.memory_space<vmem>> -> memref<16x128xf32, #tpu.memory_space<vmem>>
    %dma_start3A_383 = arith.constant 0 : i32
    %dma_start3A_384 = tpu.memref_slice %arg2[%dma_start3A_383, %multiple_of3A_377] : memref<16x1000000xf32, #tpu.memory_space<hbm>> -> memref<16x128xf32, #tpu.memory_space<hbm>>
    %dma_start3A_385 = arith.constant 0 : i32
    %dma_start3A_386 = arith.constant 896 : i32
    %dma_start3A_387 = tpu.memref_slice %arg6[%dma_start3A_378, %dma_start3A_385, %dma_start3A_386] : memref<3x16x2048xf32, #tpu.memory_space<vmem>> -> memref<1x16x128xf32, #tpu.memory_space<vmem>>
    %dma_start3A_388 = tpu.memref_squeeze %dma_start3A_387 : memref<1x16x128xf32, #tpu.memory_space<vmem>> -> memref<16x128xf32, #tpu.memory_space<vmem>>
    %dma_start3A_389 = arith.constant 0 : i32
    %dma_start3A_390 = tpu.memref_slice %arg2[%dma_start3A_389, %multiple_of3A_377] : memref<16x1000000xf32, #tpu.memory_space<hbm>> -> memref<16x128xf32, #tpu.memory_space<hbm>>
    tpu.enqueue_dma source(%dma_start3A_390 : memref<16x128xf32, #tpu.memory_space<hbm>>) target(%dma_start3A_388 : memref<16x128xf32, #tpu.memory_space<vmem>>) target_semaphore(%arg9 : memref<!tpu.dma_semaphore, #tpu.memory_space<semaphore_mem>>)
    %slice3A_391 = vector.extract_strided_slice %and3A_262 {offsets = [8], sizes = [1], strides = [1]} : vector<16xi32> to vector<1xi32>
    %squeeze3A_392 = vector.extract %slice3A_391[0] : i32 from vector<1xi32>
    %multiple_of3A_393 = tpu.assume_multiple %squeeze3A_392, 128 : i32
    %dma_start3A_394 = arith.constant 1 : i32
    %dma_start3A_395 = arith.constant 0 : i32
    %dma_start3A_396 = arith.constant 1024 : i32
    %dma_start3A_397 = tpu.memref_slice %arg6[%dma_start3A_394, %dma_start3A_395, %dma_start3A_396] : memref<3x16x2048xf32, #tpu.memory_space<vmem>> -> memref<1x16x128xf32, #tpu.memory_space<vmem>>
    %dma_start3A_398 = tpu.memref_squeeze %dma_start3A_397 : memref<1x16x128xf32, #tpu.memory_space<vmem>> -> memref<16x128xf32, #tpu.memory_space<vmem>>
    %dma_start3A_399 = arith.constant 0 : i32
    %dma_start3A_400 = tpu.memref_slice %arg2[%dma_start3A_399, %multiple_of3A_393] : memref<16x1000000xf32, #tpu.memory_space<hbm>> -> memref<16x128xf32, #tpu.memory_space<hbm>>
    %dma_start3A_401 = arith.constant 0 : i32
    %dma_start3A_402 = arith.constant 1024 : i32
    %dma_start3A_403 = tpu.memref_slice %arg6[%dma_start3A_394, %dma_start3A_401, %dma_start3A_402] : memref<3x16x2048xf32, #tpu.memory_space<vmem>> -> memref<1x16x128xf32, #tpu.memory_space<vmem>>
    %dma_start3A_404 = tpu.memref_squeeze %dma_start3A_403 : memref<1x16x128xf32, #tpu.memory_space<vmem>> -> memref<16x128xf32, #tpu.memory_space<vmem>>
    %dma_start3A_405 = arith.constant 0 : i32
    %dma_start3A_406 = tpu.memref_slice %arg2[%dma_start3A_405, %multiple_of3A_393] : memref<16x1000000xf32, #tpu.memory_space<hbm>> -> memref<16x128xf32, #tpu.memory_space<hbm>>
    tpu.enqueue_dma source(%dma_start3A_406 : memref<16x128xf32, #tpu.memory_space<hbm>>) target(%dma_start3A_404 : memref<16x128xf32, #tpu.memory_space<vmem>>) target_semaphore(%arg9 : memref<!tpu.dma_semaphore, #tpu.memory_space<semaphore_mem>>)
    %slice3A_407 = vector.extract_strided_slice %and3A_262 {offsets = [9], sizes = [1], strides = [1]} : vector<16xi32> to vector<1xi32>
    %squeeze3A_408 = vector.extract %slice3A_407[0] : i32 from vector<1xi32>
    %multiple_of3A_409 = tpu.assume_multiple %squeeze3A_408, 128 : i32
    %dma_start3A_410 = arith.constant 1 : i32
    %dma_start3A_411 = arith.constant 0 : i32
    %dma_start3A_412 = arith.constant 1152 : i32
    %dma_start3A_413 = tpu.memref_slice %arg6[%dma_start3A_410, %dma_start3A_411, %dma_start3A_412] : memref<3x16x2048xf32, #tpu.memory_space<vmem>> -> memref<1x16x128xf32, #tpu.memory_space<vmem>>
    %dma_start3A_414 = tpu.memref_squeeze %dma_start3A_413 : memref<1x16x128xf32, #tpu.memory_space<vmem>> -> memref<16x128xf32, #tpu.memory_space<vmem>>
    %dma_start3A_415 = arith.constant 0 : i32
    %dma_start3A_416 = tpu.memref_slice %arg2[%dma_start3A_415, %multiple_of3A_409] : memref<16x1000000xf32, #tpu.memory_space<hbm>> -> memref<16x128xf32, #tpu.memory_space<hbm>>
    %dma_start3A_417 = arith.constant 0 : i32
    %dma_start3A_418 = arith.constant 1152 : i32
    %dma_start3A_419 = tpu.memref_slice %arg6[%dma_start3A_410, %dma_start3A_417, %dma_start3A_418] : memref<3x16x2048xf32, #tpu.memory_space<vmem>> -> memref<1x16x128xf32, #tpu.memory_space<vmem>>
    %dma_start3A_420 = tpu.memref_squeeze %dma_start3A_419 : memref<1x16x128xf32, #tpu.memory_space<vmem>> -> memref<16x128xf32, #tpu.memory_space<vmem>>
    %dma_start3A_421 = arith.constant 0 : i32
    %dma_start3A_422 = tpu.memref_slice %arg2[%dma_start3A_421, %multiple_of3A_409] : memref<16x1000000xf32, #tpu.memory_space<hbm>> -> memref<16x128xf32, #tpu.memory_space<hbm>>
    tpu.enqueue_dma source(%dma_start3A_422 : memref<16x128xf32, #tpu.memory_space<hbm>>) target(%dma_start3A_420 : memref<16x128xf32, #tpu.memory_space<vmem>>) target_semaphore(%arg9 : memref<!tpu.dma_semaphore, #tpu.memory_space<semaphore_mem>>)
    %slice3A_423 = vector.extract_strided_slice %and3A_262 {offsets = [10], sizes = [1], strides = [1]} : vector<16xi32> to vector<1xi32>
    %squeeze3A_424 = vector.extract %slice3A_423[0] : i32 from vector<1xi32>
    %multiple_of3A_425 = tpu.assume_multiple %squeeze3A_424, 128 : i32
    %dma_start3A_426 = arith.constant 1 : i32
    %dma_start3A_427 = arith.constant 0 : i32
    %dma_start3A_428 = arith.constant 1280 : i32
    %dma_start3A_429 = tpu.memref_slice %arg6[%dma_start3A_426, %dma_start3A_427, %dma_start3A_428] : memref<3x16x2048xf32, #tpu.memory_space<vmem>> -> memref<1x16x128xf32, #tpu.memory_space<vmem>>
    %dma_start3A_430 = tpu.memref_squeeze %dma_start3A_429 : memref<1x16x128xf32, #tpu.memory_space<vmem>> -> memref<16x128xf32, #tpu.memory_space<vmem>>
    %dma_start3A_431 = arith.constant 0 : i32
    %dma_start3A_432 = tpu.memref_slice %arg2[%dma_start3A_431, %multiple_of3A_425] : memref<16x1000000xf32, #tpu.memory_space<hbm>> -> memref<16x128xf32, #tpu.memory_space<hbm>>
    %dma_start3A_433 = arith.constant 0 : i32
    %dma_start3A_434 = arith.constant 1280 : i32
    %dma_start3A_435 = tpu.memref_slice %arg6[%dma_start3A_426, %dma_start3A_433, %dma_start3A_434] : memref<3x16x2048xf32, #tpu.memory_space<vmem>> -> memref<1x16x128xf32, #tpu.memory_space<vmem>>
    %dma_start3A_436 = tpu.memref_squeeze %dma_start3A_435 : memref<1x16x128xf32, #tpu.memory_space<vmem>> -> memref<16x128xf32, #tpu.memory_space<vmem>>
    %dma_start3A_437 = arith.constant 0 : i32
    %dma_start3A_438 = tpu.memref_slice %arg2[%dma_start3A_437, %multiple_of3A_425] : memref<16x1000000xf32, #tpu.memory_space<hbm>> -> memref<16x128xf32, #tpu.memory_space<hbm>>
    tpu.enqueue_dma source(%dma_start3A_438 : memref<16x128xf32, #tpu.memory_space<hbm>>) target(%dma_start3A_436 : memref<16x128xf32, #tpu.memory_space<vmem>>) target_semaphore(%arg9 : memref<!tpu.dma_semaphore, #tpu.memory_space<semaphore_mem>>)
    %slice3A_439 = vector.extract_strided_slice %and3A_262 {offsets = [11], sizes = [1], strides = [1]} : vector<16xi32> to vector<1xi32>
    %squeeze3A_440 = vector.extract %slice3A_439[0] : i32 from vector<1xi32>
    %multiple_of3A_441 = tpu.assume_multiple %squeeze3A_440, 128 : i32
    %dma_start3A_442 = arith.constant 1 : i32
    %dma_start3A_443 = arith.constant 0 : i32
    %dma_start3A_444 = arith.constant 1408 : i32
    %dma_start3A_445 = tpu.memref_slice %arg6[%dma_start3A_442, %dma_start3A_443, %dma_start3A_444] : memref<3x16x2048xf32, #tpu.memory_space<vmem>> -> memref<1x16x128xf32, #tpu.memory_space<vmem>>
    %dma_start3A_446 = tpu.memref_squeeze %dma_start3A_445 : memref<1x16x128xf32, #tpu.memory_space<vmem>> -> memref<16x128xf32, #tpu.memory_space<vmem>>
    %dma_start3A_447 = arith.constant 0 : i32
    %dma_start3A_448 = tpu.memref_slice %arg2[%dma_start3A_447, %multiple_of3A_441] : memref<16x1000000xf32, #tpu.memory_space<hbm>> -> memref<16x128xf32, #tpu.memory_space<hbm>>
    %dma_start3A_449 = arith.constant 0 : i32
    %dma_start3A_450 = arith.constant 1408 : i32
    %dma_start3A_451 = tpu.memref_slice %arg6[%dma_start3A_442, %dma_start3A_449, %dma_start3A_450] : memref<3x16x2048xf32, #tpu.memory_space<vmem>> -> memref<1x16x128xf32, #tpu.memory_space<vmem>>
    %dma_start3A_452 = tpu.memref_squeeze %dma_start3A_451 : memref<1x16x128xf32, #tpu.memory_space<vmem>> -> memref<16x128xf32, #tpu.memory_space<vmem>>
    %dma_start3A_453 = arith.constant 0 : i32
    %dma_start3A_454 = tpu.memref_slice %arg2[%dma_start3A_453, %multiple_of3A_441] : memref<16x1000000xf32, #tpu.memory_space<hbm>> -> memref<16x128xf32, #tpu.memory_space<hbm>>
    tpu.enqueue_dma source(%dma_start3A_454 : memref<16x128xf32, #tpu.memory_space<hbm>>) target(%dma_start3A_452 : memref<16x128xf32, #tpu.memory_space<vmem>>) target_semaphore(%arg9 : memref<!tpu.dma_semaphore, #tpu.memory_space<semaphore_mem>>)
    %slice3A_455 = vector.extract_strided_slice %and3A_262 {offsets = [12], sizes = [1], strides = [1]} : vector<16xi32> to vector<1xi32>
    %squeeze3A_456 = vector.extract %slice3A_455[0] : i32 from vector<1xi32>
    %multiple_of3A_457 = tpu.assume_multiple %squeeze3A_456, 128 : i32
    %dma_start3A_458 = arith.constant 1 : i32
    %dma_start3A_459 = arith.constant 0 : i32
    %dma_start3A_460 = arith.constant 1536 : i32
    %dma_start3A_461 = tpu.memref_slice %arg6[%dma_start3A_458, %dma_start3A_459, %dma_start3A_460] : memref<3x16x2048xf32, #tpu.memory_space<vmem>> -> memref<1x16x128xf32, #tpu.memory_space<vmem>>
    %dma_start3A_462 = tpu.memref_squeeze %dma_start3A_461 : memref<1x16x128xf32, #tpu.memory_space<vmem>> -> memref<16x128xf32, #tpu.memory_space<vmem>>
    %dma_start3A_463 = arith.constant 0 : i32
    %dma_start3A_464 = tpu.memref_slice %arg2[%dma_start3A_463, %multiple_of3A_457] : memref<16x1000000xf32, #tpu.memory_space<hbm>> -> memref<16x128xf32, #tpu.memory_space<hbm>>
    %dma_start3A_465 = arith.constant 0 : i32
    %dma_start3A_466 = arith.constant 1536 : i32
    %dma_start3A_467 = tpu.memref_slice %arg6[%dma_start3A_458, %dma_start3A_465, %dma_start3A_466] : memref<3x16x2048xf32, #tpu.memory_space<vmem>> -> memref<1x16x128xf32, #tpu.memory_space<vmem>>
    %dma_start3A_468 = tpu.memref_squeeze %dma_start3A_467 : memref<1x16x128xf32, #tpu.memory_space<vmem>> -> memref<16x128xf32, #tpu.memory_space<vmem>>
    %dma_start3A_469 = arith.constant 0 : i32
    %dma_start3A_470 = tpu.memref_slice %arg2[%dma_start3A_469, %multiple_of3A_457] : memref<16x1000000xf32, #tpu.memory_space<hbm>> -> memref<16x128xf32, #tpu.memory_space<hbm>>
    tpu.enqueue_dma source(%dma_start3A_470 : memref<16x128xf32, #tpu.memory_space<hbm>>) target(%dma_start3A_468 : memref<16x128xf32, #tpu.memory_space<vmem>>) target_semaphore(%arg9 : memref<!tpu.dma_semaphore, #tpu.memory_space<semaphore_mem>>)
    %slice3A_471 = vector.extract_strided_slice %and3A_262 {offsets = [13], sizes = [1], strides = [1]} : vector<16xi32> to vector<1xi32>
    %squeeze3A_472 = vector.extract %slice3A_471[0] : i32 from vector<1xi32>
    %multiple_of3A_473 = tpu.assume_multiple %squeeze3A_472, 128 : i32
    %dma_start3A_474 = arith.constant 1 : i32
    %dma_start3A_475 = arith.constant 0 : i32
    %dma_start3A_476 = arith.constant 1664 : i32
    %dma_start3A_477 = tpu.memref_slice %arg6[%dma_start3A_474, %dma_start3A_475, %dma_start3A_476] : memref<3x16x2048xf32, #tpu.memory_space<vmem>> -> memref<1x16x128xf32, #tpu.memory_space<vmem>>
    %dma_start3A_478 = tpu.memref_squeeze %dma_start3A_477 : memref<1x16x128xf32, #tpu.memory_space<vmem>> -> memref<16x128xf32, #tpu.memory_space<vmem>>
    %dma_start3A_479 = arith.constant 0 : i32
    %dma_start3A_480 = tpu.memref_slice %arg2[%dma_start3A_479, %multiple_of3A_473] : memref<16x1000000xf32, #tpu.memory_space<hbm>> -> memref<16x128xf32, #tpu.memory_space<hbm>>
    %dma_start3A_481 = arith.constant 0 : i32
    %dma_start3A_482 = arith.constant 1664 : i32
    %dma_start3A_483 = tpu.memref_slice %arg6[%dma_start3A_474, %dma_start3A_481, %dma_start3A_482] : memref<3x16x2048xf32, #tpu.memory_space<vmem>> -> memref<1x16x128xf32, #tpu.memory_space<vmem>>
    %dma_start3A_484 = tpu.memref_squeeze %dma_start3A_483 : memref<1x16x128xf32, #tpu.memory_space<vmem>> -> memref<16x128xf32, #tpu.memory_space<vmem>>
    %dma_start3A_485 = arith.constant 0 : i32
    %dma_start3A_486 = tpu.memref_slice %arg2[%dma_start3A_485, %multiple_of3A_473] : memref<16x1000000xf32, #tpu.memory_space<hbm>> -> memref<16x128xf32, #tpu.memory_space<hbm>>
    tpu.enqueue_dma source(%dma_start3A_486 : memref<16x128xf32, #tpu.memory_space<hbm>>) target(%dma_start3A_484 : memref<16x128xf32, #tpu.memory_space<vmem>>) target_semaphore(%arg9 : memref<!tpu.dma_semaphore, #tpu.memory_space<semaphore_mem>>)
    %slice3A_487 = vector.extract_strided_slice %and3A_262 {offsets = [14], sizes = [1], strides = [1]} : vector<16xi32> to vector<1xi32>
    %squeeze3A_488 = vector.extract %slice3A_487[0] : i32 from vector<1xi32>
    %multiple_of3A_489 = tpu.assume_multiple %squeeze3A_488, 128 : i32
    %dma_start3A_490 = arith.constant 1 : i32
    %dma_start3A_491 = arith.constant 0 : i32
    %dma_start3A_492 = arith.constant 1792 : i32
    %dma_start3A_493 = tpu.memref_slice %arg6[%dma_start3A_490, %dma_start3A_491, %dma_start3A_492] : memref<3x16x2048xf32, #tpu.memory_space<vmem>> -> memref<1x16x128xf32, #tpu.memory_space<vmem>>
    %dma_start3A_494 = tpu.memref_squeeze %dma_start3A_493 : memref<1x16x128xf32, #tpu.memory_space<vmem>> -> memref<16x128xf32, #tpu.memory_space<vmem>>
    %dma_start3A_495 = arith.constant 0 : i32
    %dma_start3A_496 = tpu.memref_slice %arg2[%dma_start3A_495, %multiple_of3A_489] : memref<16x1000000xf32, #tpu.memory_space<hbm>> -> memref<16x128xf32, #tpu.memory_space<hbm>>
    %dma_start3A_497 = arith.constant 0 : i32
    %dma_start3A_498 = arith.constant 1792 : i32
    %dma_start3A_499 = tpu.memref_slice %arg6[%dma_start3A_490, %dma_start3A_497, %dma_start3A_498] : memref<3x16x2048xf32, #tpu.memory_space<vmem>> -> memref<1x16x128xf32, #tpu.memory_space<vmem>>
    %dma_start3A_500 = tpu.memref_squeeze %dma_start3A_499 : memref<1x16x128xf32, #tpu.memory_space<vmem>> -> memref<16x128xf32, #tpu.memory_space<vmem>>
    %dma_start3A_501 = arith.constant 0 : i32
    %dma_start3A_502 = tpu.memref_slice %arg2[%dma_start3A_501, %multiple_of3A_489] : memref<16x1000000xf32, #tpu.memory_space<hbm>> -> memref<16x128xf32, #tpu.memory_space<hbm>>
    tpu.enqueue_dma source(%dma_start3A_502 : memref<16x128xf32, #tpu.memory_space<hbm>>) target(%dma_start3A_500 : memref<16x128xf32, #tpu.memory_space<vmem>>) target_semaphore(%arg9 : memref<!tpu.dma_semaphore, #tpu.memory_space<semaphore_mem>>)
    %slice3A_503 = vector.extract_strided_slice %and3A_262 {offsets = [15], sizes = [1], strides = [1]} : vector<16xi32> to vector<1xi32>
    %squeeze3A_504 = vector.extract %slice3A_503[0] : i32 from vector<1xi32>
    %multiple_of3A_505 = tpu.assume_multiple %squeeze3A_504, 128 : i32
    %dma_start3A_506 = arith.constant 1 : i32
    %dma_start3A_507 = arith.constant 0 : i32
    %dma_start3A_508 = arith.constant 1920 : i32
    %dma_start3A_509 = tpu.memref_slice %arg6[%dma_start3A_506, %dma_start3A_507, %dma_start3A_508] : memref<3x16x2048xf32, #tpu.memory_space<vmem>> -> memref<1x16x128xf32, #tpu.memory_space<vmem>>
    %dma_start3A_510 = tpu.memref_squeeze %dma_start3A_509 : memref<1x16x128xf32, #tpu.memory_space<vmem>> -> memref<16x128xf32, #tpu.memory_space<vmem>>
    %dma_start3A_511 = arith.constant 0 : i32
    %dma_start3A_512 = tpu.memref_slice %arg2[%dma_start3A_511, %multiple_of3A_505] : memref<16x1000000xf32, #tpu.memory_space<hbm>> -> memref<16x128xf32, #tpu.memory_space<hbm>>
    %dma_start3A_513 = arith.constant 0 : i32
    %dma_start3A_514 = arith.constant 1920 : i32
    %dma_start3A_515 = tpu.memref_slice %arg6[%dma_start3A_506, %dma_start3A_513, %dma_start3A_514] : memref<3x16x2048xf32, #tpu.memory_space<vmem>> -> memref<1x16x128xf32, #tpu.memory_space<vmem>>
    %dma_start3A_516 = tpu.memref_squeeze %dma_start3A_515 : memref<1x16x128xf32, #tpu.memory_space<vmem>> -> memref<16x128xf32, #tpu.memory_space<vmem>>
    %dma_start3A_517 = arith.constant 0 : i32
    %dma_start3A_518 = tpu.memref_slice %arg2[%dma_start3A_517, %multiple_of3A_505] : memref<16x1000000xf32, #tpu.memory_space<hbm>> -> memref<16x128xf32, #tpu.memory_space<hbm>>
    tpu.enqueue_dma source(%dma_start3A_518 : memref<16x128xf32, #tpu.memory_space<hbm>>) target(%dma_start3A_516 : memref<16x128xf32, #tpu.memory_space<vmem>>) target_semaphore(%arg9 : memref<!tpu.dma_semaphore, #tpu.memory_space<semaphore_mem>>)
    %get3A_519 = arith.constant 32 : index
    %get3A_520 = tpu.vector_load %arg5[%get3A_519] {strides = array<i32>} : memref<512xi32, #tpu.memory_space<vmem>>, vector<16xi32>,
    %and3A_521 = arith.constant -128 : i32
    %and3A_522 = vector.broadcast %and3A_521 : i32 to vector<16xi32>
    %and3A_523 = arith.andi %get3A_520, %and3A_522 : vector<16xi32>
    %slice3A_524 = vector.extract_strided_slice %and3A_523 {offsets = [0], sizes = [1], strides = [1]} : vector<16xi32> to vector<1xi32>
    %squeeze3A_525 = vector.extract %slice3A_524[0] : i32 from vector<1xi32>
    %multiple_of3A_526 = tpu.assume_multiple %squeeze3A_525, 128 : i32
    %dma_start3A_527 = arith.constant 2 : i32
    %dma_start3A_528 = arith.constant 0 : i32
    %dma_start3A_529 = arith.constant 0 : i32
    %dma_start3A_530 = tpu.memref_slice %arg6[%dma_start3A_527, %dma_start3A_528, %dma_start3A_529] : memref<3x16x2048xf32, #tpu.memory_space<vmem>> -> memref<1x16x128xf32, #tpu.memory_space<vmem>>
    %dma_start3A_531 = tpu.memref_squeeze %dma_start3A_530 : memref<1x16x128xf32, #tpu.memory_space<vmem>> -> memref<16x128xf32, #tpu.memory_space<vmem>>
    %dma_start3A_532 = arith.constant 0 : i32
    %dma_start3A_533 = tpu.memref_slice %arg2[%dma_start3A_532, %multiple_of3A_526] : memref<16x1000000xf32, #tpu.memory_space<hbm>> -> memref<16x128xf32, #tpu.memory_space<hbm>>
    %dma_start3A_534 = arith.constant 0 : i32
    %dma_start3A_535 = arith.constant 0 : i32
    %dma_start3A_536 = tpu.memref_slice %arg6[%dma_start3A_527, %dma_start3A_534, %dma_start3A_535] : memref<3x16x2048xf32, #tpu.memory_space<vmem>> -> memref<1x16x128xf32, #tpu.memory_space<vmem>>
    %dma_start3A_537 = tpu.memref_squeeze %dma_start3A_536 : memref<1x16x128xf32, #tpu.memory_space<vmem>> -> memref<16x128xf32, #tpu.memory_space<vmem>>
    %dma_start3A_538 = arith.constant 0 : i32
    %dma_start3A_539 = tpu.memref_slice %arg2[%dma_start3A_538, %multiple_of3A_526] : memref<16x1000000xf32, #tpu.memory_space<hbm>> -> memref<16x128xf32, #tpu.memory_space<hbm>>
    tpu.enqueue_dma source(%dma_start3A_539 : memref<16x128xf32, #tpu.memory_space<hbm>>) target(%dma_start3A_537 : memref<16x128xf32, #tpu.memory_space<vmem>>) target_semaphore(%arg10 : memref<!tpu.dma_semaphore, #tpu.memory_space<semaphore_mem>>)
    %slice3A_540 = vector.extract_strided_slice %and3A_523 {offsets = [1], sizes = [1], strides = [1]} : vector<16xi32> to vector<1xi32>
    %squeeze3A_541 = vector.extract %slice3A_540[0] : i32 from vector<1xi32>
    %multiple_of3A_542 = tpu.assume_multiple %squeeze3A_541, 128 : i32
    %dma_start3A_543 = arith.constant 2 : i32
    %dma_start3A_544 = arith.constant 0 : i32
    %dma_start3A_545 = arith.constant 128 : i32
    %dma_start3A_546 = tpu.memref_slice %arg6[%dma_start3A_543, %dma_start3A_544, %dma_start3A_545] : memref<3x16x2048xf32, #tpu.memory_space<vmem>> -> memref<1x16x128xf32, #tpu.memory_space<vmem>>
    %dma_start3A_547 = tpu.memref_squeeze %dma_start3A_546 : memref<1x16x128xf32, #tpu.memory_space<vmem>> -> memref<16x128xf32, #tpu.memory_space<vmem>>
    %dma_start3A_548 = arith.constant 0 : i32
    %dma_start3A_549 = tpu.memref_slice %arg2[%dma_start3A_548, %multiple_of3A_542] : memref<16x1000000xf32, #tpu.memory_space<hbm>> -> memref<16x128xf32, #tpu.memory_space<hbm>>
    %dma_start3A_550 = arith.constant 0 : i32
    %dma_start3A_551 = arith.constant 128 : i32
    %dma_start3A_552 = tpu.memref_slice %arg6[%dma_start3A_543, %dma_start3A_550, %dma_start3A_551] : memref<3x16x2048xf32, #tpu.memory_space<vmem>> -> memref<1x16x128xf32, #tpu.memory_space<vmem>>
    %dma_start3A_553 = tpu.memref_squeeze %dma_start3A_552 : memref<1x16x128xf32, #tpu.memory_space<vmem>> -> memref<16x128xf32, #tpu.memory_space<vmem>>
    %dma_start3A_554 = arith.constant 0 : i32
    %dma_start3A_555 = tpu.memref_slice %arg2[%dma_start3A_554, %multiple_of3A_542] : memref<16x1000000xf32, #tpu.memory_space<hbm>> -> memref<16x128xf32, #tpu.memory_space<hbm>>
    tpu.enqueue_dma source(%dma_start3A_555 : memref<16x128xf32, #tpu.memory_space<hbm>>) target(%dma_start3A_553 : memref<16x128xf32, #tpu.memory_space<vmem>>) target_semaphore(%arg10 : memref<!tpu.dma_semaphore, #tpu.memory_space<semaphore_mem>>)
    %slice3A_556 = vector.extract_strided_slice %and3A_523 {offsets = [2], sizes = [1], strides = [1]} : vector<16xi32> to vector<1xi32>
    %squeeze3A_557 = vector.extract %slice3A_556[0] : i32 from vector<1xi32>
    %multiple_of3A_558 = tpu.assume_multiple %squeeze3A_557, 128 : i32
    %dma_start3A_559 = arith.constant 2 : i32
    %dma_start3A_560 = arith.constant 0 : i32
    %dma_start3A_561 = arith.constant 256 : i32
    %dma_start3A_562 = tpu.memref_slice %arg6[%dma_start3A_559, %dma_start3A_560, %dma_start3A_561] : memref<3x16x2048xf32, #tpu.memory_space<vmem>> -> memref<1x16x128xf32, #tpu.memory_space<vmem>>
    %dma_start3A_563 = tpu.memref_squeeze %dma_start3A_562 : memref<1x16x128xf32, #tpu.memory_space<vmem>> -> memref<16x128xf32, #tpu.memory_space<vmem>>
    %dma_start3A_564 = arith.constant 0 : i32
    %dma_start3A_565 = tpu.memref_slice %arg2[%dma_start3A_564, %multiple_of3A_558] : memref<16x1000000xf32, #tpu.memory_space<hbm>> -> memref<16x128xf32, #tpu.memory_space<hbm>>
    %dma_start3A_566 = arith.constant 0 : i32
    %dma_start3A_567 = arith.constant 256 : i32
    %dma_start3A_568 = tpu.memref_slice %arg6[%dma_start3A_559, %dma_start3A_566, %dma_start3A_567] : memref<3x16x2048xf32, #tpu.memory_space<vmem>> -> memref<1x16x128xf32, #tpu.memory_space<vmem>>
    %dma_start3A_569 = tpu.memref_squeeze %dma_start3A_568 : memref<1x16x128xf32, #tpu.memory_space<vmem>> -> memref<16x128xf32, #tpu.memory_space<vmem>>
    %dma_start3A_570 = arith.constant 0 : i32
    %dma_start3A_571 = tpu.memref_slice %arg2[%dma_start3A_570, %multiple_of3A_558] : memref<16x1000000xf32, #tpu.memory_space<hbm>> -> memref<16x128xf32, #tpu.memory_space<hbm>>
    tpu.enqueue_dma source(%dma_start3A_571 : memref<16x128xf32, #tpu.memory_space<hbm>>) target(%dma_start3A_569 : memref<16x128xf32, #tpu.memory_space<vmem>>) target_semaphore(%arg10 : memref<!tpu.dma_semaphore, #tpu.memory_space<semaphore_mem>>)
    %slice3A_572 = vector.extract_strided_slice %and3A_523 {offsets = [3], sizes = [1], strides = [1]} : vector<16xi32> to vector<1xi32>
    %squeeze3A_573 = vector.extract %slice3A_572[0] : i32 from vector<1xi32>
    %multiple_of3A_574 = tpu.assume_multiple %squeeze3A_573, 128 : i32
    %dma_start3A_575 = arith.constant 2 : i32
    %dma_start3A_576 = arith.constant 0 : i32
    %dma_start3A_577 = arith.constant 384 : i32
    %dma_start3A_578 = tpu.memref_slice %arg6[%dma_start3A_575, %dma_start3A_576, %dma_start3A_577] : memref<3x16x2048xf32, #tpu.memory_space<vmem>> -> memref<1x16x128xf32, #tpu.memory_space<vmem>>
    %dma_start3A_579 = tpu.memref_squeeze %dma_start3A_578 : memref<1x16x128xf32, #tpu.memory_space<vmem>> -> memref<16x128xf32, #tpu.memory_space<vmem>>
    %dma_start3A_580 = arith.constant 0 : i32
    %dma_start3A_581 = tpu.memref_slice %arg2[%dma_start3A_580, %multiple_of3A_574] : memref<16x1000000xf32, #tpu.memory_space<hbm>> -> memref<16x128xf32, #tpu.memory_space<hbm>>
    %dma_start3A_582 = arith.constant 0 : i32
    %dma_start3A_583 = arith.constant 384 : i32
    %dma_start3A_584 = tpu.memref_slice %arg6[%dma_start3A_575, %dma_start3A_582, %dma_start3A_583] : memref<3x16x2048xf32, #tpu.memory_space<vmem>> -> memref<1x16x128xf32, #tpu.memory_space<vmem>>
    %dma_start3A_585 = tpu.memref_squeeze %dma_start3A_584 : memref<1x16x128xf32, #tpu.memory_space<vmem>> -> memref<16x128xf32, #tpu.memory_space<vmem>>
    %dma_start3A_586 = arith.constant 0 : i32
    %dma_start3A_587 = tpu.memref_slice %arg2[%dma_start3A_586, %multiple_of3A_574] : memref<16x1000000xf32, #tpu.memory_space<hbm>> -> memref<16x128xf32, #tpu.memory_space<hbm>>
    tpu.enqueue_dma source(%dma_start3A_587 : memref<16x128xf32, #tpu.memory_space<hbm>>) target(%dma_start3A_585 : memref<16x128xf32, #tpu.memory_space<vmem>>) target_semaphore(%arg10 : memref<!tpu.dma_semaphore, #tpu.memory_space<semaphore_mem>>)
    %slice3A_588 = vector.extract_strided_slice %and3A_523 {offsets = [4], sizes = [1], strides = [1]} : vector<16xi32> to vector<1xi32>
    %squeeze3A_589 = vector.extract %slice3A_588[0] : i32 from vector<1xi32>
    %multiple_of3A_590 = tpu.assume_multiple %squeeze3A_589, 128 : i32
    %dma_start3A_591 = arith.constant 2 : i32
    %dma_start3A_592 = arith.constant 0 : i32
    %dma_start3A_593 = arith.constant 512 : i32
    %dma_start3A_594 = tpu.memref_slice %arg6[%dma_start3A_591, %dma_start3A_592, %dma_start3A_593] : memref<3x16x2048xf32, #tpu.memory_space<vmem>> -> memref<1x16x128xf32, #tpu.memory_space<vmem>>
    %dma_start3A_595 = tpu.memref_squeeze %dma_start3A_594 : memref<1x16x128xf32, #tpu.memory_space<vmem>> -> memref<16x128xf32, #tpu.memory_space<vmem>>
    %dma_start3A_596 = arith.constant 0 : i32
    %dma_start3A_597 = tpu.memref_slice %arg2[%dma_start3A_596, %multiple_of3A_590] : memref<16x1000000xf32, #tpu.memory_space<hbm>> -> memref<16x128xf32, #tpu.memory_space<hbm>>
    %dma_start3A_598 = arith.constant 0 : i32
    %dma_start3A_599 = arith.constant 512 : i32
    %dma_start3A_600 = tpu.memref_slice %arg6[%dma_start3A_591, %dma_start3A_598, %dma_start3A_599] : memref<3x16x2048xf32, #tpu.memory_space<vmem>> -> memref<1x16x128xf32, #tpu.memory_space<vmem>>
    %dma_start3A_601 = tpu.memref_squeeze %dma_start3A_600 : memref<1x16x128xf32, #tpu.memory_space<vmem>> -> memref<16x128xf32, #tpu.memory_space<vmem>>
    %dma_start3A_602 = arith.constant 0 : i32
    %dma_start3A_603 = tpu.memref_slice %arg2[%dma_start3A_602, %multiple_of3A_590] : memref<16x1000000xf32, #tpu.memory_space<hbm>> -> memref<16x128xf32, #tpu.memory_space<hbm>>
    tpu.enqueue_dma source(%dma_start3A_603 : memref<16x128xf32, #tpu.memory_space<hbm>>) target(%dma_start3A_601 : memref<16x128xf32, #tpu.memory_space<vmem>>) target_semaphore(%arg10 : memref<!tpu.dma_semaphore, #tpu.memory_space<semaphore_mem>>)
    %slice3A_604 = vector.extract_strided_slice %and3A_523 {offsets = [5], sizes = [1], strides = [1]} : vector<16xi32> to vector<1xi32>
    %squeeze3A_605 = vector.extract %slice3A_604[0] : i32 from vector<1xi32>
    %multiple_of3A_606 = tpu.assume_multiple %squeeze3A_605, 128 : i32
    %dma_start3A_607 = arith.constant 2 : i32
    %dma_start3A_608 = arith.constant 0 : i32
    %dma_start3A_609 = arith.constant 640 : i32
    %dma_start3A_610 = tpu.memref_slice %arg6[%dma_start3A_607, %dma_start3A_608, %dma_start3A_609] : memref<3x16x2048xf32, #tpu.memory_space<vmem>> -> memref<1x16x128xf32, #tpu.memory_space<vmem>>
    %dma_start3A_611 = tpu.memref_squeeze %dma_start3A_610 : memref<1x16x128xf32, #tpu.memory_space<vmem>> -> memref<16x128xf32, #tpu.memory_space<vmem>>
    %dma_start3A_612 = arith.constant 0 : i32
    %dma_start3A_613 = tpu.memref_slice %arg2[%dma_start3A_612, %multiple_of3A_606] : memref<16x1000000xf32, #tpu.memory_space<hbm>> -> memref<16x128xf32, #tpu.memory_space<hbm>>
    %dma_start3A_614 = arith.constant 0 : i32
    %dma_start3A_615 = arith.constant 640 : i32
    %dma_start3A_616 = tpu.memref_slice %arg6[%dma_start3A_607, %dma_start3A_614, %dma_start3A_615] : memref<3x16x2048xf32, #tpu.memory_space<vmem>> -> memref<1x16x128xf32, #tpu.memory_space<vmem>>
    %dma_start3A_617 = tpu.memref_squeeze %dma_start3A_616 : memref<1x16x128xf32, #tpu.memory_space<vmem>> -> memref<16x128xf32, #tpu.memory_space<vmem>>
    %dma_start3A_618 = arith.constant 0 : i32
    %dma_start3A_619 = tpu.memref_slice %arg2[%dma_start3A_618, %multiple_of3A_606] : memref<16x1000000xf32, #tpu.memory_space<hbm>> -> memref<16x128xf32, #tpu.memory_space<hbm>>
    tpu.enqueue_dma source(%dma_start3A_619 : memref<16x128xf32, #tpu.memory_space<hbm>>) target(%dma_start3A_617 : memref<16x128xf32, #tpu.memory_space<vmem>>) target_semaphore(%arg10 : memref<!tpu.dma_semaphore, #tpu.memory_space<semaphore_mem>>)
    %slice3A_620 = vector.extract_strided_slice %and3A_523 {offsets = [6], sizes = [1], strides = [1]} : vector<16xi32> to vector<1xi32>
    %squeeze3A_621 = vector.extract %slice3A_620[0] : i32 from vector<1xi32>
    %multiple_of3A_622 = tpu.assume_multiple %squeeze3A_621, 128 : i32
    %dma_start3A_623 = arith.constant 2 : i32
    %dma_start3A_624 = arith.constant 0 : i32
    %dma_start3A_625 = arith.constant 768 : i32
    %dma_start3A_626 = tpu.memref_slice %arg6[%dma_start3A_623, %dma_start3A_624, %dma_start3A_625] : memref<3x16x2048xf32, #tpu.memory_space<vmem>> -> memref<1x16x128xf32, #tpu.memory_space<vmem>>
    %dma_start3A_627 = tpu.memref_squeeze %dma_start3A_626 : memref<1x16x128xf32, #tpu.memory_space<vmem>> -> memref<16x128xf32, #tpu.memory_space<vmem>>
    %dma_start3A_628 = arith.constant 0 : i32
    %dma_start3A_629 = tpu.memref_slice %arg2[%dma_start3A_628, %multiple_of3A_622] : memref<16x1000000xf32, #tpu.memory_space<hbm>> -> memref<16x128xf32, #tpu.memory_space<hbm>>
    %dma_start3A_630 = arith.constant 0 : i32
    %dma_start3A_631 = arith.constant 768 : i32
    %dma_start3A_632 = tpu.memref_slice %arg6[%dma_start3A_623, %dma_start3A_630, %dma_start3A_631] : memref<3x16x2048xf32, #tpu.memory_space<vmem>> -> memref<1x16x128xf32, #tpu.memory_space<vmem>>
    %dma_start3A_633 = tpu.memref_squeeze %dma_start3A_632 : memref<1x16x128xf32, #tpu.memory_space<vmem>> -> memref<16x128xf32, #tpu.memory_space<vmem>>
    %dma_start3A_634 = arith.constant 0 : i32
    %dma_start3A_635 = tpu.memref_slice %arg2[%dma_start3A_634, %multiple_of3A_622] : memref<16x1000000xf32, #tpu.memory_space<hbm>> -> memref<16x128xf32, #tpu.memory_space<hbm>>
    tpu.enqueue_dma source(%dma_start3A_635 : memref<16x128xf32, #tpu.memory_space<hbm>>) target(%dma_start3A_633 : memref<16x128xf32, #tpu.memory_space<vmem>>) target_semaphore(%arg10 : memref<!tpu.dma_semaphore, #tpu.memory_space<semaphore_mem>>)
    %slice3A_636 = vector.extract_strided_slice %and3A_523 {offsets = [7], sizes = [1], strides = [1]} : vector<16xi32> to vector<1xi32>
    %squeeze3A_637 = vector.extract %slice3A_636[0] : i32 from vector<1xi32>
    %multiple_of3A_638 = tpu.assume_multiple %squeeze3A_637, 128 : i32
    %dma_start3A_639 = arith.constant 2 : i32
    %dma_start3A_640 = arith.constant 0 : i32
    %dma_start3A_641 = arith.constant 896 : i32
    %dma_start3A_642 = tpu.memref_slice %arg6[%dma_start3A_639, %dma_start3A_640, %dma_start3A_641] : memref<3x16x2048xf32, #tpu.memory_space<vmem>> -> memref<1x16x128xf32, #tpu.memory_space<vmem>>
    %dma_start3A_643 = tpu.memref_squeeze %dma_start3A_642 : memref<1x16x128xf32, #tpu.memory_space<vmem>> -> memref<16x128xf32, #tpu.memory_space<vmem>>
    %dma_start3A_644 = arith.constant 0 : i32
    %dma_start3A_645 = tpu.memref_slice %arg2[%dma_start3A_644, %multiple_of3A_638] : memref<16x1000000xf32, #tpu.memory_space<hbm>> -> memref<16x128xf32, #tpu.memory_space<hbm>>
    %dma_start3A_646 = arith.constant 0 : i32
    %dma_start3A_647 = arith.constant 896 : i32
    %dma_start3A_648 = tpu.memref_slice %arg6[%dma_start3A_639, %dma_start3A_646, %dma_start3A_647] : memref<3x16x2048xf32, #tpu.memory_space<vmem>> -> memref<1x16x128xf32, #tpu.memory_space<vmem>>
    %dma_start3A_649 = tpu.memref_squeeze %dma_start3A_648 : memref<1x16x128xf32, #tpu.memory_space<vmem>> -> memref<16x128xf32, #tpu.memory_space<vmem>>
    %dma_start3A_650 = arith.constant 0 : i32
    %dma_start3A_651 = tpu.memref_slice %arg2[%dma_start3A_650, %multiple_of3A_638] : memref<16x1000000xf32, #tpu.memory_space<hbm>> -> memref<16x128xf32, #tpu.memory_space<hbm>>
    tpu.enqueue_dma source(%dma_start3A_651 : memref<16x128xf32, #tpu.memory_space<hbm>>) target(%dma_start3A_649 : memref<16x128xf32, #tpu.memory_space<vmem>>) target_semaphore(%arg10 : memref<!tpu.dma_semaphore, #tpu.memory_space<semaphore_mem>>)
    %slice3A_652 = vector.extract_strided_slice %and3A_523 {offsets = [8], sizes = [1], strides = [1]} : vector<16xi32> to vector<1xi32>
    %squeeze3A_653 = vector.extract %slice3A_652[0] : i32 from vector<1xi32>
    %multiple_of3A_654 = tpu.assume_multiple %squeeze3A_653, 128 : i32
    %dma_start3A_655 = arith.constant 2 : i32
    %dma_start3A_656 = arith.constant 0 : i32
    %dma_start3A_657 = arith.constant 1024 : i32
    %dma_start3A_658 = tpu.memref_slice %arg6[%dma_start3A_655, %dma_start3A_656, %dma_start3A_657] : memref<3x16x2048xf32, #tpu.memory_space<vmem>> -> memref<1x16x128xf32, #tpu.memory_space<vmem>>
    %dma_start3A_659 = tpu.memref_squeeze %dma_start3A_658 : memref<1x16x128xf32, #tpu.memory_space<vmem>> -> memref<16x128xf32, #tpu.memory_space<vmem>>
    %dma_start3A_660 = arith.constant 0 : i32
    %dma_start3A_661 = tpu.memref_slice %arg2[%dma_start3A_660, %multiple_of3A_654] : memref<16x1000000xf32, #tpu.memory_space<hbm>> -> memref<16x128xf32, #tpu.memory_space<hbm>>
    %dma_start3A_662 = arith.constant 0 : i32
    %dma_start3A_663 = arith.constant 1024 : i32
    %dma_start3A_664 = tpu.memref_slice %arg6[%dma_start3A_655, %dma_start3A_662, %dma_start3A_663] : memref<3x16x2048xf32, #tpu.memory_space<vmem>> -> memref<1x16x128xf32, #tpu.memory_space<vmem>>
    %dma_start3A_665 = tpu.memref_squeeze %dma_start3A_664 : memref<1x16x128xf32, #tpu.memory_space<vmem>> -> memref<16x128xf32, #tpu.memory_space<vmem>>
    %dma_start3A_666 = arith.constant 0 : i32
    %dma_start3A_667 = tpu.memref_slice %arg2[%dma_start3A_666, %multiple_of3A_654] : memref<16x1000000xf32, #tpu.memory_space<hbm>> -> memref<16x128xf32, #tpu.memory_space<hbm>>
    tpu.enqueue_dma source(%dma_start3A_667 : memref<16x128xf32, #tpu.memory_space<hbm>>) target(%dma_start3A_665 : memref<16x128xf32, #tpu.memory_space<vmem>>) target_semaphore(%arg10 : memref<!tpu.dma_semaphore, #tpu.memory_space<semaphore_mem>>)
    %slice3A_668 = vector.extract_strided_slice %and3A_523 {offsets = [9], sizes = [1], strides = [1]} : vector<16xi32> to vector<1xi32>
    %squeeze3A_669 = vector.extract %slice3A_668[0] : i32 from vector<1xi32>
    %multiple_of3A_670 = tpu.assume_multiple %squeeze3A_669, 128 : i32
    %dma_start3A_671 = arith.constant 2 : i32
    %dma_start3A_672 = arith.constant 0 : i32
    %dma_start3A_673 = arith.constant 1152 : i32
    %dma_start3A_674 = tpu.memref_slice %arg6[%dma_start3A_671, %dma_start3A_672, %dma_start3A_673] : memref<3x16x2048xf32, #tpu.memory_space<vmem>> -> memref<1x16x128xf32, #tpu.memory_space<vmem>>
    %dma_start3A_675 = tpu.memref_squeeze %dma_start3A_674 : memref<1x16x128xf32, #tpu.memory_space<vmem>> -> memref<16x128xf32, #tpu.memory_space<vmem>>
    %dma_start3A_676 = arith.constant 0 : i32
    %dma_start3A_677 = tpu.memref_slice %arg2[%dma_start3A_676, %multiple_of3A_670] : memref<16x1000000xf32, #tpu.memory_space<hbm>> -> memref<16x128xf32, #tpu.memory_space<hbm>>
    %dma_start3A_678 = arith.constant 0 : i32
    %dma_start3A_679 = arith.constant 1152 : i32
    %dma_start3A_680 = tpu.memref_slice %arg6[%dma_start3A_671, %dma_start3A_678, %dma_start3A_679] : memref<3x16x2048xf32, #tpu.memory_space<vmem>> -> memref<1x16x128xf32, #tpu.memory_space<vmem>>
    %dma_start3A_681 = tpu.memref_squeeze %dma_start3A_680 : memref<1x16x128xf32, #tpu.memory_space<vmem>> -> memref<16x128xf32, #tpu.memory_space<vmem>>
    %dma_start3A_682 = arith.constant 0 : i32
    %dma_start3A_683 = tpu.memref_slice %arg2[%dma_start3A_682, %multiple_of3A_670] : memref<16x1000000xf32, #tpu.memory_space<hbm>> -> memref<16x128xf32, #tpu.memory_space<hbm>>
    tpu.enqueue_dma source(%dma_start3A_683 : memref<16x128xf32, #tpu.memory_space<hbm>>) target(%dma_start3A_681 : memref<16x128xf32, #tpu.memory_space<vmem>>) target_semaphore(%arg10 : memref<!tpu.dma_semaphore, #tpu.memory_space<semaphore_mem>>)
    %slice3A_684 = vector.extract_strided_slice %and3A_523 {offsets = [10], sizes = [1], strides = [1]} : vector<16xi32> to vector<1xi32>
    %squeeze3A_685 = vector.extract %slice3A_684[0] : i32 from vector<1xi32>
    %multiple_of3A_686 = tpu.assume_multiple %squeeze3A_685, 128 : i32
    %dma_start3A_687 = arith.constant 2 : i32
    %dma_start3A_688 = arith.constant 0 : i32
    %dma_start3A_689 = arith.constant 1280 : i32
    %dma_start3A_690 = tpu.memref_slice %arg6[%dma_start3A_687, %dma_start3A_688, %dma_start3A_689] : memref<3x16x2048xf32, #tpu.memory_space<vmem>> -> memref<1x16x128xf32, #tpu.memory_space<vmem>>
    %dma_start3A_691 = tpu.memref_squeeze %dma_start3A_690 : memref<1x16x128xf32, #tpu.memory_space<vmem>> -> memref<16x128xf32, #tpu.memory_space<vmem>>
    %dma_start3A_692 = arith.constant 0 : i32
    %dma_start3A_693 = tpu.memref_slice %arg2[%dma_start3A_692, %multiple_of3A_686] : memref<16x1000000xf32, #tpu.memory_space<hbm>> -> memref<16x128xf32, #tpu.memory_space<hbm>>
    %dma_start3A_694 = arith.constant 0 : i32
    %dma_start3A_695 = arith.constant 1280 : i32
    %dma_start3A_696 = tpu.memref_slice %arg6[%dma_start3A_687, %dma_start3A_694, %dma_start3A_695] : memref<3x16x2048xf32, #tpu.memory_space<vmem>> -> memref<1x16x128xf32, #tpu.memory_space<vmem>>
    %dma_start3A_697 = tpu.memref_squeeze %dma_start3A_696 : memref<1x16x128xf32, #tpu.memory_space<vmem>> -> memref<16x128xf32, #tpu.memory_space<vmem>>
    %dma_start3A_698 = arith.constant 0 : i32
    %dma_start3A_699 = tpu.memref_slice %arg2[%dma_start3A_698, %multiple_of3A_686] : memref<16x1000000xf32, #tpu.memory_space<hbm>> -> memref<16x128xf32, #tpu.memory_space<hbm>>
    tpu.enqueue_dma source(%dma_start3A_699 : memref<16x128xf32, #tpu.memory_space<hbm>>) target(%dma_start3A_697 : memref<16x128xf32, #tpu.memory_space<vmem>>) target_semaphore(%arg10 : memref<!tpu.dma_semaphore, #tpu.memory_space<semaphore_mem>>)
    %slice3A_700 = vector.extract_strided_slice %and3A_523 {offsets = [11], sizes = [1], strides = [1]} : vector<16xi32> to vector<1xi32>
    %squeeze3A_701 = vector.extract %slice3A_700[0] : i32 from vector<1xi32>
    %multiple_of3A_702 = tpu.assume_multiple %squeeze3A_701, 128 : i32
    %dma_start3A_703 = arith.constant 2 : i32
    %dma_start3A_704 = arith.constant 0 : i32
    %dma_start3A_705 = arith.constant 1408 : i32
    %dma_start3A_706 = tpu.memref_slice %arg6[%dma_start3A_703, %dma_start3A_704, %dma_start3A_705] : memref<3x16x2048xf32, #tpu.memory_space<vmem>> -> memref<1x16x128xf32, #tpu.memory_space<vmem>>
    %dma_start3A_707 = tpu.memref_squeeze %dma_start3A_706 : memref<1x16x128xf32, #tpu.memory_space<vmem>> -> memref<16x128xf32, #tpu.memory_space<vmem>>
    %dma_start3A_708 = arith.constant 0 : i32
    %dma_start3A_709 = tpu.memref_slice %arg2[%dma_start3A_708, %multiple_of3A_702] : memref<16x1000000xf32, #tpu.memory_space<hbm>> -> memref<16x128xf32, #tpu.memory_space<hbm>>
    %dma_start3A_710 = arith.constant 0 : i32
    %dma_start3A_711 = arith.constant 1408 : i32
    %dma_start3A_712 = tpu.memref_slice %arg6[%dma_start3A_703, %dma_start3A_710, %dma_start3A_711] : memref<3x16x2048xf32, #tpu.memory_space<vmem>> -> memref<1x16x128xf32, #tpu.memory_space<vmem>>
    %dma_start3A_713 = tpu.memref_squeeze %dma_start3A_712 : memref<1x16x128xf32, #tpu.memory_space<vmem>> -> memref<16x128xf32, #tpu.memory_space<vmem>>
    %dma_start3A_714 = arith.constant 0 : i32
    %dma_start3A_715 = tpu.memref_slice %arg2[%dma_start3A_714, %multiple_of3A_702] : memref<16x1000000xf32, #tpu.memory_space<hbm>> -> memref<16x128xf32, #tpu.memory_space<hbm>>
    tpu.enqueue_dma source(%dma_start3A_715 : memref<16x128xf32, #tpu.memory_space<hbm>>) target(%dma_start3A_713 : memref<16x128xf32, #tpu.memory_space<vmem>>) target_semaphore(%arg10 : memref<!tpu.dma_semaphore, #tpu.memory_space<semaphore_mem>>)
    %slice3A_716 = vector.extract_strided_slice %and3A_523 {offsets = [12], sizes = [1], strides = [1]} : vector<16xi32> to vector<1xi32>
    %squeeze3A_717 = vector.extract %slice3A_716[0] : i32 from vector<1xi32>
    %multiple_of3A_718 = tpu.assume_multiple %squeeze3A_717, 128 : i32
    %dma_start3A_719 = arith.constant 2 : i32
    %dma_start3A_720 = arith.constant 0 : i32
    %dma_start3A_721 = arith.constant 1536 : i32
    %dma_start3A_722 = tpu.memref_slice %arg6[%dma_start3A_719, %dma_start3A_720, %dma_start3A_721] : memref<3x16x2048xf32, #tpu.memory_space<vmem>> -> memref<1x16x128xf32, #tpu.memory_space<vmem>>
    %dma_start3A_723 = tpu.memref_squeeze %dma_start3A_722 : memref<1x16x128xf32, #tpu.memory_space<vmem>> -> memref<16x128xf32, #tpu.memory_space<vmem>>
    %dma_start3A_724 = arith.constant 0 : i32
    %dma_start3A_725 = tpu.memref_slice %arg2[%dma_start3A_724, %multiple_of3A_718] : memref<16x1000000xf32, #tpu.memory_space<hbm>> -> memref<16x128xf32, #tpu.memory_space<hbm>>
    %dma_start3A_726 = arith.constant 0 : i32
    %dma_start3A_727 = arith.constant 1536 : i32
    %dma_start3A_728 = tpu.memref_slice %arg6[%dma_start3A_719, %dma_start3A_726, %dma_start3A_727] : memref<3x16x2048xf32, #tpu.memory_space<vmem>> -> memref<1x16x128xf32, #tpu.memory_space<vmem>>
    %dma_start3A_729 = tpu.memref_squeeze %dma_start3A_728 : memref<1x16x128xf32, #tpu.memory_space<vmem>> -> memref<16x128xf32, #tpu.memory_space<vmem>>
    %dma_start3A_730 = arith.constant 0 : i32
    %dma_start3A_731 = tpu.memref_slice %arg2[%dma_start3A_730, %multiple_of3A_718] : memref<16x1000000xf32, #tpu.memory_space<hbm>> -> memref<16x128xf32, #tpu.memory_space<hbm>>
    tpu.enqueue_dma source(%dma_start3A_731 : memref<16x128xf32, #tpu.memory_space<hbm>>) target(%dma_start3A_729 : memref<16x128xf32, #tpu.memory_space<vmem>>) target_semaphore(%arg10 : memref<!tpu.dma_semaphore, #tpu.memory_space<semaphore_mem>>)
    %slice3A_732 = vector.extract_strided_slice %and3A_523 {offsets = [13], sizes = [1], strides = [1]} : vector<16xi32> to vector<1xi32>
    %squeeze3A_733 = vector.extract %slice3A_732[0] : i32 from vector<1xi32>
    %multiple_of3A_734 = tpu.assume_multiple %squeeze3A_733, 128 : i32
    %dma_start3A_735 = arith.constant 2 : i32
    %dma_start3A_736 = arith.constant 0 : i32
    %dma_start3A_737 = arith.constant 1664 : i32
    %dma_start3A_738 = tpu.memref_slice %arg6[%dma_start3A_735, %dma_start3A_736, %dma_start3A_737] : memref<3x16x2048xf32, #tpu.memory_space<vmem>> -> memref<1x16x128xf32, #tpu.memory_space<vmem>>
    %dma_start3A_739 = tpu.memref_squeeze %dma_start3A_738 : memref<1x16x128xf32, #tpu.memory_space<vmem>> -> memref<16x128xf32, #tpu.memory_space<vmem>>
    %dma_start3A_740 = arith.constant 0 : i32
    %dma_start3A_741 = tpu.memref_slice %arg2[%dma_start3A_740, %multiple_of3A_734] : memref<16x1000000xf32, #tpu.memory_space<hbm>> -> memref<16x128xf32, #tpu.memory_space<hbm>>
    %dma_start3A_742 = arith.constant 0 : i32
    %dma_start3A_743 = arith.constant 1664 : i32
    %dma_start3A_744 = tpu.memref_slice %arg6[%dma_start3A_735, %dma_start3A_742, %dma_start3A_743] : memref<3x16x2048xf32, #tpu.memory_space<vmem>> -> memref<1x16x128xf32, #tpu.memory_space<vmem>>
    %dma_start3A_745 = tpu.memref_squeeze %dma_start3A_744 : memref<1x16x128xf32, #tpu.memory_space<vmem>> -> memref<16x128xf32, #tpu.memory_space<vmem>>
    %dma_start3A_746 = arith.constant 0 : i32
    %dma_start3A_747 = tpu.memref_slice %arg2[%dma_start3A_746, %multiple_of3A_734] : memref<16x1000000xf32, #tpu.memory_space<hbm>> -> memref<16x128xf32, #tpu.memory_space<hbm>>
    tpu.enqueue_dma source(%dma_start3A_747 : memref<16x128xf32, #tpu.memory_space<hbm>>) target(%dma_start3A_745 : memref<16x128xf32, #tpu.memory_space<vmem>>) target_semaphore(%arg10 : memref<!tpu.dma_semaphore, #tpu.memory_space<semaphore_mem>>)
    %slice3A_748 = vector.extract_strided_slice %and3A_523 {offsets = [14], sizes = [1], strides = [1]} : vector<16xi32> to vector<1xi32>
    %squeeze3A_749 = vector.extract %slice3A_748[0] : i32 from vector<1xi32>
    %multiple_of3A_750 = tpu.assume_multiple %squeeze3A_749, 128 : i32
    %dma_start3A_751 = arith.constant 2 : i32
    %dma_start3A_752 = arith.constant 0 : i32
    %dma_start3A_753 = arith.constant 1792 : i32
    %dma_start3A_754 = tpu.memref_slice %arg6[%dma_start3A_751, %dma_start3A_752, %dma_start3A_753] : memref<3x16x2048xf32, #tpu.memory_space<vmem>> -> memref<1x16x128xf32, #tpu.memory_space<vmem>>
    %dma_start3A_755 = tpu.memref_squeeze %dma_start3A_754 : memref<1x16x128xf32, #tpu.memory_space<vmem>> -> memref<16x128xf32, #tpu.memory_space<vmem>>
    %dma_start3A_756 = arith.constant 0 : i32
    %dma_start3A_757 = tpu.memref_slice %arg2[%dma_start3A_756, %multiple_of3A_750] : memref<16x1000000xf32, #tpu.memory_space<hbm>> -> memref<16x128xf32, #tpu.memory_space<hbm>>
    %dma_start3A_758 = arith.constant 0 : i32
    %dma_start3A_759 = arith.constant 1792 : i32
    %dma_start3A_760 = tpu.memref_slice %arg6[%dma_start3A_751, %dma_start3A_758, %dma_start3A_759] : memref<3x16x2048xf32, #tpu.memory_space<vmem>> -> memref<1x16x128xf32, #tpu.memory_space<vmem>>
    %dma_start3A_761 = tpu.memref_squeeze %dma_start3A_760 : memref<1x16x128xf32, #tpu.memory_space<vmem>> -> memref<16x128xf32, #tpu.memory_space<vmem>>
    %dma_start3A_762 = arith.constant 0 : i32
    %dma_start3A_763 = tpu.memref_slice %arg2[%dma_start3A_762, %multiple_of3A_750] : memref<16x1000000xf32, #tpu.memory_space<hbm>> -> memref<16x128xf32, #tpu.memory_space<hbm>>
    tpu.enqueue_dma source(%dma_start3A_763 : memref<16x128xf32, #tpu.memory_space<hbm>>) target(%dma_start3A_761 : memref<16x128xf32, #tpu.memory_space<vmem>>) target_semaphore(%arg10 : memref<!tpu.dma_semaphore, #tpu.memory_space<semaphore_mem>>)
    %slice3A_764 = vector.extract_strided_slice %and3A_523 {offsets = [15], sizes = [1], strides = [1]} : vector<16xi32> to vector<1xi32>
    %squeeze3A_765 = vector.extract %slice3A_764[0] : i32 from vector<1xi32>
    %multiple_of3A_766 = tpu.assume_multiple %squeeze3A_765, 128 : i32
    %dma_start3A_767 = arith.constant 2 : i32
    %dma_start3A_768 = arith.constant 0 : i32
    %dma_start3A_769 = arith.constant 1920 : i32
    %dma_start3A_770 = tpu.memref_slice %arg6[%dma_start3A_767, %dma_start3A_768, %dma_start3A_769] : memref<3x16x2048xf32, #tpu.memory_space<vmem>> -> memref<1x16x128xf32, #tpu.memory_space<vmem>>
    %dma_start3A_771 = tpu.memref_squeeze %dma_start3A_770 : memref<1x16x128xf32, #tpu.memory_space<vmem>> -> memref<16x128xf32, #tpu.memory_space<vmem>>
    %dma_start3A_772 = arith.constant 0 : i32
    %dma_start3A_773 = tpu.memref_slice %arg2[%dma_start3A_772, %multiple_of3A_766] : memref<16x1000000xf32, #tpu.memory_space<hbm>> -> memref<16x128xf32, #tpu.memory_space<hbm>>
    %dma_start3A_774 = arith.constant 0 : i32
    %dma_start3A_775 = arith.constant 1920 : i32
    %dma_start3A_776 = tpu.memref_slice %arg6[%dma_start3A_767, %dma_start3A_774, %dma_start3A_775] : memref<3x16x2048xf32, #tpu.memory_space<vmem>> -> memref<1x16x128xf32, #tpu.memory_space<vmem>>
    %dma_start3A_777 = tpu.memref_squeeze %dma_start3A_776 : memref<1x16x128xf32, #tpu.memory_space<vmem>> -> memref<16x128xf32, #tpu.memory_space<vmem>>
    %dma_start3A_778 = arith.constant 0 : i32
    %dma_start3A_779 = tpu.memref_slice %arg2[%dma_start3A_778, %multiple_of3A_766] : memref<16x1000000xf32, #tpu.memory_space<hbm>> -> memref<16x128xf32, #tpu.memory_space<hbm>>
    tpu.enqueue_dma source(%dma_start3A_779 : memref<16x128xf32, #tpu.memory_space<hbm>>) target(%dma_start3A_777 : memref<16x128xf32, #tpu.memory_space<vmem>>) target_semaphore(%arg10 : memref<!tpu.dma_semaphore, #tpu.memory_space<semaphore_mem>>)
    %scan3A = arith.constant 0 : i32
    %scan3A_780 = arith.constant 0 : i32
    %scan3A_781 = arith.constant 9 : i32
    %scan3A_782 = arith.addi %scan3A_780, %scan3A_781 : i32
    %scan3A_783 = arith.constant 1 : i32
    scf.for %scan3A_1997 = %scan3A_780 to %scan3A_782 step %scan3A_783  : i32 {
      %mul3A_1998 = arith.constant 3 : i32
      %mul3A_1999 = arith.muli %mul3A_1998, %scan3A_1997 : i32
      %add3A_2000 = arith.constant 0 : i32
      %add3A_2001 = arith.addi %mul3A_1999, %add3A_2000 : i32
      %dma_wait3A_2002 = arith.constant 0 : i32
      %dma_wait3A_2003 = arith.constant 0 : i32
      %dma_wait3A_2004 = arith.constant 0 : i32
      %dma_wait3A_2005 = tpu.memref_slice %arg6[%dma_wait3A_2002, %dma_wait3A_2003, %dma_wait3A_2004] : memref<3x16x2048xf32, #tpu.memory_space<vmem>> -> memref<1x16x2048xf32, #tpu.memory_space<vmem>>
      %dma_wait3A_2006 = tpu.memref_squeeze %dma_wait3A_2005 : memref<1x16x2048xf32, #tpu.memory_space<vmem>> -> memref<16x2048xf32, #tpu.memory_space<vmem>>
      %dma_wait3A_2007 = arith.constant 0 : i32
      %dma_wait3A_2008 = arith.constant 0 : i32
      %dma_wait3A_2009 = tpu.memref_slice %arg2[%dma_wait3A_2007, %dma_wait3A_2008] : memref<16x1000000xf32, #tpu.memory_space<hbm>> -> memref<16x2048xf32, #tpu.memory_space<hbm>>
      %dma_wait3A_2010 = arith.constant 0 : i32
      %dma_wait3A_2011 = arith.constant 0 : i32
      %dma_wait3A_2012 = tpu.memref_slice %arg6[%dma_wait3A_2002, %dma_wait3A_2010, %dma_wait3A_2011] : memref<3x16x2048xf32, #tpu.memory_space<vmem>> -> memref<1x16x2048xf32, #tpu.memory_space<vmem>>
      %dma_wait3A_2013 = tpu.memref_squeeze %dma_wait3A_2012 : memref<1x16x2048xf32, #tpu.memory_space<vmem>> -> memref<16x2048xf32, #tpu.memory_space<vmem>>
      %dma_wait3A_2014 = arith.constant 0 : i32
      %dma_wait3A_2015 = arith.constant 0 : i32
      %dma_wait3A_2016 = tpu.memref_slice %arg2[%dma_wait3A_2014, %dma_wait3A_2015] : memref<16x1000000xf32, #tpu.memory_space<hbm>> -> memref<16x2048xf32, #tpu.memory_space<hbm>>
      tpu.wait_dma2 semaphore(%arg8 : memref<!tpu.dma_semaphore, #tpu.memory_space<semaphore_mem>>) src(%dma_wait3A_2016 : memref<16x2048xf32, #tpu.memory_space<hbm>>) dst(%dma_wait3A_2013 : memref<16x2048xf32, #tpu.memory_space<vmem>>)
      %mul3A_2017 = arith.constant 16 : i32
      %mul3A_2018 = arith.muli %add3A_2001, %mul3A_2017 : i32
      %get3A_2019 = arith.index_cast %mul3A_2018 : i32 to index
      %get3A_2020 = tpu.vector_load %arg5[%get3A_2019] {strides = array<i32>} : memref<512xi32, #tpu.memory_space<vmem>>, vector<16xi32>,
      %and3A_2021 = arith.constant 127 : i32
      %and3A_2022 = vector.broadcast %and3A_2021 : i32 to vector<16xi32>
      %and3A_2023 = arith.andi %get3A_2020, %and3A_2022 : vector<16xi32>
      %iota3A_2024 = tpu.iota {dimensions = array<i32: 0>} : vector<16xi32>
      %mul3A_2025 = arith.constant 128 : i32
      %mul3A_2026 = vector.broadcast %mul3A_2025 : i32 to vector<16xi32>
      %mul3A_2027 = arith.muli %iota3A_2024, %mul3A_2026 : vector<16xi32>
      %add3A_2028 = arith.addi %mul3A_2027, %and3A_2023 : vector<16xi32>
      %broadcast_in_dim3A_2029 = arith.constant 0 : i32
      %broadcast_in_dim3A_2030 = vector.broadcast %broadcast_in_dim3A_2029 : i32 to vector<16xi32>
      %broadcast_in_dim3A_2031 = arith.constant 0 : i32
      %broadcast_in_dim3A_2032 = vector.broadcast %broadcast_in_dim3A_2031 : i32 to vector<16xi32>
      %gather3A_2033 = tpu.vector_load_idx %arg6[%broadcast_in_dim3A_2030, %broadcast_in_dim3A_2032, %add3A_2028] : memref<3x16x2048xf32, #tpu.memory_space<vmem>>[vector<16xi32>, vector<16xi32>, vector<16xi32>], vector<16xf32>,
      %mul3A_2034 = arith.constant 16 : i32
      %mul3A_2035 = arith.muli %add3A_2001, %mul3A_2034 : i32
      %swap3A_2036 = arith.constant 0 : i32
      %swap3A_2037 = arith.index_cast %swap3A_2036 : i32 to index
      %swap3A_2038 = arith.index_cast %mul3A_2035 : i32 to index
      %swap3A_2039 = tpu.vector_load %arg7[%swap3A_2037, %swap3A_2038] {strides = array<i32>} : memref<16x512xf32, #tpu.memory_space<vmem>>, vector<16xf32>,
      tpu.vector_store %arg7[%swap3A_2037, %swap3A_2038], %gather3A_2033 {strides = array<i32>} : memref<16x512xf32, #tpu.memory_space<vmem>>, vector<16xf32>,
      %broadcast_in_dim3A_2040 = arith.constant 1 : i32
      %broadcast_in_dim3A_2041 = vector.broadcast %broadcast_in_dim3A_2040 : i32 to vector<16xi32>
      %gather3A_2042 = tpu.vector_load_idx %arg6[%broadcast_in_dim3A_2030, %broadcast_in_dim3A_2041, %add3A_2028] : memref<3x16x2048xf32, #tpu.memory_space<vmem>>[vector<16xi32>, vector<16xi32>, vector<16xi32>], vector<16xf32>,
      %mul3A_2043 = arith.constant 16 : i32
      %mul3A_2044 = arith.muli %add3A_2001, %mul3A_2043 : i32
      %swap3A_2045 = arith.constant 1 : i32
      %swap3A_2046 = arith.index_cast %swap3A_2045 : i32 to index
      %swap3A_2047 = arith.index_cast %mul3A_2044 : i32 to index
      %swap3A_2048 = tpu.vector_load %arg7[%swap3A_2046, %swap3A_2047] {strides = array<i32>} : memref<16x512xf32, #tpu.memory_space<vmem>>, vector<16xf32>,
      tpu.vector_store %arg7[%swap3A_2046, %swap3A_2047], %gather3A_2042 {strides = array<i32>} : memref<16x512xf32, #tpu.memory_space<vmem>>, vector<16xf32>,
      %broadcast_in_dim3A_2049 = arith.constant 2 : i32
      %broadcast_in_dim3A_2050 = vector.broadcast %broadcast_in_dim3A_2049 : i32 to vector<16xi32>
      %gather3A_2051 = tpu.vector_load_idx %arg6[%broadcast_in_dim3A_2030, %broadcast_in_dim3A_2050, %add3A_2028] : memref<3x16x2048xf32, #tpu.memory_space<vmem>>[vector<16xi32>, vector<16xi32>, vector<16xi32>], vector<16xf32>,
      %mul3A_2052 = arith.constant 16 : i32
      %mul3A_2053 = arith.muli %add3A_2001, %mul3A_2052 : i32
      %swap3A_2054 = arith.constant 2 : i32
      %swap3A_2055 = arith.index_cast %swap3A_2054 : i32 to index
      %swap3A_2056 = arith.index_cast %mul3A_2053 : i32 to index
      %swap3A_2057 = tpu.vector_load %arg7[%swap3A_2055, %swap3A_2056] {strides = array<i32>} : memref<16x512xf32, #tpu.memory_space<vmem>>, vector<16xf32>,
      tpu.vector_store %arg7[%swap3A_2055, %swap3A_2056], %gather3A_2051 {strides = array<i32>} : memref<16x512xf32, #tpu.memory_space<vmem>>, vector<16xf32>,
      %broadcast_in_dim3A_2058 = arith.constant 3 : i32
      %broadcast_in_dim3A_2059 = vector.broadcast %broadcast_in_dim3A_2058 : i32 to vector<16xi32>
      %gather3A_2060 = tpu.vector_load_idx %arg6[%broadcast_in_dim3A_2030, %broadcast_in_dim3A_2059, %add3A_2028] : memref<3x16x2048xf32, #tpu.memory_space<vmem>>[vector<16xi32>, vector<16xi32>, vector<16xi32>], vector<16xf32>,
      %mul3A_2061 = arith.constant 16 : i32
      %mul3A_2062 = arith.muli %add3A_2001, %mul3A_2061 : i32
      %swap3A_2063 = arith.constant 3 : i32
      %swap3A_2064 = arith.index_cast %swap3A_2063 : i32 to index
      %swap3A_2065 = arith.index_cast %mul3A_2062 : i32 to index
      %swap3A_2066 = tpu.vector_load %arg7[%swap3A_2064, %swap3A_2065] {strides = array<i32>} : memref<16x512xf32, #tpu.memory_space<vmem>>, vector<16xf32>,
      tpu.vector_store %arg7[%swap3A_2064, %swap3A_2065], %gather3A_2060 {strides = array<i32>} : memref<16x512xf32, #tpu.memory_space<vmem>>, vector<16xf32>,
      %broadcast_in_dim3A_2067 = arith.constant 4 : i32
      %broadcast_in_dim3A_2068 = vector.broadcast %broadcast_in_dim3A_2067 : i32 to vector<16xi32>
      %gather3A_2069 = tpu.vector_load_idx %arg6[%broadcast_in_dim3A_2030, %broadcast_in_dim3A_2068, %add3A_2028] : memref<3x16x2048xf32, #tpu.memory_space<vmem>>[vector<16xi32>, vector<16xi32>, vector<16xi32>], vector<16xf32>,
      %mul3A_2070 = arith.constant 16 : i32
      %mul3A_2071 = arith.muli %add3A_2001, %mul3A_2070 : i32
      %swap3A_2072 = arith.constant 4 : i32
      %swap3A_2073 = arith.index_cast %swap3A_2072 : i32 to index
      %swap3A_2074 = arith.index_cast %mul3A_2071 : i32 to index
      %swap3A_2075 = tpu.vector_load %arg7[%swap3A_2073, %swap3A_2074] {strides = array<i32>} : memref<16x512xf32, #tpu.memory_space<vmem>>, vector<16xf32>,
      tpu.vector_store %arg7[%swap3A_2073, %swap3A_2074], %gather3A_2069 {strides = array<i32>} : memref<16x512xf32, #tpu.memory_space<vmem>>, vector<16xf32>,
      %broadcast_in_dim3A_2076 = arith.constant 5 : i32
      %broadcast_in_dim3A_2077 = vector.broadcast %broadcast_in_dim3A_2076 : i32 to vector<16xi32>
      %gather3A_2078 = tpu.vector_load_idx %arg6[%broadcast_in_dim3A_2030, %broadcast_in_dim3A_2077, %add3A_2028] : memref<3x16x2048xf32, #tpu.memory_space<vmem>>[vector<16xi32>, vector<16xi32>, vector<16xi32>], vector<16xf32>,
      %mul3A_2079 = arith.constant 16 : i32
      %mul3A_2080 = arith.muli %add3A_2001, %mul3A_2079 : i32
      %swap3A_2081 = arith.constant 5 : i32
      %swap3A_2082 = arith.index_cast %swap3A_2081 : i32 to index
      %swap3A_2083 = arith.index_cast %mul3A_2080 : i32 to index
      %swap3A_2084 = tpu.vector_load %arg7[%swap3A_2082, %swap3A_2083] {strides = array<i32>} : memref<16x512xf32, #tpu.memory_space<vmem>>, vector<16xf32>,
      tpu.vector_store %arg7[%swap3A_2082, %swap3A_2083], %gather3A_2078 {strides = array<i32>} : memref<16x512xf32, #tpu.memory_space<vmem>>, vector<16xf32>,
      %broadcast_in_dim3A_2085 = arith.constant 6 : i32
      %broadcast_in_dim3A_2086 = vector.broadcast %broadcast_in_dim3A_2085 : i32 to vector<16xi32>
      %gather3A_2087 = tpu.vector_load_idx %arg6[%broadcast_in_dim3A_2030, %broadcast_in_dim3A_2086, %add3A_2028] : memref<3x16x2048xf32, #tpu.memory_space<vmem>>[vector<16xi32>, vector<16xi32>, vector<16xi32>], vector<16xf32>,
      %mul3A_2088 = arith.constant 16 : i32
      %mul3A_2089 = arith.muli %add3A_2001, %mul3A_2088 : i32
      %swap3A_2090 = arith.constant 6 : i32
      %swap3A_2091 = arith.index_cast %swap3A_2090 : i32 to index
      %swap3A_2092 = arith.index_cast %mul3A_2089 : i32 to index
      %swap3A_2093 = tpu.vector_load %arg7[%swap3A_2091, %swap3A_2092] {strides = array<i32>} : memref<16x512xf32, #tpu.memory_space<vmem>>, vector<16xf32>,
      tpu.vector_store %arg7[%swap3A_2091, %swap3A_2092], %gather3A_2087 {strides = array<i32>} : memref<16x512xf32, #tpu.memory_space<vmem>>, vector<16xf32>,
      %broadcast_in_dim3A_2094 = arith.constant 7 : i32
      %broadcast_in_dim3A_2095 = vector.broadcast %broadcast_in_dim3A_2094 : i32 to vector<16xi32>
      %gather3A_2096 = tpu.vector_load_idx %arg6[%broadcast_in_dim3A_2030, %broadcast_in_dim3A_2095, %add3A_2028] : memref<3x16x2048xf32, #tpu.memory_space<vmem>>[vector<16xi32>, vector<16xi32>, vector<16xi32>], vector<16xf32>,
      %mul3A_2097 = arith.constant 16 : i32
      %mul3A_2098 = arith.muli %add3A_2001, %mul3A_2097 : i32
      %swap3A_2099 = arith.constant 7 : i32
      %swap3A_2100 = arith.index_cast %swap3A_2099 : i32 to index
      %swap3A_2101 = arith.index_cast %mul3A_2098 : i32 to index
      %swap3A_2102 = tpu.vector_load %arg7[%swap3A_2100, %swap3A_2101] {strides = array<i32>} : memref<16x512xf32, #tpu.memory_space<vmem>>, vector<16xf32>,
      tpu.vector_store %arg7[%swap3A_2100, %swap3A_2101], %gather3A_2096 {strides = array<i32>} : memref<16x512xf32, #tpu.memory_space<vmem>>, vector<16xf32>,
      %broadcast_in_dim3A_2103 = arith.constant 8 : i32
      %broadcast_in_dim3A_2104 = vector.broadcast %broadcast_in_dim3A_2103 : i32 to vector<16xi32>
      %gather3A_2105 = tpu.vector_load_idx %arg6[%broadcast_in_dim3A_2030, %broadcast_in_dim3A_2104, %add3A_2028] : memref<3x16x2048xf32, #tpu.memory_space<vmem>>[vector<16xi32>, vector<16xi32>, vector<16xi32>], vector<16xf32>,
      %mul3A_2106 = arith.constant 16 : i32
      %mul3A_2107 = arith.muli %add3A_2001, %mul3A_2106 : i32
      %swap3A_2108 = arith.constant 8 : i32
      %swap3A_2109 = arith.index_cast %swap3A_2108 : i32 to index
      %swap3A_2110 = arith.index_cast %mul3A_2107 : i32 to index
      %swap3A_2111 = tpu.vector_load %arg7[%swap3A_2109, %swap3A_2110] {strides = array<i32>} : memref<16x512xf32, #tpu.memory_space<vmem>>, vector<16xf32>,
      tpu.vector_store %arg7[%swap3A_2109, %swap3A_2110], %gather3A_2105 {strides = array<i32>} : memref<16x512xf32, #tpu.memory_space<vmem>>, vector<16xf32>,
      %broadcast_in_dim3A_2112 = arith.constant 9 : i32
      %broadcast_in_dim3A_2113 = vector.broadcast %broadcast_in_dim3A_2112 : i32 to vector<16xi32>
      %gather3A_2114 = tpu.vector_load_idx %arg6[%broadcast_in_dim3A_2030, %broadcast_in_dim3A_2113, %add3A_2028] : memref<3x16x2048xf32, #tpu.memory_space<vmem>>[vector<16xi32>, vector<16xi32>, vector<16xi32>], vector<16xf32>,
      %mul3A_2115 = arith.constant 16 : i32
      %mul3A_2116 = arith.muli %add3A_2001, %mul3A_2115 : i32
      %swap3A_2117 = arith.constant 9 : i32
      %swap3A_2118 = arith.index_cast %swap3A_2117 : i32 to index
      %swap3A_2119 = arith.index_cast %mul3A_2116 : i32 to index
      %swap3A_2120 = tpu.vector_load %arg7[%swap3A_2118, %swap3A_2119] {strides = array<i32>} : memref<16x512xf32, #tpu.memory_space<vmem>>, vector<16xf32>,
      tpu.vector_store %arg7[%swap3A_2118, %swap3A_2119], %gather3A_2114 {strides = array<i32>} : memref<16x512xf32, #tpu.memory_space<vmem>>, vector<16xf32>,
      %broadcast_in_dim3A_2121 = arith.constant 10 : i32
      %broadcast_in_dim3A_2122 = vector.broadcast %broadcast_in_dim3A_2121 : i32 to vector<16xi32>
      %gather3A_2123 = tpu.vector_load_idx %arg6[%broadcast_in_dim3A_2030, %broadcast_in_dim3A_2122, %add3A_2028] : memref<3x16x2048xf32, #tpu.memory_space<vmem>>[vector<16xi32>, vector<16xi32>, vector<16xi32>], vector<16xf32>,
      %mul3A_2124 = arith.constant 16 : i32
      %mul3A_2125 = arith.muli %add3A_2001, %mul3A_2124 : i32
      %swap3A_2126 = arith.constant 10 : i32
      %swap3A_2127 = arith.index_cast %swap3A_2126 : i32 to index
      %swap3A_2128 = arith.index_cast %mul3A_2125 : i32 to index
      %swap3A_2129 = tpu.vector_load %arg7[%swap3A_2127, %swap3A_2128] {strides = array<i32>} : memref<16x512xf32, #tpu.memory_space<vmem>>, vector<16xf32>,
      tpu.vector_store %arg7[%swap3A_2127, %swap3A_2128], %gather3A_2123 {strides = array<i32>} : memref<16x512xf32, #tpu.memory_space<vmem>>, vector<16xf32>,
      %broadcast_in_dim3A_2130 = arith.constant 11 : i32
      %broadcast_in_dim3A_2131 = vector.broadcast %broadcast_in_dim3A_2130 : i32 to vector<16xi32>
      %gather3A_2132 = tpu.vector_load_idx %arg6[%broadcast_in_dim3A_2030, %broadcast_in_dim3A_2131, %add3A_2028] : memref<3x16x2048xf32, #tpu.memory_space<vmem>>[vector<16xi32>, vector<16xi32>, vector<16xi32>], vector<16xf32>,
      %mul3A_2133 = arith.constant 16 : i32
      %mul3A_2134 = arith.muli %add3A_2001, %mul3A_2133 : i32
      %swap3A_2135 = arith.constant 11 : i32
      %swap3A_2136 = arith.index_cast %swap3A_2135 : i32 to index
      %swap3A_2137 = arith.index_cast %mul3A_2134 : i32 to index
      %swap3A_2138 = tpu.vector_load %arg7[%swap3A_2136, %swap3A_2137] {strides = array<i32>} : memref<16x512xf32, #tpu.memory_space<vmem>>, vector<16xf32>,
      tpu.vector_store %arg7[%swap3A_2136, %swap3A_2137], %gather3A_2132 {strides = array<i32>} : memref<16x512xf32, #tpu.memory_space<vmem>>, vector<16xf32>,
      %broadcast_in_dim3A_2139 = arith.constant 12 : i32
      %broadcast_in_dim3A_2140 = vector.broadcast %broadcast_in_dim3A_2139 : i32 to vector<16xi32>
      %gather3A_2141 = tpu.vector_load_idx %arg6[%broadcast_in_dim3A_2030, %broadcast_in_dim3A_2140, %add3A_2028] : memref<3x16x2048xf32, #tpu.memory_space<vmem>>[vector<16xi32>, vector<16xi32>, vector<16xi32>], vector<16xf32>,
      %mul3A_2142 = arith.constant 16 : i32
      %mul3A_2143 = arith.muli %add3A_2001, %mul3A_2142 : i32
      %swap3A_2144 = arith.constant 12 : i32
      %swap3A_2145 = arith.index_cast %swap3A_2144 : i32 to index
      %swap3A_2146 = arith.index_cast %mul3A_2143 : i32 to index
      %swap3A_2147 = tpu.vector_load %arg7[%swap3A_2145, %swap3A_2146] {strides = array<i32>} : memref<16x512xf32, #tpu.memory_space<vmem>>, vector<16xf32>,
      tpu.vector_store %arg7[%swap3A_2145, %swap3A_2146], %gather3A_2141 {strides = array<i32>} : memref<16x512xf32, #tpu.memory_space<vmem>>, vector<16xf32>,
      %broadcast_in_dim3A_2148 = arith.constant 13 : i32
      %broadcast_in_dim3A_2149 = vector.broadcast %broadcast_in_dim3A_2148 : i32 to vector<16xi32>
      %gather3A_2150 = tpu.vector_load_idx %arg6[%broadcast_in_dim3A_2030, %broadcast_in_dim3A_2149, %add3A_2028] : memref<3x16x2048xf32, #tpu.memory_space<vmem>>[vector<16xi32>, vector<16xi32>, vector<16xi32>], vector<16xf32>,
      %mul3A_2151 = arith.constant 16 : i32
      %mul3A_2152 = arith.muli %add3A_2001, %mul3A_2151 : i32
      %swap3A_2153 = arith.constant 13 : i32
      %swap3A_2154 = arith.index_cast %swap3A_2153 : i32 to index
      %swap3A_2155 = arith.index_cast %mul3A_2152 : i32 to index
      %swap3A_2156 = tpu.vector_load %arg7[%swap3A_2154, %swap3A_2155] {strides = array<i32>} : memref<16x512xf32, #tpu.memory_space<vmem>>, vector<16xf32>,
      tpu.vector_store %arg7[%swap3A_2154, %swap3A_2155], %gather3A_2150 {strides = array<i32>} : memref<16x512xf32, #tpu.memory_space<vmem>>, vector<16xf32>,
      %broadcast_in_dim3A_2157 = arith.constant 14 : i32
      %broadcast_in_dim3A_2158 = vector.broadcast %broadcast_in_dim3A_2157 : i32 to vector<16xi32>
      %gather3A_2159 = tpu.vector_load_idx %arg6[%broadcast_in_dim3A_2030, %broadcast_in_dim3A_2158, %add3A_2028] : memref<3x16x2048xf32, #tpu.memory_space<vmem>>[vector<16xi32>, vector<16xi32>, vector<16xi32>], vector<16xf32>,
      %mul3A_2160 = arith.constant 16 : i32
      %mul3A_2161 = arith.muli %add3A_2001, %mul3A_2160 : i32
      %swap3A_2162 = arith.constant 14 : i32
      %swap3A_2163 = arith.index_cast %swap3A_2162 : i32 to index
      %swap3A_2164 = arith.index_cast %mul3A_2161 : i32 to index
      %swap3A_2165 = tpu.vector_load %arg7[%swap3A_2163, %swap3A_2164] {strides = array<i32>} : memref<16x512xf32, #tpu.memory_space<vmem>>, vector<16xf32>,
      tpu.vector_store %arg7[%swap3A_2163, %swap3A_2164], %gather3A_2159 {strides = array<i32>} : memref<16x512xf32, #tpu.memory_space<vmem>>, vector<16xf32>,
      %broadcast_in_dim3A_2166 = arith.constant 15 : i32
      %broadcast_in_dim3A_2167 = vector.broadcast %broadcast_in_dim3A_2166 : i32 to vector<16xi32>
      %gather3A_2168 = tpu.vector_load_idx %arg6[%broadcast_in_dim3A_2030, %broadcast_in_dim3A_2167, %add3A_2028] : memref<3x16x2048xf32, #tpu.memory_space<vmem>>[vector<16xi32>, vector<16xi32>, vector<16xi32>], vector<16xf32>,
      %mul3A_2169 = arith.constant 16 : i32
      %mul3A_2170 = arith.muli %add3A_2001, %mul3A_2169 : i32
      %swap3A_2171 = arith.constant 15 : i32
      %swap3A_2172 = arith.index_cast %swap3A_2171 : i32 to index
      %swap3A_2173 = arith.index_cast %mul3A_2170 : i32 to index
      %swap3A_2174 = tpu.vector_load %arg7[%swap3A_2172, %swap3A_2173] {strides = array<i32>} : memref<16x512xf32, #tpu.memory_space<vmem>>, vector<16xf32>,
      tpu.vector_store %arg7[%swap3A_2172, %swap3A_2173], %gather3A_2168 {strides = array<i32>} : memref<16x512xf32, #tpu.memory_space<vmem>>, vector<16xf32>,
      %add3A_2175 = arith.constant 3 : i32
      %add3A_2176 = arith.addi %add3A_2001, %add3A_2175 : i32
      %mul3A_2177 = arith.constant 16 : i32
      %mul3A_2178 = arith.muli %add3A_2176, %mul3A_2177 : i32
      %get3A_2179 = arith.index_cast %mul3A_2178 : i32 to index
      %get3A_2180 = tpu.vector_load %arg5[%get3A_2179] {strides = array<i32>} : memref<512xi32, #tpu.memory_space<vmem>>, vector<16xi32>,
      %and3A_2181 = arith.constant -128 : i32
      %and3A_2182 = vector.broadcast %and3A_2181 : i32 to vector<16xi32>
      %and3A_2183 = arith.andi %get3A_2180, %and3A_2182 : vector<16xi32>
      %slice3A_2184 = vector.extract_strided_slice %and3A_2183 {offsets = [0], sizes = [1], strides = [1]} : vector<16xi32> to vector<1xi32>
      %squeeze3A_2185 = vector.extract %slice3A_2184[0] : i32 from vector<1xi32>
      %multiple_of3A_2186 = tpu.assume_multiple %squeeze3A_2185, 128 : i32
      %dma_start3A_2187 = arith.constant 0 : i32
      %dma_start3A_2188 = arith.constant 0 : i32
      %dma_start3A_2189 = arith.constant 0 : i32
      %dma_start3A_2190 = tpu.memref_slice %arg6[%dma_start3A_2187, %dma_start3A_2188, %dma_start3A_2189] : memref<3x16x2048xf32, #tpu.memory_space<vmem>> -> memref<1x16x128xf32, #tpu.memory_space<vmem>>
      %dma_start3A_2191 = tpu.memref_squeeze %dma_start3A_2190 : memref<1x16x128xf32, #tpu.memory_space<vmem>> -> memref<16x128xf32, #tpu.memory_space<vmem>>
      %dma_start3A_2192 = arith.constant 0 : i32
      %dma_start3A_2193 = tpu.memref_slice %arg2[%dma_start3A_2192, %multiple_of3A_2186] : memref<16x1000000xf32, #tpu.memory_space<hbm>> -> memref<16x128xf32, #tpu.memory_space<hbm>>
      %dma_start3A_2194 = arith.constant 0 : i32
      %dma_start3A_2195 = arith.constant 0 : i32
      %dma_start3A_2196 = tpu.memref_slice %arg6[%dma_start3A_2187, %dma_start3A_2194, %dma_start3A_2195] : memref<3x16x2048xf32, #tpu.memory_space<vmem>> -> memref<1x16x128xf32, #tpu.memory_space<vmem>>
      %dma_start3A_2197 = tpu.memref_squeeze %dma_start3A_2196 : memref<1x16x128xf32, #tpu.memory_space<vmem>> -> memref<16x128xf32, #tpu.memory_space<vmem>>
      %dma_start3A_2198 = arith.constant 0 : i32
      %dma_start3A_2199 = tpu.memref_slice %arg2[%dma_start3A_2198, %multiple_of3A_2186] : memref<16x1000000xf32, #tpu.memory_space<hbm>> -> memref<16x128xf32, #tpu.memory_space<hbm>>
      tpu.enqueue_dma source(%dma_start3A_2199 : memref<16x128xf32, #tpu.memory_space<hbm>>) target(%dma_start3A_2197 : memref<16x128xf32, #tpu.memory_space<vmem>>) target_semaphore(%arg8 : memref<!tpu.dma_semaphore, #tpu.memory_space<semaphore_mem>>)
      %slice3A_2200 = vector.extract_strided_slice %and3A_2183 {offsets = [1], sizes = [1], strides = [1]} : vector<16xi32> to vector<1xi32>
      %squeeze3A_2201 = vector.extract %slice3A_2200[0] : i32 from vector<1xi32>
      %multiple_of3A_2202 = tpu.assume_multiple %squeeze3A_2201, 128 : i32
      %dma_start3A_2203 = arith.constant 0 : i32
      %dma_start3A_2204 = arith.constant 0 : i32
      %dma_start3A_2205 = arith.constant 128 : i32
      %dma_start3A_2206 = tpu.memref_slice %arg6[%dma_start3A_2203, %dma_start3A_2204, %dma_start3A_2205] : memref<3x16x2048xf32, #tpu.memory_space<vmem>> -> memref<1x16x128xf32, #tpu.memory_space<vmem>>
      %dma_start3A_2207 = tpu.memref_squeeze %dma_start3A_2206 : memref<1x16x128xf32, #tpu.memory_space<vmem>> -> memref<16x128xf32, #tpu.memory_space<vmem>>
      %dma_start3A_2208 = arith.constant 0 : i32
      %dma_start3A_2209 = tpu.memref_slice %arg2[%dma_start3A_2208, %multiple_of3A_2202] : memref<16x1000000xf32, #tpu.memory_space<hbm>> -> memref<16x128xf32, #tpu.memory_space<hbm>>
      %dma_start3A_2210 = arith.constant 0 : i32
      %dma_start3A_2211 = arith.constant 128 : i32
      %dma_start3A_2212 = tpu.memref_slice %arg6[%dma_start3A_2203, %dma_start3A_2210, %dma_start3A_2211] : memref<3x16x2048xf32, #tpu.memory_space<vmem>> -> memref<1x16x128xf32, #tpu.memory_space<vmem>>
      %dma_start3A_2213 = tpu.memref_squeeze %dma_start3A_2212 : memref<1x16x128xf32, #tpu.memory_space<vmem>> -> memref<16x128xf32, #tpu.memory_space<vmem>>
      %dma_start3A_2214 = arith.constant 0 : i32
      %dma_start3A_2215 = tpu.memref_slice %arg2[%dma_start3A_2214, %multiple_of3A_2202] : memref<16x1000000xf32, #tpu.memory_space<hbm>> -> memref<16x128xf32, #tpu.memory_space<hbm>>
      tpu.enqueue_dma source(%dma_start3A_2215 : memref<16x128xf32, #tpu.memory_space<hbm>>) target(%dma_start3A_2213 : memref<16x128xf32, #tpu.memory_space<vmem>>) target_semaphore(%arg8 : memref<!tpu.dma_semaphore, #tpu.memory_space<semaphore_mem>>)
      %slice3A_2216 = vector.extract_strided_slice %and3A_2183 {offsets = [2], sizes = [1], strides = [1]} : vector<16xi32> to vector<1xi32>
      %squeeze3A_2217 = vector.extract %slice3A_2216[0] : i32 from vector<1xi32>
      %multiple_of3A_2218 = tpu.assume_multiple %squeeze3A_2217, 128 : i32
      %dma_start3A_2219 = arith.constant 0 : i32
      %dma_start3A_2220 = arith.constant 0 : i32
      %dma_start3A_2221 = arith.constant 256 : i32
      %dma_start3A_2222 = tpu.memref_slice %arg6[%dma_start3A_2219, %dma_start3A_2220, %dma_start3A_2221] : memref<3x16x2048xf32, #tpu.memory_space<vmem>> -> memref<1x16x128xf32, #tpu.memory_space<vmem>>
      %dma_start3A_2223 = tpu.memref_squeeze %dma_start3A_2222 : memref<1x16x128xf32, #tpu.memory_space<vmem>> -> memref<16x128xf32, #tpu.memory_space<vmem>>
      %dma_start3A_2224 = arith.constant 0 : i32
      %dma_start3A_2225 = tpu.memref_slice %arg2[%dma_start3A_2224, %multiple_of3A_2218] : memref<16x1000000xf32, #tpu.memory_space<hbm>> -> memref<16x128xf32, #tpu.memory_space<hbm>>
      %dma_start3A_2226 = arith.constant 0 : i32
      %dma_start3A_2227 = arith.constant 256 : i32
      %dma_start3A_2228 = tpu.memref_slice %arg6[%dma_start3A_2219, %dma_start3A_2226, %dma_start3A_2227] : memref<3x16x2048xf32, #tpu.memory_space<vmem>> -> memref<1x16x128xf32, #tpu.memory_space<vmem>>
      %dma_start3A_2229 = tpu.memref_squeeze %dma_start3A_2228 : memref<1x16x128xf32, #tpu.memory_space<vmem>> -> memref<16x128xf32, #tpu.memory_space<vmem>>
      %dma_start3A_2230 = arith.constant 0 : i32
      %dma_start3A_2231 = tpu.memref_slice %arg2[%dma_start3A_2230, %multiple_of3A_2218] : memref<16x1000000xf32, #tpu.memory_space<hbm>> -> memref<16x128xf32, #tpu.memory_space<hbm>>
      tpu.enqueue_dma source(%dma_start3A_2231 : memref<16x128xf32, #tpu.memory_space<hbm>>) target(%dma_start3A_2229 : memref<16x128xf32, #tpu.memory_space<vmem>>) target_semaphore(%arg8 : memref<!tpu.dma_semaphore, #tpu.memory_space<semaphore_mem>>)
      %slice3A_2232 = vector.extract_strided_slice %and3A_2183 {offsets = [3], sizes = [1], strides = [1]} : vector<16xi32> to vector<1xi32>
      %squeeze3A_2233 = vector.extract %slice3A_2232[0] : i32 from vector<1xi32>
      %multiple_of3A_2234 = tpu.assume_multiple %squeeze3A_2233, 128 : i32
      %dma_start3A_2235 = arith.constant 0 : i32
      %dma_start3A_2236 = arith.constant 0 : i32
      %dma_start3A_2237 = arith.constant 384 : i32
      %dma_start3A_2238 = tpu.memref_slice %arg6[%dma_start3A_2235, %dma_start3A_2236, %dma_start3A_2237] : memref<3x16x2048xf32, #tpu.memory_space<vmem>> -> memref<1x16x128xf32, #tpu.memory_space<vmem>>
      %dma_start3A_2239 = tpu.memref_squeeze %dma_start3A_2238 : memref<1x16x128xf32, #tpu.memory_space<vmem>> -> memref<16x128xf32, #tpu.memory_space<vmem>>
      %dma_start3A_2240 = arith.constant 0 : i32
      %dma_start3A_2241 = tpu.memref_slice %arg2[%dma_start3A_2240, %multiple_of3A_2234] : memref<16x1000000xf32, #tpu.memory_space<hbm>> -> memref<16x128xf32, #tpu.memory_space<hbm>>
      %dma_start3A_2242 = arith.constant 0 : i32
      %dma_start3A_2243 = arith.constant 384 : i32
      %dma_start3A_2244 = tpu.memref_slice %arg6[%dma_start3A_2235, %dma_start3A_2242, %dma_start3A_2243] : memref<3x16x2048xf32, #tpu.memory_space<vmem>> -> memref<1x16x128xf32, #tpu.memory_space<vmem>>
      %dma_start3A_2245 = tpu.memref_squeeze %dma_start3A_2244 : memref<1x16x128xf32, #tpu.memory_space<vmem>> -> memref<16x128xf32, #tpu.memory_space<vmem>>
      %dma_start3A_2246 = arith.constant 0 : i32
      %dma_start3A_2247 = tpu.memref_slice %arg2[%dma_start3A_2246, %multiple_of3A_2234] : memref<16x1000000xf32, #tpu.memory_space<hbm>> -> memref<16x128xf32, #tpu.memory_space<hbm>>
      tpu.enqueue_dma source(%dma_start3A_2247 : memref<16x128xf32, #tpu.memory_space<hbm>>) target(%dma_start3A_2245 : memref<16x128xf32, #tpu.memory_space<vmem>>) target_semaphore(%arg8 : memref<!tpu.dma_semaphore, #tpu.memory_space<semaphore_mem>>)
      %slice3A_2248 = vector.extract_strided_slice %and3A_2183 {offsets = [4], sizes = [1], strides = [1]} : vector<16xi32> to vector<1xi32>
      %squeeze3A_2249 = vector.extract %slice3A_2248[0] : i32 from vector<1xi32>
      %multiple_of3A_2250 = tpu.assume_multiple %squeeze3A_2249, 128 : i32
      %dma_start3A_2251 = arith.constant 0 : i32
      %dma_start3A_2252 = arith.constant 0 : i32
      %dma_start3A_2253 = arith.constant 512 : i32
      %dma_start3A_2254 = tpu.memref_slice %arg6[%dma_start3A_2251, %dma_start3A_2252, %dma_start3A_2253] : memref<3x16x2048xf32, #tpu.memory_space<vmem>> -> memref<1x16x128xf32, #tpu.memory_space<vmem>>
      %dma_start3A_2255 = tpu.memref_squeeze %dma_start3A_2254 : memref<1x16x128xf32, #tpu.memory_space<vmem>> -> memref<16x128xf32, #tpu.memory_space<vmem>>
      %dma_start3A_2256 = arith.constant 0 : i32
      %dma_start3A_2257 = tpu.memref_slice %arg2[%dma_start3A_2256, %multiple_of3A_2250] : memref<16x1000000xf32, #tpu.memory_space<hbm>> -> memref<16x128xf32, #tpu.memory_space<hbm>>
      %dma_start3A_2258 = arith.constant 0 : i32
      %dma_start3A_2259 = arith.constant 512 : i32
      %dma_start3A_2260 = tpu.memref_slice %arg6[%dma_start3A_2251, %dma_start3A_2258, %dma_start3A_2259] : memref<3x16x2048xf32, #tpu.memory_space<vmem>> -> memref<1x16x128xf32, #tpu.memory_space<vmem>>
      %dma_start3A_2261 = tpu.memref_squeeze %dma_start3A_2260 : memref<1x16x128xf32, #tpu.memory_space<vmem>> -> memref<16x128xf32, #tpu.memory_space<vmem>>
      %dma_start3A_2262 = arith.constant 0 : i32
      %dma_start3A_2263 = tpu.memref_slice %arg2[%dma_start3A_2262, %multiple_of3A_2250] : memref<16x1000000xf32, #tpu.memory_space<hbm>> -> memref<16x128xf32, #tpu.memory_space<hbm>>
      tpu.enqueue_dma source(%dma_start3A_2263 : memref<16x128xf32, #tpu.memory_space<hbm>>) target(%dma_start3A_2261 : memref<16x128xf32, #tpu.memory_space<vmem>>) target_semaphore(%arg8 : memref<!tpu.dma_semaphore, #tpu.memory_space<semaphore_mem>>)
      %slice3A_2264 = vector.extract_strided_slice %and3A_2183 {offsets = [5], sizes = [1], strides = [1]} : vector<16xi32> to vector<1xi32>
      %squeeze3A_2265 = vector.extract %slice3A_2264[0] : i32 from vector<1xi32>
      %multiple_of3A_2266 = tpu.assume_multiple %squeeze3A_2265, 128 : i32
      %dma_start3A_2267 = arith.constant 0 : i32
      %dma_start3A_2268 = arith.constant 0 : i32
      %dma_start3A_2269 = arith.constant 640 : i32
      %dma_start3A_2270 = tpu.memref_slice %arg6[%dma_start3A_2267, %dma_start3A_2268, %dma_start3A_2269] : memref<3x16x2048xf32, #tpu.memory_space<vmem>> -> memref<1x16x128xf32, #tpu.memory_space<vmem>>
      %dma_start3A_2271 = tpu.memref_squeeze %dma_start3A_2270 : memref<1x16x128xf32, #tpu.memory_space<vmem>> -> memref<16x128xf32, #tpu.memory_space<vmem>>
      %dma_start3A_2272 = arith.constant 0 : i32
      %dma_start3A_2273 = tpu.memref_slice %arg2[%dma_start3A_2272, %multiple_of3A_2266] : memref<16x1000000xf32, #tpu.memory_space<hbm>> -> memref<16x128xf32, #tpu.memory_space<hbm>>
      %dma_start3A_2274 = arith.constant 0 : i32
      %dma_start3A_2275 = arith.constant 640 : i32
      %dma_start3A_2276 = tpu.memref_slice %arg6[%dma_start3A_2267, %dma_start3A_2274, %dma_start3A_2275] : memref<3x16x2048xf32, #tpu.memory_space<vmem>> -> memref<1x16x128xf32, #tpu.memory_space<vmem>>
      %dma_start3A_2277 = tpu.memref_squeeze %dma_start3A_2276 : memref<1x16x128xf32, #tpu.memory_space<vmem>> -> memref<16x128xf32, #tpu.memory_space<vmem>>
      %dma_start3A_2278 = arith.constant 0 : i32
      %dma_start3A_2279 = tpu.memref_slice %arg2[%dma_start3A_2278, %multiple_of3A_2266] : memref<16x1000000xf32, #tpu.memory_space<hbm>> -> memref<16x128xf32, #tpu.memory_space<hbm>>
      tpu.enqueue_dma source(%dma_start3A_2279 : memref<16x128xf32, #tpu.memory_space<hbm>>) target(%dma_start3A_2277 : memref<16x128xf32, #tpu.memory_space<vmem>>) target_semaphore(%arg8 : memref<!tpu.dma_semaphore, #tpu.memory_space<semaphore_mem>>)
      %slice3A_2280 = vector.extract_strided_slice %and3A_2183 {offsets = [6], sizes = [1], strides = [1]} : vector<16xi32> to vector<1xi32>
      %squeeze3A_2281 = vector.extract %slice3A_2280[0] : i32 from vector<1xi32>
      %multiple_of3A_2282 = tpu.assume_multiple %squeeze3A_2281, 128 : i32
      %dma_start3A_2283 = arith.constant 0 : i32
      %dma_start3A_2284 = arith.constant 0 : i32
      %dma_start3A_2285 = arith.constant 768 : i32
      %dma_start3A_2286 = tpu.memref_slice %arg6[%dma_start3A_2283, %dma_start3A_2284, %dma_start3A_2285] : memref<3x16x2048xf32, #tpu.memory_space<vmem>> -> memref<1x16x128xf32, #tpu.memory_space<vmem>>
      %dma_start3A_2287 = tpu.memref_squeeze %dma_start3A_2286 : memref<1x16x128xf32, #tpu.memory_space<vmem>> -> memref<16x128xf32, #tpu.memory_space<vmem>>
      %dma_start3A_2288 = arith.constant 0 : i32
      %dma_start3A_2289 = tpu.memref_slice %arg2[%dma_start3A_2288, %multiple_of3A_2282] : memref<16x1000000xf32, #tpu.memory_space<hbm>> -> memref<16x128xf32, #tpu.memory_space<hbm>>
      %dma_start3A_2290 = arith.constant 0 : i32
      %dma_start3A_2291 = arith.constant 768 : i32
      %dma_start3A_2292 = tpu.memref_slice %arg6[%dma_start3A_2283, %dma_start3A_2290, %dma_start3A_2291] : memref<3x16x2048xf32, #tpu.memory_space<vmem>> -> memref<1x16x128xf32, #tpu.memory_space<vmem>>
      %dma_start3A_2293 = tpu.memref_squeeze %dma_start3A_2292 : memref<1x16x128xf32, #tpu.memory_space<vmem>> -> memref<16x128xf32, #tpu.memory_space<vmem>>
      %dma_start3A_2294 = arith.constant 0 : i32
      %dma_start3A_2295 = tpu.memref_slice %arg2[%dma_start3A_2294, %multiple_of3A_2282] : memref<16x1000000xf32, #tpu.memory_space<hbm>> -> memref<16x128xf32, #tpu.memory_space<hbm>>
      tpu.enqueue_dma source(%dma_start3A_2295 : memref<16x128xf32, #tpu.memory_space<hbm>>) target(%dma_start3A_2293 : memref<16x128xf32, #tpu.memory_space<vmem>>) target_semaphore(%arg8 : memref<!tpu.dma_semaphore, #tpu.memory_space<semaphore_mem>>)
      %slice3A_2296 = vector.extract_strided_slice %and3A_2183 {offsets = [7], sizes = [1], strides = [1]} : vector<16xi32> to vector<1xi32>
      %squeeze3A_2297 = vector.extract %slice3A_2296[0] : i32 from vector<1xi32>
      %multiple_of3A_2298 = tpu.assume_multiple %squeeze3A_2297, 128 : i32
      %dma_start3A_2299 = arith.constant 0 : i32
      %dma_start3A_2300 = arith.constant 0 : i32
      %dma_start3A_2301 = arith.constant 896 : i32
      %dma_start3A_2302 = tpu.memref_slice %arg6[%dma_start3A_2299, %dma_start3A_2300, %dma_start3A_2301] : memref<3x16x2048xf32, #tpu.memory_space<vmem>> -> memref<1x16x128xf32, #tpu.memory_space<vmem>>
      %dma_start3A_2303 = tpu.memref_squeeze %dma_start3A_2302 : memref<1x16x128xf32, #tpu.memory_space<vmem>> -> memref<16x128xf32, #tpu.memory_space<vmem>>
      %dma_start3A_2304 = arith.constant 0 : i32
      %dma_start3A_2305 = tpu.memref_slice %arg2[%dma_start3A_2304, %multiple_of3A_2298] : memref<16x1000000xf32, #tpu.memory_space<hbm>> -> memref<16x128xf32, #tpu.memory_space<hbm>>
      %dma_start3A_2306 = arith.constant 0 : i32
      %dma_start3A_2307 = arith.constant 896 : i32
      %dma_start3A_2308 = tpu.memref_slice %arg6[%dma_start3A_2299, %dma_start3A_2306, %dma_start3A_2307] : memref<3x16x2048xf32, #tpu.memory_space<vmem>> -> memref<1x16x128xf32, #tpu.memory_space<vmem>>
      %dma_start3A_2309 = tpu.memref_squeeze %dma_start3A_2308 : memref<1x16x128xf32, #tpu.memory_space<vmem>> -> memref<16x128xf32, #tpu.memory_space<vmem>>
      %dma_start3A_2310 = arith.constant 0 : i32
      %dma_start3A_2311 = tpu.memref_slice %arg2[%dma_start3A_2310, %multiple_of3A_2298] : memref<16x1000000xf32, #tpu.memory_space<hbm>> -> memref<16x128xf32, #tpu.memory_space<hbm>>
      tpu.enqueue_dma source(%dma_start3A_2311 : memref<16x128xf32, #tpu.memory_space<hbm>>) target(%dma_start3A_2309 : memref<16x128xf32, #tpu.memory_space<vmem>>) target_semaphore(%arg8 : memref<!tpu.dma_semaphore, #tpu.memory_space<semaphore_mem>>)
      %slice3A_2312 = vector.extract_strided_slice %and3A_2183 {offsets = [8], sizes = [1], strides = [1]} : vector<16xi32> to vector<1xi32>
      %squeeze3A_2313 = vector.extract %slice3A_2312[0] : i32 from vector<1xi32>
      %multiple_of3A_2314 = tpu.assume_multiple %squeeze3A_2313, 128 : i32
      %dma_start3A_2315 = arith.constant 0 : i32
      %dma_start3A_2316 = arith.constant 0 : i32
      %dma_start3A_2317 = arith.constant 1024 : i32
      %dma_start3A_2318 = tpu.memref_slice %arg6[%dma_start3A_2315, %dma_start3A_2316, %dma_start3A_2317] : memref<3x16x2048xf32, #tpu.memory_space<vmem>> -> memref<1x16x128xf32, #tpu.memory_space<vmem>>
      %dma_start3A_2319 = tpu.memref_squeeze %dma_start3A_2318 : memref<1x16x128xf32, #tpu.memory_space<vmem>> -> memref<16x128xf32, #tpu.memory_space<vmem>>
      %dma_start3A_2320 = arith.constant 0 : i32
      %dma_start3A_2321 = tpu.memref_slice %arg2[%dma_start3A_2320, %multiple_of3A_2314] : memref<16x1000000xf32, #tpu.memory_space<hbm>> -> memref<16x128xf32, #tpu.memory_space<hbm>>
      %dma_start3A_2322 = arith.constant 0 : i32
      %dma_start3A_2323 = arith.constant 1024 : i32
      %dma_start3A_2324 = tpu.memref_slice %arg6[%dma_start3A_2315, %dma_start3A_2322, %dma_start3A_2323] : memref<3x16x2048xf32, #tpu.memory_space<vmem>> -> memref<1x16x128xf32, #tpu.memory_space<vmem>>
      %dma_start3A_2325 = tpu.memref_squeeze %dma_start3A_2324 : memref<1x16x128xf32, #tpu.memory_space<vmem>> -> memref<16x128xf32, #tpu.memory_space<vmem>>
      %dma_start3A_2326 = arith.constant 0 : i32
      %dma_start3A_2327 = tpu.memref_slice %arg2[%dma_start3A_2326, %multiple_of3A_2314] : memref<16x1000000xf32, #tpu.memory_space<hbm>> -> memref<16x128xf32, #tpu.memory_space<hbm>>
      tpu.enqueue_dma source(%dma_start3A_2327 : memref<16x128xf32, #tpu.memory_space<hbm>>) target(%dma_start3A_2325 : memref<16x128xf32, #tpu.memory_space<vmem>>) target_semaphore(%arg8 : memref<!tpu.dma_semaphore, #tpu.memory_space<semaphore_mem>>)
      %slice3A_2328 = vector.extract_strided_slice %and3A_2183 {offsets = [9], sizes = [1], strides = [1]} : vector<16xi32> to vector<1xi32>
      %squeeze3A_2329 = vector.extract %slice3A_2328[0] : i32 from vector<1xi32>
      %multiple_of3A_2330 = tpu.assume_multiple %squeeze3A_2329, 128 : i32
      %dma_start3A_2331 = arith.constant 0 : i32
      %dma_start3A_2332 = arith.constant 0 : i32
      %dma_start3A_2333 = arith.constant 1152 : i32
      %dma_start3A_2334 = tpu.memref_slice %arg6[%dma_start3A_2331, %dma_start3A_2332, %dma_start3A_2333] : memref<3x16x2048xf32, #tpu.memory_space<vmem>> -> memref<1x16x128xf32, #tpu.memory_space<vmem>>
      %dma_start3A_2335 = tpu.memref_squeeze %dma_start3A_2334 : memref<1x16x128xf32, #tpu.memory_space<vmem>> -> memref<16x128xf32, #tpu.memory_space<vmem>>
      %dma_start3A_2336 = arith.constant 0 : i32
      %dma_start3A_2337 = tpu.memref_slice %arg2[%dma_start3A_2336, %multiple_of3A_2330] : memref<16x1000000xf32, #tpu.memory_space<hbm>> -> memref<16x128xf32, #tpu.memory_space<hbm>>
      %dma_start3A_2338 = arith.constant 0 : i32
      %dma_start3A_2339 = arith.constant 1152 : i32
      %dma_start3A_2340 = tpu.memref_slice %arg6[%dma_start3A_2331, %dma_start3A_2338, %dma_start3A_2339] : memref<3x16x2048xf32, #tpu.memory_space<vmem>> -> memref<1x16x128xf32, #tpu.memory_space<vmem>>
      %dma_start3A_2341 = tpu.memref_squeeze %dma_start3A_2340 : memref<1x16x128xf32, #tpu.memory_space<vmem>> -> memref<16x128xf32, #tpu.memory_space<vmem>>
      %dma_start3A_2342 = arith.constant 0 : i32
      %dma_start3A_2343 = tpu.memref_slice %arg2[%dma_start3A_2342, %multiple_of3A_2330] : memref<16x1000000xf32, #tpu.memory_space<hbm>> -> memref<16x128xf32, #tpu.memory_space<hbm>>
      tpu.enqueue_dma source(%dma_start3A_2343 : memref<16x128xf32, #tpu.memory_space<hbm>>) target(%dma_start3A_2341 : memref<16x128xf32, #tpu.memory_space<vmem>>) target_semaphore(%arg8 : memref<!tpu.dma_semaphore, #tpu.memory_space<semaphore_mem>>)
      %slice3A_2344 = vector.extract_strided_slice %and3A_2183 {offsets = [10], sizes = [1], strides = [1]} : vector<16xi32> to vector<1xi32>
      %squeeze3A_2345 = vector.extract %slice3A_2344[0] : i32 from vector<1xi32>
      %multiple_of3A_2346 = tpu.assume_multiple %squeeze3A_2345, 128 : i32
      %dma_start3A_2347 = arith.constant 0 : i32
      %dma_start3A_2348 = arith.constant 0 : i32
      %dma_start3A_2349 = arith.constant 1280 : i32
      %dma_start3A_2350 = tpu.memref_slice %arg6[%dma_start3A_2347, %dma_start3A_2348, %dma_start3A_2349] : memref<3x16x2048xf32, #tpu.memory_space<vmem>> -> memref<1x16x128xf32, #tpu.memory_space<vmem>>
      %dma_start3A_2351 = tpu.memref_squeeze %dma_start3A_2350 : memref<1x16x128xf32, #tpu.memory_space<vmem>> -> memref<16x128xf32, #tpu.memory_space<vmem>>
      %dma_start3A_2352 = arith.constant 0 : i32
      %dma_start3A_2353 = tpu.memref_slice %arg2[%dma_start3A_2352, %multiple_of3A_2346] : memref<16x1000000xf32, #tpu.memory_space<hbm>> -> memref<16x128xf32, #tpu.memory_space<hbm>>
      %dma_start3A_2354 = arith.constant 0 : i32
      %dma_start3A_2355 = arith.constant 1280 : i32
      %dma_start3A_2356 = tpu.memref_slice %arg6[%dma_start3A_2347, %dma_start3A_2354, %dma_start3A_2355] : memref<3x16x2048xf32, #tpu.memory_space<vmem>> -> memref<1x16x128xf32, #tpu.memory_space<vmem>>
      %dma_start3A_2357 = tpu.memref_squeeze %dma_start3A_2356 : memref<1x16x128xf32, #tpu.memory_space<vmem>> -> memref<16x128xf32, #tpu.memory_space<vmem>>
      %dma_start3A_2358 = arith.constant 0 : i32
      %dma_start3A_2359 = tpu.memref_slice %arg2[%dma_start3A_2358, %multiple_of3A_2346] : memref<16x1000000xf32, #tpu.memory_space<hbm>> -> memref<16x128xf32, #tpu.memory_space<hbm>>
      tpu.enqueue_dma source(%dma_start3A_2359 : memref<16x128xf32, #tpu.memory_space<hbm>>) target(%dma_start3A_2357 : memref<16x128xf32, #tpu.memory_space<vmem>>) target_semaphore(%arg8 : memref<!tpu.dma_semaphore, #tpu.memory_space<semaphore_mem>>)
      %slice3A_2360 = vector.extract_strided_slice %and3A_2183 {offsets = [11], sizes = [1], strides = [1]} : vector<16xi32> to vector<1xi32>
      %squeeze3A_2361 = vector.extract %slice3A_2360[0] : i32 from vector<1xi32>
      %multiple_of3A_2362 = tpu.assume_multiple %squeeze3A_2361, 128 : i32
      %dma_start3A_2363 = arith.constant 0 : i32
      %dma_start3A_2364 = arith.constant 0 : i32
      %dma_start3A_2365 = arith.constant 1408 : i32
      %dma_start3A_2366 = tpu.memref_slice %arg6[%dma_start3A_2363, %dma_start3A_2364, %dma_start3A_2365] : memref<3x16x2048xf32, #tpu.memory_space<vmem>> -> memref<1x16x128xf32, #tpu.memory_space<vmem>>
      %dma_start3A_2367 = tpu.memref_squeeze %dma_start3A_2366 : memref<1x16x128xf32, #tpu.memory_space<vmem>> -> memref<16x128xf32, #tpu.memory_space<vmem>>
      %dma_start3A_2368 = arith.constant 0 : i32
      %dma_start3A_2369 = tpu.memref_slice %arg2[%dma_start3A_2368, %multiple_of3A_2362] : memref<16x1000000xf32, #tpu.memory_space<hbm>> -> memref<16x128xf32, #tpu.memory_space<hbm>>
      %dma_start3A_2370 = arith.constant 0 : i32
      %dma_start3A_2371 = arith.constant 1408 : i32
      %dma_start3A_2372 = tpu.memref_slice %arg6[%dma_start3A_2363, %dma_start3A_2370, %dma_start3A_2371] : memref<3x16x2048xf32, #tpu.memory_space<vmem>> -> memref<1x16x128xf32, #tpu.memory_space<vmem>>
      %dma_start3A_2373 = tpu.memref_squeeze %dma_start3A_2372 : memref<1x16x128xf32, #tpu.memory_space<vmem>> -> memref<16x128xf32, #tpu.memory_space<vmem>>
      %dma_start3A_2374 = arith.constant 0 : i32
      %dma_start3A_2375 = tpu.memref_slice %arg2[%dma_start3A_2374, %multiple_of3A_2362] : memref<16x1000000xf32, #tpu.memory_space<hbm>> -> memref<16x128xf32, #tpu.memory_space<hbm>>
      tpu.enqueue_dma source(%dma_start3A_2375 : memref<16x128xf32, #tpu.memory_space<hbm>>) target(%dma_start3A_2373 : memref<16x128xf32, #tpu.memory_space<vmem>>) target_semaphore(%arg8 : memref<!tpu.dma_semaphore, #tpu.memory_space<semaphore_mem>>)
      %slice3A_2376 = vector.extract_strided_slice %and3A_2183 {offsets = [12], sizes = [1], strides = [1]} : vector<16xi32> to vector<1xi32>
      %squeeze3A_2377 = vector.extract %slice3A_2376[0] : i32 from vector<1xi32>
      %multiple_of3A_2378 = tpu.assume_multiple %squeeze3A_2377, 128 : i32
      %dma_start3A_2379 = arith.constant 0 : i32
      %dma_start3A_2380 = arith.constant 0 : i32
      %dma_start3A_2381 = arith.constant 1536 : i32
      %dma_start3A_2382 = tpu.memref_slice %arg6[%dma_start3A_2379, %dma_start3A_2380, %dma_start3A_2381] : memref<3x16x2048xf32, #tpu.memory_space<vmem>> -> memref<1x16x128xf32, #tpu.memory_space<vmem>>
      %dma_start3A_2383 = tpu.memref_squeeze %dma_start3A_2382 : memref<1x16x128xf32, #tpu.memory_space<vmem>> -> memref<16x128xf32, #tpu.memory_space<vmem>>
      %dma_start3A_2384 = arith.constant 0 : i32
      %dma_start3A_2385 = tpu.memref_slice %arg2[%dma_start3A_2384, %multiple_of3A_2378] : memref<16x1000000xf32, #tpu.memory_space<hbm>> -> memref<16x128xf32, #tpu.memory_space<hbm>>
      %dma_start3A_2386 = arith.constant 0 : i32
      %dma_start3A_2387 = arith.constant 1536 : i32
      %dma_start3A_2388 = tpu.memref_slice %arg6[%dma_start3A_2379, %dma_start3A_2386, %dma_start3A_2387] : memref<3x16x2048xf32, #tpu.memory_space<vmem>> -> memref<1x16x128xf32, #tpu.memory_space<vmem>>
      %dma_start3A_2389 = tpu.memref_squeeze %dma_start3A_2388 : memref<1x16x128xf32, #tpu.memory_space<vmem>> -> memref<16x128xf32, #tpu.memory_space<vmem>>
      %dma_start3A_2390 = arith.constant 0 : i32
      %dma_start3A_2391 = tpu.memref_slice %arg2[%dma_start3A_2390, %multiple_of3A_2378] : memref<16x1000000xf32, #tpu.memory_space<hbm>> -> memref<16x128xf32, #tpu.memory_space<hbm>>
      tpu.enqueue_dma source(%dma_start3A_2391 : memref<16x128xf32, #tpu.memory_space<hbm>>) target(%dma_start3A_2389 : memref<16x128xf32, #tpu.memory_space<vmem>>) target_semaphore(%arg8 : memref<!tpu.dma_semaphore, #tpu.memory_space<semaphore_mem>>)
      %slice3A_2392 = vector.extract_strided_slice %and3A_2183 {offsets = [13], sizes = [1], strides = [1]} : vector<16xi32> to vector<1xi32>
      %squeeze3A_2393 = vector.extract %slice3A_2392[0] : i32 from vector<1xi32>
      %multiple_of3A_2394 = tpu.assume_multiple %squeeze3A_2393, 128 : i32
      %dma_start3A_2395 = arith.constant 0 : i32
      %dma_start3A_2396 = arith.constant 0 : i32
      %dma_start3A_2397 = arith.constant 1664 : i32
      %dma_start3A_2398 = tpu.memref_slice %arg6[%dma_start3A_2395, %dma_start3A_2396, %dma_start3A_2397] : memref<3x16x2048xf32, #tpu.memory_space<vmem>> -> memref<1x16x128xf32, #tpu.memory_space<vmem>>
      %dma_start3A_2399 = tpu.memref_squeeze %dma_start3A_2398 : memref<1x16x128xf32, #tpu.memory_space<vmem>> -> memref<16x128xf32, #tpu.memory_space<vmem>>
      %dma_start3A_2400 = arith.constant 0 : i32
      %dma_start3A_2401 = tpu.memref_slice %arg2[%dma_start3A_2400, %multiple_of3A_2394] : memref<16x1000000xf32, #tpu.memory_space<hbm>> -> memref<16x128xf32, #tpu.memory_space<hbm>>
      %dma_start3A_2402 = arith.constant 0 : i32
      %dma_start3A_2403 = arith.constant 1664 : i32
      %dma_start3A_2404 = tpu.memref_slice %arg6[%dma_start3A_2395, %dma_start3A_2402, %dma_start3A_2403] : memref<3x16x2048xf32, #tpu.memory_space<vmem>> -> memref<1x16x128xf32, #tpu.memory_space<vmem>>
      %dma_start3A_2405 = tpu.memref_squeeze %dma_start3A_2404 : memref<1x16x128xf32, #tpu.memory_space<vmem>> -> memref<16x128xf32, #tpu.memory_space<vmem>>
      %dma_start3A_2406 = arith.constant 0 : i32
      %dma_start3A_2407 = tpu.memref_slice %arg2[%dma_start3A_2406, %multiple_of3A_2394] : memref<16x1000000xf32, #tpu.memory_space<hbm>> -> memref<16x128xf32, #tpu.memory_space<hbm>>
      tpu.enqueue_dma source(%dma_start3A_2407 : memref<16x128xf32, #tpu.memory_space<hbm>>) target(%dma_start3A_2405 : memref<16x128xf32, #tpu.memory_space<vmem>>) target_semaphore(%arg8 : memref<!tpu.dma_semaphore, #tpu.memory_space<semaphore_mem>>)
      %slice3A_2408 = vector.extract_strided_slice %and3A_2183 {offsets = [14], sizes = [1], strides = [1]} : vector<16xi32> to vector<1xi32>
      %squeeze3A_2409 = vector.extract %slice3A_2408[0] : i32 from vector<1xi32>
      %multiple_of3A_2410 = tpu.assume_multiple %squeeze3A_2409, 128 : i32
      %dma_start3A_2411 = arith.constant 0 : i32
      %dma_start3A_2412 = arith.constant 0 : i32
      %dma_start3A_2413 = arith.constant 1792 : i32
      %dma_start3A_2414 = tpu.memref_slice %arg6[%dma_start3A_2411, %dma_start3A_2412, %dma_start3A_2413] : memref<3x16x2048xf32, #tpu.memory_space<vmem>> -> memref<1x16x128xf32, #tpu.memory_space<vmem>>
      %dma_start3A_2415 = tpu.memref_squeeze %dma_start3A_2414 : memref<1x16x128xf32, #tpu.memory_space<vmem>> -> memref<16x128xf32, #tpu.memory_space<vmem>>
      %dma_start3A_2416 = arith.constant 0 : i32
      %dma_start3A_2417 = tpu.memref_slice %arg2[%dma_start3A_2416, %multiple_of3A_2410] : memref<16x1000000xf32, #tpu.memory_space<hbm>> -> memref<16x128xf32, #tpu.memory_space<hbm>>
      %dma_start3A_2418 = arith.constant 0 : i32
      %dma_start3A_2419 = arith.constant 1792 : i32
      %dma_start3A_2420 = tpu.memref_slice %arg6[%dma_start3A_2411, %dma_start3A_2418, %dma_start3A_2419] : memref<3x16x2048xf32, #tpu.memory_space<vmem>> -> memref<1x16x128xf32, #tpu.memory_space<vmem>>
      %dma_start3A_2421 = tpu.memref_squeeze %dma_start3A_2420 : memref<1x16x128xf32, #tpu.memory_space<vmem>> -> memref<16x128xf32, #tpu.memory_space<vmem>>
      %dma_start3A_2422 = arith.constant 0 : i32
      %dma_start3A_2423 = tpu.memref_slice %arg2[%dma_start3A_2422, %multiple_of3A_2410] : memref<16x1000000xf32, #tpu.memory_space<hbm>> -> memref<16x128xf32, #tpu.memory_space<hbm>>
      tpu.enqueue_dma source(%dma_start3A_2423 : memref<16x128xf32, #tpu.memory_space<hbm>>) target(%dma_start3A_2421 : memref<16x128xf32, #tpu.memory_space<vmem>>) target_semaphore(%arg8 : memref<!tpu.dma_semaphore, #tpu.memory_space<semaphore_mem>>)
      %slice3A_2424 = vector.extract_strided_slice %and3A_2183 {offsets = [15], sizes = [1], strides = [1]} : vector<16xi32> to vector<1xi32>
      %squeeze3A_2425 = vector.extract %slice3A_2424[0] : i32 from vector<1xi32>
      %multiple_of3A_2426 = tpu.assume_multiple %squeeze3A_2425, 128 : i32
      %dma_start3A_2427 = arith.constant 0 : i32
      %dma_start3A_2428 = arith.constant 0 : i32
      %dma_start3A_2429 = arith.constant 1920 : i32
      %dma_start3A_2430 = tpu.memref_slice %arg6[%dma_start3A_2427, %dma_start3A_2428, %dma_start3A_2429] : memref<3x16x2048xf32, #tpu.memory_space<vmem>> -> memref<1x16x128xf32, #tpu.memory_space<vmem>>
      %dma_start3A_2431 = tpu.memref_squeeze %dma_start3A_2430 : memref<1x16x128xf32, #tpu.memory_space<vmem>> -> memref<16x128xf32, #tpu.memory_space<vmem>>
      %dma_start3A_2432 = arith.constant 0 : i32
      %dma_start3A_2433 = tpu.memref_slice %arg2[%dma_start3A_2432, %multiple_of3A_2426] : memref<16x1000000xf32, #tpu.memory_space<hbm>> -> memref<16x128xf32, #tpu.memory_space<hbm>>
      %dma_start3A_2434 = arith.constant 0 : i32
      %dma_start3A_2435 = arith.constant 1920 : i32
      %dma_start3A_2436 = tpu.memref_slice %arg6[%dma_start3A_2427, %dma_start3A_2434, %dma_start3A_2435] : memref<3x16x2048xf32, #tpu.memory_space<vmem>> -> memref<1x16x128xf32, #tpu.memory_space<vmem>>
      %dma_start3A_2437 = tpu.memref_squeeze %dma_start3A_2436 : memref<1x16x128xf32, #tpu.memory_space<vmem>> -> memref<16x128xf32, #tpu.memory_space<vmem>>
      %dma_start3A_2438 = arith.constant 0 : i32
      %dma_start3A_2439 = tpu.memref_slice %arg2[%dma_start3A_2438, %multiple_of3A_2426] : memref<16x1000000xf32, #tpu.memory_space<hbm>> -> memref<16x128xf32, #tpu.memory_space<hbm>>
      tpu.enqueue_dma source(%dma_start3A_2439 : memref<16x128xf32, #tpu.memory_space<hbm>>) target(%dma_start3A_2437 : memref<16x128xf32, #tpu.memory_space<vmem>>) target_semaphore(%arg8 : memref<!tpu.dma_semaphore, #tpu.memory_space<semaphore_mem>>)
      %mul3A_2440 = arith.constant 3 : i32
      %mul3A_2441 = arith.muli %mul3A_2440, %scan3A_1997 : i32
      %add3A_2442 = arith.constant 1 : i32
      %add3A_2443 = arith.addi %mul3A_2441, %add3A_2442 : i32
      %dma_wait3A_2444 = arith.constant 1 : i32
      %dma_wait3A_2445 = arith.constant 0 : i32
      %dma_wait3A_2446 = arith.constant 0 : i32
      %dma_wait3A_2447 = tpu.memref_slice %arg6[%dma_wait3A_2444, %dma_wait3A_2445, %dma_wait3A_2446] : memref<3x16x2048xf32, #tpu.memory_space<vmem>> -> memref<1x16x2048xf32, #tpu.memory_space<vmem>>
      %dma_wait3A_2448 = tpu.memref_squeeze %dma_wait3A_2447 : memref<1x16x2048xf32, #tpu.memory_space<vmem>> -> memref<16x2048xf32, #tpu.memory_space<vmem>>
      %dma_wait3A_2449 = arith.constant 0 : i32
      %dma_wait3A_2450 = arith.constant 0 : i32
      %dma_wait3A_2451 = tpu.memref_slice %arg2[%dma_wait3A_2449, %dma_wait3A_2450] : memref<16x1000000xf32, #tpu.memory_space<hbm>> -> memref<16x2048xf32, #tpu.memory_space<hbm>>
      %dma_wait3A_2452 = arith.constant 0 : i32
      %dma_wait3A_2453 = arith.constant 0 : i32
      %dma_wait3A_2454 = tpu.memref_slice %arg6[%dma_wait3A_2444, %dma_wait3A_2452, %dma_wait3A_2453] : memref<3x16x2048xf32, #tpu.memory_space<vmem>> -> memref<1x16x2048xf32, #tpu.memory_space<vmem>>
      %dma_wait3A_2455 = tpu.memref_squeeze %dma_wait3A_2454 : memref<1x16x2048xf32, #tpu.memory_space<vmem>> -> memref<16x2048xf32, #tpu.memory_space<vmem>>
      %dma_wait3A_2456 = arith.constant 0 : i32
      %dma_wait3A_2457 = arith.constant 0 : i32
      %dma_wait3A_2458 = tpu.memref_slice %arg2[%dma_wait3A_2456, %dma_wait3A_2457] : memref<16x1000000xf32, #tpu.memory_space<hbm>> -> memref<16x2048xf32, #tpu.memory_space<hbm>>
      tpu.wait_dma2 semaphore(%arg9 : memref<!tpu.dma_semaphore, #tpu.memory_space<semaphore_mem>>) src(%dma_wait3A_2458 : memref<16x2048xf32, #tpu.memory_space<hbm>>) dst(%dma_wait3A_2455 : memref<16x2048xf32, #tpu.memory_space<vmem>>)
      %mul3A_2459 = arith.constant 16 : i32
      %mul3A_2460 = arith.muli %add3A_2443, %mul3A_2459 : i32
      %get3A_2461 = arith.index_cast %mul3A_2460 : i32 to index
      %get3A_2462 = tpu.vector_load %arg5[%get3A_2461] {strides = array<i32>} : memref<512xi32, #tpu.memory_space<vmem>>, vector<16xi32>,
      %and3A_2463 = arith.constant 127 : i32
      %and3A_2464 = vector.broadcast %and3A_2463 : i32 to vector<16xi32>
      %and3A_2465 = arith.andi %get3A_2462, %and3A_2464 : vector<16xi32>
      %iota3A_2466 = tpu.iota {dimensions = array<i32: 0>} : vector<16xi32>
      %mul3A_2467 = arith.constant 128 : i32
      %mul3A_2468 = vector.broadcast %mul3A_2467 : i32 to vector<16xi32>
      %mul3A_2469 = arith.muli %iota3A_2466, %mul3A_2468 : vector<16xi32>
      %add3A_2470 = arith.addi %mul3A_2469, %and3A_2465 : vector<16xi32>
      %broadcast_in_dim3A_2471 = arith.constant 1 : i32
      %broadcast_in_dim3A_2472 = vector.broadcast %broadcast_in_dim3A_2471 : i32 to vector<16xi32>
      %broadcast_in_dim3A_2473 = arith.constant 0 : i32
      %broadcast_in_dim3A_2474 = vector.broadcast %broadcast_in_dim3A_2473 : i32 to vector<16xi32>
      %gather3A_2475 = tpu.vector_load_idx %arg6[%broadcast_in_dim3A_2472, %broadcast_in_dim3A_2474, %add3A_2470] : memref<3x16x2048xf32, #tpu.memory_space<vmem>>[vector<16xi32>, vector<16xi32>, vector<16xi32>], vector<16xf32>,
      %mul3A_2476 = arith.constant 16 : i32
      %mul3A_2477 = arith.muli %add3A_2443, %mul3A_2476 : i32
      %swap3A_2478 = arith.constant 0 : i32
      %swap3A_2479 = arith.index_cast %swap3A_2478 : i32 to index
      %swap3A_2480 = arith.index_cast %mul3A_2477 : i32 to index
      %swap3A_2481 = tpu.vector_load %arg7[%swap3A_2479, %swap3A_2480] {strides = array<i32>} : memref<16x512xf32, #tpu.memory_space<vmem>>, vector<16xf32>,
      tpu.vector_store %arg7[%swap3A_2479, %swap3A_2480], %gather3A_2475 {strides = array<i32>} : memref<16x512xf32, #tpu.memory_space<vmem>>, vector<16xf32>,
      %broadcast_in_dim3A_2482 = arith.constant 1 : i32
      %broadcast_in_dim3A_2483 = vector.broadcast %broadcast_in_dim3A_2482 : i32 to vector<16xi32>
      %gather3A_2484 = tpu.vector_load_idx %arg6[%broadcast_in_dim3A_2472, %broadcast_in_dim3A_2483, %add3A_2470] : memref<3x16x2048xf32, #tpu.memory_space<vmem>>[vector<16xi32>, vector<16xi32>, vector<16xi32>], vector<16xf32>,
      %mul3A_2485 = arith.constant 16 : i32
      %mul3A_2486 = arith.muli %add3A_2443, %mul3A_2485 : i32
      %swap3A_2487 = arith.constant 1 : i32
      %swap3A_2488 = arith.index_cast %swap3A_2487 : i32 to index
      %swap3A_2489 = arith.index_cast %mul3A_2486 : i32 to index
      %swap3A_2490 = tpu.vector_load %arg7[%swap3A_2488, %swap3A_2489] {strides = array<i32>} : memref<16x512xf32, #tpu.memory_space<vmem>>, vector<16xf32>,
      tpu.vector_store %arg7[%swap3A_2488, %swap3A_2489], %gather3A_2484 {strides = array<i32>} : memref<16x512xf32, #tpu.memory_space<vmem>>, vector<16xf32>,
      %broadcast_in_dim3A_2491 = arith.constant 2 : i32
      %broadcast_in_dim3A_2492 = vector.broadcast %broadcast_in_dim3A_2491 : i32 to vector<16xi32>
      %gather3A_2493 = tpu.vector_load_idx %arg6[%broadcast_in_dim3A_2472, %broadcast_in_dim3A_2492, %add3A_2470] : memref<3x16x2048xf32, #tpu.memory_space<vmem>>[vector<16xi32>, vector<16xi32>, vector<16xi32>], vector<16xf32>,
      %mul3A_2494 = arith.constant 16 : i32
      %mul3A_2495 = arith.muli %add3A_2443, %mul3A_2494 : i32
      %swap3A_2496 = arith.constant 2 : i32
      %swap3A_2497 = arith.index_cast %swap3A_2496 : i32 to index
      %swap3A_2498 = arith.index_cast %mul3A_2495 : i32 to index
      %swap3A_2499 = tpu.vector_load %arg7[%swap3A_2497, %swap3A_2498] {strides = array<i32>} : memref<16x512xf32, #tpu.memory_space<vmem>>, vector<16xf32>,
      tpu.vector_store %arg7[%swap3A_2497, %swap3A_2498], %gather3A_2493 {strides = array<i32>} : memref<16x512xf32, #tpu.memory_space<vmem>>, vector<16xf32>,
      %broadcast_in_dim3A_2500 = arith.constant 3 : i32
      %broadcast_in_dim3A_2501 = vector.broadcast %broadcast_in_dim3A_2500 : i32 to vector<16xi32>
      %gather3A_2502 = tpu.vector_load_idx %arg6[%broadcast_in_dim3A_2472, %broadcast_in_dim3A_2501, %add3A_2470] : memref<3x16x2048xf32, #tpu.memory_space<vmem>>[vector<16xi32>, vector<16xi32>, vector<16xi32>], vector<16xf32>,
      %mul3A_2503 = arith.constant 16 : i32
      %mul3A_2504 = arith.muli %add3A_2443, %mul3A_2503 : i32
      %swap3A_2505 = arith.constant 3 : i32
      %swap3A_2506 = arith.index_cast %swap3A_2505 : i32 to index
      %swap3A_2507 = arith.index_cast %mul3A_2504 : i32 to index
      %swap3A_2508 = tpu.vector_load %arg7[%swap3A_2506, %swap3A_2507] {strides = array<i32>} : memref<16x512xf32, #tpu.memory_space<vmem>>, vector<16xf32>,
      tpu.vector_store %arg7[%swap3A_2506, %swap3A_2507], %gather3A_2502 {strides = array<i32>} : memref<16x512xf32, #tpu.memory_space<vmem>>, vector<16xf32>,
      %broadcast_in_dim3A_2509 = arith.constant 4 : i32
      %broadcast_in_dim3A_2510 = vector.broadcast %broadcast_in_dim3A_2509 : i32 to vector<16xi32>
      %gather3A_2511 = tpu.vector_load_idx %arg6[%broadcast_in_dim3A_2472, %broadcast_in_dim3A_2510, %add3A_2470] : memref<3x16x2048xf32, #tpu.memory_space<vmem>>[vector<16xi32>, vector<16xi32>, vector<16xi32>], vector<16xf32>,
      %mul3A_2512 = arith.constant 16 : i32
      %mul3A_2513 = arith.muli %add3A_2443, %mul3A_2512 : i32
      %swap3A_2514 = arith.constant 4 : i32
      %swap3A_2515 = arith.index_cast %swap3A_2514 : i32 to index
      %swap3A_2516 = arith.index_cast %mul3A_2513 : i32 to index
      %swap3A_2517 = tpu.vector_load %arg7[%swap3A_2515, %swap3A_2516] {strides = array<i32>} : memref<16x512xf32, #tpu.memory_space<vmem>>, vector<16xf32>,
      tpu.vector_store %arg7[%swap3A_2515, %swap3A_2516], %gather3A_2511 {strides = array<i32>} : memref<16x512xf32, #tpu.memory_space<vmem>>, vector<16xf32>,
      %broadcast_in_dim3A_2518 = arith.constant 5 : i32
      %broadcast_in_dim3A_2519 = vector.broadcast %broadcast_in_dim3A_2518 : i32 to vector<16xi32>
      %gather3A_2520 = tpu.vector_load_idx %arg6[%broadcast_in_dim3A_2472, %broadcast_in_dim3A_2519, %add3A_2470] : memref<3x16x2048xf32, #tpu.memory_space<vmem>>[vector<16xi32>, vector<16xi32>, vector<16xi32>], vector<16xf32>,
      %mul3A_2521 = arith.constant 16 : i32
      %mul3A_2522 = arith.muli %add3A_2443, %mul3A_2521 : i32
      %swap3A_2523 = arith.constant 5 : i32
      %swap3A_2524 = arith.index_cast %swap3A_2523 : i32 to index
      %swap3A_2525 = arith.index_cast %mul3A_2522 : i32 to index
      %swap3A_2526 = tpu.vector_load %arg7[%swap3A_2524, %swap3A_2525] {strides = array<i32>} : memref<16x512xf32, #tpu.memory_space<vmem>>, vector<16xf32>,
      tpu.vector_store %arg7[%swap3A_2524, %swap3A_2525], %gather3A_2520 {strides = array<i32>} : memref<16x512xf32, #tpu.memory_space<vmem>>, vector<16xf32>,
      %broadcast_in_dim3A_2527 = arith.constant 6 : i32
      %broadcast_in_dim3A_2528 = vector.broadcast %broadcast_in_dim3A_2527 : i32 to vector<16xi32>
      %gather3A_2529 = tpu.vector_load_idx %arg6[%broadcast_in_dim3A_2472, %broadcast_in_dim3A_2528, %add3A_2470] : memref<3x16x2048xf32, #tpu.memory_space<vmem>>[vector<16xi32>, vector<16xi32>, vector<16xi32>], vector<16xf32>,
      %mul3A_2530 = arith.constant 16 : i32
      %mul3A_2531 = arith.muli %add3A_2443, %mul3A_2530 : i32
      %swap3A_2532 = arith.constant 6 : i32
      %swap3A_2533 = arith.index_cast %swap3A_2532 : i32 to index
      %swap3A_2534 = arith.index_cast %mul3A_2531 : i32 to index
      %swap3A_2535 = tpu.vector_load %arg7[%swap3A_2533, %swap3A_2534] {strides = array<i32>} : memref<16x512xf32, #tpu.memory_space<vmem>>, vector<16xf32>,
      tpu.vector_store %arg7[%swap3A_2533, %swap3A_2534], %gather3A_2529 {strides = array<i32>} : memref<16x512xf32, #tpu.memory_space<vmem>>, vector<16xf32>,
      %broadcast_in_dim3A_2536 = arith.constant 7 : i32
      %broadcast_in_dim3A_2537 = vector.broadcast %broadcast_in_dim3A_2536 : i32 to vector<16xi32>
      %gather3A_2538 = tpu.vector_load_idx %arg6[%broadcast_in_dim3A_2472, %broadcast_in_dim3A_2537, %add3A_2470] : memref<3x16x2048xf32, #tpu.memory_space<vmem>>[vector<16xi32>, vector<16xi32>, vector<16xi32>], vector<16xf32>,
      %mul3A_2539 = arith.constant 16 : i32
      %mul3A_2540 = arith.muli %add3A_2443, %mul3A_2539 : i32
      %swap3A_2541 = arith.constant 7 : i32
      %swap3A_2542 = arith.index_cast %swap3A_2541 : i32 to index
      %swap3A_2543 = arith.index_cast %mul3A_2540 : i32 to index
      %swap3A_2544 = tpu.vector_load %arg7[%swap3A_2542, %swap3A_2543] {strides = array<i32>} : memref<16x512xf32, #tpu.memory_space<vmem>>, vector<16xf32>,
      tpu.vector_store %arg7[%swap3A_2542, %swap3A_2543], %gather3A_2538 {strides = array<i32>} : memref<16x512xf32, #tpu.memory_space<vmem>>, vector<16xf32>,
      %broadcast_in_dim3A_2545 = arith.constant 8 : i32
      %broadcast_in_dim3A_2546 = vector.broadcast %broadcast_in_dim3A_2545 : i32 to vector<16xi32>
      %gather3A_2547 = tpu.vector_load_idx %arg6[%broadcast_in_dim3A_2472, %broadcast_in_dim3A_2546, %add3A_2470] : memref<3x16x2048xf32, #tpu.memory_space<vmem>>[vector<16xi32>, vector<16xi32>, vector<16xi32>], vector<16xf32>,
      %mul3A_2548 = arith.constant 16 : i32
      %mul3A_2549 = arith.muli %add3A_2443, %mul3A_2548 : i32
      %swap3A_2550 = arith.constant 8 : i32
      %swap3A_2551 = arith.index_cast %swap3A_2550 : i32 to index
      %swap3A_2552 = arith.index_cast %mul3A_2549 : i32 to index
      %swap3A_2553 = tpu.vector_load %arg7[%swap3A_2551, %swap3A_2552] {strides = array<i32>} : memref<16x512xf32, #tpu.memory_space<vmem>>, vector<16xf32>,
      tpu.vector_store %arg7[%swap3A_2551, %swap3A_2552], %gather3A_2547 {strides = array<i32>} : memref<16x512xf32, #tpu.memory_space<vmem>>, vector<16xf32>,
      %broadcast_in_dim3A_2554 = arith.constant 9 : i32
      %broadcast_in_dim3A_2555 = vector.broadcast %broadcast_in_dim3A_2554 : i32 to vector<16xi32>
      %gather3A_2556 = tpu.vector_load_idx %arg6[%broadcast_in_dim3A_2472, %broadcast_in_dim3A_2555, %add3A_2470] : memref<3x16x2048xf32, #tpu.memory_space<vmem>>[vector<16xi32>, vector<16xi32>, vector<16xi32>], vector<16xf32>,
      %mul3A_2557 = arith.constant 16 : i32
      %mul3A_2558 = arith.muli %add3A_2443, %mul3A_2557 : i32
      %swap3A_2559 = arith.constant 9 : i32
      %swap3A_2560 = arith.index_cast %swap3A_2559 : i32 to index
      %swap3A_2561 = arith.index_cast %mul3A_2558 : i32 to index
      %swap3A_2562 = tpu.vector_load %arg7[%swap3A_2560, %swap3A_2561] {strides = array<i32>} : memref<16x512xf32, #tpu.memory_space<vmem>>, vector<16xf32>,
      tpu.vector_store %arg7[%swap3A_2560, %swap3A_2561], %gather3A_2556 {strides = array<i32>} : memref<16x512xf32, #tpu.memory_space<vmem>>, vector<16xf32>,
      %broadcast_in_dim3A_2563 = arith.constant 10 : i32
      %broadcast_in_dim3A_2564 = vector.broadcast %broadcast_in_dim3A_2563 : i32 to vector<16xi32>
      %gather3A_2565 = tpu.vector_load_idx %arg6[%broadcast_in_dim3A_2472, %broadcast_in_dim3A_2564, %add3A_2470] : memref<3x16x2048xf32, #tpu.memory_space<vmem>>[vector<16xi32>, vector<16xi32>, vector<16xi32>], vector<16xf32>,
      %mul3A_2566 = arith.constant 16 : i32
      %mul3A_2567 = arith.muli %add3A_2443, %mul3A_2566 : i32
      %swap3A_2568 = arith.constant 10 : i32
      %swap3A_2569 = arith.index_cast %swap3A_2568 : i32 to index
      %swap3A_2570 = arith.index_cast %mul3A_2567 : i32 to index
      %swap3A_2571 = tpu.vector_load %arg7[%swap3A_2569, %swap3A_2570] {strides = array<i32>} : memref<16x512xf32, #tpu.memory_space<vmem>>, vector<16xf32>,
      tpu.vector_store %arg7[%swap3A_2569, %swap3A_2570], %gather3A_2565 {strides = array<i32>} : memref<16x512xf32, #tpu.memory_space<vmem>>, vector<16xf32>,
      %broadcast_in_dim3A_2572 = arith.constant 11 : i32
      %broadcast_in_dim3A_2573 = vector.broadcast %broadcast_in_dim3A_2572 : i32 to vector<16xi32>
      %gather3A_2574 = tpu.vector_load_idx %arg6[%broadcast_in_dim3A_2472, %broadcast_in_dim3A_2573, %add3A_2470] : memref<3x16x2048xf32, #tpu.memory_space<vmem>>[vector<16xi32>, vector<16xi32>, vector<16xi32>], vector<16xf32>,
      %mul3A_2575 = arith.constant 16 : i32
      %mul3A_2576 = arith.muli %add3A_2443, %mul3A_2575 : i32
      %swap3A_2577 = arith.constant 11 : i32
      %swap3A_2578 = arith.index_cast %swap3A_2577 : i32 to index
      %swap3A_2579 = arith.index_cast %mul3A_2576 : i32 to index
      %swap3A_2580 = tpu.vector_load %arg7[%swap3A_2578, %swap3A_2579] {strides = array<i32>} : memref<16x512xf32, #tpu.memory_space<vmem>>, vector<16xf32>,
      tpu.vector_store %arg7[%swap3A_2578, %swap3A_2579], %gather3A_2574 {strides = array<i32>} : memref<16x512xf32, #tpu.memory_space<vmem>>, vector<16xf32>,
      %broadcast_in_dim3A_2581 = arith.constant 12 : i32
      %broadcast_in_dim3A_2582 = vector.broadcast %broadcast_in_dim3A_2581 : i32 to vector<16xi32>
      %gather3A_2583 = tpu.vector_load_idx %arg6[%broadcast_in_dim3A_2472, %broadcast_in_dim3A_2582, %add3A_2470] : memref<3x16x2048xf32, #tpu.memory_space<vmem>>[vector<16xi32>, vector<16xi32>, vector<16xi32>], vector<16xf32>,
      %mul3A_2584 = arith.constant 16 : i32
      %mul3A_2585 = arith.muli %add3A_2443, %mul3A_2584 : i32
      %swap3A_2586 = arith.constant 12 : i32
      %swap3A_2587 = arith.index_cast %swap3A_2586 : i32 to index
      %swap3A_2588 = arith.index_cast %mul3A_2585 : i32 to index
      %swap3A_2589 = tpu.vector_load %arg7[%swap3A_2587, %swap3A_2588] {strides = array<i32>} : memref<16x512xf32, #tpu.memory_space<vmem>>, vector<16xf32>,
      tpu.vector_store %arg7[%swap3A_2587, %swap3A_2588], %gather3A_2583 {strides = array<i32>} : memref<16x512xf32, #tpu.memory_space<vmem>>, vector<16xf32>,
      %broadcast_in_dim3A_2590 = arith.constant 13 : i32
      %broadcast_in_dim3A_2591 = vector.broadcast %broadcast_in_dim3A_2590 : i32 to vector<16xi32>
      %gather3A_2592 = tpu.vector_load_idx %arg6[%broadcast_in_dim3A_2472, %broadcast_in_dim3A_2591, %add3A_2470] : memref<3x16x2048xf32, #tpu.memory_space<vmem>>[vector<16xi32>, vector<16xi32>, vector<16xi32>], vector<16xf32>,
      %mul3A_2593 = arith.constant 16 : i32
      %mul3A_2594 = arith.muli %add3A_2443, %mul3A_2593 : i32
      %swap3A_2595 = arith.constant 13 : i32
      %swap3A_2596 = arith.index_cast %swap3A_2595 : i32 to index
      %swap3A_2597 = arith.index_cast %mul3A_2594 : i32 to index
      %swap3A_2598 = tpu.vector_load %arg7[%swap3A_2596, %swap3A_2597] {strides = array<i32>} : memref<16x512xf32, #tpu.memory_space<vmem>>, vector<16xf32>,
      tpu.vector_store %arg7[%swap3A_2596, %swap3A_2597], %gather3A_2592 {strides = array<i32>} : memref<16x512xf32, #tpu.memory_space<vmem>>, vector<16xf32>,
      %broadcast_in_dim3A_2599 = arith.constant 14 : i32
      %broadcast_in_dim3A_2600 = vector.broadcast %broadcast_in_dim3A_2599 : i32 to vector<16xi32>
      %gather3A_2601 = tpu.vector_load_idx %arg6[%broadcast_in_dim3A_2472, %broadcast_in_dim3A_2600, %add3A_2470] : memref<3x16x2048xf32, #tpu.memory_space<vmem>>[vector<16xi32>, vector<16xi32>, vector<16xi32>], vector<16xf32>,
      %mul3A_2602 = arith.constant 16 : i32
      %mul3A_2603 = arith.muli %add3A_2443, %mul3A_2602 : i32
      %swap3A_2604 = arith.constant 14 : i32
      %swap3A_2605 = arith.index_cast %swap3A_2604 : i32 to index
      %swap3A_2606 = arith.index_cast %mul3A_2603 : i32 to index
      %swap3A_2607 = tpu.vector_load %arg7[%swap3A_2605, %swap3A_2606] {strides = array<i32>} : memref<16x512xf32, #tpu.memory_space<vmem>>, vector<16xf32>,
      tpu.vector_store %arg7[%swap3A_2605, %swap3A_2606], %gather3A_2601 {strides = array<i32>} : memref<16x512xf32, #tpu.memory_space<vmem>>, vector<16xf32>,
      %broadcast_in_dim3A_2608 = arith.constant 15 : i32
      %broadcast_in_dim3A_2609 = vector.broadcast %broadcast_in_dim3A_2608 : i32 to vector<16xi32>
      %gather3A_2610 = tpu.vector_load_idx %arg6[%broadcast_in_dim3A_2472, %broadcast_in_dim3A_2609, %add3A_2470] : memref<3x16x2048xf32, #tpu.memory_space<vmem>>[vector<16xi32>, vector<16xi32>, vector<16xi32>], vector<16xf32>,
      %mul3A_2611 = arith.constant 16 : i32
      %mul3A_2612 = arith.muli %add3A_2443, %mul3A_2611 : i32
      %swap3A_2613 = arith.constant 15 : i32
      %swap3A_2614 = arith.index_cast %swap3A_2613 : i32 to index
      %swap3A_2615 = arith.index_cast %mul3A_2612 : i32 to index
      %swap3A_2616 = tpu.vector_load %arg7[%swap3A_2614, %swap3A_2615] {strides = array<i32>} : memref<16x512xf32, #tpu.memory_space<vmem>>, vector<16xf32>,
      tpu.vector_store %arg7[%swap3A_2614, %swap3A_2615], %gather3A_2610 {strides = array<i32>} : memref<16x512xf32, #tpu.memory_space<vmem>>, vector<16xf32>,
      %add3A_2617 = arith.constant 3 : i32
      %add3A_2618 = arith.addi %add3A_2443, %add3A_2617 : i32
      %mul3A_2619 = arith.constant 16 : i32
      %mul3A_2620 = arith.muli %add3A_2618, %mul3A_2619 : i32
      %get3A_2621 = arith.index_cast %mul3A_2620 : i32 to index
      %get3A_2622 = tpu.vector_load %arg5[%get3A_2621] {strides = array<i32>} : memref<512xi32, #tpu.memory_space<vmem>>, vector<16xi32>,
      %and3A_2623 = arith.constant -128 : i32
      %and3A_2624 = vector.broadcast %and3A_2623 : i32 to vector<16xi32>
      %and3A_2625 = arith.andi %get3A_2622, %and3A_2624 : vector<16xi32>
      %slice3A_2626 = vector.extract_strided_slice %and3A_2625 {offsets = [0], sizes = [1], strides = [1]} : vector<16xi32> to vector<1xi32>
      %squeeze3A_2627 = vector.extract %slice3A_2626[0] : i32 from vector<1xi32>
      %multiple_of3A_2628 = tpu.assume_multiple %squeeze3A_2627, 128 : i32
      %dma_start3A_2629 = arith.constant 1 : i32
      %dma_start3A_2630 = arith.constant 0 : i32
      %dma_start3A_2631 = arith.constant 0 : i32
      %dma_start3A_2632 = tpu.memref_slice %arg6[%dma_start3A_2629, %dma_start3A_2630, %dma_start3A_2631] : memref<3x16x2048xf32, #tpu.memory_space<vmem>> -> memref<1x16x128xf32, #tpu.memory_space<vmem>>
      %dma_start3A_2633 = tpu.memref_squeeze %dma_start3A_2632 : memref<1x16x128xf32, #tpu.memory_space<vmem>> -> memref<16x128xf32, #tpu.memory_space<vmem>>
      %dma_start3A_2634 = arith.constant 0 : i32
      %dma_start3A_2635 = tpu.memref_slice %arg2[%dma_start3A_2634, %multiple_of3A_2628] : memref<16x1000000xf32, #tpu.memory_space<hbm>> -> memref<16x128xf32, #tpu.memory_space<hbm>>
      %dma_start3A_2636 = arith.constant 0 : i32
      %dma_start3A_2637 = arith.constant 0 : i32
      %dma_start3A_2638 = tpu.memref_slice %arg6[%dma_start3A_2629, %dma_start3A_2636, %dma_start3A_2637] : memref<3x16x2048xf32, #tpu.memory_space<vmem>> -> memref<1x16x128xf32, #tpu.memory_space<vmem>>
      %dma_start3A_2639 = tpu.memref_squeeze %dma_start3A_2638 : memref<1x16x128xf32, #tpu.memory_space<vmem>> -> memref<16x128xf32, #tpu.memory_space<vmem>>
      %dma_start3A_2640 = arith.constant 0 : i32
      %dma_start3A_2641 = tpu.memref_slice %arg2[%dma_start3A_2640, %multiple_of3A_2628] : memref<16x1000000xf32, #tpu.memory_space<hbm>> -> memref<16x128xf32, #tpu.memory_space<hbm>>
      tpu.enqueue_dma source(%dma_start3A_2641 : memref<16x128xf32, #tpu.memory_space<hbm>>) target(%dma_start3A_2639 : memref<16x128xf32, #tpu.memory_space<vmem>>) target_semaphore(%arg9 : memref<!tpu.dma_semaphore, #tpu.memory_space<semaphore_mem>>)
      %slice3A_2642 = vector.extract_strided_slice %and3A_2625 {offsets = [1], sizes = [1], strides = [1]} : vector<16xi32> to vector<1xi32>
      %squeeze3A_2643 = vector.extract %slice3A_2642[0] : i32 from vector<1xi32>
      %multiple_of3A_2644 = tpu.assume_multiple %squeeze3A_2643, 128 : i32
      %dma_start3A_2645 = arith.constant 1 : i32
      %dma_start3A_2646 = arith.constant 0 : i32
      %dma_start3A_2647 = arith.constant 128 : i32
      %dma_start3A_2648 = tpu.memref_slice %arg6[%dma_start3A_2645, %dma_start3A_2646, %dma_start3A_2647] : memref<3x16x2048xf32, #tpu.memory_space<vmem>> -> memref<1x16x128xf32, #tpu.memory_space<vmem>>
      %dma_start3A_2649 = tpu.memref_squeeze %dma_start3A_2648 : memref<1x16x128xf32, #tpu.memory_space<vmem>> -> memref<16x128xf32, #tpu.memory_space<vmem>>
      %dma_start3A_2650 = arith.constant 0 : i32
      %dma_start3A_2651 = tpu.memref_slice %arg2[%dma_start3A_2650, %multiple_of3A_2644] : memref<16x1000000xf32, #tpu.memory_space<hbm>> -> memref<16x128xf32, #tpu.memory_space<hbm>>
      %dma_start3A_2652 = arith.constant 0 : i32
      %dma_start3A_2653 = arith.constant 128 : i32
      %dma_start3A_2654 = tpu.memref_slice %arg6[%dma_start3A_2645, %dma_start3A_2652, %dma_start3A_2653] : memref<3x16x2048xf32, #tpu.memory_space<vmem>> -> memref<1x16x128xf32, #tpu.memory_space<vmem>>
      %dma_start3A_2655 = tpu.memref_squeeze %dma_start3A_2654 : memref<1x16x128xf32, #tpu.memory_space<vmem>> -> memref<16x128xf32, #tpu.memory_space<vmem>>
      %dma_start3A_2656 = arith.constant 0 : i32
      %dma_start3A_2657 = tpu.memref_slice %arg2[%dma_start3A_2656, %multiple_of3A_2644] : memref<16x1000000xf32, #tpu.memory_space<hbm>> -> memref<16x128xf32, #tpu.memory_space<hbm>>
      tpu.enqueue_dma source(%dma_start3A_2657 : memref<16x128xf32, #tpu.memory_space<hbm>>) target(%dma_start3A_2655 : memref<16x128xf32, #tpu.memory_space<vmem>>) target_semaphore(%arg9 : memref<!tpu.dma_semaphore, #tpu.memory_space<semaphore_mem>>)
      %slice3A_2658 = vector.extract_strided_slice %and3A_2625 {offsets = [2], sizes = [1], strides = [1]} : vector<16xi32> to vector<1xi32>
      %squeeze3A_2659 = vector.extract %slice3A_2658[0] : i32 from vector<1xi32>
      %multiple_of3A_2660 = tpu.assume_multiple %squeeze3A_2659, 128 : i32
      %dma_start3A_2661 = arith.constant 1 : i32
      %dma_start3A_2662 = arith.constant 0 : i32
      %dma_start3A_2663 = arith.constant 256 : i32
      %dma_start3A_2664 = tpu.memref_slice %arg6[%dma_start3A_2661, %dma_start3A_2662, %dma_start3A_2663] : memref<3x16x2048xf32, #tpu.memory_space<vmem>> -> memref<1x16x128xf32, #tpu.memory_space<vmem>>
      %dma_start3A_2665 = tpu.memref_squeeze %dma_start3A_2664 : memref<1x16x128xf32, #tpu.memory_space<vmem>> -> memref<16x128xf32, #tpu.memory_space<vmem>>
      %dma_start3A_2666 = arith.constant 0 : i32
      %dma_start3A_2667 = tpu.memref_slice %arg2[%dma_start3A_2666, %multiple_of3A_2660] : memref<16x1000000xf32, #tpu.memory_space<hbm>> -> memref<16x128xf32, #tpu.memory_space<hbm>>
      %dma_start3A_2668 = arith.constant 0 : i32
      %dma_start3A_2669 = arith.constant 256 : i32
      %dma_start3A_2670 = tpu.memref_slice %arg6[%dma_start3A_2661, %dma_start3A_2668, %dma_start3A_2669] : memref<3x16x2048xf32, #tpu.memory_space<vmem>> -> memref<1x16x128xf32, #tpu.memory_space<vmem>>
      %dma_start3A_2671 = tpu.memref_squeeze %dma_start3A_2670 : memref<1x16x128xf32, #tpu.memory_space<vmem>> -> memref<16x128xf32, #tpu.memory_space<vmem>>
      %dma_start3A_2672 = arith.constant 0 : i32
      %dma_start3A_2673 = tpu.memref_slice %arg2[%dma_start3A_2672, %multiple_of3A_2660] : memref<16x1000000xf32, #tpu.memory_space<hbm>> -> memref<16x128xf32, #tpu.memory_space<hbm>>
      tpu.enqueue_dma source(%dma_start3A_2673 : memref<16x128xf32, #tpu.memory_space<hbm>>) target(%dma_start3A_2671 : memref<16x128xf32, #tpu.memory_space<vmem>>) target_semaphore(%arg9 : memref<!tpu.dma_semaphore, #tpu.memory_space<semaphore_mem>>)
      %slice3A_2674 = vector.extract_strided_slice %and3A_2625 {offsets = [3], sizes = [1], strides = [1]} : vector<16xi32> to vector<1xi32>
      %squeeze3A_2675 = vector.extract %slice3A_2674[0] : i32 from vector<1xi32>
      %multiple_of3A_2676 = tpu.assume_multiple %squeeze3A_2675, 128 : i32
      %dma_start3A_2677 = arith.constant 1 : i32
      %dma_start3A_2678 = arith.constant 0 : i32
      %dma_start3A_2679 = arith.constant 384 : i32
      %dma_start3A_2680 = tpu.memref_slice %arg6[%dma_start3A_2677, %dma_start3A_2678, %dma_start3A_2679] : memref<3x16x2048xf32, #tpu.memory_space<vmem>> -> memref<1x16x128xf32, #tpu.memory_space<vmem>>
      %dma_start3A_2681 = tpu.memref_squeeze %dma_start3A_2680 : memref<1x16x128xf32, #tpu.memory_space<vmem>> -> memref<16x128xf32, #tpu.memory_space<vmem>>
      %dma_start3A_2682 = arith.constant 0 : i32
      %dma_start3A_2683 = tpu.memref_slice %arg2[%dma_start3A_2682, %multiple_of3A_2676] : memref<16x1000000xf32, #tpu.memory_space<hbm>> -> memref<16x128xf32, #tpu.memory_space<hbm>>
      %dma_start3A_2684 = arith.constant 0 : i32
      %dma_start3A_2685 = arith.constant 384 : i32
      %dma_start3A_2686 = tpu.memref_slice %arg6[%dma_start3A_2677, %dma_start3A_2684, %dma_start3A_2685] : memref<3x16x2048xf32, #tpu.memory_space<vmem>> -> memref<1x16x128xf32, #tpu.memory_space<vmem>>
      %dma_start3A_2687 = tpu.memref_squeeze %dma_start3A_2686 : memref<1x16x128xf32, #tpu.memory_space<vmem>> -> memref<16x128xf32, #tpu.memory_space<vmem>>
      %dma_start3A_2688 = arith.constant 0 : i32
      %dma_start3A_2689 = tpu.memref_slice %arg2[%dma_start3A_2688, %multiple_of3A_2676] : memref<16x1000000xf32, #tpu.memory_space<hbm>> -> memref<16x128xf32, #tpu.memory_space<hbm>>
      tpu.enqueue_dma source(%dma_start3A_2689 : memref<16x128xf32, #tpu.memory_space<hbm>>) target(%dma_start3A_2687 : memref<16x128xf32, #tpu.memory_space<vmem>>) target_semaphore(%arg9 : memref<!tpu.dma_semaphore, #tpu.memory_space<semaphore_mem>>)
      %slice3A_2690 = vector.extract_strided_slice %and3A_2625 {offsets = [4], sizes = [1], strides = [1]} : vector<16xi32> to vector<1xi32>
      %squeeze3A_2691 = vector.extract %slice3A_2690[0] : i32 from vector<1xi32>
      %multiple_of3A_2692 = tpu.assume_multiple %squeeze3A_2691, 128 : i32
      %dma_start3A_2693 = arith.constant 1 : i32
      %dma_start3A_2694 = arith.constant 0 : i32
      %dma_start3A_2695 = arith.constant 512 : i32
      %dma_start3A_2696 = tpu.memref_slice %arg6[%dma_start3A_2693, %dma_start3A_2694, %dma_start3A_2695] : memref<3x16x2048xf32, #tpu.memory_space<vmem>> -> memref<1x16x128xf32, #tpu.memory_space<vmem>>
      %dma_start3A_2697 = tpu.memref_squeeze %dma_start3A_2696 : memref<1x16x128xf32, #tpu.memory_space<vmem>> -> memref<16x128xf32, #tpu.memory_space<vmem>>
      %dma_start3A_2698 = arith.constant 0 : i32
      %dma_start3A_2699 = tpu.memref_slice %arg2[%dma_start3A_2698, %multiple_of3A_2692] : memref<16x1000000xf32, #tpu.memory_space<hbm>> -> memref<16x128xf32, #tpu.memory_space<hbm>>
      %dma_start3A_2700 = arith.constant 0 : i32
      %dma_start3A_2701 = arith.constant 512 : i32
      %dma_start3A_2702 = tpu.memref_slice %arg6[%dma_start3A_2693, %dma_start3A_2700, %dma_start3A_2701] : memref<3x16x2048xf32, #tpu.memory_space<vmem>> -> memref<1x16x128xf32, #tpu.memory_space<vmem>>
      %dma_start3A_2703 = tpu.memref_squeeze %dma_start3A_2702 : memref<1x16x128xf32, #tpu.memory_space<vmem>> -> memref<16x128xf32, #tpu.memory_space<vmem>>
      %dma_start3A_2704 = arith.constant 0 : i32
      %dma_start3A_2705 = tpu.memref_slice %arg2[%dma_start3A_2704, %multiple_of3A_2692] : memref<16x1000000xf32, #tpu.memory_space<hbm>> -> memref<16x128xf32, #tpu.memory_space<hbm>>
      tpu.enqueue_dma source(%dma_start3A_2705 : memref<16x128xf32, #tpu.memory_space<hbm>>) target(%dma_start3A_2703 : memref<16x128xf32, #tpu.memory_space<vmem>>) target_semaphore(%arg9 : memref<!tpu.dma_semaphore, #tpu.memory_space<semaphore_mem>>)
      %slice3A_2706 = vector.extract_strided_slice %and3A_2625 {offsets = [5], sizes = [1], strides = [1]} : vector<16xi32> to vector<1xi32>
      %squeeze3A_2707 = vector.extract %slice3A_2706[0] : i32 from vector<1xi32>
      %multiple_of3A_2708 = tpu.assume_multiple %squeeze3A_2707, 128 : i32
      %dma_start3A_2709 = arith.constant 1 : i32
      %dma_start3A_2710 = arith.constant 0 : i32
      %dma_start3A_2711 = arith.constant 640 : i32
      %dma_start3A_2712 = tpu.memref_slice %arg6[%dma_start3A_2709, %dma_start3A_2710, %dma_start3A_2711] : memref<3x16x2048xf32, #tpu.memory_space<vmem>> -> memref<1x16x128xf32, #tpu.memory_space<vmem>>
      %dma_start3A_2713 = tpu.memref_squeeze %dma_start3A_2712 : memref<1x16x128xf32, #tpu.memory_space<vmem>> -> memref<16x128xf32, #tpu.memory_space<vmem>>
      %dma_start3A_2714 = arith.constant 0 : i32
      %dma_start3A_2715 = tpu.memref_slice %arg2[%dma_start3A_2714, %multiple_of3A_2708] : memref<16x1000000xf32, #tpu.memory_space<hbm>> -> memref<16x128xf32, #tpu.memory_space<hbm>>
      %dma_start3A_2716 = arith.constant 0 : i32
      %dma_start3A_2717 = arith.constant 640 : i32
      %dma_start3A_2718 = tpu.memref_slice %arg6[%dma_start3A_2709, %dma_start3A_2716, %dma_start3A_2717] : memref<3x16x2048xf32, #tpu.memory_space<vmem>> -> memref<1x16x128xf32, #tpu.memory_space<vmem>>
      %dma_start3A_2719 = tpu.memref_squeeze %dma_start3A_2718 : memref<1x16x128xf32, #tpu.memory_space<vmem>> -> memref<16x128xf32, #tpu.memory_space<vmem>>
      %dma_start3A_2720 = arith.constant 0 : i32
      %dma_start3A_2721 = tpu.memref_slice %arg2[%dma_start3A_2720, %multiple_of3A_2708] : memref<16x1000000xf32, #tpu.memory_space<hbm>> -> memref<16x128xf32, #tpu.memory_space<hbm>>
      tpu.enqueue_dma source(%dma_start3A_2721 : memref<16x128xf32, #tpu.memory_space<hbm>>) target(%dma_start3A_2719 : memref<16x128xf32, #tpu.memory_space<vmem>>) target_semaphore(%arg9 : memref<!tpu.dma_semaphore, #tpu.memory_space<semaphore_mem>>)
      %slice3A_2722 = vector.extract_strided_slice %and3A_2625 {offsets = [6], sizes = [1], strides = [1]} : vector<16xi32> to vector<1xi32>
      %squeeze3A_2723 = vector.extract %slice3A_2722[0] : i32 from vector<1xi32>
      %multiple_of3A_2724 = tpu.assume_multiple %squeeze3A_2723, 128 : i32
      %dma_start3A_2725 = arith.constant 1 : i32
      %dma_start3A_2726 = arith.constant 0 : i32
      %dma_start3A_2727 = arith.constant 768 : i32
      %dma_start3A_2728 = tpu.memref_slice %arg6[%dma_start3A_2725, %dma_start3A_2726, %dma_start3A_2727] : memref<3x16x2048xf32, #tpu.memory_space<vmem>> -> memref<1x16x128xf32, #tpu.memory_space<vmem>>
      %dma_start3A_2729 = tpu.memref_squeeze %dma_start3A_2728 : memref<1x16x128xf32, #tpu.memory_space<vmem>> -> memref<16x128xf32, #tpu.memory_space<vmem>>
      %dma_start3A_2730 = arith.constant 0 : i32
      %dma_start3A_2731 = tpu.memref_slice %arg2[%dma_start3A_2730, %multiple_of3A_2724] : memref<16x1000000xf32, #tpu.memory_space<hbm>> -> memref<16x128xf32, #tpu.memory_space<hbm>>
      %dma_start3A_2732 = arith.constant 0 : i32
      %dma_start3A_2733 = arith.constant 768 : i32
      %dma_start3A_2734 = tpu.memref_slice %arg6[%dma_start3A_2725, %dma_start3A_2732, %dma_start3A_2733] : memref<3x16x2048xf32, #tpu.memory_space<vmem>> -> memref<1x16x128xf32, #tpu.memory_space<vmem>>
      %dma_start3A_2735 = tpu.memref_squeeze %dma_start3A_2734 : memref<1x16x128xf32, #tpu.memory_space<vmem>> -> memref<16x128xf32, #tpu.memory_space<vmem>>
      %dma_start3A_2736 = arith.constant 0 : i32
      %dma_start3A_2737 = tpu.memref_slice %arg2[%dma_start3A_2736, %multiple_of3A_2724] : memref<16x1000000xf32, #tpu.memory_space<hbm>> -> memref<16x128xf32, #tpu.memory_space<hbm>>
      tpu.enqueue_dma source(%dma_start3A_2737 : memref<16x128xf32, #tpu.memory_space<hbm>>) target(%dma_start3A_2735 : memref<16x128xf32, #tpu.memory_space<vmem>>) target_semaphore(%arg9 : memref<!tpu.dma_semaphore, #tpu.memory_space<semaphore_mem>>)
      %slice3A_2738 = vector.extract_strided_slice %and3A_2625 {offsets = [7], sizes = [1], strides = [1]} : vector<16xi32> to vector<1xi32>
      %squeeze3A_2739 = vector.extract %slice3A_2738[0] : i32 from vector<1xi32>
      %multiple_of3A_2740 = tpu.assume_multiple %squeeze3A_2739, 128 : i32
      %dma_start3A_2741 = arith.constant 1 : i32
      %dma_start3A_2742 = arith.constant 0 : i32
      %dma_start3A_2743 = arith.constant 896 : i32
      %dma_start3A_2744 = tpu.memref_slice %arg6[%dma_start3A_2741, %dma_start3A_2742, %dma_start3A_2743] : memref<3x16x2048xf32, #tpu.memory_space<vmem>> -> memref<1x16x128xf32, #tpu.memory_space<vmem>>
      %dma_start3A_2745 = tpu.memref_squeeze %dma_start3A_2744 : memref<1x16x128xf32, #tpu.memory_space<vmem>> -> memref<16x128xf32, #tpu.memory_space<vmem>>
      %dma_start3A_2746 = arith.constant 0 : i32
      %dma_start3A_2747 = tpu.memref_slice %arg2[%dma_start3A_2746, %multiple_of3A_2740] : memref<16x1000000xf32, #tpu.memory_space<hbm>> -> memref<16x128xf32, #tpu.memory_space<hbm>>
      %dma_start3A_2748 = arith.constant 0 : i32
      %dma_start3A_2749 = arith.constant 896 : i32
      %dma_start3A_2750 = tpu.memref_slice %arg6[%dma_start3A_2741, %dma_start3A_2748, %dma_start3A_2749] : memref<3x16x2048xf32, #tpu.memory_space<vmem>> -> memref<1x16x128xf32, #tpu.memory_space<vmem>>
      %dma_start3A_2751 = tpu.memref_squeeze %dma_start3A_2750 : memref<1x16x128xf32, #tpu.memory_space<vmem>> -> memref<16x128xf32, #tpu.memory_space<vmem>>
      %dma_start3A_2752 = arith.constant 0 : i32
      %dma_start3A_2753 = tpu.memref_slice %arg2[%dma_start3A_2752, %multiple_of3A_2740] : memref<16x1000000xf32, #tpu.memory_space<hbm>> -> memref<16x128xf32, #tpu.memory_space<hbm>>
      tpu.enqueue_dma source(%dma_start3A_2753 : memref<16x128xf32, #tpu.memory_space<hbm>>) target(%dma_start3A_2751 : memref<16x128xf32, #tpu.memory_space<vmem>>) target_semaphore(%arg9 : memref<!tpu.dma_semaphore, #tpu.memory_space<semaphore_mem>>)
      %slice3A_2754 = vector.extract_strided_slice %and3A_2625 {offsets = [8], sizes = [1], strides = [1]} : vector<16xi32> to vector<1xi32>
      %squeeze3A_2755 = vector.extract %slice3A_2754[0] : i32 from vector<1xi32>
      %multiple_of3A_2756 = tpu.assume_multiple %squeeze3A_2755, 128 : i32
      %dma_start3A_2757 = arith.constant 1 : i32
      %dma_start3A_2758 = arith.constant 0 : i32
      %dma_start3A_2759 = arith.constant 1024 : i32
      %dma_start3A_2760 = tpu.memref_slice %arg6[%dma_start3A_2757, %dma_start3A_2758, %dma_start3A_2759] : memref<3x16x2048xf32, #tpu.memory_space<vmem>> -> memref<1x16x128xf32, #tpu.memory_space<vmem>>
      %dma_start3A_2761 = tpu.memref_squeeze %dma_start3A_2760 : memref<1x16x128xf32, #tpu.memory_space<vmem>> -> memref<16x128xf32, #tpu.memory_space<vmem>>
      %dma_start3A_2762 = arith.constant 0 : i32
      %dma_start3A_2763 = tpu.memref_slice %arg2[%dma_start3A_2762, %multiple_of3A_2756] : memref<16x1000000xf32, #tpu.memory_space<hbm>> -> memref<16x128xf32, #tpu.memory_space<hbm>>
      %dma_start3A_2764 = arith.constant 0 : i32
      %dma_start3A_2765 = arith.constant 1024 : i32
      %dma_start3A_2766 = tpu.memref_slice %arg6[%dma_start3A_2757, %dma_start3A_2764, %dma_start3A_2765] : memref<3x16x2048xf32, #tpu.memory_space<vmem>> -> memref<1x16x128xf32, #tpu.memory_space<vmem>>
      %dma_start3A_2767 = tpu.memref_squeeze %dma_start3A_2766 : memref<1x16x128xf32, #tpu.memory_space<vmem>> -> memref<16x128xf32, #tpu.memory_space<vmem>>
      %dma_start3A_2768 = arith.constant 0 : i32
      %dma_start3A_2769 = tpu.memref_slice %arg2[%dma_start3A_2768, %multiple_of3A_2756] : memref<16x1000000xf32, #tpu.memory_space<hbm>> -> memref<16x128xf32, #tpu.memory_space<hbm>>
      tpu.enqueue_dma source(%dma_start3A_2769 : memref<16x128xf32, #tpu.memory_space<hbm>>) target(%dma_start3A_2767 : memref<16x128xf32, #tpu.memory_space<vmem>>) target_semaphore(%arg9 : memref<!tpu.dma_semaphore, #tpu.memory_space<semaphore_mem>>)
      %slice3A_2770 = vector.extract_strided_slice %and3A_2625 {offsets = [9], sizes = [1], strides = [1]} : vector<16xi32> to vector<1xi32>
      %squeeze3A_2771 = vector.extract %slice3A_2770[0] : i32 from vector<1xi32>
      %multiple_of3A_2772 = tpu.assume_multiple %squeeze3A_2771, 128 : i32
      %dma_start3A_2773 = arith.constant 1 : i32
      %dma_start3A_2774 = arith.constant 0 : i32
      %dma_start3A_2775 = arith.constant 1152 : i32
      %dma_start3A_2776 = tpu.memref_slice %arg6[%dma_start3A_2773, %dma_start3A_2774, %dma_start3A_2775] : memref<3x16x2048xf32, #tpu.memory_space<vmem>> -> memref<1x16x128xf32, #tpu.memory_space<vmem>>
      %dma_start3A_2777 = tpu.memref_squeeze %dma_start3A_2776 : memref<1x16x128xf32, #tpu.memory_space<vmem>> -> memref<16x128xf32, #tpu.memory_space<vmem>>
      %dma_start3A_2778 = arith.constant 0 : i32
      %dma_start3A_2779 = tpu.memref_slice %arg2[%dma_start3A_2778, %multiple_of3A_2772] : memref<16x1000000xf32, #tpu.memory_space<hbm>> -> memref<16x128xf32, #tpu.memory_space<hbm>>
      %dma_start3A_2780 = arith.constant 0 : i32
      %dma_start3A_2781 = arith.constant 1152 : i32
      %dma_start3A_2782 = tpu.memref_slice %arg6[%dma_start3A_2773, %dma_start3A_2780, %dma_start3A_2781] : memref<3x16x2048xf32, #tpu.memory_space<vmem>> -> memref<1x16x128xf32, #tpu.memory_space<vmem>>
      %dma_start3A_2783 = tpu.memref_squeeze %dma_start3A_2782 : memref<1x16x128xf32, #tpu.memory_space<vmem>> -> memref<16x128xf32, #tpu.memory_space<vmem>>
      %dma_start3A_2784 = arith.constant 0 : i32
      %dma_start3A_2785 = tpu.memref_slice %arg2[%dma_start3A_2784, %multiple_of3A_2772] : memref<16x1000000xf32, #tpu.memory_space<hbm>> -> memref<16x128xf32, #tpu.memory_space<hbm>>
      tpu.enqueue_dma source(%dma_start3A_2785 : memref<16x128xf32, #tpu.memory_space<hbm>>) target(%dma_start3A_2783 : memref<16x128xf32, #tpu.memory_space<vmem>>) target_semaphore(%arg9 : memref<!tpu.dma_semaphore, #tpu.memory_space<semaphore_mem>>)
      %slice3A_2786 = vector.extract_strided_slice %and3A_2625 {offsets = [10], sizes = [1], strides = [1]} : vector<16xi32> to vector<1xi32>
      %squeeze3A_2787 = vector.extract %slice3A_2786[0] : i32 from vector<1xi32>
      %multiple_of3A_2788 = tpu.assume_multiple %squeeze3A_2787, 128 : i32
      %dma_start3A_2789 = arith.constant 1 : i32
      %dma_start3A_2790 = arith.constant 0 : i32
      %dma_start3A_2791 = arith.constant 1280 : i32
      %dma_start3A_2792 = tpu.memref_slice %arg6[%dma_start3A_2789, %dma_start3A_2790, %dma_start3A_2791] : memref<3x16x2048xf32, #tpu.memory_space<vmem>> -> memref<1x16x128xf32, #tpu.memory_space<vmem>>
      %dma_start3A_2793 = tpu.memref_squeeze %dma_start3A_2792 : memref<1x16x128xf32, #tpu.memory_space<vmem>> -> memref<16x128xf32, #tpu.memory_space<vmem>>
      %dma_start3A_2794 = arith.constant 0 : i32
      %dma_start3A_2795 = tpu.memref_slice %arg2[%dma_start3A_2794, %multiple_of3A_2788] : memref<16x1000000xf32, #tpu.memory_space<hbm>> -> memref<16x128xf32, #tpu.memory_space<hbm>>
      %dma_start3A_2796 = arith.constant 0 : i32
      %dma_start3A_2797 = arith.constant 1280 : i32
      %dma_start3A_2798 = tpu.memref_slice %arg6[%dma_start3A_2789, %dma_start3A_2796, %dma_start3A_2797] : memref<3x16x2048xf32, #tpu.memory_space<vmem>> -> memref<1x16x128xf32, #tpu.memory_space<vmem>>
      %dma_start3A_2799 = tpu.memref_squeeze %dma_start3A_2798 : memref<1x16x128xf32, #tpu.memory_space<vmem>> -> memref<16x128xf32, #tpu.memory_space<vmem>>
      %dma_start3A_2800 = arith.constant 0 : i32
      %dma_start3A_2801 = tpu.memref_slice %arg2[%dma_start3A_2800, %multiple_of3A_2788] : memref<16x1000000xf32, #tpu.memory_space<hbm>> -> memref<16x128xf32, #tpu.memory_space<hbm>>
      tpu.enqueue_dma source(%dma_start3A_2801 : memref<16x128xf32, #tpu.memory_space<hbm>>) target(%dma_start3A_2799 : memref<16x128xf32, #tpu.memory_space<vmem>>) target_semaphore(%arg9 : memref<!tpu.dma_semaphore, #tpu.memory_space<semaphore_mem>>)
      %slice3A_2802 = vector.extract_strided_slice %and3A_2625 {offsets = [11], sizes = [1], strides = [1]} : vector<16xi32> to vector<1xi32>
      %squeeze3A_2803 = vector.extract %slice3A_2802[0] : i32 from vector<1xi32>
      %multiple_of3A_2804 = tpu.assume_multiple %squeeze3A_2803, 128 : i32
      %dma_start3A_2805 = arith.constant 1 : i32
      %dma_start3A_2806 = arith.constant 0 : i32
      %dma_start3A_2807 = arith.constant 1408 : i32
      %dma_start3A_2808 = tpu.memref_slice %arg6[%dma_start3A_2805, %dma_start3A_2806, %dma_start3A_2807] : memref<3x16x2048xf32, #tpu.memory_space<vmem>> -> memref<1x16x128xf32, #tpu.memory_space<vmem>>
      %dma_start3A_2809 = tpu.memref_squeeze %dma_start3A_2808 : memref<1x16x128xf32, #tpu.memory_space<vmem>> -> memref<16x128xf32, #tpu.memory_space<vmem>>
      %dma_start3A_2810 = arith.constant 0 : i32
      %dma_start3A_2811 = tpu.memref_slice %arg2[%dma_start3A_2810, %multiple_of3A_2804] : memref<16x1000000xf32, #tpu.memory_space<hbm>> -> memref<16x128xf32, #tpu.memory_space<hbm>>
      %dma_start3A_2812 = arith.constant 0 : i32
      %dma_start3A_2813 = arith.constant 1408 : i32
      %dma_start3A_2814 = tpu.memref_slice %arg6[%dma_start3A_2805, %dma_start3A_2812, %dma_start3A_2813] : memref<3x16x2048xf32, #tpu.memory_space<vmem>> -> memref<1x16x128xf32, #tpu.memory_space<vmem>>
      %dma_start3A_2815 = tpu.memref_squeeze %dma_start3A_2814 : memref<1x16x128xf32, #tpu.memory_space<vmem>> -> memref<16x128xf32, #tpu.memory_space<vmem>>
      %dma_start3A_2816 = arith.constant 0 : i32
      %dma_start3A_2817 = tpu.memref_slice %arg2[%dma_start3A_2816, %multiple_of3A_2804] : memref<16x1000000xf32, #tpu.memory_space<hbm>> -> memref<16x128xf32, #tpu.memory_space<hbm>>
      tpu.enqueue_dma source(%dma_start3A_2817 : memref<16x128xf32, #tpu.memory_space<hbm>>) target(%dma_start3A_2815 : memref<16x128xf32, #tpu.memory_space<vmem>>) target_semaphore(%arg9 : memref<!tpu.dma_semaphore, #tpu.memory_space<semaphore_mem>>)
      %slice3A_2818 = vector.extract_strided_slice %and3A_2625 {offsets = [12], sizes = [1], strides = [1]} : vector<16xi32> to vector<1xi32>
      %squeeze3A_2819 = vector.extract %slice3A_2818[0] : i32 from vector<1xi32>
      %multiple_of3A_2820 = tpu.assume_multiple %squeeze3A_2819, 128 : i32
      %dma_start3A_2821 = arith.constant 1 : i32
      %dma_start3A_2822 = arith.constant 0 : i32
      %dma_start3A_2823 = arith.constant 1536 : i32
      %dma_start3A_2824 = tpu.memref_slice %arg6[%dma_start3A_2821, %dma_start3A_2822, %dma_start3A_2823] : memref<3x16x2048xf32, #tpu.memory_space<vmem>> -> memref<1x16x128xf32, #tpu.memory_space<vmem>>
      %dma_start3A_2825 = tpu.memref_squeeze %dma_start3A_2824 : memref<1x16x128xf32, #tpu.memory_space<vmem>> -> memref<16x128xf32, #tpu.memory_space<vmem>>
      %dma_start3A_2826 = arith.constant 0 : i32
      %dma_start3A_2827 = tpu.memref_slice %arg2[%dma_start3A_2826, %multiple_of3A_2820] : memref<16x1000000xf32, #tpu.memory_space<hbm>> -> memref<16x128xf32, #tpu.memory_space<hbm>>
      %dma_start3A_2828 = arith.constant 0 : i32
      %dma_start3A_2829 = arith.constant 1536 : i32
      %dma_start3A_2830 = tpu.memref_slice %arg6[%dma_start3A_2821, %dma_start3A_2828, %dma_start3A_2829] : memref<3x16x2048xf32, #tpu.memory_space<vmem>> -> memref<1x16x128xf32, #tpu.memory_space<vmem>>
      %dma_start3A_2831 = tpu.memref_squeeze %dma_start3A_2830 : memref<1x16x128xf32, #tpu.memory_space<vmem>> -> memref<16x128xf32, #tpu.memory_space<vmem>>
      %dma_start3A_2832 = arith.constant 0 : i32
      %dma_start3A_2833 = tpu.memref_slice %arg2[%dma_start3A_2832, %multiple_of3A_2820] : memref<16x1000000xf32, #tpu.memory_space<hbm>> -> memref<16x128xf32, #tpu.memory_space<hbm>>
      tpu.enqueue_dma source(%dma_start3A_2833 : memref<16x128xf32, #tpu.memory_space<hbm>>) target(%dma_start3A_2831 : memref<16x128xf32, #tpu.memory_space<vmem>>) target_semaphore(%arg9 : memref<!tpu.dma_semaphore, #tpu.memory_space<semaphore_mem>>)
      %slice3A_2834 = vector.extract_strided_slice %and3A_2625 {offsets = [13], sizes = [1], strides = [1]} : vector<16xi32> to vector<1xi32>
      %squeeze3A_2835 = vector.extract %slice3A_2834[0] : i32 from vector<1xi32>
      %multiple_of3A_2836 = tpu.assume_multiple %squeeze3A_2835, 128 : i32
      %dma_start3A_2837 = arith.constant 1 : i32
      %dma_start3A_2838 = arith.constant 0 : i32
      %dma_start3A_2839 = arith.constant 1664 : i32
      %dma_start3A_2840 = tpu.memref_slice %arg6[%dma_start3A_2837, %dma_start3A_2838, %dma_start3A_2839] : memref<3x16x2048xf32, #tpu.memory_space<vmem>> -> memref<1x16x128xf32, #tpu.memory_space<vmem>>
      %dma_start3A_2841 = tpu.memref_squeeze %dma_start3A_2840 : memref<1x16x128xf32, #tpu.memory_space<vmem>> -> memref<16x128xf32, #tpu.memory_space<vmem>>
      %dma_start3A_2842 = arith.constant 0 : i32
      %dma_start3A_2843 = tpu.memref_slice %arg2[%dma_start3A_2842, %multiple_of3A_2836] : memref<16x1000000xf32, #tpu.memory_space<hbm>> -> memref<16x128xf32, #tpu.memory_space<hbm>>
      %dma_start3A_2844 = arith.constant 0 : i32
      %dma_start3A_2845 = arith.constant 1664 : i32
      %dma_start3A_2846 = tpu.memref_slice %arg6[%dma_start3A_2837, %dma_start3A_2844, %dma_start3A_2845] : memref<3x16x2048xf32, #tpu.memory_space<vmem>> -> memref<1x16x128xf32, #tpu.memory_space<vmem>>
      %dma_start3A_2847 = tpu.memref_squeeze %dma_start3A_2846 : memref<1x16x128xf32, #tpu.memory_space<vmem>> -> memref<16x128xf32, #tpu.memory_space<vmem>>
      %dma_start3A_2848 = arith.constant 0 : i32
      %dma_start3A_2849 = tpu.memref_slice %arg2[%dma_start3A_2848, %multiple_of3A_2836] : memref<16x1000000xf32, #tpu.memory_space<hbm>> -> memref<16x128xf32, #tpu.memory_space<hbm>>
      tpu.enqueue_dma source(%dma_start3A_2849 : memref<16x128xf32, #tpu.memory_space<hbm>>) target(%dma_start3A_2847 : memref<16x128xf32, #tpu.memory_space<vmem>>) target_semaphore(%arg9 : memref<!tpu.dma_semaphore, #tpu.memory_space<semaphore_mem>>)
      %slice3A_2850 = vector.extract_strided_slice %and3A_2625 {offsets = [14], sizes = [1], strides = [1]} : vector<16xi32> to vector<1xi32>
      %squeeze3A_2851 = vector.extract %slice3A_2850[0] : i32 from vector<1xi32>
      %multiple_of3A_2852 = tpu.assume_multiple %squeeze3A_2851, 128 : i32
      %dma_start3A_2853 = arith.constant 1 : i32
      %dma_start3A_2854 = arith.constant 0 : i32
      %dma_start3A_2855 = arith.constant 1792 : i32
      %dma_start3A_2856 = tpu.memref_slice %arg6[%dma_start3A_2853, %dma_start3A_2854, %dma_start3A_2855] : memref<3x16x2048xf32, #tpu.memory_space<vmem>> -> memref<1x16x128xf32, #tpu.memory_space<vmem>>
      %dma_start3A_2857 = tpu.memref_squeeze %dma_start3A_2856 : memref<1x16x128xf32, #tpu.memory_space<vmem>> -> memref<16x128xf32, #tpu.memory_space<vmem>>
      %dma_start3A_2858 = arith.constant 0 : i32
      %dma_start3A_2859 = tpu.memref_slice %arg2[%dma_start3A_2858, %multiple_of3A_2852] : memref<16x1000000xf32, #tpu.memory_space<hbm>> -> memref<16x128xf32, #tpu.memory_space<hbm>>
      %dma_start3A_2860 = arith.constant 0 : i32
      %dma_start3A_2861 = arith.constant 1792 : i32
      %dma_start3A_2862 = tpu.memref_slice %arg6[%dma_start3A_2853, %dma_start3A_2860, %dma_start3A_2861] : memref<3x16x2048xf32, #tpu.memory_space<vmem>> -> memref<1x16x128xf32, #tpu.memory_space<vmem>>
      %dma_start3A_2863 = tpu.memref_squeeze %dma_start3A_2862 : memref<1x16x128xf32, #tpu.memory_space<vmem>> -> memref<16x128xf32, #tpu.memory_space<vmem>>
      %dma_start3A_2864 = arith.constant 0 : i32
      %dma_start3A_2865 = tpu.memref_slice %arg2[%dma_start3A_2864, %multiple_of3A_2852] : memref<16x1000000xf32, #tpu.memory_space<hbm>> -> memref<16x128xf32, #tpu.memory_space<hbm>>
      tpu.enqueue_dma source(%dma_start3A_2865 : memref<16x128xf32, #tpu.memory_space<hbm>>) target(%dma_start3A_2863 : memref<16x128xf32, #tpu.memory_space<vmem>>) target_semaphore(%arg9 : memref<!tpu.dma_semaphore, #tpu.memory_space<semaphore_mem>>)
      %slice3A_2866 = vector.extract_strided_slice %and3A_2625 {offsets = [15], sizes = [1], strides = [1]} : vector<16xi32> to vector<1xi32>
      %squeeze3A_2867 = vector.extract %slice3A_2866[0] : i32 from vector<1xi32>
      %multiple_of3A_2868 = tpu.assume_multiple %squeeze3A_2867, 128 : i32
      %dma_start3A_2869 = arith.constant 1 : i32
      %dma_start3A_2870 = arith.constant 0 : i32
      %dma_start3A_2871 = arith.constant 1920 : i32
      %dma_start3A_2872 = tpu.memref_slice %arg6[%dma_start3A_2869, %dma_start3A_2870, %dma_start3A_2871] : memref<3x16x2048xf32, #tpu.memory_space<vmem>> -> memref<1x16x128xf32, #tpu.memory_space<vmem>>
      %dma_start3A_2873 = tpu.memref_squeeze %dma_start3A_2872 : memref<1x16x128xf32, #tpu.memory_space<vmem>> -> memref<16x128xf32, #tpu.memory_space<vmem>>
      %dma_start3A_2874 = arith.constant 0 : i32
      %dma_start3A_2875 = tpu.memref_slice %arg2[%dma_start3A_2874, %multiple_of3A_2868] : memref<16x1000000xf32, #tpu.memory_space<hbm>> -> memref<16x128xf32, #tpu.memory_space<hbm>>
      %dma_start3A_2876 = arith.constant 0 : i32
      %dma_start3A_2877 = arith.constant 1920 : i32
      %dma_start3A_2878 = tpu.memref_slice %arg6[%dma_start3A_2869, %dma_start3A_2876, %dma_start3A_2877] : memref<3x16x2048xf32, #tpu.memory_space<vmem>> -> memref<1x16x128xf32, #tpu.memory_space<vmem>>
      %dma_start3A_2879 = tpu.memref_squeeze %dma_start3A_2878 : memref<1x16x128xf32, #tpu.memory_space<vmem>> -> memref<16x128xf32, #tpu.memory_space<vmem>>
      %dma_start3A_2880 = arith.constant 0 : i32
      %dma_start3A_2881 = tpu.memref_slice %arg2[%dma_start3A_2880, %multiple_of3A_2868] : memref<16x1000000xf32, #tpu.memory_space<hbm>> -> memref<16x128xf32, #tpu.memory_space<hbm>>
      tpu.enqueue_dma source(%dma_start3A_2881 : memref<16x128xf32, #tpu.memory_space<hbm>>) target(%dma_start3A_2879 : memref<16x128xf32, #tpu.memory_space<vmem>>) target_semaphore(%arg9 : memref<!tpu.dma_semaphore, #tpu.memory_space<semaphore_mem>>)
      %mul3A_2882 = arith.constant 3 : i32
      %mul3A_2883 = arith.muli %mul3A_2882, %scan3A_1997 : i32
      %add3A_2884 = arith.constant 2 : i32
      %add3A_2885 = arith.addi %mul3A_2883, %add3A_2884 : i32
      %dma_wait3A_2886 = arith.constant 2 : i32
      %dma_wait3A_2887 = arith.constant 0 : i32
      %dma_wait3A_2888 = arith.constant 0 : i32
      %dma_wait3A_2889 = tpu.memref_slice %arg6[%dma_wait3A_2886, %dma_wait3A_2887, %dma_wait3A_2888] : memref<3x16x2048xf32, #tpu.memory_space<vmem>> -> memref<1x16x2048xf32, #tpu.memory_space<vmem>>
      %dma_wait3A_2890 = tpu.memref_squeeze %dma_wait3A_2889 : memref<1x16x2048xf32, #tpu.memory_space<vmem>> -> memref<16x2048xf32, #tpu.memory_space<vmem>>
      %dma_wait3A_2891 = arith.constant 0 : i32
      %dma_wait3A_2892 = arith.constant 0 : i32
      %dma_wait3A_2893 = tpu.memref_slice %arg2[%dma_wait3A_2891, %dma_wait3A_2892] : memref<16x1000000xf32, #tpu.memory_space<hbm>> -> memref<16x2048xf32, #tpu.memory_space<hbm>>
      %dma_wait3A_2894 = arith.constant 0 : i32
      %dma_wait3A_2895 = arith.constant 0 : i32
      %dma_wait3A_2896 = tpu.memref_slice %arg6[%dma_wait3A_2886, %dma_wait3A_2894, %dma_wait3A_2895] : memref<3x16x2048xf32, #tpu.memory_space<vmem>> -> memref<1x16x2048xf32, #tpu.memory_space<vmem>>
      %dma_wait3A_2897 = tpu.memref_squeeze %dma_wait3A_2896 : memref<1x16x2048xf32, #tpu.memory_space<vmem>> -> memref<16x2048xf32, #tpu.memory_space<vmem>>
      %dma_wait3A_2898 = arith.constant 0 : i32
      %dma_wait3A_2899 = arith.constant 0 : i32
      %dma_wait3A_2900 = tpu.memref_slice %arg2[%dma_wait3A_2898, %dma_wait3A_2899] : memref<16x1000000xf32, #tpu.memory_space<hbm>> -> memref<16x2048xf32, #tpu.memory_space<hbm>>
      tpu.wait_dma2 semaphore(%arg10 : memref<!tpu.dma_semaphore, #tpu.memory_space<semaphore_mem>>) src(%dma_wait3A_2900 : memref<16x2048xf32, #tpu.memory_space<hbm>>) dst(%dma_wait3A_2897 : memref<16x2048xf32, #tpu.memory_space<vmem>>)
      %mul3A_2901 = arith.constant 16 : i32
      %mul3A_2902 = arith.muli %add3A_2885, %mul3A_2901 : i32
      %get3A_2903 = arith.index_cast %mul3A_2902 : i32 to index
      %get3A_2904 = tpu.vector_load %arg5[%get3A_2903] {strides = array<i32>} : memref<512xi32, #tpu.memory_space<vmem>>, vector<16xi32>,
      %and3A_2905 = arith.constant 127 : i32
      %and3A_2906 = vector.broadcast %and3A_2905 : i32 to vector<16xi32>
      %and3A_2907 = arith.andi %get3A_2904, %and3A_2906 : vector<16xi32>
      %iota3A_2908 = tpu.iota {dimensions = array<i32: 0>} : vector<16xi32>
      %mul3A_2909 = arith.constant 128 : i32
      %mul3A_2910 = vector.broadcast %mul3A_2909 : i32 to vector<16xi32>
      %mul3A_2911 = arith.muli %iota3A_2908, %mul3A_2910 : vector<16xi32>
      %add3A_2912 = arith.addi %mul3A_2911, %and3A_2907 : vector<16xi32>
      %broadcast_in_dim3A_2913 = arith.constant 2 : i32
      %broadcast_in_dim3A_2914 = vector.broadcast %broadcast_in_dim3A_2913 : i32 to vector<16xi32>
      %broadcast_in_dim3A_2915 = arith.constant 0 : i32
      %broadcast_in_dim3A_2916 = vector.broadcast %broadcast_in_dim3A_2915 : i32 to vector<16xi32>
      %gather3A_2917 = tpu.vector_load_idx %arg6[%broadcast_in_dim3A_2914, %broadcast_in_dim3A_2916, %add3A_2912] : memref<3x16x2048xf32, #tpu.memory_space<vmem>>[vector<16xi32>, vector<16xi32>, vector<16xi32>], vector<16xf32>,
      %mul3A_2918 = arith.constant 16 : i32
      %mul3A_2919 = arith.muli %add3A_2885, %mul3A_2918 : i32
      %swap3A_2920 = arith.constant 0 : i32
      %swap3A_2921 = arith.index_cast %swap3A_2920 : i32 to index
      %swap3A_2922 = arith.index_cast %mul3A_2919 : i32 to index
      %swap3A_2923 = tpu.vector_load %arg7[%swap3A_2921, %swap3A_2922] {strides = array<i32>} : memref<16x512xf32, #tpu.memory_space<vmem>>, vector<16xf32>,
      tpu.vector_store %arg7[%swap3A_2921, %swap3A_2922], %gather3A_2917 {strides = array<i32>} : memref<16x512xf32, #tpu.memory_space<vmem>>, vector<16xf32>,
      %broadcast_in_dim3A_2924 = arith.constant 1 : i32
      %broadcast_in_dim3A_2925 = vector.broadcast %broadcast_in_dim3A_2924 : i32 to vector<16xi32>
      %gather3A_2926 = tpu.vector_load_idx %arg6[%broadcast_in_dim3A_2914, %broadcast_in_dim3A_2925, %add3A_2912] : memref<3x16x2048xf32, #tpu.memory_space<vmem>>[vector<16xi32>, vector<16xi32>, vector<16xi32>], vector<16xf32>,
      %mul3A_2927 = arith.constant 16 : i32
      %mul3A_2928 = arith.muli %add3A_2885, %mul3A_2927 : i32
      %swap3A_2929 = arith.constant 1 : i32
      %swap3A_2930 = arith.index_cast %swap3A_2929 : i32 to index
      %swap3A_2931 = arith.index_cast %mul3A_2928 : i32 to index
      %swap3A_2932 = tpu.vector_load %arg7[%swap3A_2930, %swap3A_2931] {strides = array<i32>} : memref<16x512xf32, #tpu.memory_space<vmem>>, vector<16xf32>,
      tpu.vector_store %arg7[%swap3A_2930, %swap3A_2931], %gather3A_2926 {strides = array<i32>} : memref<16x512xf32, #tpu.memory_space<vmem>>, vector<16xf32>,
      %broadcast_in_dim3A_2933 = arith.constant 2 : i32
      %broadcast_in_dim3A_2934 = vector.broadcast %broadcast_in_dim3A_2933 : i32 to vector<16xi32>
      %gather3A_2935 = tpu.vector_load_idx %arg6[%broadcast_in_dim3A_2914, %broadcast_in_dim3A_2934, %add3A_2912] : memref<3x16x2048xf32, #tpu.memory_space<vmem>>[vector<16xi32>, vector<16xi32>, vector<16xi32>], vector<16xf32>,
      %mul3A_2936 = arith.constant 16 : i32
      %mul3A_2937 = arith.muli %add3A_2885, %mul3A_2936 : i32
      %swap3A_2938 = arith.constant 2 : i32
      %swap3A_2939 = arith.index_cast %swap3A_2938 : i32 to index
      %swap3A_2940 = arith.index_cast %mul3A_2937 : i32 to index
      %swap3A_2941 = tpu.vector_load %arg7[%swap3A_2939, %swap3A_2940] {strides = array<i32>} : memref<16x512xf32, #tpu.memory_space<vmem>>, vector<16xf32>,
      tpu.vector_store %arg7[%swap3A_2939, %swap3A_2940], %gather3A_2935 {strides = array<i32>} : memref<16x512xf32, #tpu.memory_space<vmem>>, vector<16xf32>,
      %broadcast_in_dim3A_2942 = arith.constant 3 : i32
      %broadcast_in_dim3A_2943 = vector.broadcast %broadcast_in_dim3A_2942 : i32 to vector<16xi32>
      %gather3A_2944 = tpu.vector_load_idx %arg6[%broadcast_in_dim3A_2914, %broadcast_in_dim3A_2943, %add3A_2912] : memref<3x16x2048xf32, #tpu.memory_space<vmem>>[vector<16xi32>, vector<16xi32>, vector<16xi32>], vector<16xf32>,
      %mul3A_2945 = arith.constant 16 : i32
      %mul3A_2946 = arith.muli %add3A_2885, %mul3A_2945 : i32
      %swap3A_2947 = arith.constant 3 : i32
      %swap3A_2948 = arith.index_cast %swap3A_2947 : i32 to index
      %swap3A_2949 = arith.index_cast %mul3A_2946 : i32 to index
      %swap3A_2950 = tpu.vector_load %arg7[%swap3A_2948, %swap3A_2949] {strides = array<i32>} : memref<16x512xf32, #tpu.memory_space<vmem>>, vector<16xf32>,
      tpu.vector_store %arg7[%swap3A_2948, %swap3A_2949], %gather3A_2944 {strides = array<i32>} : memref<16x512xf32, #tpu.memory_space<vmem>>, vector<16xf32>,
      %broadcast_in_dim3A_2951 = arith.constant 4 : i32
      %broadcast_in_dim3A_2952 = vector.broadcast %broadcast_in_dim3A_2951 : i32 to vector<16xi32>
      %gather3A_2953 = tpu.vector_load_idx %arg6[%broadcast_in_dim3A_2914, %broadcast_in_dim3A_2952, %add3A_2912] : memref<3x16x2048xf32, #tpu.memory_space<vmem>>[vector<16xi32>, vector<16xi32>, vector<16xi32>], vector<16xf32>,
      %mul3A_2954 = arith.constant 16 : i32
      %mul3A_2955 = arith.muli %add3A_2885, %mul3A_2954 : i32
      %swap3A_2956 = arith.constant 4 : i32
      %swap3A_2957 = arith.index_cast %swap3A_2956 : i32 to index
      %swap3A_2958 = arith.index_cast %mul3A_2955 : i32 to index
      %swap3A_2959 = tpu.vector_load %arg7[%swap3A_2957, %swap3A_2958] {strides = array<i32>} : memref<16x512xf32, #tpu.memory_space<vmem>>, vector<16xf32>,
      tpu.vector_store %arg7[%swap3A_2957, %swap3A_2958], %gather3A_2953 {strides = array<i32>} : memref<16x512xf32, #tpu.memory_space<vmem>>, vector<16xf32>,
      %broadcast_in_dim3A_2960 = arith.constant 5 : i32
      %broadcast_in_dim3A_2961 = vector.broadcast %broadcast_in_dim3A_2960 : i32 to vector<16xi32>
      %gather3A_2962 = tpu.vector_load_idx %arg6[%broadcast_in_dim3A_2914, %broadcast_in_dim3A_2961, %add3A_2912] : memref<3x16x2048xf32, #tpu.memory_space<vmem>>[vector<16xi32>, vector<16xi32>, vector<16xi32>], vector<16xf32>,
      %mul3A_2963 = arith.constant 16 : i32
      %mul3A_2964 = arith.muli %add3A_2885, %mul3A_2963 : i32
      %swap3A_2965 = arith.constant 5 : i32
      %swap3A_2966 = arith.index_cast %swap3A_2965 : i32 to index
      %swap3A_2967 = arith.index_cast %mul3A_2964 : i32 to index
      %swap3A_2968 = tpu.vector_load %arg7[%swap3A_2966, %swap3A_2967] {strides = array<i32>} : memref<16x512xf32, #tpu.memory_space<vmem>>, vector<16xf32>,
      tpu.vector_store %arg7[%swap3A_2966, %swap3A_2967], %gather3A_2962 {strides = array<i32>} : memref<16x512xf32, #tpu.memory_space<vmem>>, vector<16xf32>,
      %broadcast_in_dim3A_2969 = arith.constant 6 : i32
      %broadcast_in_dim3A_2970 = vector.broadcast %broadcast_in_dim3A_2969 : i32 to vector<16xi32>
      %gather3A_2971 = tpu.vector_load_idx %arg6[%broadcast_in_dim3A_2914, %broadcast_in_dim3A_2970, %add3A_2912] : memref<3x16x2048xf32, #tpu.memory_space<vmem>>[vector<16xi32>, vector<16xi32>, vector<16xi32>], vector<16xf32>,
      %mul3A_2972 = arith.constant 16 : i32
      %mul3A_2973 = arith.muli %add3A_2885, %mul3A_2972 : i32
      %swap3A_2974 = arith.constant 6 : i32
      %swap3A_2975 = arith.index_cast %swap3A_2974 : i32 to index
      %swap3A_2976 = arith.index_cast %mul3A_2973 : i32 to index
      %swap3A_2977 = tpu.vector_load %arg7[%swap3A_2975, %swap3A_2976] {strides = array<i32>} : memref<16x512xf32, #tpu.memory_space<vmem>>, vector<16xf32>,
      tpu.vector_store %arg7[%swap3A_2975, %swap3A_2976], %gather3A_2971 {strides = array<i32>} : memref<16x512xf32, #tpu.memory_space<vmem>>, vector<16xf32>,
      %broadcast_in_dim3A_2978 = arith.constant 7 : i32
      %broadcast_in_dim3A_2979 = vector.broadcast %broadcast_in_dim3A_2978 : i32 to vector<16xi32>
      %gather3A_2980 = tpu.vector_load_idx %arg6[%broadcast_in_dim3A_2914, %broadcast_in_dim3A_2979, %add3A_2912] : memref<3x16x2048xf32, #tpu.memory_space<vmem>>[vector<16xi32>, vector<16xi32>, vector<16xi32>], vector<16xf32>,
      %mul3A_2981 = arith.constant 16 : i32
      %mul3A_2982 = arith.muli %add3A_2885, %mul3A_2981 : i32
      %swap3A_2983 = arith.constant 7 : i32
      %swap3A_2984 = arith.index_cast %swap3A_2983 : i32 to index
      %swap3A_2985 = arith.index_cast %mul3A_2982 : i32 to index
      %swap3A_2986 = tpu.vector_load %arg7[%swap3A_2984, %swap3A_2985] {strides = array<i32>} : memref<16x512xf32, #tpu.memory_space<vmem>>, vector<16xf32>,
      tpu.vector_store %arg7[%swap3A_2984, %swap3A_2985], %gather3A_2980 {strides = array<i32>} : memref<16x512xf32, #tpu.memory_space<vmem>>, vector<16xf32>,
      %broadcast_in_dim3A_2987 = arith.constant 8 : i32
      %broadcast_in_dim3A_2988 = vector.broadcast %broadcast_in_dim3A_2987 : i32 to vector<16xi32>
      %gather3A_2989 = tpu.vector_load_idx %arg6[%broadcast_in_dim3A_2914, %broadcast_in_dim3A_2988, %add3A_2912] : memref<3x16x2048xf32, #tpu.memory_space<vmem>>[vector<16xi32>, vector<16xi32>, vector<16xi32>], vector<16xf32>,
      %mul3A_2990 = arith.constant 16 : i32
      %mul3A_2991 = arith.muli %add3A_2885, %mul3A_2990 : i32
      %swap3A_2992 = arith.constant 8 : i32
      %swap3A_2993 = arith.index_cast %swap3A_2992 : i32 to index
      %swap3A_2994 = arith.index_cast %mul3A_2991 : i32 to index
      %swap3A_2995 = tpu.vector_load %arg7[%swap3A_2993, %swap3A_2994] {strides = array<i32>} : memref<16x512xf32, #tpu.memory_space<vmem>>, vector<16xf32>,
      tpu.vector_store %arg7[%swap3A_2993, %swap3A_2994], %gather3A_2989 {strides = array<i32>} : memref<16x512xf32, #tpu.memory_space<vmem>>, vector<16xf32>,
      %broadcast_in_dim3A_2996 = arith.constant 9 : i32
      %broadcast_in_dim3A_2997 = vector.broadcast %broadcast_in_dim3A_2996 : i32 to vector<16xi32>
      %gather3A_2998 = tpu.vector_load_idx %arg6[%broadcast_in_dim3A_2914, %broadcast_in_dim3A_2997, %add3A_2912] : memref<3x16x2048xf32, #tpu.memory_space<vmem>>[vector<16xi32>, vector<16xi32>, vector<16xi32>], vector<16xf32>,
      %mul3A_2999 = arith.constant 16 : i32
      %mul3A_3000 = arith.muli %add3A_2885, %mul3A_2999 : i32
      %swap3A_3001 = arith.constant 9 : i32
      %swap3A_3002 = arith.index_cast %swap3A_3001 : i32 to index
      %swap3A_3003 = arith.index_cast %mul3A_3000 : i32 to index
      %swap3A_3004 = tpu.vector_load %arg7[%swap3A_3002, %swap3A_3003] {strides = array<i32>} : memref<16x512xf32, #tpu.memory_space<vmem>>, vector<16xf32>,
      tpu.vector_store %arg7[%swap3A_3002, %swap3A_3003], %gather3A_2998 {strides = array<i32>} : memref<16x512xf32, #tpu.memory_space<vmem>>, vector<16xf32>,
      %broadcast_in_dim3A_3005 = arith.constant 10 : i32
      %broadcast_in_dim3A_3006 = vector.broadcast %broadcast_in_dim3A_3005 : i32 to vector<16xi32>
      %gather3A_3007 = tpu.vector_load_idx %arg6[%broadcast_in_dim3A_2914, %broadcast_in_dim3A_3006, %add3A_2912] : memref<3x16x2048xf32, #tpu.memory_space<vmem>>[vector<16xi32>, vector<16xi32>, vector<16xi32>], vector<16xf32>,
      %mul3A_3008 = arith.constant 16 : i32
      %mul3A_3009 = arith.muli %add3A_2885, %mul3A_3008 : i32
      %swap3A_3010 = arith.constant 10 : i32
      %swap3A_3011 = arith.index_cast %swap3A_3010 : i32 to index
      %swap3A_3012 = arith.index_cast %mul3A_3009 : i32 to index
      %swap3A_3013 = tpu.vector_load %arg7[%swap3A_3011, %swap3A_3012] {strides = array<i32>} : memref<16x512xf32, #tpu.memory_space<vmem>>, vector<16xf32>,
      tpu.vector_store %arg7[%swap3A_3011, %swap3A_3012], %gather3A_3007 {strides = array<i32>} : memref<16x512xf32, #tpu.memory_space<vmem>>, vector<16xf32>,
      %broadcast_in_dim3A_3014 = arith.constant 11 : i32
      %broadcast_in_dim3A_3015 = vector.broadcast %broadcast_in_dim3A_3014 : i32 to vector<16xi32>
      %gather3A_3016 = tpu.vector_load_idx %arg6[%broadcast_in_dim3A_2914, %broadcast_in_dim3A_3015, %add3A_2912] : memref<3x16x2048xf32, #tpu.memory_space<vmem>>[vector<16xi32>, vector<16xi32>, vector<16xi32>], vector<16xf32>,
      %mul3A_3017 = arith.constant 16 : i32
      %mul3A_3018 = arith.muli %add3A_2885, %mul3A_3017 : i32
      %swap3A_3019 = arith.constant 11 : i32
      %swap3A_3020 = arith.index_cast %swap3A_3019 : i32 to index
      %swap3A_3021 = arith.index_cast %mul3A_3018 : i32 to index
      %swap3A_3022 = tpu.vector_load %arg7[%swap3A_3020, %swap3A_3021] {strides = array<i32>} : memref<16x512xf32, #tpu.memory_space<vmem>>, vector<16xf32>,
      tpu.vector_store %arg7[%swap3A_3020, %swap3A_3021], %gather3A_3016 {strides = array<i32>} : memref<16x512xf32, #tpu.memory_space<vmem>>, vector<16xf32>,
      %broadcast_in_dim3A_3023 = arith.constant 12 : i32
      %broadcast_in_dim3A_3024 = vector.broadcast %broadcast_in_dim3A_3023 : i32 to vector<16xi32>
      %gather3A_3025 = tpu.vector_load_idx %arg6[%broadcast_in_dim3A_2914, %broadcast_in_dim3A_3024, %add3A_2912] : memref<3x16x2048xf32, #tpu.memory_space<vmem>>[vector<16xi32>, vector<16xi32>, vector<16xi32>], vector<16xf32>,
      %mul3A_3026 = arith.constant 16 : i32
      %mul3A_3027 = arith.muli %add3A_2885, %mul3A_3026 : i32
      %swap3A_3028 = arith.constant 12 : i32
      %swap3A_3029 = arith.index_cast %swap3A_3028 : i32 to index
      %swap3A_3030 = arith.index_cast %mul3A_3027 : i32 to index
      %swap3A_3031 = tpu.vector_load %arg7[%swap3A_3029, %swap3A_3030] {strides = array<i32>} : memref<16x512xf32, #tpu.memory_space<vmem>>, vector<16xf32>,
      tpu.vector_store %arg7[%swap3A_3029, %swap3A_3030], %gather3A_3025 {strides = array<i32>} : memref<16x512xf32, #tpu.memory_space<vmem>>, vector<16xf32>,
      %broadcast_in_dim3A_3032 = arith.constant 13 : i32
      %broadcast_in_dim3A_3033 = vector.broadcast %broadcast_in_dim3A_3032 : i32 to vector<16xi32>
      %gather3A_3034 = tpu.vector_load_idx %arg6[%broadcast_in_dim3A_2914, %broadcast_in_dim3A_3033, %add3A_2912] : memref<3x16x2048xf32, #tpu.memory_space<vmem>>[vector<16xi32>, vector<16xi32>, vector<16xi32>], vector<16xf32>,
      %mul3A_3035 = arith.constant 16 : i32
      %mul3A_3036 = arith.muli %add3A_2885, %mul3A_3035 : i32
      %swap3A_3037 = arith.constant 13 : i32
      %swap3A_3038 = arith.index_cast %swap3A_3037 : i32 to index
      %swap3A_3039 = arith.index_cast %mul3A_3036 : i32 to index
      %swap3A_3040 = tpu.vector_load %arg7[%swap3A_3038, %swap3A_3039] {strides = array<i32>} : memref<16x512xf32, #tpu.memory_space<vmem>>, vector<16xf32>,
      tpu.vector_store %arg7[%swap3A_3038, %swap3A_3039], %gather3A_3034 {strides = array<i32>} : memref<16x512xf32, #tpu.memory_space<vmem>>, vector<16xf32>,
      %broadcast_in_dim3A_3041 = arith.constant 14 : i32
      %broadcast_in_dim3A_3042 = vector.broadcast %broadcast_in_dim3A_3041 : i32 to vector<16xi32>
      %gather3A_3043 = tpu.vector_load_idx %arg6[%broadcast_in_dim3A_2914, %broadcast_in_dim3A_3042, %add3A_2912] : memref<3x16x2048xf32, #tpu.memory_space<vmem>>[vector<16xi32>, vector<16xi32>, vector<16xi32>], vector<16xf32>,
      %mul3A_3044 = arith.constant 16 : i32
      %mul3A_3045 = arith.muli %add3A_2885, %mul3A_3044 : i32
      %swap3A_3046 = arith.constant 14 : i32
      %swap3A_3047 = arith.index_cast %swap3A_3046 : i32 to index
      %swap3A_3048 = arith.index_cast %mul3A_3045 : i32 to index
      %swap3A_3049 = tpu.vector_load %arg7[%swap3A_3047, %swap3A_3048] {strides = array<i32>} : memref<16x512xf32, #tpu.memory_space<vmem>>, vector<16xf32>,
      tpu.vector_store %arg7[%swap3A_3047, %swap3A_3048], %gather3A_3043 {strides = array<i32>} : memref<16x512xf32, #tpu.memory_space<vmem>>, vector<16xf32>,
      %broadcast_in_dim3A_3050 = arith.constant 15 : i32
      %broadcast_in_dim3A_3051 = vector.broadcast %broadcast_in_dim3A_3050 : i32 to vector<16xi32>
      %gather3A_3052 = tpu.vector_load_idx %arg6[%broadcast_in_dim3A_2914, %broadcast_in_dim3A_3051, %add3A_2912] : memref<3x16x2048xf32, #tpu.memory_space<vmem>>[vector<16xi32>, vector<16xi32>, vector<16xi32>], vector<16xf32>,
      %mul3A_3053 = arith.constant 16 : i32
      %mul3A_3054 = arith.muli %add3A_2885, %mul3A_3053 : i32
      %swap3A_3055 = arith.constant 15 : i32
      %swap3A_3056 = arith.index_cast %swap3A_3055 : i32 to index
      %swap3A_3057 = arith.index_cast %mul3A_3054 : i32 to index
      %swap3A_3058 = tpu.vector_load %arg7[%swap3A_3056, %swap3A_3057] {strides = array<i32>} : memref<16x512xf32, #tpu.memory_space<vmem>>, vector<16xf32>,
      tpu.vector_store %arg7[%swap3A_3056, %swap3A_3057], %gather3A_3052 {strides = array<i32>} : memref<16x512xf32, #tpu.memory_space<vmem>>, vector<16xf32>,
      %add3A_3059 = arith.constant 3 : i32
      %add3A_3060 = arith.addi %add3A_2885, %add3A_3059 : i32
      %mul3A_3061 = arith.constant 16 : i32
      %mul3A_3062 = arith.muli %add3A_3060, %mul3A_3061 : i32
      %get3A_3063 = arith.index_cast %mul3A_3062 : i32 to index
      %get3A_3064 = tpu.vector_load %arg5[%get3A_3063] {strides = array<i32>} : memref<512xi32, #tpu.memory_space<vmem>>, vector<16xi32>,
      %and3A_3065 = arith.constant -128 : i32
      %and3A_3066 = vector.broadcast %and3A_3065 : i32 to vector<16xi32>
      %and3A_3067 = arith.andi %get3A_3064, %and3A_3066 : vector<16xi32>
      %slice3A_3068 = vector.extract_strided_slice %and3A_3067 {offsets = [0], sizes = [1], strides = [1]} : vector<16xi32> to vector<1xi32>
      %squeeze3A_3069 = vector.extract %slice3A_3068[0] : i32 from vector<1xi32>
      %multiple_of3A_3070 = tpu.assume_multiple %squeeze3A_3069, 128 : i32
      %dma_start3A_3071 = arith.constant 2 : i32
      %dma_start3A_3072 = arith.constant 0 : i32
      %dma_start3A_3073 = arith.constant 0 : i32
      %dma_start3A_3074 = tpu.memref_slice %arg6[%dma_start3A_3071, %dma_start3A_3072, %dma_start3A_3073] : memref<3x16x2048xf32, #tpu.memory_space<vmem>> -> memref<1x16x128xf32, #tpu.memory_space<vmem>>
      %dma_start3A_3075 = tpu.memref_squeeze %dma_start3A_3074 : memref<1x16x128xf32, #tpu.memory_space<vmem>> -> memref<16x128xf32, #tpu.memory_space<vmem>>
      %dma_start3A_3076 = arith.constant 0 : i32
      %dma_start3A_3077 = tpu.memref_slice %arg2[%dma_start3A_3076, %multiple_of3A_3070] : memref<16x1000000xf32, #tpu.memory_space<hbm>> -> memref<16x128xf32, #tpu.memory_space<hbm>>
      %dma_start3A_3078 = arith.constant 0 : i32
      %dma_start3A_3079 = arith.constant 0 : i32
      %dma_start3A_3080 = tpu.memref_slice %arg6[%dma_start3A_3071, %dma_start3A_3078, %dma_start3A_3079] : memref<3x16x2048xf32, #tpu.memory_space<vmem>> -> memref<1x16x128xf32, #tpu.memory_space<vmem>>
      %dma_start3A_3081 = tpu.memref_squeeze %dma_start3A_3080 : memref<1x16x128xf32, #tpu.memory_space<vmem>> -> memref<16x128xf32, #tpu.memory_space<vmem>>
      %dma_start3A_3082 = arith.constant 0 : i32
      %dma_start3A_3083 = tpu.memref_slice %arg2[%dma_start3A_3082, %multiple_of3A_3070] : memref<16x1000000xf32, #tpu.memory_space<hbm>> -> memref<16x128xf32, #tpu.memory_space<hbm>>
      tpu.enqueue_dma source(%dma_start3A_3083 : memref<16x128xf32, #tpu.memory_space<hbm>>) target(%dma_start3A_3081 : memref<16x128xf32, #tpu.memory_space<vmem>>) target_semaphore(%arg10 : memref<!tpu.dma_semaphore, #tpu.memory_space<semaphore_mem>>)
      %slice3A_3084 = vector.extract_strided_slice %and3A_3067 {offsets = [1], sizes = [1], strides = [1]} : vector<16xi32> to vector<1xi32>
      %squeeze3A_3085 = vector.extract %slice3A_3084[0] : i32 from vector<1xi32>
      %multiple_of3A_3086 = tpu.assume_multiple %squeeze3A_3085, 128 : i32
      %dma_start3A_3087 = arith.constant 2 : i32
      %dma_start3A_3088 = arith.constant 0 : i32
      %dma_start3A_3089 = arith.constant 128 : i32
      %dma_start3A_3090 = tpu.memref_slice %arg6[%dma_start3A_3087, %dma_start3A_3088, %dma_start3A_3089] : memref<3x16x2048xf32, #tpu.memory_space<vmem>> -> memref<1x16x128xf32, #tpu.memory_space<vmem>>
      %dma_start3A_3091 = tpu.memref_squeeze %dma_start3A_3090 : memref<1x16x128xf32, #tpu.memory_space<vmem>> -> memref<16x128xf32, #tpu.memory_space<vmem>>
      %dma_start3A_3092 = arith.constant 0 : i32
      %dma_start3A_3093 = tpu.memref_slice %arg2[%dma_start3A_3092, %multiple_of3A_3086] : memref<16x1000000xf32, #tpu.memory_space<hbm>> -> memref<16x128xf32, #tpu.memory_space<hbm>>
      %dma_start3A_3094 = arith.constant 0 : i32
      %dma_start3A_3095 = arith.constant 128 : i32
      %dma_start3A_3096 = tpu.memref_slice %arg6[%dma_start3A_3087, %dma_start3A_3094, %dma_start3A_3095] : memref<3x16x2048xf32, #tpu.memory_space<vmem>> -> memref<1x16x128xf32, #tpu.memory_space<vmem>>
      %dma_start3A_3097 = tpu.memref_squeeze %dma_start3A_3096 : memref<1x16x128xf32, #tpu.memory_space<vmem>> -> memref<16x128xf32, #tpu.memory_space<vmem>>
      %dma_start3A_3098 = arith.constant 0 : i32
      %dma_start3A_3099 = tpu.memref_slice %arg2[%dma_start3A_3098, %multiple_of3A_3086] : memref<16x1000000xf32, #tpu.memory_space<hbm>> -> memref<16x128xf32, #tpu.memory_space<hbm>>
      tpu.enqueue_dma source(%dma_start3A_3099 : memref<16x128xf32, #tpu.memory_space<hbm>>) target(%dma_start3A_3097 : memref<16x128xf32, #tpu.memory_space<vmem>>) target_semaphore(%arg10 : memref<!tpu.dma_semaphore, #tpu.memory_space<semaphore_mem>>)
      %slice3A_3100 = vector.extract_strided_slice %and3A_3067 {offsets = [2], sizes = [1], strides = [1]} : vector<16xi32> to vector<1xi32>
      %squeeze3A_3101 = vector.extract %slice3A_3100[0] : i32 from vector<1xi32>
      %multiple_of3A_3102 = tpu.assume_multiple %squeeze3A_3101, 128 : i32
      %dma_start3A_3103 = arith.constant 2 : i32
      %dma_start3A_3104 = arith.constant 0 : i32
      %dma_start3A_3105 = arith.constant 256 : i32
      %dma_start3A_3106 = tpu.memref_slice %arg6[%dma_start3A_3103, %dma_start3A_3104, %dma_start3A_3105] : memref<3x16x2048xf32, #tpu.memory_space<vmem>> -> memref<1x16x128xf32, #tpu.memory_space<vmem>>
      %dma_start3A_3107 = tpu.memref_squeeze %dma_start3A_3106 : memref<1x16x128xf32, #tpu.memory_space<vmem>> -> memref<16x128xf32, #tpu.memory_space<vmem>>
      %dma_start3A_3108 = arith.constant 0 : i32
      %dma_start3A_3109 = tpu.memref_slice %arg2[%dma_start3A_3108, %multiple_of3A_3102] : memref<16x1000000xf32, #tpu.memory_space<hbm>> -> memref<16x128xf32, #tpu.memory_space<hbm>>
      %dma_start3A_3110 = arith.constant 0 : i32
      %dma_start3A_3111 = arith.constant 256 : i32
      %dma_start3A_3112 = tpu.memref_slice %arg6[%dma_start3A_3103, %dma_start3A_3110, %dma_start3A_3111] : memref<3x16x2048xf32, #tpu.memory_space<vmem>> -> memref<1x16x128xf32, #tpu.memory_space<vmem>>
      %dma_start3A_3113 = tpu.memref_squeeze %dma_start3A_3112 : memref<1x16x128xf32, #tpu.memory_space<vmem>> -> memref<16x128xf32, #tpu.memory_space<vmem>>
      %dma_start3A_3114 = arith.constant 0 : i32
      %dma_start3A_3115 = tpu.memref_slice %arg2[%dma_start3A_3114, %multiple_of3A_3102] : memref<16x1000000xf32, #tpu.memory_space<hbm>> -> memref<16x128xf32, #tpu.memory_space<hbm>>
      tpu.enqueue_dma source(%dma_start3A_3115 : memref<16x128xf32, #tpu.memory_space<hbm>>) target(%dma_start3A_3113 : memref<16x128xf32, #tpu.memory_space<vmem>>) target_semaphore(%arg10 : memref<!tpu.dma_semaphore, #tpu.memory_space<semaphore_mem>>)
      %slice3A_3116 = vector.extract_strided_slice %and3A_3067 {offsets = [3], sizes = [1], strides = [1]} : vector<16xi32> to vector<1xi32>
      %squeeze3A_3117 = vector.extract %slice3A_3116[0] : i32 from vector<1xi32>
      %multiple_of3A_3118 = tpu.assume_multiple %squeeze3A_3117, 128 : i32
      %dma_start3A_3119 = arith.constant 2 : i32
      %dma_start3A_3120 = arith.constant 0 : i32
      %dma_start3A_3121 = arith.constant 384 : i32
      %dma_start3A_3122 = tpu.memref_slice %arg6[%dma_start3A_3119, %dma_start3A_3120, %dma_start3A_3121] : memref<3x16x2048xf32, #tpu.memory_space<vmem>> -> memref<1x16x128xf32, #tpu.memory_space<vmem>>
      %dma_start3A_3123 = tpu.memref_squeeze %dma_start3A_3122 : memref<1x16x128xf32, #tpu.memory_space<vmem>> -> memref<16x128xf32, #tpu.memory_space<vmem>>
      %dma_start3A_3124 = arith.constant 0 : i32
      %dma_start3A_3125 = tpu.memref_slice %arg2[%dma_start3A_3124, %multiple_of3A_3118] : memref<16x1000000xf32, #tpu.memory_space<hbm>> -> memref<16x128xf32, #tpu.memory_space<hbm>>
      %dma_start3A_3126 = arith.constant 0 : i32
      %dma_start3A_3127 = arith.constant 384 : i32
      %dma_start3A_3128 = tpu.memref_slice %arg6[%dma_start3A_3119, %dma_start3A_3126, %dma_start3A_3127] : memref<3x16x2048xf32, #tpu.memory_space<vmem>> -> memref<1x16x128xf32, #tpu.memory_space<vmem>>
      %dma_start3A_3129 = tpu.memref_squeeze %dma_start3A_3128 : memref<1x16x128xf32, #tpu.memory_space<vmem>> -> memref<16x128xf32, #tpu.memory_space<vmem>>
      %dma_start3A_3130 = arith.constant 0 : i32
      %dma_start3A_3131 = tpu.memref_slice %arg2[%dma_start3A_3130, %multiple_of3A_3118] : memref<16x1000000xf32, #tpu.memory_space<hbm>> -> memref<16x128xf32, #tpu.memory_space<hbm>>
      tpu.enqueue_dma source(%dma_start3A_3131 : memref<16x128xf32, #tpu.memory_space<hbm>>) target(%dma_start3A_3129 : memref<16x128xf32, #tpu.memory_space<vmem>>) target_semaphore(%arg10 : memref<!tpu.dma_semaphore, #tpu.memory_space<semaphore_mem>>)
      %slice3A_3132 = vector.extract_strided_slice %and3A_3067 {offsets = [4], sizes = [1], strides = [1]} : vector<16xi32> to vector<1xi32>
      %squeeze3A_3133 = vector.extract %slice3A_3132[0] : i32 from vector<1xi32>
      %multiple_of3A_3134 = tpu.assume_multiple %squeeze3A_3133, 128 : i32
      %dma_start3A_3135 = arith.constant 2 : i32
      %dma_start3A_3136 = arith.constant 0 : i32
      %dma_start3A_3137 = arith.constant 512 : i32
      %dma_start3A_3138 = tpu.memref_slice %arg6[%dma_start3A_3135, %dma_start3A_3136, %dma_start3A_3137] : memref<3x16x2048xf32, #tpu.memory_space<vmem>> -> memref<1x16x128xf32, #tpu.memory_space<vmem>>
      %dma_start3A_3139 = tpu.memref_squeeze %dma_start3A_3138 : memref<1x16x128xf32, #tpu.memory_space<vmem>> -> memref<16x128xf32, #tpu.memory_space<vmem>>
      %dma_start3A_3140 = arith.constant 0 : i32
      %dma_start3A_3141 = tpu.memref_slice %arg2[%dma_start3A_3140, %multiple_of3A_3134] : memref<16x1000000xf32, #tpu.memory_space<hbm>> -> memref<16x128xf32, #tpu.memory_space<hbm>>
      %dma_start3A_3142 = arith.constant 0 : i32
      %dma_start3A_3143 = arith.constant 512 : i32
      %dma_start3A_3144 = tpu.memref_slice %arg6[%dma_start3A_3135, %dma_start3A_3142, %dma_start3A_3143] : memref<3x16x2048xf32, #tpu.memory_space<vmem>> -> memref<1x16x128xf32, #tpu.memory_space<vmem>>
      %dma_start3A_3145 = tpu.memref_squeeze %dma_start3A_3144 : memref<1x16x128xf32, #tpu.memory_space<vmem>> -> memref<16x128xf32, #tpu.memory_space<vmem>>
      %dma_start3A_3146 = arith.constant 0 : i32
      %dma_start3A_3147 = tpu.memref_slice %arg2[%dma_start3A_3146, %multiple_of3A_3134] : memref<16x1000000xf32, #tpu.memory_space<hbm>> -> memref<16x128xf32, #tpu.memory_space<hbm>>
      tpu.enqueue_dma source(%dma_start3A_3147 : memref<16x128xf32, #tpu.memory_space<hbm>>) target(%dma_start3A_3145 : memref<16x128xf32, #tpu.memory_space<vmem>>) target_semaphore(%arg10 : memref<!tpu.dma_semaphore, #tpu.memory_space<semaphore_mem>>)
      %slice3A_3148 = vector.extract_strided_slice %and3A_3067 {offsets = [5], sizes = [1], strides = [1]} : vector<16xi32> to vector<1xi32>
      %squeeze3A_3149 = vector.extract %slice3A_3148[0] : i32 from vector<1xi32>
      %multiple_of3A_3150 = tpu.assume_multiple %squeeze3A_3149, 128 : i32
      %dma_start3A_3151 = arith.constant 2 : i32
      %dma_start3A_3152 = arith.constant 0 : i32
      %dma_start3A_3153 = arith.constant 640 : i32
      %dma_start3A_3154 = tpu.memref_slice %arg6[%dma_start3A_3151, %dma_start3A_3152, %dma_start3A_3153] : memref<3x16x2048xf32, #tpu.memory_space<vmem>> -> memref<1x16x128xf32, #tpu.memory_space<vmem>>
      %dma_start3A_3155 = tpu.memref_squeeze %dma_start3A_3154 : memref<1x16x128xf32, #tpu.memory_space<vmem>> -> memref<16x128xf32, #tpu.memory_space<vmem>>
      %dma_start3A_3156 = arith.constant 0 : i32
      %dma_start3A_3157 = tpu.memref_slice %arg2[%dma_start3A_3156, %multiple_of3A_3150] : memref<16x1000000xf32, #tpu.memory_space<hbm>> -> memref<16x128xf32, #tpu.memory_space<hbm>>
      %dma_start3A_3158 = arith.constant 0 : i32
      %dma_start3A_3159 = arith.constant 640 : i32
      %dma_start3A_3160 = tpu.memref_slice %arg6[%dma_start3A_3151, %dma_start3A_3158, %dma_start3A_3159] : memref<3x16x2048xf32, #tpu.memory_space<vmem>> -> memref<1x16x128xf32, #tpu.memory_space<vmem>>
      %dma_start3A_3161 = tpu.memref_squeeze %dma_start3A_3160 : memref<1x16x128xf32, #tpu.memory_space<vmem>> -> memref<16x128xf32, #tpu.memory_space<vmem>>
      %dma_start3A_3162 = arith.constant 0 : i32
      %dma_start3A_3163 = tpu.memref_slice %arg2[%dma_start3A_3162, %multiple_of3A_3150] : memref<16x1000000xf32, #tpu.memory_space<hbm>> -> memref<16x128xf32, #tpu.memory_space<hbm>>
      tpu.enqueue_dma source(%dma_start3A_3163 : memref<16x128xf32, #tpu.memory_space<hbm>>) target(%dma_start3A_3161 : memref<16x128xf32, #tpu.memory_space<vmem>>) target_semaphore(%arg10 : memref<!tpu.dma_semaphore, #tpu.memory_space<semaphore_mem>>)
      %slice3A_3164 = vector.extract_strided_slice %and3A_3067 {offsets = [6], sizes = [1], strides = [1]} : vector<16xi32> to vector<1xi32>
      %squeeze3A_3165 = vector.extract %slice3A_3164[0] : i32 from vector<1xi32>
      %multiple_of3A_3166 = tpu.assume_multiple %squeeze3A_3165, 128 : i32
      %dma_start3A_3167 = arith.constant 2 : i32
      %dma_start3A_3168 = arith.constant 0 : i32
      %dma_start3A_3169 = arith.constant 768 : i32
      %dma_start3A_3170 = tpu.memref_slice %arg6[%dma_start3A_3167, %dma_start3A_3168, %dma_start3A_3169] : memref<3x16x2048xf32, #tpu.memory_space<vmem>> -> memref<1x16x128xf32, #tpu.memory_space<vmem>>
      %dma_start3A_3171 = tpu.memref_squeeze %dma_start3A_3170 : memref<1x16x128xf32, #tpu.memory_space<vmem>> -> memref<16x128xf32, #tpu.memory_space<vmem>>
      %dma_start3A_3172 = arith.constant 0 : i32
      %dma_start3A_3173 = tpu.memref_slice %arg2[%dma_start3A_3172, %multiple_of3A_3166] : memref<16x1000000xf32, #tpu.memory_space<hbm>> -> memref<16x128xf32, #tpu.memory_space<hbm>>
      %dma_start3A_3174 = arith.constant 0 : i32
      %dma_start3A_3175 = arith.constant 768 : i32
      %dma_start3A_3176 = tpu.memref_slice %arg6[%dma_start3A_3167, %dma_start3A_3174, %dma_start3A_3175] : memref<3x16x2048xf32, #tpu.memory_space<vmem>> -> memref<1x16x128xf32, #tpu.memory_space<vmem>>
      %dma_start3A_3177 = tpu.memref_squeeze %dma_start3A_3176 : memref<1x16x128xf32, #tpu.memory_space<vmem>> -> memref<16x128xf32, #tpu.memory_space<vmem>>
      %dma_start3A_3178 = arith.constant 0 : i32
      %dma_start3A_3179 = tpu.memref_slice %arg2[%dma_start3A_3178, %multiple_of3A_3166] : memref<16x1000000xf32, #tpu.memory_space<hbm>> -> memref<16x128xf32, #tpu.memory_space<hbm>>
      tpu.enqueue_dma source(%dma_start3A_3179 : memref<16x128xf32, #tpu.memory_space<hbm>>) target(%dma_start3A_3177 : memref<16x128xf32, #tpu.memory_space<vmem>>) target_semaphore(%arg10 : memref<!tpu.dma_semaphore, #tpu.memory_space<semaphore_mem>>)
      %slice3A_3180 = vector.extract_strided_slice %and3A_3067 {offsets = [7], sizes = [1], strides = [1]} : vector<16xi32> to vector<1xi32>
      %squeeze3A_3181 = vector.extract %slice3A_3180[0] : i32 from vector<1xi32>
      %multiple_of3A_3182 = tpu.assume_multiple %squeeze3A_3181, 128 : i32
      %dma_start3A_3183 = arith.constant 2 : i32
      %dma_start3A_3184 = arith.constant 0 : i32
      %dma_start3A_3185 = arith.constant 896 : i32
      %dma_start3A_3186 = tpu.memref_slice %arg6[%dma_start3A_3183, %dma_start3A_3184, %dma_start3A_3185] : memref<3x16x2048xf32, #tpu.memory_space<vmem>> -> memref<1x16x128xf32, #tpu.memory_space<vmem>>
      %dma_start3A_3187 = tpu.memref_squeeze %dma_start3A_3186 : memref<1x16x128xf32, #tpu.memory_space<vmem>> -> memref<16x128xf32, #tpu.memory_space<vmem>>
      %dma_start3A_3188 = arith.constant 0 : i32
      %dma_start3A_3189 = tpu.memref_slice %arg2[%dma_start3A_3188, %multiple_of3A_3182] : memref<16x1000000xf32, #tpu.memory_space<hbm>> -> memref<16x128xf32, #tpu.memory_space<hbm>>
      %dma_start3A_3190 = arith.constant 0 : i32
      %dma_start3A_3191 = arith.constant 896 : i32
      %dma_start3A_3192 = tpu.memref_slice %arg6[%dma_start3A_3183, %dma_start3A_3190, %dma_start3A_3191] : memref<3x16x2048xf32, #tpu.memory_space<vmem>> -> memref<1x16x128xf32, #tpu.memory_space<vmem>>
      %dma_start3A_3193 = tpu.memref_squeeze %dma_start3A_3192 : memref<1x16x128xf32, #tpu.memory_space<vmem>> -> memref<16x128xf32, #tpu.memory_space<vmem>>
      %dma_start3A_3194 = arith.constant 0 : i32
      %dma_start3A_3195 = tpu.memref_slice %arg2[%dma_start3A_3194, %multiple_of3A_3182] : memref<16x1000000xf32, #tpu.memory_space<hbm>> -> memref<16x128xf32, #tpu.memory_space<hbm>>
      tpu.enqueue_dma source(%dma_start3A_3195 : memref<16x128xf32, #tpu.memory_space<hbm>>) target(%dma_start3A_3193 : memref<16x128xf32, #tpu.memory_space<vmem>>) target_semaphore(%arg10 : memref<!tpu.dma_semaphore, #tpu.memory_space<semaphore_mem>>)
      %slice3A_3196 = vector.extract_strided_slice %and3A_3067 {offsets = [8], sizes = [1], strides = [1]} : vector<16xi32> to vector<1xi32>
      %squeeze3A_3197 = vector.extract %slice3A_3196[0] : i32 from vector<1xi32>
      %multiple_of3A_3198 = tpu.assume_multiple %squeeze3A_3197, 128 : i32
      %dma_start3A_3199 = arith.constant 2 : i32
      %dma_start3A_3200 = arith.constant 0 : i32
      %dma_start3A_3201 = arith.constant 1024 : i32
      %dma_start3A_3202 = tpu.memref_slice %arg6[%dma_start3A_3199, %dma_start3A_3200, %dma_start3A_3201] : memref<3x16x2048xf32, #tpu.memory_space<vmem>> -> memref<1x16x128xf32, #tpu.memory_space<vmem>>
      %dma_start3A_3203 = tpu.memref_squeeze %dma_start3A_3202 : memref<1x16x128xf32, #tpu.memory_space<vmem>> -> memref<16x128xf32, #tpu.memory_space<vmem>>
      %dma_start3A_3204 = arith.constant 0 : i32
      %dma_start3A_3205 = tpu.memref_slice %arg2[%dma_start3A_3204, %multiple_of3A_3198] : memref<16x1000000xf32, #tpu.memory_space<hbm>> -> memref<16x128xf32, #tpu.memory_space<hbm>>
      %dma_start3A_3206 = arith.constant 0 : i32
      %dma_start3A_3207 = arith.constant 1024 : i32
      %dma_start3A_3208 = tpu.memref_slice %arg6[%dma_start3A_3199, %dma_start3A_3206, %dma_start3A_3207] : memref<3x16x2048xf32, #tpu.memory_space<vmem>> -> memref<1x16x128xf32, #tpu.memory_space<vmem>>
      %dma_start3A_3209 = tpu.memref_squeeze %dma_start3A_3208 : memref<1x16x128xf32, #tpu.memory_space<vmem>> -> memref<16x128xf32, #tpu.memory_space<vmem>>
      %dma_start3A_3210 = arith.constant 0 : i32
      %dma_start3A_3211 = tpu.memref_slice %arg2[%dma_start3A_3210, %multiple_of3A_3198] : memref<16x1000000xf32, #tpu.memory_space<hbm>> -> memref<16x128xf32, #tpu.memory_space<hbm>>
      tpu.enqueue_dma source(%dma_start3A_3211 : memref<16x128xf32, #tpu.memory_space<hbm>>) target(%dma_start3A_3209 : memref<16x128xf32, #tpu.memory_space<vmem>>) target_semaphore(%arg10 : memref<!tpu.dma_semaphore, #tpu.memory_space<semaphore_mem>>)
      %slice3A_3212 = vector.extract_strided_slice %and3A_3067 {offsets = [9], sizes = [1], strides = [1]} : vector<16xi32> to vector<1xi32>
      %squeeze3A_3213 = vector.extract %slice3A_3212[0] : i32 from vector<1xi32>
      %multiple_of3A_3214 = tpu.assume_multiple %squeeze3A_3213, 128 : i32
      %dma_start3A_3215 = arith.constant 2 : i32
      %dma_start3A_3216 = arith.constant 0 : i32
      %dma_start3A_3217 = arith.constant 1152 : i32
      %dma_start3A_3218 = tpu.memref_slice %arg6[%dma_start3A_3215, %dma_start3A_3216, %dma_start3A_3217] : memref<3x16x2048xf32, #tpu.memory_space<vmem>> -> memref<1x16x128xf32, #tpu.memory_space<vmem>>
      %dma_start3A_3219 = tpu.memref_squeeze %dma_start3A_3218 : memref<1x16x128xf32, #tpu.memory_space<vmem>> -> memref<16x128xf32, #tpu.memory_space<vmem>>
      %dma_start3A_3220 = arith.constant 0 : i32
      %dma_start3A_3221 = tpu.memref_slice %arg2[%dma_start3A_3220, %multiple_of3A_3214] : memref<16x1000000xf32, #tpu.memory_space<hbm>> -> memref<16x128xf32, #tpu.memory_space<hbm>>
      %dma_start3A_3222 = arith.constant 0 : i32
      %dma_start3A_3223 = arith.constant 1152 : i32
      %dma_start3A_3224 = tpu.memref_slice %arg6[%dma_start3A_3215, %dma_start3A_3222, %dma_start3A_3223] : memref<3x16x2048xf32, #tpu.memory_space<vmem>> -> memref<1x16x128xf32, #tpu.memory_space<vmem>>
      %dma_start3A_3225 = tpu.memref_squeeze %dma_start3A_3224 : memref<1x16x128xf32, #tpu.memory_space<vmem>> -> memref<16x128xf32, #tpu.memory_space<vmem>>
      %dma_start3A_3226 = arith.constant 0 : i32
      %dma_start3A_3227 = tpu.memref_slice %arg2[%dma_start3A_3226, %multiple_of3A_3214] : memref<16x1000000xf32, #tpu.memory_space<hbm>> -> memref<16x128xf32, #tpu.memory_space<hbm>>
      tpu.enqueue_dma source(%dma_start3A_3227 : memref<16x128xf32, #tpu.memory_space<hbm>>) target(%dma_start3A_3225 : memref<16x128xf32, #tpu.memory_space<vmem>>) target_semaphore(%arg10 : memref<!tpu.dma_semaphore, #tpu.memory_space<semaphore_mem>>)
      %slice3A_3228 = vector.extract_strided_slice %and3A_3067 {offsets = [10], sizes = [1], strides = [1]} : vector<16xi32> to vector<1xi32>
      %squeeze3A_3229 = vector.extract %slice3A_3228[0] : i32 from vector<1xi32>
      %multiple_of3A_3230 = tpu.assume_multiple %squeeze3A_3229, 128 : i32
      %dma_start3A_3231 = arith.constant 2 : i32
      %dma_start3A_3232 = arith.constant 0 : i32
      %dma_start3A_3233 = arith.constant 1280 : i32
      %dma_start3A_3234 = tpu.memref_slice %arg6[%dma_start3A_3231, %dma_start3A_3232, %dma_start3A_3233] : memref<3x16x2048xf32, #tpu.memory_space<vmem>> -> memref<1x16x128xf32, #tpu.memory_space<vmem>>
      %dma_start3A_3235 = tpu.memref_squeeze %dma_start3A_3234 : memref<1x16x128xf32, #tpu.memory_space<vmem>> -> memref<16x128xf32, #tpu.memory_space<vmem>>
      %dma_start3A_3236 = arith.constant 0 : i32
      %dma_start3A_3237 = tpu.memref_slice %arg2[%dma_start3A_3236, %multiple_of3A_3230] : memref<16x1000000xf32, #tpu.memory_space<hbm>> -> memref<16x128xf32, #tpu.memory_space<hbm>>
      %dma_start3A_3238 = arith.constant 0 : i32
      %dma_start3A_3239 = arith.constant 1280 : i32
      %dma_start3A_3240 = tpu.memref_slice %arg6[%dma_start3A_3231, %dma_start3A_3238, %dma_start3A_3239] : memref<3x16x2048xf32, #tpu.memory_space<vmem>> -> memref<1x16x128xf32, #tpu.memory_space<vmem>>
      %dma_start3A_3241 = tpu.memref_squeeze %dma_start3A_3240 : memref<1x16x128xf32, #tpu.memory_space<vmem>> -> memref<16x128xf32, #tpu.memory_space<vmem>>
      %dma_start3A_3242 = arith.constant 0 : i32
      %dma_start3A_3243 = tpu.memref_slice %arg2[%dma_start3A_3242, %multiple_of3A_3230] : memref<16x1000000xf32, #tpu.memory_space<hbm>> -> memref<16x128xf32, #tpu.memory_space<hbm>>
      tpu.enqueue_dma source(%dma_start3A_3243 : memref<16x128xf32, #tpu.memory_space<hbm>>) target(%dma_start3A_3241 : memref<16x128xf32, #tpu.memory_space<vmem>>) target_semaphore(%arg10 : memref<!tpu.dma_semaphore, #tpu.memory_space<semaphore_mem>>)
      %slice3A_3244 = vector.extract_strided_slice %and3A_3067 {offsets = [11], sizes = [1], strides = [1]} : vector<16xi32> to vector<1xi32>
      %squeeze3A_3245 = vector.extract %slice3A_3244[0] : i32 from vector<1xi32>
      %multiple_of3A_3246 = tpu.assume_multiple %squeeze3A_3245, 128 : i32
      %dma_start3A_3247 = arith.constant 2 : i32
      %dma_start3A_3248 = arith.constant 0 : i32
      %dma_start3A_3249 = arith.constant 1408 : i32
      %dma_start3A_3250 = tpu.memref_slice %arg6[%dma_start3A_3247, %dma_start3A_3248, %dma_start3A_3249] : memref<3x16x2048xf32, #tpu.memory_space<vmem>> -> memref<1x16x128xf32, #tpu.memory_space<vmem>>
      %dma_start3A_3251 = tpu.memref_squeeze %dma_start3A_3250 : memref<1x16x128xf32, #tpu.memory_space<vmem>> -> memref<16x128xf32, #tpu.memory_space<vmem>>
      %dma_start3A_3252 = arith.constant 0 : i32
      %dma_start3A_3253 = tpu.memref_slice %arg2[%dma_start3A_3252, %multiple_of3A_3246] : memref<16x1000000xf32, #tpu.memory_space<hbm>> -> memref<16x128xf32, #tpu.memory_space<hbm>>
      %dma_start3A_3254 = arith.constant 0 : i32
      %dma_start3A_3255 = arith.constant 1408 : i32
      %dma_start3A_3256 = tpu.memref_slice %arg6[%dma_start3A_3247, %dma_start3A_3254, %dma_start3A_3255] : memref<3x16x2048xf32, #tpu.memory_space<vmem>> -> memref<1x16x128xf32, #tpu.memory_space<vmem>>
      %dma_start3A_3257 = tpu.memref_squeeze %dma_start3A_3256 : memref<1x16x128xf32, #tpu.memory_space<vmem>> -> memref<16x128xf32, #tpu.memory_space<vmem>>
      %dma_start3A_3258 = arith.constant 0 : i32
      %dma_start3A_3259 = tpu.memref_slice %arg2[%dma_start3A_3258, %multiple_of3A_3246] : memref<16x1000000xf32, #tpu.memory_space<hbm>> -> memref<16x128xf32, #tpu.memory_space<hbm>>
      tpu.enqueue_dma source(%dma_start3A_3259 : memref<16x128xf32, #tpu.memory_space<hbm>>) target(%dma_start3A_3257 : memref<16x128xf32, #tpu.memory_space<vmem>>) target_semaphore(%arg10 : memref<!tpu.dma_semaphore, #tpu.memory_space<semaphore_mem>>)
      %slice3A_3260 = vector.extract_strided_slice %and3A_3067 {offsets = [12], sizes = [1], strides = [1]} : vector<16xi32> to vector<1xi32>
      %squeeze3A_3261 = vector.extract %slice3A_3260[0] : i32 from vector<1xi32>
      %multiple_of3A_3262 = tpu.assume_multiple %squeeze3A_3261, 128 : i32
      %dma_start3A_3263 = arith.constant 2 : i32
      %dma_start3A_3264 = arith.constant 0 : i32
      %dma_start3A_3265 = arith.constant 1536 : i32
      %dma_start3A_3266 = tpu.memref_slice %arg6[%dma_start3A_3263, %dma_start3A_3264, %dma_start3A_3265] : memref<3x16x2048xf32, #tpu.memory_space<vmem>> -> memref<1x16x128xf32, #tpu.memory_space<vmem>>
      %dma_start3A_3267 = tpu.memref_squeeze %dma_start3A_3266 : memref<1x16x128xf32, #tpu.memory_space<vmem>> -> memref<16x128xf32, #tpu.memory_space<vmem>>
      %dma_start3A_3268 = arith.constant 0 : i32
      %dma_start3A_3269 = tpu.memref_slice %arg2[%dma_start3A_3268, %multiple_of3A_3262] : memref<16x1000000xf32, #tpu.memory_space<hbm>> -> memref<16x128xf32, #tpu.memory_space<hbm>>
      %dma_start3A_3270 = arith.constant 0 : i32
      %dma_start3A_3271 = arith.constant 1536 : i32
      %dma_start3A_3272 = tpu.memref_slice %arg6[%dma_start3A_3263, %dma_start3A_3270, %dma_start3A_3271] : memref<3x16x2048xf32, #tpu.memory_space<vmem>> -> memref<1x16x128xf32, #tpu.memory_space<vmem>>
      %dma_start3A_3273 = tpu.memref_squeeze %dma_start3A_3272 : memref<1x16x128xf32, #tpu.memory_space<vmem>> -> memref<16x128xf32, #tpu.memory_space<vmem>>
      %dma_start3A_3274 = arith.constant 0 : i32
      %dma_start3A_3275 = tpu.memref_slice %arg2[%dma_start3A_3274, %multiple_of3A_3262] : memref<16x1000000xf32, #tpu.memory_space<hbm>> -> memref<16x128xf32, #tpu.memory_space<hbm>>
      tpu.enqueue_dma source(%dma_start3A_3275 : memref<16x128xf32, #tpu.memory_space<hbm>>) target(%dma_start3A_3273 : memref<16x128xf32, #tpu.memory_space<vmem>>) target_semaphore(%arg10 : memref<!tpu.dma_semaphore, #tpu.memory_space<semaphore_mem>>)
      %slice3A_3276 = vector.extract_strided_slice %and3A_3067 {offsets = [13], sizes = [1], strides = [1]} : vector<16xi32> to vector<1xi32>
      %squeeze3A_3277 = vector.extract %slice3A_3276[0] : i32 from vector<1xi32>
      %multiple_of3A_3278 = tpu.assume_multiple %squeeze3A_3277, 128 : i32
      %dma_start3A_3279 = arith.constant 2 : i32
      %dma_start3A_3280 = arith.constant 0 : i32
      %dma_start3A_3281 = arith.constant 1664 : i32
      %dma_start3A_3282 = tpu.memref_slice %arg6[%dma_start3A_3279, %dma_start3A_3280, %dma_start3A_3281] : memref<3x16x2048xf32, #tpu.memory_space<vmem>> -> memref<1x16x128xf32, #tpu.memory_space<vmem>>
      %dma_start3A_3283 = tpu.memref_squeeze %dma_start3A_3282 : memref<1x16x128xf32, #tpu.memory_space<vmem>> -> memref<16x128xf32, #tpu.memory_space<vmem>>
      %dma_start3A_3284 = arith.constant 0 : i32
      %dma_start3A_3285 = tpu.memref_slice %arg2[%dma_start3A_3284, %multiple_of3A_3278] : memref<16x1000000xf32, #tpu.memory_space<hbm>> -> memref<16x128xf32, #tpu.memory_space<hbm>>
      %dma_start3A_3286 = arith.constant 0 : i32
      %dma_start3A_3287 = arith.constant 1664 : i32
      %dma_start3A_3288 = tpu.memref_slice %arg6[%dma_start3A_3279, %dma_start3A_3286, %dma_start3A_3287] : memref<3x16x2048xf32, #tpu.memory_space<vmem>> -> memref<1x16x128xf32, #tpu.memory_space<vmem>>
      %dma_start3A_3289 = tpu.memref_squeeze %dma_start3A_3288 : memref<1x16x128xf32, #tpu.memory_space<vmem>> -> memref<16x128xf32, #tpu.memory_space<vmem>>
      %dma_start3A_3290 = arith.constant 0 : i32
      %dma_start3A_3291 = tpu.memref_slice %arg2[%dma_start3A_3290, %multiple_of3A_3278] : memref<16x1000000xf32, #tpu.memory_space<hbm>> -> memref<16x128xf32, #tpu.memory_space<hbm>>
      tpu.enqueue_dma source(%dma_start3A_3291 : memref<16x128xf32, #tpu.memory_space<hbm>>) target(%dma_start3A_3289 : memref<16x128xf32, #tpu.memory_space<vmem>>) target_semaphore(%arg10 : memref<!tpu.dma_semaphore, #tpu.memory_space<semaphore_mem>>)
      %slice3A_3292 = vector.extract_strided_slice %and3A_3067 {offsets = [14], sizes = [1], strides = [1]} : vector<16xi32> to vector<1xi32>
      %squeeze3A_3293 = vector.extract %slice3A_3292[0] : i32 from vector<1xi32>
      %multiple_of3A_3294 = tpu.assume_multiple %squeeze3A_3293, 128 : i32
      %dma_start3A_3295 = arith.constant 2 : i32
      %dma_start3A_3296 = arith.constant 0 : i32
      %dma_start3A_3297 = arith.constant 1792 : i32
      %dma_start3A_3298 = tpu.memref_slice %arg6[%dma_start3A_3295, %dma_start3A_3296, %dma_start3A_3297] : memref<3x16x2048xf32, #tpu.memory_space<vmem>> -> memref<1x16x128xf32, #tpu.memory_space<vmem>>
      %dma_start3A_3299 = tpu.memref_squeeze %dma_start3A_3298 : memref<1x16x128xf32, #tpu.memory_space<vmem>> -> memref<16x128xf32, #tpu.memory_space<vmem>>
      %dma_start3A_3300 = arith.constant 0 : i32
      %dma_start3A_3301 = tpu.memref_slice %arg2[%dma_start3A_3300, %multiple_of3A_3294] : memref<16x1000000xf32, #tpu.memory_space<hbm>> -> memref<16x128xf32, #tpu.memory_space<hbm>>
      %dma_start3A_3302 = arith.constant 0 : i32
      %dma_start3A_3303 = arith.constant 1792 : i32
      %dma_start3A_3304 = tpu.memref_slice %arg6[%dma_start3A_3295, %dma_start3A_3302, %dma_start3A_3303] : memref<3x16x2048xf32, #tpu.memory_space<vmem>> -> memref<1x16x128xf32, #tpu.memory_space<vmem>>
      %dma_start3A_3305 = tpu.memref_squeeze %dma_start3A_3304 : memref<1x16x128xf32, #tpu.memory_space<vmem>> -> memref<16x128xf32, #tpu.memory_space<vmem>>
      %dma_start3A_3306 = arith.constant 0 : i32
      %dma_start3A_3307 = tpu.memref_slice %arg2[%dma_start3A_3306, %multiple_of3A_3294] : memref<16x1000000xf32, #tpu.memory_space<hbm>> -> memref<16x128xf32, #tpu.memory_space<hbm>>
      tpu.enqueue_dma source(%dma_start3A_3307 : memref<16x128xf32, #tpu.memory_space<hbm>>) target(%dma_start3A_3305 : memref<16x128xf32, #tpu.memory_space<vmem>>) target_semaphore(%arg10 : memref<!tpu.dma_semaphore, #tpu.memory_space<semaphore_mem>>)
      %slice3A_3308 = vector.extract_strided_slice %and3A_3067 {offsets = [15], sizes = [1], strides = [1]} : vector<16xi32> to vector<1xi32>
      %squeeze3A_3309 = vector.extract %slice3A_3308[0] : i32 from vector<1xi32>
      %multiple_of3A_3310 = tpu.assume_multiple %squeeze3A_3309, 128 : i32
      %dma_start3A_3311 = arith.constant 2 : i32
      %dma_start3A_3312 = arith.constant 0 : i32
      %dma_start3A_3313 = arith.constant 1920 : i32
      %dma_start3A_3314 = tpu.memref_slice %arg6[%dma_start3A_3311, %dma_start3A_3312, %dma_start3A_3313] : memref<3x16x2048xf32, #tpu.memory_space<vmem>> -> memref<1x16x128xf32, #tpu.memory_space<vmem>>
      %dma_start3A_3315 = tpu.memref_squeeze %dma_start3A_3314 : memref<1x16x128xf32, #tpu.memory_space<vmem>> -> memref<16x128xf32, #tpu.memory_space<vmem>>
      %dma_start3A_3316 = arith.constant 0 : i32
      %dma_start3A_3317 = tpu.memref_slice %arg2[%dma_start3A_3316, %multiple_of3A_3310] : memref<16x1000000xf32, #tpu.memory_space<hbm>> -> memref<16x128xf32, #tpu.memory_space<hbm>>
      %dma_start3A_3318 = arith.constant 0 : i32
      %dma_start3A_3319 = arith.constant 1920 : i32
      %dma_start3A_3320 = tpu.memref_slice %arg6[%dma_start3A_3311, %dma_start3A_3318, %dma_start3A_3319] : memref<3x16x2048xf32, #tpu.memory_space<vmem>> -> memref<1x16x128xf32, #tpu.memory_space<vmem>>
      %dma_start3A_3321 = tpu.memref_squeeze %dma_start3A_3320 : memref<1x16x128xf32, #tpu.memory_space<vmem>> -> memref<16x128xf32, #tpu.memory_space<vmem>>
      %dma_start3A_3322 = arith.constant 0 : i32
      %dma_start3A_3323 = tpu.memref_slice %arg2[%dma_start3A_3322, %multiple_of3A_3310] : memref<16x1000000xf32, #tpu.memory_space<hbm>> -> memref<16x128xf32, #tpu.memory_space<hbm>>
      tpu.enqueue_dma source(%dma_start3A_3323 : memref<16x128xf32, #tpu.memory_space<hbm>>) target(%dma_start3A_3321 : memref<16x128xf32, #tpu.memory_space<vmem>>) target_semaphore(%arg10 : memref<!tpu.dma_semaphore, #tpu.memory_space<semaphore_mem>>)
    }
    %scan3A_784 = arith.constant 9 : i32
    %dma_wait3A = arith.constant 0 : i32
    %dma_wait3A_785 = arith.constant 0 : i32
    %dma_wait3A_786 = arith.constant 0 : i32
    %dma_wait3A_787 = tpu.memref_slice %arg6[%dma_wait3A, %dma_wait3A_785, %dma_wait3A_786] : memref<3x16x2048xf32, #tpu.memory_space<vmem>> -> memref<1x16x2048xf32, #tpu.memory_space<vmem>>
    %dma_wait3A_788 = tpu.memref_squeeze %dma_wait3A_787 : memref<1x16x2048xf32, #tpu.memory_space<vmem>> -> memref<16x2048xf32, #tpu.memory_space<vmem>>
    %dma_wait3A_789 = arith.constant 0 : i32
    %dma_wait3A_790 = arith.constant 0 : i32
    %dma_wait3A_791 = tpu.memref_slice %arg2[%dma_wait3A_789, %dma_wait3A_790] : memref<16x1000000xf32, #tpu.memory_space<hbm>> -> memref<16x2048xf32, #tpu.memory_space<hbm>>
    %dma_wait3A_792 = arith.constant 0 : i32
    %dma_wait3A_793 = arith.constant 0 : i32
    %dma_wait3A_794 = tpu.memref_slice %arg6[%dma_wait3A, %dma_wait3A_792, %dma_wait3A_793] : memref<3x16x2048xf32, #tpu.memory_space<vmem>> -> memref<1x16x2048xf32, #tpu.memory_space<vmem>>
    %dma_wait3A_795 = tpu.memref_squeeze %dma_wait3A_794 : memref<1x16x2048xf32, #tpu.memory_space<vmem>> -> memref<16x2048xf32, #tpu.memory_space<vmem>>
    %dma_wait3A_796 = arith.constant 0 : i32
    %dma_wait3A_797 = arith.constant 0 : i32
    %dma_wait3A_798 = tpu.memref_slice %arg2[%dma_wait3A_796, %dma_wait3A_797] : memref<16x1000000xf32, #tpu.memory_space<hbm>> -> memref<16x2048xf32, #tpu.memory_space<hbm>>
    tpu.wait_dma2 semaphore(%arg8 : memref<!tpu.dma_semaphore, #tpu.memory_space<semaphore_mem>>) src(%dma_wait3A_798 : memref<16x2048xf32, #tpu.memory_space<hbm>>) dst(%dma_wait3A_795 : memref<16x2048xf32, #tpu.memory_space<vmem>>)
    %get3A_799 = arith.constant 432 : index
    %get3A_800 = tpu.vector_load %arg5[%get3A_799] {strides = array<i32>} : memref<512xi32, #tpu.memory_space<vmem>>, vector<16xi32>,
    %and3A_801 = arith.constant 127 : i32
    %and3A_802 = vector.broadcast %and3A_801 : i32 to vector<16xi32>
    %and3A_803 = arith.andi %get3A_800, %and3A_802 : vector<16xi32>
    %iota3A = tpu.iota {dimensions = array<i32: 0>} : vector<16xi32>
    %mul3A_804 = arith.constant 128 : i32
    %mul3A_805 = vector.broadcast %mul3A_804 : i32 to vector<16xi32>
    %mul3A_806 = arith.muli %iota3A, %mul3A_805 : vector<16xi32>
    %add3A_807 = arith.addi %mul3A_806, %and3A_803 : vector<16xi32>
    %broadcast_in_dim3A = arith.constant 0 : i32
    %broadcast_in_dim3A_808 = vector.broadcast %broadcast_in_dim3A : i32 to vector<16xi32>
    %broadcast_in_dim3A_809 = arith.constant 0 : i32
    %broadcast_in_dim3A_810 = vector.broadcast %broadcast_in_dim3A_809 : i32 to vector<16xi32>
    %gather3A = tpu.vector_load_idx %arg6[%broadcast_in_dim3A_808, %broadcast_in_dim3A_810, %add3A_807] : memref<3x16x2048xf32, #tpu.memory_space<vmem>>[vector<16xi32>, vector<16xi32>, vector<16xi32>], vector<16xf32>,
    %swap3A = arith.constant 0 : i32
    %swap3A_811 = arith.index_cast %swap3A : i32 to index
    %swap3A_812 = arith.constant 432 : index
    %swap3A_813 = tpu.vector_load %arg7[%swap3A_811, %swap3A_812] {strides = array<i32>} : memref<16x512xf32, #tpu.memory_space<vmem>>, vector<16xf32>,
    tpu.vector_store %arg7[%swap3A_811, %swap3A_812], %gather3A {strides = array<i32>} : memref<16x512xf32, #tpu.memory_space<vmem>>, vector<16xf32>,
    %broadcast_in_dim3A_814 = arith.constant 1 : i32
    %broadcast_in_dim3A_815 = vector.broadcast %broadcast_in_dim3A_814 : i32 to vector<16xi32>
    %gather3A_816 = tpu.vector_load_idx %arg6[%broadcast_in_dim3A_808, %broadcast_in_dim3A_815, %add3A_807] : memref<3x16x2048xf32, #tpu.memory_space<vmem>>[vector<16xi32>, vector<16xi32>, vector<16xi32>], vector<16xf32>,
    %swap3A_817 = arith.constant 1 : i32
    %swap3A_818 = arith.index_cast %swap3A_817 : i32 to index
    %swap3A_819 = arith.constant 432 : index
    %swap3A_820 = tpu.vector_load %arg7[%swap3A_818, %swap3A_819] {strides = array<i32>} : memref<16x512xf32, #tpu.memory_space<vmem>>, vector<16xf32>,
    tpu.vector_store %arg7[%swap3A_818, %swap3A_819], %gather3A_816 {strides = array<i32>} : memref<16x512xf32, #tpu.memory_space<vmem>>, vector<16xf32>,
    %broadcast_in_dim3A_821 = arith.constant 2 : i32
    %broadcast_in_dim3A_822 = vector.broadcast %broadcast_in_dim3A_821 : i32 to vector<16xi32>
    %gather3A_823 = tpu.vector_load_idx %arg6[%broadcast_in_dim3A_808, %broadcast_in_dim3A_822, %add3A_807] : memref<3x16x2048xf32, #tpu.memory_space<vmem>>[vector<16xi32>, vector<16xi32>, vector<16xi32>], vector<16xf32>,
    %swap3A_824 = arith.constant 2 : i32
    %swap3A_825 = arith.index_cast %swap3A_824 : i32 to index
    %swap3A_826 = arith.constant 432 : index
    %swap3A_827 = tpu.vector_load %arg7[%swap3A_825, %swap3A_826] {strides = array<i32>} : memref<16x512xf32, #tpu.memory_space<vmem>>, vector<16xf32>,
    tpu.vector_store %arg7[%swap3A_825, %swap3A_826], %gather3A_823 {strides = array<i32>} : memref<16x512xf32, #tpu.memory_space<vmem>>, vector<16xf32>,
    %broadcast_in_dim3A_828 = arith.constant 3 : i32
    %broadcast_in_dim3A_829 = vector.broadcast %broadcast_in_dim3A_828 : i32 to vector<16xi32>
    %gather3A_830 = tpu.vector_load_idx %arg6[%broadcast_in_dim3A_808, %broadcast_in_dim3A_829, %add3A_807] : memref<3x16x2048xf32, #tpu.memory_space<vmem>>[vector<16xi32>, vector<16xi32>, vector<16xi32>], vector<16xf32>,
    %swap3A_831 = arith.constant 3 : i32
    %swap3A_832 = arith.index_cast %swap3A_831 : i32 to index
    %swap3A_833 = arith.constant 432 : index
    %swap3A_834 = tpu.vector_load %arg7[%swap3A_832, %swap3A_833] {strides = array<i32>} : memref<16x512xf32, #tpu.memory_space<vmem>>, vector<16xf32>,
    tpu.vector_store %arg7[%swap3A_832, %swap3A_833], %gather3A_830 {strides = array<i32>} : memref<16x512xf32, #tpu.memory_space<vmem>>, vector<16xf32>,
    %broadcast_in_dim3A_835 = arith.constant 4 : i32
    %broadcast_in_dim3A_836 = vector.broadcast %broadcast_in_dim3A_835 : i32 to vector<16xi32>
    %gather3A_837 = tpu.vector_load_idx %arg6[%broadcast_in_dim3A_808, %broadcast_in_dim3A_836, %add3A_807] : memref<3x16x2048xf32, #tpu.memory_space<vmem>>[vector<16xi32>, vector<16xi32>, vector<16xi32>], vector<16xf32>,
    %swap3A_838 = arith.constant 4 : i32
    %swap3A_839 = arith.index_cast %swap3A_838 : i32 to index
    %swap3A_840 = arith.constant 432 : index
    %swap3A_841 = tpu.vector_load %arg7[%swap3A_839, %swap3A_840] {strides = array<i32>} : memref<16x512xf32, #tpu.memory_space<vmem>>, vector<16xf32>,
    tpu.vector_store %arg7[%swap3A_839, %swap3A_840], %gather3A_837 {strides = array<i32>} : memref<16x512xf32, #tpu.memory_space<vmem>>, vector<16xf32>,
    %broadcast_in_dim3A_842 = arith.constant 5 : i32
    %broadcast_in_dim3A_843 = vector.broadcast %broadcast_in_dim3A_842 : i32 to vector<16xi32>
    %gather3A_844 = tpu.vector_load_idx %arg6[%broadcast_in_dim3A_808, %broadcast_in_dim3A_843, %add3A_807] : memref<3x16x2048xf32, #tpu.memory_space<vmem>>[vector<16xi32>, vector<16xi32>, vector<16xi32>], vector<16xf32>,
    %swap3A_845 = arith.constant 5 : i32
    %swap3A_846 = arith.index_cast %swap3A_845 : i32 to index
    %swap3A_847 = arith.constant 432 : index
    %swap3A_848 = tpu.vector_load %arg7[%swap3A_846, %swap3A_847] {strides = array<i32>} : memref<16x512xf32, #tpu.memory_space<vmem>>, vector<16xf32>,
    tpu.vector_store %arg7[%swap3A_846, %swap3A_847], %gather3A_844 {strides = array<i32>} : memref<16x512xf32, #tpu.memory_space<vmem>>, vector<16xf32>,
    %broadcast_in_dim3A_849 = arith.constant 6 : i32
    %broadcast_in_dim3A_850 = vector.broadcast %broadcast_in_dim3A_849 : i32 to vector<16xi32>
    %gather3A_851 = tpu.vector_load_idx %arg6[%broadcast_in_dim3A_808, %broadcast_in_dim3A_850, %add3A_807] : memref<3x16x2048xf32, #tpu.memory_space<vmem>>[vector<16xi32>, vector<16xi32>, vector<16xi32>], vector<16xf32>,
    %swap3A_852 = arith.constant 6 : i32
    %swap3A_853 = arith.index_cast %swap3A_852 : i32 to index
    %swap3A_854 = arith.constant 432 : index
    %swap3A_855 = tpu.vector_load %arg7[%swap3A_853, %swap3A_854] {strides = array<i32>} : memref<16x512xf32, #tpu.memory_space<vmem>>, vector<16xf32>,
    tpu.vector_store %arg7[%swap3A_853, %swap3A_854], %gather3A_851 {strides = array<i32>} : memref<16x512xf32, #tpu.memory_space<vmem>>, vector<16xf32>,
    %broadcast_in_dim3A_856 = arith.constant 7 : i32
    %broadcast_in_dim3A_857 = vector.broadcast %broadcast_in_dim3A_856 : i32 to vector<16xi32>
    %gather3A_858 = tpu.vector_load_idx %arg6[%broadcast_in_dim3A_808, %broadcast_in_dim3A_857, %add3A_807] : memref<3x16x2048xf32, #tpu.memory_space<vmem>>[vector<16xi32>, vector<16xi32>, vector<16xi32>], vector<16xf32>,
    %swap3A_859 = arith.constant 7 : i32
    %swap3A_860 = arith.index_cast %swap3A_859 : i32 to index
    %swap3A_861 = arith.constant 432 : index
    %swap3A_862 = tpu.vector_load %arg7[%swap3A_860, %swap3A_861] {strides = array<i32>} : memref<16x512xf32, #tpu.memory_space<vmem>>, vector<16xf32>,
    tpu.vector_store %arg7[%swap3A_860, %swap3A_861], %gather3A_858 {strides = array<i32>} : memref<16x512xf32, #tpu.memory_space<vmem>>, vector<16xf32>,
    %broadcast_in_dim3A_863 = arith.constant 8 : i32
    %broadcast_in_dim3A_864 = vector.broadcast %broadcast_in_dim3A_863 : i32 to vector<16xi32>
    %gather3A_865 = tpu.vector_load_idx %arg6[%broadcast_in_dim3A_808, %broadcast_in_dim3A_864, %add3A_807] : memref<3x16x2048xf32, #tpu.memory_space<vmem>>[vector<16xi32>, vector<16xi32>, vector<16xi32>], vector<16xf32>,
    %swap3A_866 = arith.constant 8 : i32
    %swap3A_867 = arith.index_cast %swap3A_866 : i32 to index
    %swap3A_868 = arith.constant 432 : index
    %swap3A_869 = tpu.vector_load %arg7[%swap3A_867, %swap3A_868] {strides = array<i32>} : memref<16x512xf32, #tpu.memory_space<vmem>>, vector<16xf32>,
    tpu.vector_store %arg7[%swap3A_867, %swap3A_868], %gather3A_865 {strides = array<i32>} : memref<16x512xf32, #tpu.memory_space<vmem>>, vector<16xf32>,
    %broadcast_in_dim3A_870 = arith.constant 9 : i32
    %broadcast_in_dim3A_871 = vector.broadcast %broadcast_in_dim3A_870 : i32 to vector<16xi32>
    %gather3A_872 = tpu.vector_load_idx %arg6[%broadcast_in_dim3A_808, %broadcast_in_dim3A_871, %add3A_807] : memref<3x16x2048xf32, #tpu.memory_space<vmem>>[vector<16xi32>, vector<16xi32>, vector<16xi32>], vector<16xf32>,
    %swap3A_873 = arith.constant 9 : i32
    %swap3A_874 = arith.index_cast %swap3A_873 : i32 to index
    %swap3A_875 = arith.constant 432 : index
    %swap3A_876 = tpu.vector_load %arg7[%swap3A_874, %swap3A_875] {strides = array<i32>} : memref<16x512xf32, #tpu.memory_space<vmem>>, vector<16xf32>,
    tpu.vector_store %arg7[%swap3A_874, %swap3A_875], %gather3A_872 {strides = array<i32>} : memref<16x512xf32, #tpu.memory_space<vmem>>, vector<16xf32>,
    %broadcast_in_dim3A_877 = arith.constant 10 : i32
    %broadcast_in_dim3A_878 = vector.broadcast %broadcast_in_dim3A_877 : i32 to vector<16xi32>
    %gather3A_879 = tpu.vector_load_idx %arg6[%broadcast_in_dim3A_808, %broadcast_in_dim3A_878, %add3A_807] : memref<3x16x2048xf32, #tpu.memory_space<vmem>>[vector<16xi32>, vector<16xi32>, vector<16xi32>], vector<16xf32>,
    %swap3A_880 = arith.constant 10 : i32
    %swap3A_881 = arith.index_cast %swap3A_880 : i32 to index
    %swap3A_882 = arith.constant 432 : index
    %swap3A_883 = tpu.vector_load %arg7[%swap3A_881, %swap3A_882] {strides = array<i32>} : memref<16x512xf32, #tpu.memory_space<vmem>>, vector<16xf32>,
    tpu.vector_store %arg7[%swap3A_881, %swap3A_882], %gather3A_879 {strides = array<i32>} : memref<16x512xf32, #tpu.memory_space<vmem>>, vector<16xf32>,
    %broadcast_in_dim3A_884 = arith.constant 11 : i32
    %broadcast_in_dim3A_885 = vector.broadcast %broadcast_in_dim3A_884 : i32 to vector<16xi32>
    %gather3A_886 = tpu.vector_load_idx %arg6[%broadcast_in_dim3A_808, %broadcast_in_dim3A_885, %add3A_807] : memref<3x16x2048xf32, #tpu.memory_space<vmem>>[vector<16xi32>, vector<16xi32>, vector<16xi32>], vector<16xf32>,
    %swap3A_887 = arith.constant 11 : i32
    %swap3A_888 = arith.index_cast %swap3A_887 : i32 to index
    %swap3A_889 = arith.constant 432 : index
    %swap3A_890 = tpu.vector_load %arg7[%swap3A_888, %swap3A_889] {strides = array<i32>} : memref<16x512xf32, #tpu.memory_space<vmem>>, vector<16xf32>,
    tpu.vector_store %arg7[%swap3A_888, %swap3A_889], %gather3A_886 {strides = array<i32>} : memref<16x512xf32, #tpu.memory_space<vmem>>, vector<16xf32>,
    %broadcast_in_dim3A_891 = arith.constant 12 : i32
    %broadcast_in_dim3A_892 = vector.broadcast %broadcast_in_dim3A_891 : i32 to vector<16xi32>
    %gather3A_893 = tpu.vector_load_idx %arg6[%broadcast_in_dim3A_808, %broadcast_in_dim3A_892, %add3A_807] : memref<3x16x2048xf32, #tpu.memory_space<vmem>>[vector<16xi32>, vector<16xi32>, vector<16xi32>], vector<16xf32>,
    %swap3A_894 = arith.constant 12 : i32
    %swap3A_895 = arith.index_cast %swap3A_894 : i32 to index
    %swap3A_896 = arith.constant 432 : index
    %swap3A_897 = tpu.vector_load %arg7[%swap3A_895, %swap3A_896] {strides = array<i32>} : memref<16x512xf32, #tpu.memory_space<vmem>>, vector<16xf32>,
    tpu.vector_store %arg7[%swap3A_895, %swap3A_896], %gather3A_893 {strides = array<i32>} : memref<16x512xf32, #tpu.memory_space<vmem>>, vector<16xf32>,
    %broadcast_in_dim3A_898 = arith.constant 13 : i32
    %broadcast_in_dim3A_899 = vector.broadcast %broadcast_in_dim3A_898 : i32 to vector<16xi32>
    %gather3A_900 = tpu.vector_load_idx %arg6[%broadcast_in_dim3A_808, %broadcast_in_dim3A_899, %add3A_807] : memref<3x16x2048xf32, #tpu.memory_space<vmem>>[vector<16xi32>, vector<16xi32>, vector<16xi32>], vector<16xf32>,
    %swap3A_901 = arith.constant 13 : i32
    %swap3A_902 = arith.index_cast %swap3A_901 : i32 to index
    %swap3A_903 = arith.constant 432 : index
    %swap3A_904 = tpu.vector_load %arg7[%swap3A_902, %swap3A_903] {strides = array<i32>} : memref<16x512xf32, #tpu.memory_space<vmem>>, vector<16xf32>,
    tpu.vector_store %arg7[%swap3A_902, %swap3A_903], %gather3A_900 {strides = array<i32>} : memref<16x512xf32, #tpu.memory_space<vmem>>, vector<16xf32>,
    %broadcast_in_dim3A_905 = arith.constant 14 : i32
    %broadcast_in_dim3A_906 = vector.broadcast %broadcast_in_dim3A_905 : i32 to vector<16xi32>
    %gather3A_907 = tpu.vector_load_idx %arg6[%broadcast_in_dim3A_808, %broadcast_in_dim3A_906, %add3A_807] : memref<3x16x2048xf32, #tpu.memory_space<vmem>>[vector<16xi32>, vector<16xi32>, vector<16xi32>], vector<16xf32>,
    %swap3A_908 = arith.constant 14 : i32
    %swap3A_909 = arith.index_cast %swap3A_908 : i32 to index
    %swap3A_910 = arith.constant 432 : index
    %swap3A_911 = tpu.vector_load %arg7[%swap3A_909, %swap3A_910] {strides = array<i32>} : memref<16x512xf32, #tpu.memory_space<vmem>>, vector<16xf32>,
    tpu.vector_store %arg7[%swap3A_909, %swap3A_910], %gather3A_907 {strides = array<i32>} : memref<16x512xf32, #tpu.memory_space<vmem>>, vector<16xf32>,
    %broadcast_in_dim3A_912 = arith.constant 15 : i32
    %broadcast_in_dim3A_913 = vector.broadcast %broadcast_in_dim3A_912 : i32 to vector<16xi32>
    %gather3A_914 = tpu.vector_load_idx %arg6[%broadcast_in_dim3A_808, %broadcast_in_dim3A_913, %add3A_807] : memref<3x16x2048xf32, #tpu.memory_space<vmem>>[vector<16xi32>, vector<16xi32>, vector<16xi32>], vector<16xf32>,
    %swap3A_915 = arith.constant 15 : i32
    %swap3A_916 = arith.index_cast %swap3A_915 : i32 to index
    %swap3A_917 = arith.constant 432 : index
    %swap3A_918 = tpu.vector_load %arg7[%swap3A_916, %swap3A_917] {strides = array<i32>} : memref<16x512xf32, #tpu.memory_space<vmem>>, vector<16xf32>,
    tpu.vector_store %arg7[%swap3A_916, %swap3A_917], %gather3A_914 {strides = array<i32>} : memref<16x512xf32, #tpu.memory_space<vmem>>, vector<16xf32>,
    %get3A_919 = arith.constant 480 : index
    %get3A_920 = tpu.vector_load %arg5[%get3A_919] {strides = array<i32>} : memref<512xi32, #tpu.memory_space<vmem>>, vector<16xi32>,
    %and3A_921 = arith.constant -128 : i32
    %and3A_922 = vector.broadcast %and3A_921 : i32 to vector<16xi32>
    %and3A_923 = arith.andi %get3A_920, %and3A_922 : vector<16xi32>
    %slice3A_924 = vector.extract_strided_slice %and3A_923 {offsets = [0], sizes = [1], strides = [1]} : vector<16xi32> to vector<1xi32>
    %squeeze3A_925 = vector.extract %slice3A_924[0] : i32 from vector<1xi32>
    %multiple_of3A_926 = tpu.assume_multiple %squeeze3A_925, 128 : i32
    %dma_start3A_927 = arith.constant 0 : i32
    %dma_start3A_928 = arith.constant 0 : i32
    %dma_start3A_929 = arith.constant 0 : i32
    %dma_start3A_930 = tpu.memref_slice %arg6[%dma_start3A_927, %dma_start3A_928, %dma_start3A_929] : memref<3x16x2048xf32, #tpu.memory_space<vmem>> -> memref<1x16x128xf32, #tpu.memory_space<vmem>>
    %dma_start3A_931 = tpu.memref_squeeze %dma_start3A_930 : memref<1x16x128xf32, #tpu.memory_space<vmem>> -> memref<16x128xf32, #tpu.memory_space<vmem>>
    %dma_start3A_932 = arith.constant 0 : i32
    %dma_start3A_933 = tpu.memref_slice %arg2[%dma_start3A_932, %multiple_of3A_926] : memref<16x1000000xf32, #tpu.memory_space<hbm>> -> memref<16x128xf32, #tpu.memory_space<hbm>>
    %dma_start3A_934 = arith.constant 0 : i32
    %dma_start3A_935 = arith.constant 0 : i32
    %dma_start3A_936 = tpu.memref_slice %arg6[%dma_start3A_927, %dma_start3A_934, %dma_start3A_935] : memref<3x16x2048xf32, #tpu.memory_space<vmem>> -> memref<1x16x128xf32, #tpu.memory_space<vmem>>
    %dma_start3A_937 = tpu.memref_squeeze %dma_start3A_936 : memref<1x16x128xf32, #tpu.memory_space<vmem>> -> memref<16x128xf32, #tpu.memory_space<vmem>>
    %dma_start3A_938 = arith.constant 0 : i32
    %dma_start3A_939 = tpu.memref_slice %arg2[%dma_start3A_938, %multiple_of3A_926] : memref<16x1000000xf32, #tpu.memory_space<hbm>> -> memref<16x128xf32, #tpu.memory_space<hbm>>
    tpu.enqueue_dma source(%dma_start3A_939 : memref<16x128xf32, #tpu.memory_space<hbm>>) target(%dma_start3A_937 : memref<16x128xf32, #tpu.memory_space<vmem>>) target_semaphore(%arg8 : memref<!tpu.dma_semaphore, #tpu.memory_space<semaphore_mem>>)
    %slice3A_940 = vector.extract_strided_slice %and3A_923 {offsets = [1], sizes = [1], strides = [1]} : vector<16xi32> to vector<1xi32>
    %squeeze3A_941 = vector.extract %slice3A_940[0] : i32 from vector<1xi32>
    %multiple_of3A_942 = tpu.assume_multiple %squeeze3A_941, 128 : i32
    %dma_start3A_943 = arith.constant 0 : i32
    %dma_start3A_944 = arith.constant 0 : i32
    %dma_start3A_945 = arith.constant 128 : i32
    %dma_start3A_946 = tpu.memref_slice %arg6[%dma_start3A_943, %dma_start3A_944, %dma_start3A_945] : memref<3x16x2048xf32, #tpu.memory_space<vmem>> -> memref<1x16x128xf32, #tpu.memory_space<vmem>>
    %dma_start3A_947 = tpu.memref_squeeze %dma_start3A_946 : memref<1x16x128xf32, #tpu.memory_space<vmem>> -> memref<16x128xf32, #tpu.memory_space<vmem>>
    %dma_start3A_948 = arith.constant 0 : i32
    %dma_start3A_949 = tpu.memref_slice %arg2[%dma_start3A_948, %multiple_of3A_942] : memref<16x1000000xf32, #tpu.memory_space<hbm>> -> memref<16x128xf32, #tpu.memory_space<hbm>>
    %dma_start3A_950 = arith.constant 0 : i32
    %dma_start3A_951 = arith.constant 128 : i32
    %dma_start3A_952 = tpu.memref_slice %arg6[%dma_start3A_943, %dma_start3A_950, %dma_start3A_951] : memref<3x16x2048xf32, #tpu.memory_space<vmem>> -> memref<1x16x128xf32, #tpu.memory_space<vmem>>
    %dma_start3A_953 = tpu.memref_squeeze %dma_start3A_952 : memref<1x16x128xf32, #tpu.memory_space<vmem>> -> memref<16x128xf32, #tpu.memory_space<vmem>>
    %dma_start3A_954 = arith.constant 0 : i32
    %dma_start3A_955 = tpu.memref_slice %arg2[%dma_start3A_954, %multiple_of3A_942] : memref<16x1000000xf32, #tpu.memory_space<hbm>> -> memref<16x128xf32, #tpu.memory_space<hbm>>
    tpu.enqueue_dma source(%dma_start3A_955 : memref<16x128xf32, #tpu.memory_space<hbm>>) target(%dma_start3A_953 : memref<16x128xf32, #tpu.memory_space<vmem>>) target_semaphore(%arg8 : memref<!tpu.dma_semaphore, #tpu.memory_space<semaphore_mem>>)
    %slice3A_956 = vector.extract_strided_slice %and3A_923 {offsets = [2], sizes = [1], strides = [1]} : vector<16xi32> to vector<1xi32>
    %squeeze3A_957 = vector.extract %slice3A_956[0] : i32 from vector<1xi32>
    %multiple_of3A_958 = tpu.assume_multiple %squeeze3A_957, 128 : i32
    %dma_start3A_959 = arith.constant 0 : i32
    %dma_start3A_960 = arith.constant 0 : i32
    %dma_start3A_961 = arith.constant 256 : i32
    %dma_start3A_962 = tpu.memref_slice %arg6[%dma_start3A_959, %dma_start3A_960, %dma_start3A_961] : memref<3x16x2048xf32, #tpu.memory_space<vmem>> -> memref<1x16x128xf32, #tpu.memory_space<vmem>>
    %dma_start3A_963 = tpu.memref_squeeze %dma_start3A_962 : memref<1x16x128xf32, #tpu.memory_space<vmem>> -> memref<16x128xf32, #tpu.memory_space<vmem>>
    %dma_start3A_964 = arith.constant 0 : i32
    %dma_start3A_965 = tpu.memref_slice %arg2[%dma_start3A_964, %multiple_of3A_958] : memref<16x1000000xf32, #tpu.memory_space<hbm>> -> memref<16x128xf32, #tpu.memory_space<hbm>>
    %dma_start3A_966 = arith.constant 0 : i32
    %dma_start3A_967 = arith.constant 256 : i32
    %dma_start3A_968 = tpu.memref_slice %arg6[%dma_start3A_959, %dma_start3A_966, %dma_start3A_967] : memref<3x16x2048xf32, #tpu.memory_space<vmem>> -> memref<1x16x128xf32, #tpu.memory_space<vmem>>
    %dma_start3A_969 = tpu.memref_squeeze %dma_start3A_968 : memref<1x16x128xf32, #tpu.memory_space<vmem>> -> memref<16x128xf32, #tpu.memory_space<vmem>>
    %dma_start3A_970 = arith.constant 0 : i32
    %dma_start3A_971 = tpu.memref_slice %arg2[%dma_start3A_970, %multiple_of3A_958] : memref<16x1000000xf32, #tpu.memory_space<hbm>> -> memref<16x128xf32, #tpu.memory_space<hbm>>
    tpu.enqueue_dma source(%dma_start3A_971 : memref<16x128xf32, #tpu.memory_space<hbm>>) target(%dma_start3A_969 : memref<16x128xf32, #tpu.memory_space<vmem>>) target_semaphore(%arg8 : memref<!tpu.dma_semaphore, #tpu.memory_space<semaphore_mem>>)
    %slice3A_972 = vector.extract_strided_slice %and3A_923 {offsets = [3], sizes = [1], strides = [1]} : vector<16xi32> to vector<1xi32>
    %squeeze3A_973 = vector.extract %slice3A_972[0] : i32 from vector<1xi32>
    %multiple_of3A_974 = tpu.assume_multiple %squeeze3A_973, 128 : i32
    %dma_start3A_975 = arith.constant 0 : i32
    %dma_start3A_976 = arith.constant 0 : i32
    %dma_start3A_977 = arith.constant 384 : i32
    %dma_start3A_978 = tpu.memref_slice %arg6[%dma_start3A_975, %dma_start3A_976, %dma_start3A_977] : memref<3x16x2048xf32, #tpu.memory_space<vmem>> -> memref<1x16x128xf32, #tpu.memory_space<vmem>>
    %dma_start3A_979 = tpu.memref_squeeze %dma_start3A_978 : memref<1x16x128xf32, #tpu.memory_space<vmem>> -> memref<16x128xf32, #tpu.memory_space<vmem>>
    %dma_start3A_980 = arith.constant 0 : i32
    %dma_start3A_981 = tpu.memref_slice %arg2[%dma_start3A_980, %multiple_of3A_974] : memref<16x1000000xf32, #tpu.memory_space<hbm>> -> memref<16x128xf32, #tpu.memory_space<hbm>>
    %dma_start3A_982 = arith.constant 0 : i32
    %dma_start3A_983 = arith.constant 384 : i32
    %dma_start3A_984 = tpu.memref_slice %arg6[%dma_start3A_975, %dma_start3A_982, %dma_start3A_983] : memref<3x16x2048xf32, #tpu.memory_space<vmem>> -> memref<1x16x128xf32, #tpu.memory_space<vmem>>
    %dma_start3A_985 = tpu.memref_squeeze %dma_start3A_984 : memref<1x16x128xf32, #tpu.memory_space<vmem>> -> memref<16x128xf32, #tpu.memory_space<vmem>>
    %dma_start3A_986 = arith.constant 0 : i32
    %dma_start3A_987 = tpu.memref_slice %arg2[%dma_start3A_986, %multiple_of3A_974] : memref<16x1000000xf32, #tpu.memory_space<hbm>> -> memref<16x128xf32, #tpu.memory_space<hbm>>
    tpu.enqueue_dma source(%dma_start3A_987 : memref<16x128xf32, #tpu.memory_space<hbm>>) target(%dma_start3A_985 : memref<16x128xf32, #tpu.memory_space<vmem>>) target_semaphore(%arg8 : memref<!tpu.dma_semaphore, #tpu.memory_space<semaphore_mem>>)
    %slice3A_988 = vector.extract_strided_slice %and3A_923 {offsets = [4], sizes = [1], strides = [1]} : vector<16xi32> to vector<1xi32>
    %squeeze3A_989 = vector.extract %slice3A_988[0] : i32 from vector<1xi32>
    %multiple_of3A_990 = tpu.assume_multiple %squeeze3A_989, 128 : i32
    %dma_start3A_991 = arith.constant 0 : i32
    %dma_start3A_992 = arith.constant 0 : i32
    %dma_start3A_993 = arith.constant 512 : i32
    %dma_start3A_994 = tpu.memref_slice %arg6[%dma_start3A_991, %dma_start3A_992, %dma_start3A_993] : memref<3x16x2048xf32, #tpu.memory_space<vmem>> -> memref<1x16x128xf32, #tpu.memory_space<vmem>>
    %dma_start3A_995 = tpu.memref_squeeze %dma_start3A_994 : memref<1x16x128xf32, #tpu.memory_space<vmem>> -> memref<16x128xf32, #tpu.memory_space<vmem>>
    %dma_start3A_996 = arith.constant 0 : i32
    %dma_start3A_997 = tpu.memref_slice %arg2[%dma_start3A_996, %multiple_of3A_990] : memref<16x1000000xf32, #tpu.memory_space<hbm>> -> memref<16x128xf32, #tpu.memory_space<hbm>>
    %dma_start3A_998 = arith.constant 0 : i32
    %dma_start3A_999 = arith.constant 512 : i32
    %dma_start3A_1000 = tpu.memref_slice %arg6[%dma_start3A_991, %dma_start3A_998, %dma_start3A_999] : memref<3x16x2048xf32, #tpu.memory_space<vmem>> -> memref<1x16x128xf32, #tpu.memory_space<vmem>>
    %dma_start3A_1001 = tpu.memref_squeeze %dma_start3A_1000 : memref<1x16x128xf32, #tpu.memory_space<vmem>> -> memref<16x128xf32, #tpu.memory_space<vmem>>
    %dma_start3A_1002 = arith.constant 0 : i32
    %dma_start3A_1003 = tpu.memref_slice %arg2[%dma_start3A_1002, %multiple_of3A_990] : memref<16x1000000xf32, #tpu.memory_space<hbm>> -> memref<16x128xf32, #tpu.memory_space<hbm>>
    tpu.enqueue_dma source(%dma_start3A_1003 : memref<16x128xf32, #tpu.memory_space<hbm>>) target(%dma_start3A_1001 : memref<16x128xf32, #tpu.memory_space<vmem>>) target_semaphore(%arg8 : memref<!tpu.dma_semaphore, #tpu.memory_space<semaphore_mem>>)
    %slice3A_1004 = vector.extract_strided_slice %and3A_923 {offsets = [5], sizes = [1], strides = [1]} : vector<16xi32> to vector<1xi32>
    %squeeze3A_1005 = vector.extract %slice3A_1004[0] : i32 from vector<1xi32>
    %multiple_of3A_1006 = tpu.assume_multiple %squeeze3A_1005, 128 : i32
    %dma_start3A_1007 = arith.constant 0 : i32
    %dma_start3A_1008 = arith.constant 0 : i32
    %dma_start3A_1009 = arith.constant 640 : i32
    %dma_start3A_1010 = tpu.memref_slice %arg6[%dma_start3A_1007, %dma_start3A_1008, %dma_start3A_1009] : memref<3x16x2048xf32, #tpu.memory_space<vmem>> -> memref<1x16x128xf32, #tpu.memory_space<vmem>>
    %dma_start3A_1011 = tpu.memref_squeeze %dma_start3A_1010 : memref<1x16x128xf32, #tpu.memory_space<vmem>> -> memref<16x128xf32, #tpu.memory_space<vmem>>
    %dma_start3A_1012 = arith.constant 0 : i32
    %dma_start3A_1013 = tpu.memref_slice %arg2[%dma_start3A_1012, %multiple_of3A_1006] : memref<16x1000000xf32, #tpu.memory_space<hbm>> -> memref<16x128xf32, #tpu.memory_space<hbm>>
    %dma_start3A_1014 = arith.constant 0 : i32
    %dma_start3A_1015 = arith.constant 640 : i32
    %dma_start3A_1016 = tpu.memref_slice %arg6[%dma_start3A_1007, %dma_start3A_1014, %dma_start3A_1015] : memref<3x16x2048xf32, #tpu.memory_space<vmem>> -> memref<1x16x128xf32, #tpu.memory_space<vmem>>
    %dma_start3A_1017 = tpu.memref_squeeze %dma_start3A_1016 : memref<1x16x128xf32, #tpu.memory_space<vmem>> -> memref<16x128xf32, #tpu.memory_space<vmem>>
    %dma_start3A_1018 = arith.constant 0 : i32
    %dma_start3A_1019 = tpu.memref_slice %arg2[%dma_start3A_1018, %multiple_of3A_1006] : memref<16x1000000xf32, #tpu.memory_space<hbm>> -> memref<16x128xf32, #tpu.memory_space<hbm>>
    tpu.enqueue_dma source(%dma_start3A_1019 : memref<16x128xf32, #tpu.memory_space<hbm>>) target(%dma_start3A_1017 : memref<16x128xf32, #tpu.memory_space<vmem>>) target_semaphore(%arg8 : memref<!tpu.dma_semaphore, #tpu.memory_space<semaphore_mem>>)
    %slice3A_1020 = vector.extract_strided_slice %and3A_923 {offsets = [6], sizes = [1], strides = [1]} : vector<16xi32> to vector<1xi32>
    %squeeze3A_1021 = vector.extract %slice3A_1020[0] : i32 from vector<1xi32>
    %multiple_of3A_1022 = tpu.assume_multiple %squeeze3A_1021, 128 : i32
    %dma_start3A_1023 = arith.constant 0 : i32
    %dma_start3A_1024 = arith.constant 0 : i32
    %dma_start3A_1025 = arith.constant 768 : i32
    %dma_start3A_1026 = tpu.memref_slice %arg6[%dma_start3A_1023, %dma_start3A_1024, %dma_start3A_1025] : memref<3x16x2048xf32, #tpu.memory_space<vmem>> -> memref<1x16x128xf32, #tpu.memory_space<vmem>>
    %dma_start3A_1027 = tpu.memref_squeeze %dma_start3A_1026 : memref<1x16x128xf32, #tpu.memory_space<vmem>> -> memref<16x128xf32, #tpu.memory_space<vmem>>
    %dma_start3A_1028 = arith.constant 0 : i32
    %dma_start3A_1029 = tpu.memref_slice %arg2[%dma_start3A_1028, %multiple_of3A_1022] : memref<16x1000000xf32, #tpu.memory_space<hbm>> -> memref<16x128xf32, #tpu.memory_space<hbm>>
    %dma_start3A_1030 = arith.constant 0 : i32
    %dma_start3A_1031 = arith.constant 768 : i32
    %dma_start3A_1032 = tpu.memref_slice %arg6[%dma_start3A_1023, %dma_start3A_1030, %dma_start3A_1031] : memref<3x16x2048xf32, #tpu.memory_space<vmem>> -> memref<1x16x128xf32, #tpu.memory_space<vmem>>
    %dma_start3A_1033 = tpu.memref_squeeze %dma_start3A_1032 : memref<1x16x128xf32, #tpu.memory_space<vmem>> -> memref<16x128xf32, #tpu.memory_space<vmem>>
    %dma_start3A_1034 = arith.constant 0 : i32
    %dma_start3A_1035 = tpu.memref_slice %arg2[%dma_start3A_1034, %multiple_of3A_1022] : memref<16x1000000xf32, #tpu.memory_space<hbm>> -> memref<16x128xf32, #tpu.memory_space<hbm>>
    tpu.enqueue_dma source(%dma_start3A_1035 : memref<16x128xf32, #tpu.memory_space<hbm>>) target(%dma_start3A_1033 : memref<16x128xf32, #tpu.memory_space<vmem>>) target_semaphore(%arg8 : memref<!tpu.dma_semaphore, #tpu.memory_space<semaphore_mem>>)
    %slice3A_1036 = vector.extract_strided_slice %and3A_923 {offsets = [7], sizes = [1], strides = [1]} : vector<16xi32> to vector<1xi32>
    %squeeze3A_1037 = vector.extract %slice3A_1036[0] : i32 from vector<1xi32>
    %multiple_of3A_1038 = tpu.assume_multiple %squeeze3A_1037, 128 : i32
    %dma_start3A_1039 = arith.constant 0 : i32
    %dma_start3A_1040 = arith.constant 0 : i32
    %dma_start3A_1041 = arith.constant 896 : i32
    %dma_start3A_1042 = tpu.memref_slice %arg6[%dma_start3A_1039, %dma_start3A_1040, %dma_start3A_1041] : memref<3x16x2048xf32, #tpu.memory_space<vmem>> -> memref<1x16x128xf32, #tpu.memory_space<vmem>>
    %dma_start3A_1043 = tpu.memref_squeeze %dma_start3A_1042 : memref<1x16x128xf32, #tpu.memory_space<vmem>> -> memref<16x128xf32, #tpu.memory_space<vmem>>
    %dma_start3A_1044 = arith.constant 0 : i32
    %dma_start3A_1045 = tpu.memref_slice %arg2[%dma_start3A_1044, %multiple_of3A_1038] : memref<16x1000000xf32, #tpu.memory_space<hbm>> -> memref<16x128xf32, #tpu.memory_space<hbm>>
    %dma_start3A_1046 = arith.constant 0 : i32
    %dma_start3A_1047 = arith.constant 896 : i32
    %dma_start3A_1048 = tpu.memref_slice %arg6[%dma_start3A_1039, %dma_start3A_1046, %dma_start3A_1047] : memref<3x16x2048xf32, #tpu.memory_space<vmem>> -> memref<1x16x128xf32, #tpu.memory_space<vmem>>
    %dma_start3A_1049 = tpu.memref_squeeze %dma_start3A_1048 : memref<1x16x128xf32, #tpu.memory_space<vmem>> -> memref<16x128xf32, #tpu.memory_space<vmem>>
    %dma_start3A_1050 = arith.constant 0 : i32
    %dma_start3A_1051 = tpu.memref_slice %arg2[%dma_start3A_1050, %multiple_of3A_1038] : memref<16x1000000xf32, #tpu.memory_space<hbm>> -> memref<16x128xf32, #tpu.memory_space<hbm>>
    tpu.enqueue_dma source(%dma_start3A_1051 : memref<16x128xf32, #tpu.memory_space<hbm>>) target(%dma_start3A_1049 : memref<16x128xf32, #tpu.memory_space<vmem>>) target_semaphore(%arg8 : memref<!tpu.dma_semaphore, #tpu.memory_space<semaphore_mem>>)
    %slice3A_1052 = vector.extract_strided_slice %and3A_923 {offsets = [8], sizes = [1], strides = [1]} : vector<16xi32> to vector<1xi32>
    %squeeze3A_1053 = vector.extract %slice3A_1052[0] : i32 from vector<1xi32>
    %multiple_of3A_1054 = tpu.assume_multiple %squeeze3A_1053, 128 : i32
    %dma_start3A_1055 = arith.constant 0 : i32
    %dma_start3A_1056 = arith.constant 0 : i32
    %dma_start3A_1057 = arith.constant 1024 : i32
    %dma_start3A_1058 = tpu.memref_slice %arg6[%dma_start3A_1055, %dma_start3A_1056, %dma_start3A_1057] : memref<3x16x2048xf32, #tpu.memory_space<vmem>> -> memref<1x16x128xf32, #tpu.memory_space<vmem>>
    %dma_start3A_1059 = tpu.memref_squeeze %dma_start3A_1058 : memref<1x16x128xf32, #tpu.memory_space<vmem>> -> memref<16x128xf32, #tpu.memory_space<vmem>>
    %dma_start3A_1060 = arith.constant 0 : i32
    %dma_start3A_1061 = tpu.memref_slice %arg2[%dma_start3A_1060, %multiple_of3A_1054] : memref<16x1000000xf32, #tpu.memory_space<hbm>> -> memref<16x128xf32, #tpu.memory_space<hbm>>
    %dma_start3A_1062 = arith.constant 0 : i32
    %dma_start3A_1063 = arith.constant 1024 : i32
    %dma_start3A_1064 = tpu.memref_slice %arg6[%dma_start3A_1055, %dma_start3A_1062, %dma_start3A_1063] : memref<3x16x2048xf32, #tpu.memory_space<vmem>> -> memref<1x16x128xf32, #tpu.memory_space<vmem>>
    %dma_start3A_1065 = tpu.memref_squeeze %dma_start3A_1064 : memref<1x16x128xf32, #tpu.memory_space<vmem>> -> memref<16x128xf32, #tpu.memory_space<vmem>>
    %dma_start3A_1066 = arith.constant 0 : i32
    %dma_start3A_1067 = tpu.memref_slice %arg2[%dma_start3A_1066, %multiple_of3A_1054] : memref<16x1000000xf32, #tpu.memory_space<hbm>> -> memref<16x128xf32, #tpu.memory_space<hbm>>
    tpu.enqueue_dma source(%dma_start3A_1067 : memref<16x128xf32, #tpu.memory_space<hbm>>) target(%dma_start3A_1065 : memref<16x128xf32, #tpu.memory_space<vmem>>) target_semaphore(%arg8 : memref<!tpu.dma_semaphore, #tpu.memory_space<semaphore_mem>>)
    %slice3A_1068 = vector.extract_strided_slice %and3A_923 {offsets = [9], sizes = [1], strides = [1]} : vector<16xi32> to vector<1xi32>
    %squeeze3A_1069 = vector.extract %slice3A_1068[0] : i32 from vector<1xi32>
    %multiple_of3A_1070 = tpu.assume_multiple %squeeze3A_1069, 128 : i32
    %dma_start3A_1071 = arith.constant 0 : i32
    %dma_start3A_1072 = arith.constant 0 : i32
    %dma_start3A_1073 = arith.constant 1152 : i32
    %dma_start3A_1074 = tpu.memref_slice %arg6[%dma_start3A_1071, %dma_start3A_1072, %dma_start3A_1073] : memref<3x16x2048xf32, #tpu.memory_space<vmem>> -> memref<1x16x128xf32, #tpu.memory_space<vmem>>
    %dma_start3A_1075 = tpu.memref_squeeze %dma_start3A_1074 : memref<1x16x128xf32, #tpu.memory_space<vmem>> -> memref<16x128xf32, #tpu.memory_space<vmem>>
    %dma_start3A_1076 = arith.constant 0 : i32
    %dma_start3A_1077 = tpu.memref_slice %arg2[%dma_start3A_1076, %multiple_of3A_1070] : memref<16x1000000xf32, #tpu.memory_space<hbm>> -> memref<16x128xf32, #tpu.memory_space<hbm>>
    %dma_start3A_1078 = arith.constant 0 : i32
    %dma_start3A_1079 = arith.constant 1152 : i32
    %dma_start3A_1080 = tpu.memref_slice %arg6[%dma_start3A_1071, %dma_start3A_1078, %dma_start3A_1079] : memref<3x16x2048xf32, #tpu.memory_space<vmem>> -> memref<1x16x128xf32, #tpu.memory_space<vmem>>
    %dma_start3A_1081 = tpu.memref_squeeze %dma_start3A_1080 : memref<1x16x128xf32, #tpu.memory_space<vmem>> -> memref<16x128xf32, #tpu.memory_space<vmem>>
    %dma_start3A_1082 = arith.constant 0 : i32
    %dma_start3A_1083 = tpu.memref_slice %arg2[%dma_start3A_1082, %multiple_of3A_1070] : memref<16x1000000xf32, #tpu.memory_space<hbm>> -> memref<16x128xf32, #tpu.memory_space<hbm>>
    tpu.enqueue_dma source(%dma_start3A_1083 : memref<16x128xf32, #tpu.memory_space<hbm>>) target(%dma_start3A_1081 : memref<16x128xf32, #tpu.memory_space<vmem>>) target_semaphore(%arg8 : memref<!tpu.dma_semaphore, #tpu.memory_space<semaphore_mem>>)
    %slice3A_1084 = vector.extract_strided_slice %and3A_923 {offsets = [10], sizes = [1], strides = [1]} : vector<16xi32> to vector<1xi32>
    %squeeze3A_1085 = vector.extract %slice3A_1084[0] : i32 from vector<1xi32>
    %multiple_of3A_1086 = tpu.assume_multiple %squeeze3A_1085, 128 : i32
    %dma_start3A_1087 = arith.constant 0 : i32
    %dma_start3A_1088 = arith.constant 0 : i32
    %dma_start3A_1089 = arith.constant 1280 : i32
    %dma_start3A_1090 = tpu.memref_slice %arg6[%dma_start3A_1087, %dma_start3A_1088, %dma_start3A_1089] : memref<3x16x2048xf32, #tpu.memory_space<vmem>> -> memref<1x16x128xf32, #tpu.memory_space<vmem>>
    %dma_start3A_1091 = tpu.memref_squeeze %dma_start3A_1090 : memref<1x16x128xf32, #tpu.memory_space<vmem>> -> memref<16x128xf32, #tpu.memory_space<vmem>>
    %dma_start3A_1092 = arith.constant 0 : i32
    %dma_start3A_1093 = tpu.memref_slice %arg2[%dma_start3A_1092, %multiple_of3A_1086] : memref<16x1000000xf32, #tpu.memory_space<hbm>> -> memref<16x128xf32, #tpu.memory_space<hbm>>
    %dma_start3A_1094 = arith.constant 0 : i32
    %dma_start3A_1095 = arith.constant 1280 : i32
    %dma_start3A_1096 = tpu.memref_slice %arg6[%dma_start3A_1087, %dma_start3A_1094, %dma_start3A_1095] : memref<3x16x2048xf32, #tpu.memory_space<vmem>> -> memref<1x16x128xf32, #tpu.memory_space<vmem>>
    %dma_start3A_1097 = tpu.memref_squeeze %dma_start3A_1096 : memref<1x16x128xf32, #tpu.memory_space<vmem>> -> memref<16x128xf32, #tpu.memory_space<vmem>>
    %dma_start3A_1098 = arith.constant 0 : i32
    %dma_start3A_1099 = tpu.memref_slice %arg2[%dma_start3A_1098, %multiple_of3A_1086] : memref<16x1000000xf32, #tpu.memory_space<hbm>> -> memref<16x128xf32, #tpu.memory_space<hbm>>
    tpu.enqueue_dma source(%dma_start3A_1099 : memref<16x128xf32, #tpu.memory_space<hbm>>) target(%dma_start3A_1097 : memref<16x128xf32, #tpu.memory_space<vmem>>) target_semaphore(%arg8 : memref<!tpu.dma_semaphore, #tpu.memory_space<semaphore_mem>>)
    %slice3A_1100 = vector.extract_strided_slice %and3A_923 {offsets = [11], sizes = [1], strides = [1]} : vector<16xi32> to vector<1xi32>
    %squeeze3A_1101 = vector.extract %slice3A_1100[0] : i32 from vector<1xi32>
    %multiple_of3A_1102 = tpu.assume_multiple %squeeze3A_1101, 128 : i32
    %dma_start3A_1103 = arith.constant 0 : i32
    %dma_start3A_1104 = arith.constant 0 : i32
    %dma_start3A_1105 = arith.constant 1408 : i32
    %dma_start3A_1106 = tpu.memref_slice %arg6[%dma_start3A_1103, %dma_start3A_1104, %dma_start3A_1105] : memref<3x16x2048xf32, #tpu.memory_space<vmem>> -> memref<1x16x128xf32, #tpu.memory_space<vmem>>
    %dma_start3A_1107 = tpu.memref_squeeze %dma_start3A_1106 : memref<1x16x128xf32, #tpu.memory_space<vmem>> -> memref<16x128xf32, #tpu.memory_space<vmem>>
    %dma_start3A_1108 = arith.constant 0 : i32
    %dma_start3A_1109 = tpu.memref_slice %arg2[%dma_start3A_1108, %multiple_of3A_1102] : memref<16x1000000xf32, #tpu.memory_space<hbm>> -> memref<16x128xf32, #tpu.memory_space<hbm>>
    %dma_start3A_1110 = arith.constant 0 : i32
    %dma_start3A_1111 = arith.constant 1408 : i32
    %dma_start3A_1112 = tpu.memref_slice %arg6[%dma_start3A_1103, %dma_start3A_1110, %dma_start3A_1111] : memref<3x16x2048xf32, #tpu.memory_space<vmem>> -> memref<1x16x128xf32, #tpu.memory_space<vmem>>
    %dma_start3A_1113 = tpu.memref_squeeze %dma_start3A_1112 : memref<1x16x128xf32, #tpu.memory_space<vmem>> -> memref<16x128xf32, #tpu.memory_space<vmem>>
    %dma_start3A_1114 = arith.constant 0 : i32
    %dma_start3A_1115 = tpu.memref_slice %arg2[%dma_start3A_1114, %multiple_of3A_1102] : memref<16x1000000xf32, #tpu.memory_space<hbm>> -> memref<16x128xf32, #tpu.memory_space<hbm>>
    tpu.enqueue_dma source(%dma_start3A_1115 : memref<16x128xf32, #tpu.memory_space<hbm>>) target(%dma_start3A_1113 : memref<16x128xf32, #tpu.memory_space<vmem>>) target_semaphore(%arg8 : memref<!tpu.dma_semaphore, #tpu.memory_space<semaphore_mem>>)
    %slice3A_1116 = vector.extract_strided_slice %and3A_923 {offsets = [12], sizes = [1], strides = [1]} : vector<16xi32> to vector<1xi32>
    %squeeze3A_1117 = vector.extract %slice3A_1116[0] : i32 from vector<1xi32>
    %multiple_of3A_1118 = tpu.assume_multiple %squeeze3A_1117, 128 : i32
    %dma_start3A_1119 = arith.constant 0 : i32
    %dma_start3A_1120 = arith.constant 0 : i32
    %dma_start3A_1121 = arith.constant 1536 : i32
    %dma_start3A_1122 = tpu.memref_slice %arg6[%dma_start3A_1119, %dma_start3A_1120, %dma_start3A_1121] : memref<3x16x2048xf32, #tpu.memory_space<vmem>> -> memref<1x16x128xf32, #tpu.memory_space<vmem>>
    %dma_start3A_1123 = tpu.memref_squeeze %dma_start3A_1122 : memref<1x16x128xf32, #tpu.memory_space<vmem>> -> memref<16x128xf32, #tpu.memory_space<vmem>>
    %dma_start3A_1124 = arith.constant 0 : i32
    %dma_start3A_1125 = tpu.memref_slice %arg2[%dma_start3A_1124, %multiple_of3A_1118] : memref<16x1000000xf32, #tpu.memory_space<hbm>> -> memref<16x128xf32, #tpu.memory_space<hbm>>
    %dma_start3A_1126 = arith.constant 0 : i32
    %dma_start3A_1127 = arith.constant 1536 : i32
    %dma_start3A_1128 = tpu.memref_slice %arg6[%dma_start3A_1119, %dma_start3A_1126, %dma_start3A_1127] : memref<3x16x2048xf32, #tpu.memory_space<vmem>> -> memref<1x16x128xf32, #tpu.memory_space<vmem>>
    %dma_start3A_1129 = tpu.memref_squeeze %dma_start3A_1128 : memref<1x16x128xf32, #tpu.memory_space<vmem>> -> memref<16x128xf32, #tpu.memory_space<vmem>>
    %dma_start3A_1130 = arith.constant 0 : i32
    %dma_start3A_1131 = tpu.memref_slice %arg2[%dma_start3A_1130, %multiple_of3A_1118] : memref<16x1000000xf32, #tpu.memory_space<hbm>> -> memref<16x128xf32, #tpu.memory_space<hbm>>
    tpu.enqueue_dma source(%dma_start3A_1131 : memref<16x128xf32, #tpu.memory_space<hbm>>) target(%dma_start3A_1129 : memref<16x128xf32, #tpu.memory_space<vmem>>) target_semaphore(%arg8 : memref<!tpu.dma_semaphore, #tpu.memory_space<semaphore_mem>>)
    %slice3A_1132 = vector.extract_strided_slice %and3A_923 {offsets = [13], sizes = [1], strides = [1]} : vector<16xi32> to vector<1xi32>
    %squeeze3A_1133 = vector.extract %slice3A_1132[0] : i32 from vector<1xi32>
    %multiple_of3A_1134 = tpu.assume_multiple %squeeze3A_1133, 128 : i32
    %dma_start3A_1135 = arith.constant 0 : i32
    %dma_start3A_1136 = arith.constant 0 : i32
    %dma_start3A_1137 = arith.constant 1664 : i32
    %dma_start3A_1138 = tpu.memref_slice %arg6[%dma_start3A_1135, %dma_start3A_1136, %dma_start3A_1137] : memref<3x16x2048xf32, #tpu.memory_space<vmem>> -> memref<1x16x128xf32, #tpu.memory_space<vmem>>
    %dma_start3A_1139 = tpu.memref_squeeze %dma_start3A_1138 : memref<1x16x128xf32, #tpu.memory_space<vmem>> -> memref<16x128xf32, #tpu.memory_space<vmem>>
    %dma_start3A_1140 = arith.constant 0 : i32
    %dma_start3A_1141 = tpu.memref_slice %arg2[%dma_start3A_1140, %multiple_of3A_1134] : memref<16x1000000xf32, #tpu.memory_space<hbm>> -> memref<16x128xf32, #tpu.memory_space<hbm>>
    %dma_start3A_1142 = arith.constant 0 : i32
    %dma_start3A_1143 = arith.constant 1664 : i32
    %dma_start3A_1144 = tpu.memref_slice %arg6[%dma_start3A_1135, %dma_start3A_1142, %dma_start3A_1143] : memref<3x16x2048xf32, #tpu.memory_space<vmem>> -> memref<1x16x128xf32, #tpu.memory_space<vmem>>
    %dma_start3A_1145 = tpu.memref_squeeze %dma_start3A_1144 : memref<1x16x128xf32, #tpu.memory_space<vmem>> -> memref<16x128xf32, #tpu.memory_space<vmem>>
    %dma_start3A_1146 = arith.constant 0 : i32
    %dma_start3A_1147 = tpu.memref_slice %arg2[%dma_start3A_1146, %multiple_of3A_1134] : memref<16x1000000xf32, #tpu.memory_space<hbm>> -> memref<16x128xf32, #tpu.memory_space<hbm>>
    tpu.enqueue_dma source(%dma_start3A_1147 : memref<16x128xf32, #tpu.memory_space<hbm>>) target(%dma_start3A_1145 : memref<16x128xf32, #tpu.memory_space<vmem>>) target_semaphore(%arg8 : memref<!tpu.dma_semaphore, #tpu.memory_space<semaphore_mem>>)
    %slice3A_1148 = vector.extract_strided_slice %and3A_923 {offsets = [14], sizes = [1], strides = [1]} : vector<16xi32> to vector<1xi32>
    %squeeze3A_1149 = vector.extract %slice3A_1148[0] : i32 from vector<1xi32>
    %multiple_of3A_1150 = tpu.assume_multiple %squeeze3A_1149, 128 : i32
    %dma_start3A_1151 = arith.constant 0 : i32
    %dma_start3A_1152 = arith.constant 0 : i32
    %dma_start3A_1153 = arith.constant 1792 : i32
    %dma_start3A_1154 = tpu.memref_slice %arg6[%dma_start3A_1151, %dma_start3A_1152, %dma_start3A_1153] : memref<3x16x2048xf32, #tpu.memory_space<vmem>> -> memref<1x16x128xf32, #tpu.memory_space<vmem>>
    %dma_start3A_1155 = tpu.memref_squeeze %dma_start3A_1154 : memref<1x16x128xf32, #tpu.memory_space<vmem>> -> memref<16x128xf32, #tpu.memory_space<vmem>>
    %dma_start3A_1156 = arith.constant 0 : i32
    %dma_start3A_1157 = tpu.memref_slice %arg2[%dma_start3A_1156, %multiple_of3A_1150] : memref<16x1000000xf32, #tpu.memory_space<hbm>> -> memref<16x128xf32, #tpu.memory_space<hbm>>
    %dma_start3A_1158 = arith.constant 0 : i32
    %dma_start3A_1159 = arith.constant 1792 : i32
    %dma_start3A_1160 = tpu.memref_slice %arg6[%dma_start3A_1151, %dma_start3A_1158, %dma_start3A_1159] : memref<3x16x2048xf32, #tpu.memory_space<vmem>> -> memref<1x16x128xf32, #tpu.memory_space<vmem>>
    %dma_start3A_1161 = tpu.memref_squeeze %dma_start3A_1160 : memref<1x16x128xf32, #tpu.memory_space<vmem>> -> memref<16x128xf32, #tpu.memory_space<vmem>>
    %dma_start3A_1162 = arith.constant 0 : i32
    %dma_start3A_1163 = tpu.memref_slice %arg2[%dma_start3A_1162, %multiple_of3A_1150] : memref<16x1000000xf32, #tpu.memory_space<hbm>> -> memref<16x128xf32, #tpu.memory_space<hbm>>
    tpu.enqueue_dma source(%dma_start3A_1163 : memref<16x128xf32, #tpu.memory_space<hbm>>) target(%dma_start3A_1161 : memref<16x128xf32, #tpu.memory_space<vmem>>) target_semaphore(%arg8 : memref<!tpu.dma_semaphore, #tpu.memory_space<semaphore_mem>>)
    %slice3A_1164 = vector.extract_strided_slice %and3A_923 {offsets = [15], sizes = [1], strides = [1]} : vector<16xi32> to vector<1xi32>
    %squeeze3A_1165 = vector.extract %slice3A_1164[0] : i32 from vector<1xi32>
    %multiple_of3A_1166 = tpu.assume_multiple %squeeze3A_1165, 128 : i32
    %dma_start3A_1167 = arith.constant 0 : i32
    %dma_start3A_1168 = arith.constant 0 : i32
    %dma_start3A_1169 = arith.constant 1920 : i32
    %dma_start3A_1170 = tpu.memref_slice %arg6[%dma_start3A_1167, %dma_start3A_1168, %dma_start3A_1169] : memref<3x16x2048xf32, #tpu.memory_space<vmem>> -> memref<1x16x128xf32, #tpu.memory_space<vmem>>
    %dma_start3A_1171 = tpu.memref_squeeze %dma_start3A_1170 : memref<1x16x128xf32, #tpu.memory_space<vmem>> -> memref<16x128xf32, #tpu.memory_space<vmem>>
    %dma_start3A_1172 = arith.constant 0 : i32
    %dma_start3A_1173 = tpu.memref_slice %arg2[%dma_start3A_1172, %multiple_of3A_1166] : memref<16x1000000xf32, #tpu.memory_space<hbm>> -> memref<16x128xf32, #tpu.memory_space<hbm>>
    %dma_start3A_1174 = arith.constant 0 : i32
    %dma_start3A_1175 = arith.constant 1920 : i32
    %dma_start3A_1176 = tpu.memref_slice %arg6[%dma_start3A_1167, %dma_start3A_1174, %dma_start3A_1175] : memref<3x16x2048xf32, #tpu.memory_space<vmem>> -> memref<1x16x128xf32, #tpu.memory_space<vmem>>
    %dma_start3A_1177 = tpu.memref_squeeze %dma_start3A_1176 : memref<1x16x128xf32, #tpu.memory_space<vmem>> -> memref<16x128xf32, #tpu.memory_space<vmem>>
    %dma_start3A_1178 = arith.constant 0 : i32
    %dma_start3A_1179 = tpu.memref_slice %arg2[%dma_start3A_1178, %multiple_of3A_1166] : memref<16x1000000xf32, #tpu.memory_space<hbm>> -> memref<16x128xf32, #tpu.memory_space<hbm>>
    tpu.enqueue_dma source(%dma_start3A_1179 : memref<16x128xf32, #tpu.memory_space<hbm>>) target(%dma_start3A_1177 : memref<16x128xf32, #tpu.memory_space<vmem>>) target_semaphore(%arg8 : memref<!tpu.dma_semaphore, #tpu.memory_space<semaphore_mem>>)
    %dma_wait3A_1180 = arith.constant 1 : i32
    %dma_wait3A_1181 = arith.constant 0 : i32
    %dma_wait3A_1182 = arith.constant 0 : i32
    %dma_wait3A_1183 = tpu.memref_slice %arg6[%dma_wait3A_1180, %dma_wait3A_1181, %dma_wait3A_1182] : memref<3x16x2048xf32, #tpu.memory_space<vmem>> -> memref<1x16x2048xf32, #tpu.memory_space<vmem>>
    %dma_wait3A_1184 = tpu.memref_squeeze %dma_wait3A_1183 : memref<1x16x2048xf32, #tpu.memory_space<vmem>> -> memref<16x2048xf32, #tpu.memory_space<vmem>>
    %dma_wait3A_1185 = arith.constant 0 : i32
    %dma_wait3A_1186 = arith.constant 0 : i32
    %dma_wait3A_1187 = tpu.memref_slice %arg2[%dma_wait3A_1185, %dma_wait3A_1186] : memref<16x1000000xf32, #tpu.memory_space<hbm>> -> memref<16x2048xf32, #tpu.memory_space<hbm>>
    %dma_wait3A_1188 = arith.constant 0 : i32
    %dma_wait3A_1189 = arith.constant 0 : i32
    %dma_wait3A_1190 = tpu.memref_slice %arg6[%dma_wait3A_1180, %dma_wait3A_1188, %dma_wait3A_1189] : memref<3x16x2048xf32, #tpu.memory_space<vmem>> -> memref<1x16x2048xf32, #tpu.memory_space<vmem>>
    %dma_wait3A_1191 = tpu.memref_squeeze %dma_wait3A_1190 : memref<1x16x2048xf32, #tpu.memory_space<vmem>> -> memref<16x2048xf32, #tpu.memory_space<vmem>>
    %dma_wait3A_1192 = arith.constant 0 : i32
    %dma_wait3A_1193 = arith.constant 0 : i32
    %dma_wait3A_1194 = tpu.memref_slice %arg2[%dma_wait3A_1192, %dma_wait3A_1193] : memref<16x1000000xf32, #tpu.memory_space<hbm>> -> memref<16x2048xf32, #tpu.memory_space<hbm>>
    tpu.wait_dma2 semaphore(%arg9 : memref<!tpu.dma_semaphore, #tpu.memory_space<semaphore_mem>>) src(%dma_wait3A_1194 : memref<16x2048xf32, #tpu.memory_space<hbm>>) dst(%dma_wait3A_1191 : memref<16x2048xf32, #tpu.memory_space<vmem>>)
    %get3A_1195 = arith.constant 448 : index
    %get3A_1196 = tpu.vector_load %arg5[%get3A_1195] {strides = array<i32>} : memref<512xi32, #tpu.memory_space<vmem>>, vector<16xi32>,
    %and3A_1197 = arith.constant 127 : i32
    %and3A_1198 = vector.broadcast %and3A_1197 : i32 to vector<16xi32>
    %and3A_1199 = arith.andi %get3A_1196, %and3A_1198 : vector<16xi32>
    %iota3A_1200 = tpu.iota {dimensions = array<i32: 0>} : vector<16xi32>
    %mul3A_1201 = arith.constant 128 : i32
    %mul3A_1202 = vector.broadcast %mul3A_1201 : i32 to vector<16xi32>
    %mul3A_1203 = arith.muli %iota3A_1200, %mul3A_1202 : vector<16xi32>
    %add3A_1204 = arith.addi %mul3A_1203, %and3A_1199 : vector<16xi32>
    %broadcast_in_dim3A_1205 = arith.constant 1 : i32
    %broadcast_in_dim3A_1206 = vector.broadcast %broadcast_in_dim3A_1205 : i32 to vector<16xi32>
    %broadcast_in_dim3A_1207 = arith.constant 0 : i32
    %broadcast_in_dim3A_1208 = vector.broadcast %broadcast_in_dim3A_1207 : i32 to vector<16xi32>
    %gather3A_1209 = tpu.vector_load_idx %arg6[%broadcast_in_dim3A_1206, %broadcast_in_dim3A_1208, %add3A_1204] : memref<3x16x2048xf32, #tpu.memory_space<vmem>>[vector<16xi32>, vector<16xi32>, vector<16xi32>], vector<16xf32>,
    %swap3A_1210 = arith.constant 0 : i32
    %swap3A_1211 = arith.index_cast %swap3A_1210 : i32 to index
    %swap3A_1212 = arith.constant 448 : index
    %swap3A_1213 = tpu.vector_load %arg7[%swap3A_1211, %swap3A_1212] {strides = array<i32>} : memref<16x512xf32, #tpu.memory_space<vmem>>, vector<16xf32>,
    tpu.vector_store %arg7[%swap3A_1211, %swap3A_1212], %gather3A_1209 {strides = array<i32>} : memref<16x512xf32, #tpu.memory_space<vmem>>, vector<16xf32>,
    %broadcast_in_dim3A_1214 = arith.constant 1 : i32
    %broadcast_in_dim3A_1215 = vector.broadcast %broadcast_in_dim3A_1214 : i32 to vector<16xi32>
    %gather3A_1216 = tpu.vector_load_idx %arg6[%broadcast_in_dim3A_1206, %broadcast_in_dim3A_1215, %add3A_1204] : memref<3x16x2048xf32, #tpu.memory_space<vmem>>[vector<16xi32>, vector<16xi32>, vector<16xi32>], vector<16xf32>,
    %swap3A_1217 = arith.constant 1 : i32
    %swap3A_1218 = arith.index_cast %swap3A_1217 : i32 to index
    %swap3A_1219 = arith.constant 448 : index
    %swap3A_1220 = tpu.vector_load %arg7[%swap3A_1218, %swap3A_1219] {strides = array<i32>} : memref<16x512xf32, #tpu.memory_space<vmem>>, vector<16xf32>,
    tpu.vector_store %arg7[%swap3A_1218, %swap3A_1219], %gather3A_1216 {strides = array<i32>} : memref<16x512xf32, #tpu.memory_space<vmem>>, vector<16xf32>,
    %broadcast_in_dim3A_1221 = arith.constant 2 : i32
    %broadcast_in_dim3A_1222 = vector.broadcast %broadcast_in_dim3A_1221 : i32 to vector<16xi32>
    %gather3A_1223 = tpu.vector_load_idx %arg6[%broadcast_in_dim3A_1206, %broadcast_in_dim3A_1222, %add3A_1204] : memref<3x16x2048xf32, #tpu.memory_space<vmem>>[vector<16xi32>, vector<16xi32>, vector<16xi32>], vector<16xf32>,
    %swap3A_1224 = arith.constant 2 : i32
    %swap3A_1225 = arith.index_cast %swap3A_1224 : i32 to index
    %swap3A_1226 = arith.constant 448 : index
    %swap3A_1227 = tpu.vector_load %arg7[%swap3A_1225, %swap3A_1226] {strides = array<i32>} : memref<16x512xf32, #tpu.memory_space<vmem>>, vector<16xf32>,
    tpu.vector_store %arg7[%swap3A_1225, %swap3A_1226], %gather3A_1223 {strides = array<i32>} : memref<16x512xf32, #tpu.memory_space<vmem>>, vector<16xf32>,
    %broadcast_in_dim3A_1228 = arith.constant 3 : i32
    %broadcast_in_dim3A_1229 = vector.broadcast %broadcast_in_dim3A_1228 : i32 to vector<16xi32>
    %gather3A_1230 = tpu.vector_load_idx %arg6[%broadcast_in_dim3A_1206, %broadcast_in_dim3A_1229, %add3A_1204] : memref<3x16x2048xf32, #tpu.memory_space<vmem>>[vector<16xi32>, vector<16xi32>, vector<16xi32>], vector<16xf32>,
    %swap3A_1231 = arith.constant 3 : i32
    %swap3A_1232 = arith.index_cast %swap3A_1231 : i32 to index
    %swap3A_1233 = arith.constant 448 : index
    %swap3A_1234 = tpu.vector_load %arg7[%swap3A_1232, %swap3A_1233] {strides = array<i32>} : memref<16x512xf32, #tpu.memory_space<vmem>>, vector<16xf32>,
    tpu.vector_store %arg7[%swap3A_1232, %swap3A_1233], %gather3A_1230 {strides = array<i32>} : memref<16x512xf32, #tpu.memory_space<vmem>>, vector<16xf32>,
    %broadcast_in_dim3A_1235 = arith.constant 4 : i32
    %broadcast_in_dim3A_1236 = vector.broadcast %broadcast_in_dim3A_1235 : i32 to vector<16xi32>
    %gather3A_1237 = tpu.vector_load_idx %arg6[%broadcast_in_dim3A_1206, %broadcast_in_dim3A_1236, %add3A_1204] : memref<3x16x2048xf32, #tpu.memory_space<vmem>>[vector<16xi32>, vector<16xi32>, vector<16xi32>], vector<16xf32>,
    %swap3A_1238 = arith.constant 4 : i32
    %swap3A_1239 = arith.index_cast %swap3A_1238 : i32 to index
    %swap3A_1240 = arith.constant 448 : index
    %swap3A_1241 = tpu.vector_load %arg7[%swap3A_1239, %swap3A_1240] {strides = array<i32>} : memref<16x512xf32, #tpu.memory_space<vmem>>, vector<16xf32>,
    tpu.vector_store %arg7[%swap3A_1239, %swap3A_1240], %gather3A_1237 {strides = array<i32>} : memref<16x512xf32, #tpu.memory_space<vmem>>, vector<16xf32>,
    %broadcast_in_dim3A_1242 = arith.constant 5 : i32
    %broadcast_in_dim3A_1243 = vector.broadcast %broadcast_in_dim3A_1242 : i32 to vector<16xi32>
    %gather3A_1244 = tpu.vector_load_idx %arg6[%broadcast_in_dim3A_1206, %broadcast_in_dim3A_1243, %add3A_1204] : memref<3x16x2048xf32, #tpu.memory_space<vmem>>[vector<16xi32>, vector<16xi32>, vector<16xi32>], vector<16xf32>,
    %swap3A_1245 = arith.constant 5 : i32
    %swap3A_1246 = arith.index_cast %swap3A_1245 : i32 to index
    %swap3A_1247 = arith.constant 448 : index
    %swap3A_1248 = tpu.vector_load %arg7[%swap3A_1246, %swap3A_1247] {strides = array<i32>} : memref<16x512xf32, #tpu.memory_space<vmem>>, vector<16xf32>,
    tpu.vector_store %arg7[%swap3A_1246, %swap3A_1247], %gather3A_1244 {strides = array<i32>} : memref<16x512xf32, #tpu.memory_space<vmem>>, vector<16xf32>,
    %broadcast_in_dim3A_1249 = arith.constant 6 : i32
    %broadcast_in_dim3A_1250 = vector.broadcast %broadcast_in_dim3A_1249 : i32 to vector<16xi32>
    %gather3A_1251 = tpu.vector_load_idx %arg6[%broadcast_in_dim3A_1206, %broadcast_in_dim3A_1250, %add3A_1204] : memref<3x16x2048xf32, #tpu.memory_space<vmem>>[vector<16xi32>, vector<16xi32>, vector<16xi32>], vector<16xf32>,
    %swap3A_1252 = arith.constant 6 : i32
    %swap3A_1253 = arith.index_cast %swap3A_1252 : i32 to index
    %swap3A_1254 = arith.constant 448 : index
    %swap3A_1255 = tpu.vector_load %arg7[%swap3A_1253, %swap3A_1254] {strides = array<i32>} : memref<16x512xf32, #tpu.memory_space<vmem>>, vector<16xf32>,
    tpu.vector_store %arg7[%swap3A_1253, %swap3A_1254], %gather3A_1251 {strides = array<i32>} : memref<16x512xf32, #tpu.memory_space<vmem>>, vector<16xf32>,
    %broadcast_in_dim3A_1256 = arith.constant 7 : i32
    %broadcast_in_dim3A_1257 = vector.broadcast %broadcast_in_dim3A_1256 : i32 to vector<16xi32>
    %gather3A_1258 = tpu.vector_load_idx %arg6[%broadcast_in_dim3A_1206, %broadcast_in_dim3A_1257, %add3A_1204] : memref<3x16x2048xf32, #tpu.memory_space<vmem>>[vector<16xi32>, vector<16xi32>, vector<16xi32>], vector<16xf32>,
    %swap3A_1259 = arith.constant 7 : i32
    %swap3A_1260 = arith.index_cast %swap3A_1259 : i32 to index
    %swap3A_1261 = arith.constant 448 : index
    %swap3A_1262 = tpu.vector_load %arg7[%swap3A_1260, %swap3A_1261] {strides = array<i32>} : memref<16x512xf32, #tpu.memory_space<vmem>>, vector<16xf32>,
    tpu.vector_store %arg7[%swap3A_1260, %swap3A_1261], %gather3A_1258 {strides = array<i32>} : memref<16x512xf32, #tpu.memory_space<vmem>>, vector<16xf32>,
    %broadcast_in_dim3A_1263 = arith.constant 8 : i32
    %broadcast_in_dim3A_1264 = vector.broadcast %broadcast_in_dim3A_1263 : i32 to vector<16xi32>
    %gather3A_1265 = tpu.vector_load_idx %arg6[%broadcast_in_dim3A_1206, %broadcast_in_dim3A_1264, %add3A_1204] : memref<3x16x2048xf32, #tpu.memory_space<vmem>>[vector<16xi32>, vector<16xi32>, vector<16xi32>], vector<16xf32>,
    %swap3A_1266 = arith.constant 8 : i32
    %swap3A_1267 = arith.index_cast %swap3A_1266 : i32 to index
    %swap3A_1268 = arith.constant 448 : index
    %swap3A_1269 = tpu.vector_load %arg7[%swap3A_1267, %swap3A_1268] {strides = array<i32>} : memref<16x512xf32, #tpu.memory_space<vmem>>, vector<16xf32>,
    tpu.vector_store %arg7[%swap3A_1267, %swap3A_1268], %gather3A_1265 {strides = array<i32>} : memref<16x512xf32, #tpu.memory_space<vmem>>, vector<16xf32>,
    %broadcast_in_dim3A_1270 = arith.constant 9 : i32
    %broadcast_in_dim3A_1271 = vector.broadcast %broadcast_in_dim3A_1270 : i32 to vector<16xi32>
    %gather3A_1272 = tpu.vector_load_idx %arg6[%broadcast_in_dim3A_1206, %broadcast_in_dim3A_1271, %add3A_1204] : memref<3x16x2048xf32, #tpu.memory_space<vmem>>[vector<16xi32>, vector<16xi32>, vector<16xi32>], vector<16xf32>,
    %swap3A_1273 = arith.constant 9 : i32
    %swap3A_1274 = arith.index_cast %swap3A_1273 : i32 to index
    %swap3A_1275 = arith.constant 448 : index
    %swap3A_1276 = tpu.vector_load %arg7[%swap3A_1274, %swap3A_1275] {strides = array<i32>} : memref<16x512xf32, #tpu.memory_space<vmem>>, vector<16xf32>,
    tpu.vector_store %arg7[%swap3A_1274, %swap3A_1275], %gather3A_1272 {strides = array<i32>} : memref<16x512xf32, #tpu.memory_space<vmem>>, vector<16xf32>,
    %broadcast_in_dim3A_1277 = arith.constant 10 : i32
    %broadcast_in_dim3A_1278 = vector.broadcast %broadcast_in_dim3A_1277 : i32 to vector<16xi32>
    %gather3A_1279 = tpu.vector_load_idx %arg6[%broadcast_in_dim3A_1206, %broadcast_in_dim3A_1278, %add3A_1204] : memref<3x16x2048xf32, #tpu.memory_space<vmem>>[vector<16xi32>, vector<16xi32>, vector<16xi32>], vector<16xf32>,
    %swap3A_1280 = arith.constant 10 : i32
    %swap3A_1281 = arith.index_cast %swap3A_1280 : i32 to index
    %swap3A_1282 = arith.constant 448 : index
    %swap3A_1283 = tpu.vector_load %arg7[%swap3A_1281, %swap3A_1282] {strides = array<i32>} : memref<16x512xf32, #tpu.memory_space<vmem>>, vector<16xf32>,
    tpu.vector_store %arg7[%swap3A_1281, %swap3A_1282], %gather3A_1279 {strides = array<i32>} : memref<16x512xf32, #tpu.memory_space<vmem>>, vector<16xf32>,
    %broadcast_in_dim3A_1284 = arith.constant 11 : i32
    %broadcast_in_dim3A_1285 = vector.broadcast %broadcast_in_dim3A_1284 : i32 to vector<16xi32>
    %gather3A_1286 = tpu.vector_load_idx %arg6[%broadcast_in_dim3A_1206, %broadcast_in_dim3A_1285, %add3A_1204] : memref<3x16x2048xf32, #tpu.memory_space<vmem>>[vector<16xi32>, vector<16xi32>, vector<16xi32>], vector<16xf32>,
    %swap3A_1287 = arith.constant 11 : i32
    %swap3A_1288 = arith.index_cast %swap3A_1287 : i32 to index
    %swap3A_1289 = arith.constant 448 : index
    %swap3A_1290 = tpu.vector_load %arg7[%swap3A_1288, %swap3A_1289] {strides = array<i32>} : memref<16x512xf32, #tpu.memory_space<vmem>>, vector<16xf32>,
    tpu.vector_store %arg7[%swap3A_1288, %swap3A_1289], %gather3A_1286 {strides = array<i32>} : memref<16x512xf32, #tpu.memory_space<vmem>>, vector<16xf32>,
    %broadcast_in_dim3A_1291 = arith.constant 12 : i32
    %broadcast_in_dim3A_1292 = vector.broadcast %broadcast_in_dim3A_1291 : i32 to vector<16xi32>
    %gather3A_1293 = tpu.vector_load_idx %arg6[%broadcast_in_dim3A_1206, %broadcast_in_dim3A_1292, %add3A_1204] : memref<3x16x2048xf32, #tpu.memory_space<vmem>>[vector<16xi32>, vector<16xi32>, vector<16xi32>], vector<16xf32>,
    %swap3A_1294 = arith.constant 12 : i32
    %swap3A_1295 = arith.index_cast %swap3A_1294 : i32 to index
    %swap3A_1296 = arith.constant 448 : index
    %swap3A_1297 = tpu.vector_load %arg7[%swap3A_1295, %swap3A_1296] {strides = array<i32>} : memref<16x512xf32, #tpu.memory_space<vmem>>, vector<16xf32>,
    tpu.vector_store %arg7[%swap3A_1295, %swap3A_1296], %gather3A_1293 {strides = array<i32>} : memref<16x512xf32, #tpu.memory_space<vmem>>, vector<16xf32>,
    %broadcast_in_dim3A_1298 = arith.constant 13 : i32
    %broadcast_in_dim3A_1299 = vector.broadcast %broadcast_in_dim3A_1298 : i32 to vector<16xi32>
    %gather3A_1300 = tpu.vector_load_idx %arg6[%broadcast_in_dim3A_1206, %broadcast_in_dim3A_1299, %add3A_1204] : memref<3x16x2048xf32, #tpu.memory_space<vmem>>[vector<16xi32>, vector<16xi32>, vector<16xi32>], vector<16xf32>,
    %swap3A_1301 = arith.constant 13 : i32
    %swap3A_1302 = arith.index_cast %swap3A_1301 : i32 to index
    %swap3A_1303 = arith.constant 448 : index
    %swap3A_1304 = tpu.vector_load %arg7[%swap3A_1302, %swap3A_1303] {strides = array<i32>} : memref<16x512xf32, #tpu.memory_space<vmem>>, vector<16xf32>,
    tpu.vector_store %arg7[%swap3A_1302, %swap3A_1303], %gather3A_1300 {strides = array<i32>} : memref<16x512xf32, #tpu.memory_space<vmem>>, vector<16xf32>,
    %broadcast_in_dim3A_1305 = arith.constant 14 : i32
    %broadcast_in_dim3A_1306 = vector.broadcast %broadcast_in_dim3A_1305 : i32 to vector<16xi32>
    %gather3A_1307 = tpu.vector_load_idx %arg6[%broadcast_in_dim3A_1206, %broadcast_in_dim3A_1306, %add3A_1204] : memref<3x16x2048xf32, #tpu.memory_space<vmem>>[vector<16xi32>, vector<16xi32>, vector<16xi32>], vector<16xf32>,
    %swap3A_1308 = arith.constant 14 : i32
    %swap3A_1309 = arith.index_cast %swap3A_1308 : i32 to index
    %swap3A_1310 = arith.constant 448 : index
    %swap3A_1311 = tpu.vector_load %arg7[%swap3A_1309, %swap3A_1310] {strides = array<i32>} : memref<16x512xf32, #tpu.memory_space<vmem>>, vector<16xf32>,
    tpu.vector_store %arg7[%swap3A_1309, %swap3A_1310], %gather3A_1307 {strides = array<i32>} : memref<16x512xf32, #tpu.memory_space<vmem>>, vector<16xf32>,
    %broadcast_in_dim3A_1312 = arith.constant 15 : i32
    %broadcast_in_dim3A_1313 = vector.broadcast %broadcast_in_dim3A_1312 : i32 to vector<16xi32>
    %gather3A_1314 = tpu.vector_load_idx %arg6[%broadcast_in_dim3A_1206, %broadcast_in_dim3A_1313, %add3A_1204] : memref<3x16x2048xf32, #tpu.memory_space<vmem>>[vector<16xi32>, vector<16xi32>, vector<16xi32>], vector<16xf32>,
    %swap3A_1315 = arith.constant 15 : i32
    %swap3A_1316 = arith.index_cast %swap3A_1315 : i32 to index
    %swap3A_1317 = arith.constant 448 : index
    %swap3A_1318 = tpu.vector_load %arg7[%swap3A_1316, %swap3A_1317] {strides = array<i32>} : memref<16x512xf32, #tpu.memory_space<vmem>>, vector<16xf32>,
    tpu.vector_store %arg7[%swap3A_1316, %swap3A_1317], %gather3A_1314 {strides = array<i32>} : memref<16x512xf32, #tpu.memory_space<vmem>>, vector<16xf32>,
    %get3A_1319 = arith.constant 496 : index
    %get3A_1320 = tpu.vector_load %arg5[%get3A_1319] {strides = array<i32>} : memref<512xi32, #tpu.memory_space<vmem>>, vector<16xi32>,
    %and3A_1321 = arith.constant -128 : i32
    %and3A_1322 = vector.broadcast %and3A_1321 : i32 to vector<16xi32>
    %and3A_1323 = arith.andi %get3A_1320, %and3A_1322 : vector<16xi32>
    %slice3A_1324 = vector.extract_strided_slice %and3A_1323 {offsets = [0], sizes = [1], strides = [1]} : vector<16xi32> to vector<1xi32>
    %squeeze3A_1325 = vector.extract %slice3A_1324[0] : i32 from vector<1xi32>
    %multiple_of3A_1326 = tpu.assume_multiple %squeeze3A_1325, 128 : i32
    %dma_start3A_1327 = arith.constant 1 : i32
    %dma_start3A_1328 = arith.constant 0 : i32
    %dma_start3A_1329 = arith.constant 0 : i32
    %dma_start3A_1330 = tpu.memref_slice %arg6[%dma_start3A_1327, %dma_start3A_1328, %dma_start3A_1329] : memref<3x16x2048xf32, #tpu.memory_space<vmem>> -> memref<1x16x128xf32, #tpu.memory_space<vmem>>
    %dma_start3A_1331 = tpu.memref_squeeze %dma_start3A_1330 : memref<1x16x128xf32, #tpu.memory_space<vmem>> -> memref<16x128xf32, #tpu.memory_space<vmem>>
    %dma_start3A_1332 = arith.constant 0 : i32
    %dma_start3A_1333 = tpu.memref_slice %arg2[%dma_start3A_1332, %multiple_of3A_1326] : memref<16x1000000xf32, #tpu.memory_space<hbm>> -> memref<16x128xf32, #tpu.memory_space<hbm>>
    %dma_start3A_1334 = arith.constant 0 : i32
    %dma_start3A_1335 = arith.constant 0 : i32
    %dma_start3A_1336 = tpu.memref_slice %arg6[%dma_start3A_1327, %dma_start3A_1334, %dma_start3A_1335] : memref<3x16x2048xf32, #tpu.memory_space<vmem>> -> memref<1x16x128xf32, #tpu.memory_space<vmem>>
    %dma_start3A_1337 = tpu.memref_squeeze %dma_start3A_1336 : memref<1x16x128xf32, #tpu.memory_space<vmem>> -> memref<16x128xf32, #tpu.memory_space<vmem>>
    %dma_start3A_1338 = arith.constant 0 : i32
    %dma_start3A_1339 = tpu.memref_slice %arg2[%dma_start3A_1338, %multiple_of3A_1326] : memref<16x1000000xf32, #tpu.memory_space<hbm>> -> memref<16x128xf32, #tpu.memory_space<hbm>>
    tpu.enqueue_dma source(%dma_start3A_1339 : memref<16x128xf32, #tpu.memory_space<hbm>>) target(%dma_start3A_1337 : memref<16x128xf32, #tpu.memory_space<vmem>>) target_semaphore(%arg9 : memref<!tpu.dma_semaphore, #tpu.memory_space<semaphore_mem>>)
    %slice3A_1340 = vector.extract_strided_slice %and3A_1323 {offsets = [1], sizes = [1], strides = [1]} : vector<16xi32> to vector<1xi32>
    %squeeze3A_1341 = vector.extract %slice3A_1340[0] : i32 from vector<1xi32>
    %multiple_of3A_1342 = tpu.assume_multiple %squeeze3A_1341, 128 : i32
    %dma_start3A_1343 = arith.constant 1 : i32
    %dma_start3A_1344 = arith.constant 0 : i32
    %dma_start3A_1345 = arith.constant 128 : i32
    %dma_start3A_1346 = tpu.memref_slice %arg6[%dma_start3A_1343, %dma_start3A_1344, %dma_start3A_1345] : memref<3x16x2048xf32, #tpu.memory_space<vmem>> -> memref<1x16x128xf32, #tpu.memory_space<vmem>>
    %dma_start3A_1347 = tpu.memref_squeeze %dma_start3A_1346 : memref<1x16x128xf32, #tpu.memory_space<vmem>> -> memref<16x128xf32, #tpu.memory_space<vmem>>
    %dma_start3A_1348 = arith.constant 0 : i32
    %dma_start3A_1349 = tpu.memref_slice %arg2[%dma_start3A_1348, %multiple_of3A_1342] : memref<16x1000000xf32, #tpu.memory_space<hbm>> -> memref<16x128xf32, #tpu.memory_space<hbm>>
    %dma_start3A_1350 = arith.constant 0 : i32
    %dma_start3A_1351 = arith.constant 128 : i32
    %dma_start3A_1352 = tpu.memref_slice %arg6[%dma_start3A_1343, %dma_start3A_1350, %dma_start3A_1351] : memref<3x16x2048xf32, #tpu.memory_space<vmem>> -> memref<1x16x128xf32, #tpu.memory_space<vmem>>
    %dma_start3A_1353 = tpu.memref_squeeze %dma_start3A_1352 : memref<1x16x128xf32, #tpu.memory_space<vmem>> -> memref<16x128xf32, #tpu.memory_space<vmem>>
    %dma_start3A_1354 = arith.constant 0 : i32
    %dma_start3A_1355 = tpu.memref_slice %arg2[%dma_start3A_1354, %multiple_of3A_1342] : memref<16x1000000xf32, #tpu.memory_space<hbm>> -> memref<16x128xf32, #tpu.memory_space<hbm>>
    tpu.enqueue_dma source(%dma_start3A_1355 : memref<16x128xf32, #tpu.memory_space<hbm>>) target(%dma_start3A_1353 : memref<16x128xf32, #tpu.memory_space<vmem>>) target_semaphore(%arg9 : memref<!tpu.dma_semaphore, #tpu.memory_space<semaphore_mem>>)
    %slice3A_1356 = vector.extract_strided_slice %and3A_1323 {offsets = [2], sizes = [1], strides = [1]} : vector<16xi32> to vector<1xi32>
    %squeeze3A_1357 = vector.extract %slice3A_1356[0] : i32 from vector<1xi32>
    %multiple_of3A_1358 = tpu.assume_multiple %squeeze3A_1357, 128 : i32
    %dma_start3A_1359 = arith.constant 1 : i32
    %dma_start3A_1360 = arith.constant 0 : i32
    %dma_start3A_1361 = arith.constant 256 : i32
    %dma_start3A_1362 = tpu.memref_slice %arg6[%dma_start3A_1359, %dma_start3A_1360, %dma_start3A_1361] : memref<3x16x2048xf32, #tpu.memory_space<vmem>> -> memref<1x16x128xf32, #tpu.memory_space<vmem>>
    %dma_start3A_1363 = tpu.memref_squeeze %dma_start3A_1362 : memref<1x16x128xf32, #tpu.memory_space<vmem>> -> memref<16x128xf32, #tpu.memory_space<vmem>>
    %dma_start3A_1364 = arith.constant 0 : i32
    %dma_start3A_1365 = tpu.memref_slice %arg2[%dma_start3A_1364, %multiple_of3A_1358] : memref<16x1000000xf32, #tpu.memory_space<hbm>> -> memref<16x128xf32, #tpu.memory_space<hbm>>
    %dma_start3A_1366 = arith.constant 0 : i32
    %dma_start3A_1367 = arith.constant 256 : i32
    %dma_start3A_1368 = tpu.memref_slice %arg6[%dma_start3A_1359, %dma_start3A_1366, %dma_start3A_1367] : memref<3x16x2048xf32, #tpu.memory_space<vmem>> -> memref<1x16x128xf32, #tpu.memory_space<vmem>>
    %dma_start3A_1369 = tpu.memref_squeeze %dma_start3A_1368 : memref<1x16x128xf32, #tpu.memory_space<vmem>> -> memref<16x128xf32, #tpu.memory_space<vmem>>
    %dma_start3A_1370 = arith.constant 0 : i32
    %dma_start3A_1371 = tpu.memref_slice %arg2[%dma_start3A_1370, %multiple_of3A_1358] : memref<16x1000000xf32, #tpu.memory_space<hbm>> -> memref<16x128xf32, #tpu.memory_space<hbm>>
    tpu.enqueue_dma source(%dma_start3A_1371 : memref<16x128xf32, #tpu.memory_space<hbm>>) target(%dma_start3A_1369 : memref<16x128xf32, #tpu.memory_space<vmem>>) target_semaphore(%arg9 : memref<!tpu.dma_semaphore, #tpu.memory_space<semaphore_mem>>)
    %slice3A_1372 = vector.extract_strided_slice %and3A_1323 {offsets = [3], sizes = [1], strides = [1]} : vector<16xi32> to vector<1xi32>
    %squeeze3A_1373 = vector.extract %slice3A_1372[0] : i32 from vector<1xi32>
    %multiple_of3A_1374 = tpu.assume_multiple %squeeze3A_1373, 128 : i32
    %dma_start3A_1375 = arith.constant 1 : i32
    %dma_start3A_1376 = arith.constant 0 : i32
    %dma_start3A_1377 = arith.constant 384 : i32
    %dma_start3A_1378 = tpu.memref_slice %arg6[%dma_start3A_1375, %dma_start3A_1376, %dma_start3A_1377] : memref<3x16x2048xf32, #tpu.memory_space<vmem>> -> memref<1x16x128xf32, #tpu.memory_space<vmem>>
    %dma_start3A_1379 = tpu.memref_squeeze %dma_start3A_1378 : memref<1x16x128xf32, #tpu.memory_space<vmem>> -> memref<16x128xf32, #tpu.memory_space<vmem>>
    %dma_start3A_1380 = arith.constant 0 : i32
    %dma_start3A_1381 = tpu.memref_slice %arg2[%dma_start3A_1380, %multiple_of3A_1374] : memref<16x1000000xf32, #tpu.memory_space<hbm>> -> memref<16x128xf32, #tpu.memory_space<hbm>>
    %dma_start3A_1382 = arith.constant 0 : i32
    %dma_start3A_1383 = arith.constant 384 : i32
    %dma_start3A_1384 = tpu.memref_slice %arg6[%dma_start3A_1375, %dma_start3A_1382, %dma_start3A_1383] : memref<3x16x2048xf32, #tpu.memory_space<vmem>> -> memref<1x16x128xf32, #tpu.memory_space<vmem>>
    %dma_start3A_1385 = tpu.memref_squeeze %dma_start3A_1384 : memref<1x16x128xf32, #tpu.memory_space<vmem>> -> memref<16x128xf32, #tpu.memory_space<vmem>>
    %dma_start3A_1386 = arith.constant 0 : i32
    %dma_start3A_1387 = tpu.memref_slice %arg2[%dma_start3A_1386, %multiple_of3A_1374] : memref<16x1000000xf32, #tpu.memory_space<hbm>> -> memref<16x128xf32, #tpu.memory_space<hbm>>
    tpu.enqueue_dma source(%dma_start3A_1387 : memref<16x128xf32, #tpu.memory_space<hbm>>) target(%dma_start3A_1385 : memref<16x128xf32, #tpu.memory_space<vmem>>) target_semaphore(%arg9 : memref<!tpu.dma_semaphore, #tpu.memory_space<semaphore_mem>>)
    %slice3A_1388 = vector.extract_strided_slice %and3A_1323 {offsets = [4], sizes = [1], strides = [1]} : vector<16xi32> to vector<1xi32>
    %squeeze3A_1389 = vector.extract %slice3A_1388[0] : i32 from vector<1xi32>
    %multiple_of3A_1390 = tpu.assume_multiple %squeeze3A_1389, 128 : i32
    %dma_start3A_1391 = arith.constant 1 : i32
    %dma_start3A_1392 = arith.constant 0 : i32
    %dma_start3A_1393 = arith.constant 512 : i32
    %dma_start3A_1394 = tpu.memref_slice %arg6[%dma_start3A_1391, %dma_start3A_1392, %dma_start3A_1393] : memref<3x16x2048xf32, #tpu.memory_space<vmem>> -> memref<1x16x128xf32, #tpu.memory_space<vmem>>
    %dma_start3A_1395 = tpu.memref_squeeze %dma_start3A_1394 : memref<1x16x128xf32, #tpu.memory_space<vmem>> -> memref<16x128xf32, #tpu.memory_space<vmem>>
    %dma_start3A_1396 = arith.constant 0 : i32
    %dma_start3A_1397 = tpu.memref_slice %arg2[%dma_start3A_1396, %multiple_of3A_1390] : memref<16x1000000xf32, #tpu.memory_space<hbm>> -> memref<16x128xf32, #tpu.memory_space<hbm>>
    %dma_start3A_1398 = arith.constant 0 : i32
    %dma_start3A_1399 = arith.constant 512 : i32
    %dma_start3A_1400 = tpu.memref_slice %arg6[%dma_start3A_1391, %dma_start3A_1398, %dma_start3A_1399] : memref<3x16x2048xf32, #tpu.memory_space<vmem>> -> memref<1x16x128xf32, #tpu.memory_space<vmem>>
    %dma_start3A_1401 = tpu.memref_squeeze %dma_start3A_1400 : memref<1x16x128xf32, #tpu.memory_space<vmem>> -> memref<16x128xf32, #tpu.memory_space<vmem>>
    %dma_start3A_1402 = arith.constant 0 : i32
    %dma_start3A_1403 = tpu.memref_slice %arg2[%dma_start3A_1402, %multiple_of3A_1390] : memref<16x1000000xf32, #tpu.memory_space<hbm>> -> memref<16x128xf32, #tpu.memory_space<hbm>>
    tpu.enqueue_dma source(%dma_start3A_1403 : memref<16x128xf32, #tpu.memory_space<hbm>>) target(%dma_start3A_1401 : memref<16x128xf32, #tpu.memory_space<vmem>>) target_semaphore(%arg9 : memref<!tpu.dma_semaphore, #tpu.memory_space<semaphore_mem>>)
    %slice3A_1404 = vector.extract_strided_slice %and3A_1323 {offsets = [5], sizes = [1], strides = [1]} : vector<16xi32> to vector<1xi32>
    %squeeze3A_1405 = vector.extract %slice3A_1404[0] : i32 from vector<1xi32>
    %multiple_of3A_1406 = tpu.assume_multiple %squeeze3A_1405, 128 : i32
    %dma_start3A_1407 = arith.constant 1 : i32
    %dma_start3A_1408 = arith.constant 0 : i32
    %dma_start3A_1409 = arith.constant 640 : i32
    %dma_start3A_1410 = tpu.memref_slice %arg6[%dma_start3A_1407, %dma_start3A_1408, %dma_start3A_1409] : memref<3x16x2048xf32, #tpu.memory_space<vmem>> -> memref<1x16x128xf32, #tpu.memory_space<vmem>>
    %dma_start3A_1411 = tpu.memref_squeeze %dma_start3A_1410 : memref<1x16x128xf32, #tpu.memory_space<vmem>> -> memref<16x128xf32, #tpu.memory_space<vmem>>
    %dma_start3A_1412 = arith.constant 0 : i32
    %dma_start3A_1413 = tpu.memref_slice %arg2[%dma_start3A_1412, %multiple_of3A_1406] : memref<16x1000000xf32, #tpu.memory_space<hbm>> -> memref<16x128xf32, #tpu.memory_space<hbm>>
    %dma_start3A_1414 = arith.constant 0 : i32
    %dma_start3A_1415 = arith.constant 640 : i32
    %dma_start3A_1416 = tpu.memref_slice %arg6[%dma_start3A_1407, %dma_start3A_1414, %dma_start3A_1415] : memref<3x16x2048xf32, #tpu.memory_space<vmem>> -> memref<1x16x128xf32, #tpu.memory_space<vmem>>
    %dma_start3A_1417 = tpu.memref_squeeze %dma_start3A_1416 : memref<1x16x128xf32, #tpu.memory_space<vmem>> -> memref<16x128xf32, #tpu.memory_space<vmem>>
    %dma_start3A_1418 = arith.constant 0 : i32
    %dma_start3A_1419 = tpu.memref_slice %arg2[%dma_start3A_1418, %multiple_of3A_1406] : memref<16x1000000xf32, #tpu.memory_space<hbm>> -> memref<16x128xf32, #tpu.memory_space<hbm>>
    tpu.enqueue_dma source(%dma_start3A_1419 : memref<16x128xf32, #tpu.memory_space<hbm>>) target(%dma_start3A_1417 : memref<16x128xf32, #tpu.memory_space<vmem>>) target_semaphore(%arg9 : memref<!tpu.dma_semaphore, #tpu.memory_space<semaphore_mem>>)
    %slice3A_1420 = vector.extract_strided_slice %and3A_1323 {offsets = [6], sizes = [1], strides = [1]} : vector<16xi32> to vector<1xi32>
    %squeeze3A_1421 = vector.extract %slice3A_1420[0] : i32 from vector<1xi32>
    %multiple_of3A_1422 = tpu.assume_multiple %squeeze3A_1421, 128 : i32
    %dma_start3A_1423 = arith.constant 1 : i32
    %dma_start3A_1424 = arith.constant 0 : i32
    %dma_start3A_1425 = arith.constant 768 : i32
    %dma_start3A_1426 = tpu.memref_slice %arg6[%dma_start3A_1423, %dma_start3A_1424, %dma_start3A_1425] : memref<3x16x2048xf32, #tpu.memory_space<vmem>> -> memref<1x16x128xf32, #tpu.memory_space<vmem>>
    %dma_start3A_1427 = tpu.memref_squeeze %dma_start3A_1426 : memref<1x16x128xf32, #tpu.memory_space<vmem>> -> memref<16x128xf32, #tpu.memory_space<vmem>>
    %dma_start3A_1428 = arith.constant 0 : i32
    %dma_start3A_1429 = tpu.memref_slice %arg2[%dma_start3A_1428, %multiple_of3A_1422] : memref<16x1000000xf32, #tpu.memory_space<hbm>> -> memref<16x128xf32, #tpu.memory_space<hbm>>
    %dma_start3A_1430 = arith.constant 0 : i32
    %dma_start3A_1431 = arith.constant 768 : i32
    %dma_start3A_1432 = tpu.memref_slice %arg6[%dma_start3A_1423, %dma_start3A_1430, %dma_start3A_1431] : memref<3x16x2048xf32, #tpu.memory_space<vmem>> -> memref<1x16x128xf32, #tpu.memory_space<vmem>>
    %dma_start3A_1433 = tpu.memref_squeeze %dma_start3A_1432 : memref<1x16x128xf32, #tpu.memory_space<vmem>> -> memref<16x128xf32, #tpu.memory_space<vmem>>
    %dma_start3A_1434 = arith.constant 0 : i32
    %dma_start3A_1435 = tpu.memref_slice %arg2[%dma_start3A_1434, %multiple_of3A_1422] : memref<16x1000000xf32, #tpu.memory_space<hbm>> -> memref<16x128xf32, #tpu.memory_space<hbm>>
    tpu.enqueue_dma source(%dma_start3A_1435 : memref<16x128xf32, #tpu.memory_space<hbm>>) target(%dma_start3A_1433 : memref<16x128xf32, #tpu.memory_space<vmem>>) target_semaphore(%arg9 : memref<!tpu.dma_semaphore, #tpu.memory_space<semaphore_mem>>)
    %slice3A_1436 = vector.extract_strided_slice %and3A_1323 {offsets = [7], sizes = [1], strides = [1]} : vector<16xi32> to vector<1xi32>
    %squeeze3A_1437 = vector.extract %slice3A_1436[0] : i32 from vector<1xi32>
    %multiple_of3A_1438 = tpu.assume_multiple %squeeze3A_1437, 128 : i32
    %dma_start3A_1439 = arith.constant 1 : i32
    %dma_start3A_1440 = arith.constant 0 : i32
    %dma_start3A_1441 = arith.constant 896 : i32
    %dma_start3A_1442 = tpu.memref_slice %arg6[%dma_start3A_1439, %dma_start3A_1440, %dma_start3A_1441] : memref<3x16x2048xf32, #tpu.memory_space<vmem>> -> memref<1x16x128xf32, #tpu.memory_space<vmem>>
    %dma_start3A_1443 = tpu.memref_squeeze %dma_start3A_1442 : memref<1x16x128xf32, #tpu.memory_space<vmem>> -> memref<16x128xf32, #tpu.memory_space<vmem>>
    %dma_start3A_1444 = arith.constant 0 : i32
    %dma_start3A_1445 = tpu.memref_slice %arg2[%dma_start3A_1444, %multiple_of3A_1438] : memref<16x1000000xf32, #tpu.memory_space<hbm>> -> memref<16x128xf32, #tpu.memory_space<hbm>>
    %dma_start3A_1446 = arith.constant 0 : i32
    %dma_start3A_1447 = arith.constant 896 : i32
    %dma_start3A_1448 = tpu.memref_slice %arg6[%dma_start3A_1439, %dma_start3A_1446, %dma_start3A_1447] : memref<3x16x2048xf32, #tpu.memory_space<vmem>> -> memref<1x16x128xf32, #tpu.memory_space<vmem>>
    %dma_start3A_1449 = tpu.memref_squeeze %dma_start3A_1448 : memref<1x16x128xf32, #tpu.memory_space<vmem>> -> memref<16x128xf32, #tpu.memory_space<vmem>>
    %dma_start3A_1450 = arith.constant 0 : i32
    %dma_start3A_1451 = tpu.memref_slice %arg2[%dma_start3A_1450, %multiple_of3A_1438] : memref<16x1000000xf32, #tpu.memory_space<hbm>> -> memref<16x128xf32, #tpu.memory_space<hbm>>
    tpu.enqueue_dma source(%dma_start3A_1451 : memref<16x128xf32, #tpu.memory_space<hbm>>) target(%dma_start3A_1449 : memref<16x128xf32, #tpu.memory_space<vmem>>) target_semaphore(%arg9 : memref<!tpu.dma_semaphore, #tpu.memory_space<semaphore_mem>>)
    %slice3A_1452 = vector.extract_strided_slice %and3A_1323 {offsets = [8], sizes = [1], strides = [1]} : vector<16xi32> to vector<1xi32>
    %squeeze3A_1453 = vector.extract %slice3A_1452[0] : i32 from vector<1xi32>
    %multiple_of3A_1454 = tpu.assume_multiple %squeeze3A_1453, 128 : i32
    %dma_start3A_1455 = arith.constant 1 : i32
    %dma_start3A_1456 = arith.constant 0 : i32
    %dma_start3A_1457 = arith.constant 1024 : i32
    %dma_start3A_1458 = tpu.memref_slice %arg6[%dma_start3A_1455, %dma_start3A_1456, %dma_start3A_1457] : memref<3x16x2048xf32, #tpu.memory_space<vmem>> -> memref<1x16x128xf32, #tpu.memory_space<vmem>>
    %dma_start3A_1459 = tpu.memref_squeeze %dma_start3A_1458 : memref<1x16x128xf32, #tpu.memory_space<vmem>> -> memref<16x128xf32, #tpu.memory_space<vmem>>
    %dma_start3A_1460 = arith.constant 0 : i32
    %dma_start3A_1461 = tpu.memref_slice %arg2[%dma_start3A_1460, %multiple_of3A_1454] : memref<16x1000000xf32, #tpu.memory_space<hbm>> -> memref<16x128xf32, #tpu.memory_space<hbm>>
    %dma_start3A_1462 = arith.constant 0 : i32
    %dma_start3A_1463 = arith.constant 1024 : i32
    %dma_start3A_1464 = tpu.memref_slice %arg6[%dma_start3A_1455, %dma_start3A_1462, %dma_start3A_1463] : memref<3x16x2048xf32, #tpu.memory_space<vmem>> -> memref<1x16x128xf32, #tpu.memory_space<vmem>>
    %dma_start3A_1465 = tpu.memref_squeeze %dma_start3A_1464 : memref<1x16x128xf32, #tpu.memory_space<vmem>> -> memref<16x128xf32, #tpu.memory_space<vmem>>
    %dma_start3A_1466 = arith.constant 0 : i32
    %dma_start3A_1467 = tpu.memref_slice %arg2[%dma_start3A_1466, %multiple_of3A_1454] : memref<16x1000000xf32, #tpu.memory_space<hbm>> -> memref<16x128xf32, #tpu.memory_space<hbm>>
    tpu.enqueue_dma source(%dma_start3A_1467 : memref<16x128xf32, #tpu.memory_space<hbm>>) target(%dma_start3A_1465 : memref<16x128xf32, #tpu.memory_space<vmem>>) target_semaphore(%arg9 : memref<!tpu.dma_semaphore, #tpu.memory_space<semaphore_mem>>)
    %slice3A_1468 = vector.extract_strided_slice %and3A_1323 {offsets = [9], sizes = [1], strides = [1]} : vector<16xi32> to vector<1xi32>
    %squeeze3A_1469 = vector.extract %slice3A_1468[0] : i32 from vector<1xi32>
    %multiple_of3A_1470 = tpu.assume_multiple %squeeze3A_1469, 128 : i32
    %dma_start3A_1471 = arith.constant 1 : i32
    %dma_start3A_1472 = arith.constant 0 : i32
    %dma_start3A_1473 = arith.constant 1152 : i32
    %dma_start3A_1474 = tpu.memref_slice %arg6[%dma_start3A_1471, %dma_start3A_1472, %dma_start3A_1473] : memref<3x16x2048xf32, #tpu.memory_space<vmem>> -> memref<1x16x128xf32, #tpu.memory_space<vmem>>
    %dma_start3A_1475 = tpu.memref_squeeze %dma_start3A_1474 : memref<1x16x128xf32, #tpu.memory_space<vmem>> -> memref<16x128xf32, #tpu.memory_space<vmem>>
    %dma_start3A_1476 = arith.constant 0 : i32
    %dma_start3A_1477 = tpu.memref_slice %arg2[%dma_start3A_1476, %multiple_of3A_1470] : memref<16x1000000xf32, #tpu.memory_space<hbm>> -> memref<16x128xf32, #tpu.memory_space<hbm>>
    %dma_start3A_1478 = arith.constant 0 : i32
    %dma_start3A_1479 = arith.constant 1152 : i32
    %dma_start3A_1480 = tpu.memref_slice %arg6[%dma_start3A_1471, %dma_start3A_1478, %dma_start3A_1479] : memref<3x16x2048xf32, #tpu.memory_space<vmem>> -> memref<1x16x128xf32, #tpu.memory_space<vmem>>
    %dma_start3A_1481 = tpu.memref_squeeze %dma_start3A_1480 : memref<1x16x128xf32, #tpu.memory_space<vmem>> -> memref<16x128xf32, #tpu.memory_space<vmem>>
    %dma_start3A_1482 = arith.constant 0 : i32
    %dma_start3A_1483 = tpu.memref_slice %arg2[%dma_start3A_1482, %multiple_of3A_1470] : memref<16x1000000xf32, #tpu.memory_space<hbm>> -> memref<16x128xf32, #tpu.memory_space<hbm>>
    tpu.enqueue_dma source(%dma_start3A_1483 : memref<16x128xf32, #tpu.memory_space<hbm>>) target(%dma_start3A_1481 : memref<16x128xf32, #tpu.memory_space<vmem>>) target_semaphore(%arg9 : memref<!tpu.dma_semaphore, #tpu.memory_space<semaphore_mem>>)
    %slice3A_1484 = vector.extract_strided_slice %and3A_1323 {offsets = [10], sizes = [1], strides = [1]} : vector<16xi32> to vector<1xi32>
    %squeeze3A_1485 = vector.extract %slice3A_1484[0] : i32 from vector<1xi32>
    %multiple_of3A_1486 = tpu.assume_multiple %squeeze3A_1485, 128 : i32
    %dma_start3A_1487 = arith.constant 1 : i32
    %dma_start3A_1488 = arith.constant 0 : i32
    %dma_start3A_1489 = arith.constant 1280 : i32
    %dma_start3A_1490 = tpu.memref_slice %arg6[%dma_start3A_1487, %dma_start3A_1488, %dma_start3A_1489] : memref<3x16x2048xf32, #tpu.memory_space<vmem>> -> memref<1x16x128xf32, #tpu.memory_space<vmem>>
    %dma_start3A_1491 = tpu.memref_squeeze %dma_start3A_1490 : memref<1x16x128xf32, #tpu.memory_space<vmem>> -> memref<16x128xf32, #tpu.memory_space<vmem>>
    %dma_start3A_1492 = arith.constant 0 : i32
    %dma_start3A_1493 = tpu.memref_slice %arg2[%dma_start3A_1492, %multiple_of3A_1486] : memref<16x1000000xf32, #tpu.memory_space<hbm>> -> memref<16x128xf32, #tpu.memory_space<hbm>>
    %dma_start3A_1494 = arith.constant 0 : i32
    %dma_start3A_1495 = arith.constant 1280 : i32
    %dma_start3A_1496 = tpu.memref_slice %arg6[%dma_start3A_1487, %dma_start3A_1494, %dma_start3A_1495] : memref<3x16x2048xf32, #tpu.memory_space<vmem>> -> memref<1x16x128xf32, #tpu.memory_space<vmem>>
    %dma_start3A_1497 = tpu.memref_squeeze %dma_start3A_1496 : memref<1x16x128xf32, #tpu.memory_space<vmem>> -> memref<16x128xf32, #tpu.memory_space<vmem>>
    %dma_start3A_1498 = arith.constant 0 : i32
    %dma_start3A_1499 = tpu.memref_slice %arg2[%dma_start3A_1498, %multiple_of3A_1486] : memref<16x1000000xf32, #tpu.memory_space<hbm>> -> memref<16x128xf32, #tpu.memory_space<hbm>>
    tpu.enqueue_dma source(%dma_start3A_1499 : memref<16x128xf32, #tpu.memory_space<hbm>>) target(%dma_start3A_1497 : memref<16x128xf32, #tpu.memory_space<vmem>>) target_semaphore(%arg9 : memref<!tpu.dma_semaphore, #tpu.memory_space<semaphore_mem>>)
    %slice3A_1500 = vector.extract_strided_slice %and3A_1323 {offsets = [11], sizes = [1], strides = [1]} : vector<16xi32> to vector<1xi32>
    %squeeze3A_1501 = vector.extract %slice3A_1500[0] : i32 from vector<1xi32>
    %multiple_of3A_1502 = tpu.assume_multiple %squeeze3A_1501, 128 : i32
    %dma_start3A_1503 = arith.constant 1 : i32
    %dma_start3A_1504 = arith.constant 0 : i32
    %dma_start3A_1505 = arith.constant 1408 : i32
    %dma_start3A_1506 = tpu.memref_slice %arg6[%dma_start3A_1503, %dma_start3A_1504, %dma_start3A_1505] : memref<3x16x2048xf32, #tpu.memory_space<vmem>> -> memref<1x16x128xf32, #tpu.memory_space<vmem>>
    %dma_start3A_1507 = tpu.memref_squeeze %dma_start3A_1506 : memref<1x16x128xf32, #tpu.memory_space<vmem>> -> memref<16x128xf32, #tpu.memory_space<vmem>>
    %dma_start3A_1508 = arith.constant 0 : i32
    %dma_start3A_1509 = tpu.memref_slice %arg2[%dma_start3A_1508, %multiple_of3A_1502] : memref<16x1000000xf32, #tpu.memory_space<hbm>> -> memref<16x128xf32, #tpu.memory_space<hbm>>
    %dma_start3A_1510 = arith.constant 0 : i32
    %dma_start3A_1511 = arith.constant 1408 : i32
    %dma_start3A_1512 = tpu.memref_slice %arg6[%dma_start3A_1503, %dma_start3A_1510, %dma_start3A_1511] : memref<3x16x2048xf32, #tpu.memory_space<vmem>> -> memref<1x16x128xf32, #tpu.memory_space<vmem>>
    %dma_start3A_1513 = tpu.memref_squeeze %dma_start3A_1512 : memref<1x16x128xf32, #tpu.memory_space<vmem>> -> memref<16x128xf32, #tpu.memory_space<vmem>>
    %dma_start3A_1514 = arith.constant 0 : i32
    %dma_start3A_1515 = tpu.memref_slice %arg2[%dma_start3A_1514, %multiple_of3A_1502] : memref<16x1000000xf32, #tpu.memory_space<hbm>> -> memref<16x128xf32, #tpu.memory_space<hbm>>
    tpu.enqueue_dma source(%dma_start3A_1515 : memref<16x128xf32, #tpu.memory_space<hbm>>) target(%dma_start3A_1513 : memref<16x128xf32, #tpu.memory_space<vmem>>) target_semaphore(%arg9 : memref<!tpu.dma_semaphore, #tpu.memory_space<semaphore_mem>>)
    %slice3A_1516 = vector.extract_strided_slice %and3A_1323 {offsets = [12], sizes = [1], strides = [1]} : vector<16xi32> to vector<1xi32>
    %squeeze3A_1517 = vector.extract %slice3A_1516[0] : i32 from vector<1xi32>
    %multiple_of3A_1518 = tpu.assume_multiple %squeeze3A_1517, 128 : i32
    %dma_start3A_1519 = arith.constant 1 : i32
    %dma_start3A_1520 = arith.constant 0 : i32
    %dma_start3A_1521 = arith.constant 1536 : i32
    %dma_start3A_1522 = tpu.memref_slice %arg6[%dma_start3A_1519, %dma_start3A_1520, %dma_start3A_1521] : memref<3x16x2048xf32, #tpu.memory_space<vmem>> -> memref<1x16x128xf32, #tpu.memory_space<vmem>>
    %dma_start3A_1523 = tpu.memref_squeeze %dma_start3A_1522 : memref<1x16x128xf32, #tpu.memory_space<vmem>> -> memref<16x128xf32, #tpu.memory_space<vmem>>
    %dma_start3A_1524 = arith.constant 0 : i32
    %dma_start3A_1525 = tpu.memref_slice %arg2[%dma_start3A_1524, %multiple_of3A_1518] : memref<16x1000000xf32, #tpu.memory_space<hbm>> -> memref<16x128xf32, #tpu.memory_space<hbm>>
    %dma_start3A_1526 = arith.constant 0 : i32
    %dma_start3A_1527 = arith.constant 1536 : i32
    %dma_start3A_1528 = tpu.memref_slice %arg6[%dma_start3A_1519, %dma_start3A_1526, %dma_start3A_1527] : memref<3x16x2048xf32, #tpu.memory_space<vmem>> -> memref<1x16x128xf32, #tpu.memory_space<vmem>>
    %dma_start3A_1529 = tpu.memref_squeeze %dma_start3A_1528 : memref<1x16x128xf32, #tpu.memory_space<vmem>> -> memref<16x128xf32, #tpu.memory_space<vmem>>
    %dma_start3A_1530 = arith.constant 0 : i32
    %dma_start3A_1531 = tpu.memref_slice %arg2[%dma_start3A_1530, %multiple_of3A_1518] : memref<16x1000000xf32, #tpu.memory_space<hbm>> -> memref<16x128xf32, #tpu.memory_space<hbm>>
    tpu.enqueue_dma source(%dma_start3A_1531 : memref<16x128xf32, #tpu.memory_space<hbm>>) target(%dma_start3A_1529 : memref<16x128xf32, #tpu.memory_space<vmem>>) target_semaphore(%arg9 : memref<!tpu.dma_semaphore, #tpu.memory_space<semaphore_mem>>)
    %slice3A_1532 = vector.extract_strided_slice %and3A_1323 {offsets = [13], sizes = [1], strides = [1]} : vector<16xi32> to vector<1xi32>
    %squeeze3A_1533 = vector.extract %slice3A_1532[0] : i32 from vector<1xi32>
    %multiple_of3A_1534 = tpu.assume_multiple %squeeze3A_1533, 128 : i32
    %dma_start3A_1535 = arith.constant 1 : i32
    %dma_start3A_1536 = arith.constant 0 : i32
    %dma_start3A_1537 = arith.constant 1664 : i32
    %dma_start3A_1538 = tpu.memref_slice %arg6[%dma_start3A_1535, %dma_start3A_1536, %dma_start3A_1537] : memref<3x16x2048xf32, #tpu.memory_space<vmem>> -> memref<1x16x128xf32, #tpu.memory_space<vmem>>
    %dma_start3A_1539 = tpu.memref_squeeze %dma_start3A_1538 : memref<1x16x128xf32, #tpu.memory_space<vmem>> -> memref<16x128xf32, #tpu.memory_space<vmem>>
    %dma_start3A_1540 = arith.constant 0 : i32
    %dma_start3A_1541 = tpu.memref_slice %arg2[%dma_start3A_1540, %multiple_of3A_1534] : memref<16x1000000xf32, #tpu.memory_space<hbm>> -> memref<16x128xf32, #tpu.memory_space<hbm>>
    %dma_start3A_1542 = arith.constant 0 : i32
    %dma_start3A_1543 = arith.constant 1664 : i32
    %dma_start3A_1544 = tpu.memref_slice %arg6[%dma_start3A_1535, %dma_start3A_1542, %dma_start3A_1543] : memref<3x16x2048xf32, #tpu.memory_space<vmem>> -> memref<1x16x128xf32, #tpu.memory_space<vmem>>
    %dma_start3A_1545 = tpu.memref_squeeze %dma_start3A_1544 : memref<1x16x128xf32, #tpu.memory_space<vmem>> -> memref<16x128xf32, #tpu.memory_space<vmem>>
    %dma_start3A_1546 = arith.constant 0 : i32
    %dma_start3A_1547 = tpu.memref_slice %arg2[%dma_start3A_1546, %multiple_of3A_1534] : memref<16x1000000xf32, #tpu.memory_space<hbm>> -> memref<16x128xf32, #tpu.memory_space<hbm>>
    tpu.enqueue_dma source(%dma_start3A_1547 : memref<16x128xf32, #tpu.memory_space<hbm>>) target(%dma_start3A_1545 : memref<16x128xf32, #tpu.memory_space<vmem>>) target_semaphore(%arg9 : memref<!tpu.dma_semaphore, #tpu.memory_space<semaphore_mem>>)
    %slice3A_1548 = vector.extract_strided_slice %and3A_1323 {offsets = [14], sizes = [1], strides = [1]} : vector<16xi32> to vector<1xi32>
    %squeeze3A_1549 = vector.extract %slice3A_1548[0] : i32 from vector<1xi32>
    %multiple_of3A_1550 = tpu.assume_multiple %squeeze3A_1549, 128 : i32
    %dma_start3A_1551 = arith.constant 1 : i32
    %dma_start3A_1552 = arith.constant 0 : i32
    %dma_start3A_1553 = arith.constant 1792 : i32
    %dma_start3A_1554 = tpu.memref_slice %arg6[%dma_start3A_1551, %dma_start3A_1552, %dma_start3A_1553] : memref<3x16x2048xf32, #tpu.memory_space<vmem>> -> memref<1x16x128xf32, #tpu.memory_space<vmem>>
    %dma_start3A_1555 = tpu.memref_squeeze %dma_start3A_1554 : memref<1x16x128xf32, #tpu.memory_space<vmem>> -> memref<16x128xf32, #tpu.memory_space<vmem>>
    %dma_start3A_1556 = arith.constant 0 : i32
    %dma_start3A_1557 = tpu.memref_slice %arg2[%dma_start3A_1556, %multiple_of3A_1550] : memref<16x1000000xf32, #tpu.memory_space<hbm>> -> memref<16x128xf32, #tpu.memory_space<hbm>>
    %dma_start3A_1558 = arith.constant 0 : i32
    %dma_start3A_1559 = arith.constant 1792 : i32
    %dma_start3A_1560 = tpu.memref_slice %arg6[%dma_start3A_1551, %dma_start3A_1558, %dma_start3A_1559] : memref<3x16x2048xf32, #tpu.memory_space<vmem>> -> memref<1x16x128xf32, #tpu.memory_space<vmem>>
    %dma_start3A_1561 = tpu.memref_squeeze %dma_start3A_1560 : memref<1x16x128xf32, #tpu.memory_space<vmem>> -> memref<16x128xf32, #tpu.memory_space<vmem>>
    %dma_start3A_1562 = arith.constant 0 : i32
    %dma_start3A_1563 = tpu.memref_slice %arg2[%dma_start3A_1562, %multiple_of3A_1550] : memref<16x1000000xf32, #tpu.memory_space<hbm>> -> memref<16x128xf32, #tpu.memory_space<hbm>>
    tpu.enqueue_dma source(%dma_start3A_1563 : memref<16x128xf32, #tpu.memory_space<hbm>>) target(%dma_start3A_1561 : memref<16x128xf32, #tpu.memory_space<vmem>>) target_semaphore(%arg9 : memref<!tpu.dma_semaphore, #tpu.memory_space<semaphore_mem>>)
    %slice3A_1564 = vector.extract_strided_slice %and3A_1323 {offsets = [15], sizes = [1], strides = [1]} : vector<16xi32> to vector<1xi32>
    %squeeze3A_1565 = vector.extract %slice3A_1564[0] : i32 from vector<1xi32>
    %multiple_of3A_1566 = tpu.assume_multiple %squeeze3A_1565, 128 : i32
    %dma_start3A_1567 = arith.constant 1 : i32
    %dma_start3A_1568 = arith.constant 0 : i32
    %dma_start3A_1569 = arith.constant 1920 : i32
    %dma_start3A_1570 = tpu.memref_slice %arg6[%dma_start3A_1567, %dma_start3A_1568, %dma_start3A_1569] : memref<3x16x2048xf32, #tpu.memory_space<vmem>> -> memref<1x16x128xf32, #tpu.memory_space<vmem>>
    %dma_start3A_1571 = tpu.memref_squeeze %dma_start3A_1570 : memref<1x16x128xf32, #tpu.memory_space<vmem>> -> memref<16x128xf32, #tpu.memory_space<vmem>>
    %dma_start3A_1572 = arith.constant 0 : i32
    %dma_start3A_1573 = tpu.memref_slice %arg2[%dma_start3A_1572, %multiple_of3A_1566] : memref<16x1000000xf32, #tpu.memory_space<hbm>> -> memref<16x128xf32, #tpu.memory_space<hbm>>
    %dma_start3A_1574 = arith.constant 0 : i32
    %dma_start3A_1575 = arith.constant 1920 : i32
    %dma_start3A_1576 = tpu.memref_slice %arg6[%dma_start3A_1567, %dma_start3A_1574, %dma_start3A_1575] : memref<3x16x2048xf32, #tpu.memory_space<vmem>> -> memref<1x16x128xf32, #tpu.memory_space<vmem>>
    %dma_start3A_1577 = tpu.memref_squeeze %dma_start3A_1576 : memref<1x16x128xf32, #tpu.memory_space<vmem>> -> memref<16x128xf32, #tpu.memory_space<vmem>>
    %dma_start3A_1578 = arith.constant 0 : i32
    %dma_start3A_1579 = tpu.memref_slice %arg2[%dma_start3A_1578, %multiple_of3A_1566] : memref<16x1000000xf32, #tpu.memory_space<hbm>> -> memref<16x128xf32, #tpu.memory_space<hbm>>
    tpu.enqueue_dma source(%dma_start3A_1579 : memref<16x128xf32, #tpu.memory_space<hbm>>) target(%dma_start3A_1577 : memref<16x128xf32, #tpu.memory_space<vmem>>) target_semaphore(%arg9 : memref<!tpu.dma_semaphore, #tpu.memory_space<semaphore_mem>>)
    %dma_wait3A_1580 = arith.constant 2 : i32
    %dma_wait3A_1581 = arith.constant 0 : i32
    %dma_wait3A_1582 = arith.constant 0 : i32
    %dma_wait3A_1583 = tpu.memref_slice %arg6[%dma_wait3A_1580, %dma_wait3A_1581, %dma_wait3A_1582] : memref<3x16x2048xf32, #tpu.memory_space<vmem>> -> memref<1x16x2048xf32, #tpu.memory_space<vmem>>
    %dma_wait3A_1584 = tpu.memref_squeeze %dma_wait3A_1583 : memref<1x16x2048xf32, #tpu.memory_space<vmem>> -> memref<16x2048xf32, #tpu.memory_space<vmem>>
    %dma_wait3A_1585 = arith.constant 0 : i32
    %dma_wait3A_1586 = arith.constant 0 : i32
    %dma_wait3A_1587 = tpu.memref_slice %arg2[%dma_wait3A_1585, %dma_wait3A_1586] : memref<16x1000000xf32, #tpu.memory_space<hbm>> -> memref<16x2048xf32, #tpu.memory_space<hbm>>
    %dma_wait3A_1588 = arith.constant 0 : i32
    %dma_wait3A_1589 = arith.constant 0 : i32
    %dma_wait3A_1590 = tpu.memref_slice %arg6[%dma_wait3A_1580, %dma_wait3A_1588, %dma_wait3A_1589] : memref<3x16x2048xf32, #tpu.memory_space<vmem>> -> memref<1x16x2048xf32, #tpu.memory_space<vmem>>
    %dma_wait3A_1591 = tpu.memref_squeeze %dma_wait3A_1590 : memref<1x16x2048xf32, #tpu.memory_space<vmem>> -> memref<16x2048xf32, #tpu.memory_space<vmem>>
    %dma_wait3A_1592 = arith.constant 0 : i32
    %dma_wait3A_1593 = arith.constant 0 : i32
    %dma_wait3A_1594 = tpu.memref_slice %arg2[%dma_wait3A_1592, %dma_wait3A_1593] : memref<16x1000000xf32, #tpu.memory_space<hbm>> -> memref<16x2048xf32, #tpu.memory_space<hbm>>
    tpu.wait_dma2 semaphore(%arg10 : memref<!tpu.dma_semaphore, #tpu.memory_space<semaphore_mem>>) src(%dma_wait3A_1594 : memref<16x2048xf32, #tpu.memory_space<hbm>>) dst(%dma_wait3A_1591 : memref<16x2048xf32, #tpu.memory_space<vmem>>)
    %get3A_1595 = arith.constant 464 : index
    %get3A_1596 = tpu.vector_load %arg5[%get3A_1595] {strides = array<i32>} : memref<512xi32, #tpu.memory_space<vmem>>, vector<16xi32>,
    %and3A_1597 = arith.constant 127 : i32
    %and3A_1598 = vector.broadcast %and3A_1597 : i32 to vector<16xi32>
    %and3A_1599 = arith.andi %get3A_1596, %and3A_1598 : vector<16xi32>
    %iota3A_1600 = tpu.iota {dimensions = array<i32: 0>} : vector<16xi32>
    %mul3A_1601 = arith.constant 128 : i32
    %mul3A_1602 = vector.broadcast %mul3A_1601 : i32 to vector<16xi32>
    %mul3A_1603 = arith.muli %iota3A_1600, %mul3A_1602 : vector<16xi32>
    %add3A_1604 = arith.addi %mul3A_1603, %and3A_1599 : vector<16xi32>
    %broadcast_in_dim3A_1605 = arith.constant 2 : i32
    %broadcast_in_dim3A_1606 = vector.broadcast %broadcast_in_dim3A_1605 : i32 to vector<16xi32>
    %broadcast_in_dim3A_1607 = arith.constant 0 : i32
    %broadcast_in_dim3A_1608 = vector.broadcast %broadcast_in_dim3A_1607 : i32 to vector<16xi32>
    %gather3A_1609 = tpu.vector_load_idx %arg6[%broadcast_in_dim3A_1606, %broadcast_in_dim3A_1608, %add3A_1604] : memref<3x16x2048xf32, #tpu.memory_space<vmem>>[vector<16xi32>, vector<16xi32>, vector<16xi32>], vector<16xf32>,
    %swap3A_1610 = arith.constant 0 : i32
    %swap3A_1611 = arith.index_cast %swap3A_1610 : i32 to index
    %swap3A_1612 = arith.constant 464 : index
    %swap3A_1613 = tpu.vector_load %arg7[%swap3A_1611, %swap3A_1612] {strides = array<i32>} : memref<16x512xf32, #tpu.memory_space<vmem>>, vector<16xf32>,
    tpu.vector_store %arg7[%swap3A_1611, %swap3A_1612], %gather3A_1609 {strides = array<i32>} : memref<16x512xf32, #tpu.memory_space<vmem>>, vector<16xf32>,
    %broadcast_in_dim3A_1614 = arith.constant 1 : i32
    %broadcast_in_dim3A_1615 = vector.broadcast %broadcast_in_dim3A_1614 : i32 to vector<16xi32>
    %gather3A_1616 = tpu.vector_load_idx %arg6[%broadcast_in_dim3A_1606, %broadcast_in_dim3A_1615, %add3A_1604] : memref<3x16x2048xf32, #tpu.memory_space<vmem>>[vector<16xi32>, vector<16xi32>, vector<16xi32>], vector<16xf32>,
    %swap3A_1617 = arith.constant 1 : i32
    %swap3A_1618 = arith.index_cast %swap3A_1617 : i32 to index
    %swap3A_1619 = arith.constant 464 : index
    %swap3A_1620 = tpu.vector_load %arg7[%swap3A_1618, %swap3A_1619] {strides = array<i32>} : memref<16x512xf32, #tpu.memory_space<vmem>>, vector<16xf32>,
    tpu.vector_store %arg7[%swap3A_1618, %swap3A_1619], %gather3A_1616 {strides = array<i32>} : memref<16x512xf32, #tpu.memory_space<vmem>>, vector<16xf32>,
    %broadcast_in_dim3A_1621 = arith.constant 2 : i32
    %broadcast_in_dim3A_1622 = vector.broadcast %broadcast_in_dim3A_1621 : i32 to vector<16xi32>
    %gather3A_1623 = tpu.vector_load_idx %arg6[%broadcast_in_dim3A_1606, %broadcast_in_dim3A_1622, %add3A_1604] : memref<3x16x2048xf32, #tpu.memory_space<vmem>>[vector<16xi32>, vector<16xi32>, vector<16xi32>], vector<16xf32>,
    %swap3A_1624 = arith.constant 2 : i32
    %swap3A_1625 = arith.index_cast %swap3A_1624 : i32 to index
    %swap3A_1626 = arith.constant 464 : index
    %swap3A_1627 = tpu.vector_load %arg7[%swap3A_1625, %swap3A_1626] {strides = array<i32>} : memref<16x512xf32, #tpu.memory_space<vmem>>, vector<16xf32>,
    tpu.vector_store %arg7[%swap3A_1625, %swap3A_1626], %gather3A_1623 {strides = array<i32>} : memref<16x512xf32, #tpu.memory_space<vmem>>, vector<16xf32>,
    %broadcast_in_dim3A_1628 = arith.constant 3 : i32
    %broadcast_in_dim3A_1629 = vector.broadcast %broadcast_in_dim3A_1628 : i32 to vector<16xi32>
    %gather3A_1630 = tpu.vector_load_idx %arg6[%broadcast_in_dim3A_1606, %broadcast_in_dim3A_1629, %add3A_1604] : memref<3x16x2048xf32, #tpu.memory_space<vmem>>[vector<16xi32>, vector<16xi32>, vector<16xi32>], vector<16xf32>,
    %swap3A_1631 = arith.constant 3 : i32
    %swap3A_1632 = arith.index_cast %swap3A_1631 : i32 to index
    %swap3A_1633 = arith.constant 464 : index
    %swap3A_1634 = tpu.vector_load %arg7[%swap3A_1632, %swap3A_1633] {strides = array<i32>} : memref<16x512xf32, #tpu.memory_space<vmem>>, vector<16xf32>,
    tpu.vector_store %arg7[%swap3A_1632, %swap3A_1633], %gather3A_1630 {strides = array<i32>} : memref<16x512xf32, #tpu.memory_space<vmem>>, vector<16xf32>,
    %broadcast_in_dim3A_1635 = arith.constant 4 : i32
    %broadcast_in_dim3A_1636 = vector.broadcast %broadcast_in_dim3A_1635 : i32 to vector<16xi32>
    %gather3A_1637 = tpu.vector_load_idx %arg6[%broadcast_in_dim3A_1606, %broadcast_in_dim3A_1636, %add3A_1604] : memref<3x16x2048xf32, #tpu.memory_space<vmem>>[vector<16xi32>, vector<16xi32>, vector<16xi32>], vector<16xf32>,
    %swap3A_1638 = arith.constant 4 : i32
    %swap3A_1639 = arith.index_cast %swap3A_1638 : i32 to index
    %swap3A_1640 = arith.constant 464 : index
    %swap3A_1641 = tpu.vector_load %arg7[%swap3A_1639, %swap3A_1640] {strides = array<i32>} : memref<16x512xf32, #tpu.memory_space<vmem>>, vector<16xf32>,
    tpu.vector_store %arg7[%swap3A_1639, %swap3A_1640], %gather3A_1637 {strides = array<i32>} : memref<16x512xf32, #tpu.memory_space<vmem>>, vector<16xf32>,
    %broadcast_in_dim3A_1642 = arith.constant 5 : i32
    %broadcast_in_dim3A_1643 = vector.broadcast %broadcast_in_dim3A_1642 : i32 to vector<16xi32>
    %gather3A_1644 = tpu.vector_load_idx %arg6[%broadcast_in_dim3A_1606, %broadcast_in_dim3A_1643, %add3A_1604] : memref<3x16x2048xf32, #tpu.memory_space<vmem>>[vector<16xi32>, vector<16xi32>, vector<16xi32>], vector<16xf32>,
    %swap3A_1645 = arith.constant 5 : i32
    %swap3A_1646 = arith.index_cast %swap3A_1645 : i32 to index
    %swap3A_1647 = arith.constant 464 : index
    %swap3A_1648 = tpu.vector_load %arg7[%swap3A_1646, %swap3A_1647] {strides = array<i32>} : memref<16x512xf32, #tpu.memory_space<vmem>>, vector<16xf32>,
    tpu.vector_store %arg7[%swap3A_1646, %swap3A_1647], %gather3A_1644 {strides = array<i32>} : memref<16x512xf32, #tpu.memory_space<vmem>>, vector<16xf32>,
    %broadcast_in_dim3A_1649 = arith.constant 6 : i32
    %broadcast_in_dim3A_1650 = vector.broadcast %broadcast_in_dim3A_1649 : i32 to vector<16xi32>
    %gather3A_1651 = tpu.vector_load_idx %arg6[%broadcast_in_dim3A_1606, %broadcast_in_dim3A_1650, %add3A_1604] : memref<3x16x2048xf32, #tpu.memory_space<vmem>>[vector<16xi32>, vector<16xi32>, vector<16xi32>], vector<16xf32>,
    %swap3A_1652 = arith.constant 6 : i32
    %swap3A_1653 = arith.index_cast %swap3A_1652 : i32 to index
    %swap3A_1654 = arith.constant 464 : index
    %swap3A_1655 = tpu.vector_load %arg7[%swap3A_1653, %swap3A_1654] {strides = array<i32>} : memref<16x512xf32, #tpu.memory_space<vmem>>, vector<16xf32>,
    tpu.vector_store %arg7[%swap3A_1653, %swap3A_1654], %gather3A_1651 {strides = array<i32>} : memref<16x512xf32, #tpu.memory_space<vmem>>, vector<16xf32>,
    %broadcast_in_dim3A_1656 = arith.constant 7 : i32
    %broadcast_in_dim3A_1657 = vector.broadcast %broadcast_in_dim3A_1656 : i32 to vector<16xi32>
    %gather3A_1658 = tpu.vector_load_idx %arg6[%broadcast_in_dim3A_1606, %broadcast_in_dim3A_1657, %add3A_1604] : memref<3x16x2048xf32, #tpu.memory_space<vmem>>[vector<16xi32>, vector<16xi32>, vector<16xi32>], vector<16xf32>,
    %swap3A_1659 = arith.constant 7 : i32
    %swap3A_1660 = arith.index_cast %swap3A_1659 : i32 to index
    %swap3A_1661 = arith.constant 464 : index
    %swap3A_1662 = tpu.vector_load %arg7[%swap3A_1660, %swap3A_1661] {strides = array<i32>} : memref<16x512xf32, #tpu.memory_space<vmem>>, vector<16xf32>,
    tpu.vector_store %arg7[%swap3A_1660, %swap3A_1661], %gather3A_1658 {strides = array<i32>} : memref<16x512xf32, #tpu.memory_space<vmem>>, vector<16xf32>,
    %broadcast_in_dim3A_1663 = arith.constant 8 : i32
    %broadcast_in_dim3A_1664 = vector.broadcast %broadcast_in_dim3A_1663 : i32 to vector<16xi32>
    %gather3A_1665 = tpu.vector_load_idx %arg6[%broadcast_in_dim3A_1606, %broadcast_in_dim3A_1664, %add3A_1604] : memref<3x16x2048xf32, #tpu.memory_space<vmem>>[vector<16xi32>, vector<16xi32>, vector<16xi32>], vector<16xf32>,
    %swap3A_1666 = arith.constant 8 : i32
    %swap3A_1667 = arith.index_cast %swap3A_1666 : i32 to index
    %swap3A_1668 = arith.constant 464 : index
    %swap3A_1669 = tpu.vector_load %arg7[%swap3A_1667, %swap3A_1668] {strides = array<i32>} : memref<16x512xf32, #tpu.memory_space<vmem>>, vector<16xf32>,
    tpu.vector_store %arg7[%swap3A_1667, %swap3A_1668], %gather3A_1665 {strides = array<i32>} : memref<16x512xf32, #tpu.memory_space<vmem>>, vector<16xf32>,
    %broadcast_in_dim3A_1670 = arith.constant 9 : i32
    %broadcast_in_dim3A_1671 = vector.broadcast %broadcast_in_dim3A_1670 : i32 to vector<16xi32>
    %gather3A_1672 = tpu.vector_load_idx %arg6[%broadcast_in_dim3A_1606, %broadcast_in_dim3A_1671, %add3A_1604] : memref<3x16x2048xf32, #tpu.memory_space<vmem>>[vector<16xi32>, vector<16xi32>, vector<16xi32>], vector<16xf32>,
    %swap3A_1673 = arith.constant 9 : i32
    %swap3A_1674 = arith.index_cast %swap3A_1673 : i32 to index
    %swap3A_1675 = arith.constant 464 : index
    %swap3A_1676 = tpu.vector_load %arg7[%swap3A_1674, %swap3A_1675] {strides = array<i32>} : memref<16x512xf32, #tpu.memory_space<vmem>>, vector<16xf32>,
    tpu.vector_store %arg7[%swap3A_1674, %swap3A_1675], %gather3A_1672 {strides = array<i32>} : memref<16x512xf32, #tpu.memory_space<vmem>>, vector<16xf32>,
    %broadcast_in_dim3A_1677 = arith.constant 10 : i32
    %broadcast_in_dim3A_1678 = vector.broadcast %broadcast_in_dim3A_1677 : i32 to vector<16xi32>
    %gather3A_1679 = tpu.vector_load_idx %arg6[%broadcast_in_dim3A_1606, %broadcast_in_dim3A_1678, %add3A_1604] : memref<3x16x2048xf32, #tpu.memory_space<vmem>>[vector<16xi32>, vector<16xi32>, vector<16xi32>], vector<16xf32>,
    %swap3A_1680 = arith.constant 10 : i32
    %swap3A_1681 = arith.index_cast %swap3A_1680 : i32 to index
    %swap3A_1682 = arith.constant 464 : index
    %swap3A_1683 = tpu.vector_load %arg7[%swap3A_1681, %swap3A_1682] {strides = array<i32>} : memref<16x512xf32, #tpu.memory_space<vmem>>, vector<16xf32>,
    tpu.vector_store %arg7[%swap3A_1681, %swap3A_1682], %gather3A_1679 {strides = array<i32>} : memref<16x512xf32, #tpu.memory_space<vmem>>, vector<16xf32>,
    %broadcast_in_dim3A_1684 = arith.constant 11 : i32
    %broadcast_in_dim3A_1685 = vector.broadcast %broadcast_in_dim3A_1684 : i32 to vector<16xi32>
    %gather3A_1686 = tpu.vector_load_idx %arg6[%broadcast_in_dim3A_1606, %broadcast_in_dim3A_1685, %add3A_1604] : memref<3x16x2048xf32, #tpu.memory_space<vmem>>[vector<16xi32>, vector<16xi32>, vector<16xi32>], vector<16xf32>,
    %swap3A_1687 = arith.constant 11 : i32
    %swap3A_1688 = arith.index_cast %swap3A_1687 : i32 to index
    %swap3A_1689 = arith.constant 464 : index
    %swap3A_1690 = tpu.vector_load %arg7[%swap3A_1688, %swap3A_1689] {strides = array<i32>} : memref<16x512xf32, #tpu.memory_space<vmem>>, vector<16xf32>,
    tpu.vector_store %arg7[%swap3A_1688, %swap3A_1689], %gather3A_1686 {strides = array<i32>} : memref<16x512xf32, #tpu.memory_space<vmem>>, vector<16xf32>,
    %broadcast_in_dim3A_1691 = arith.constant 12 : i32
    %broadcast_in_dim3A_1692 = vector.broadcast %broadcast_in_dim3A_1691 : i32 to vector<16xi32>
    %gather3A_1693 = tpu.vector_load_idx %arg6[%broadcast_in_dim3A_1606, %broadcast_in_dim3A_1692, %add3A_1604] : memref<3x16x2048xf32, #tpu.memory_space<vmem>>[vector<16xi32>, vector<16xi32>, vector<16xi32>], vector<16xf32>,
    %swap3A_1694 = arith.constant 12 : i32
    %swap3A_1695 = arith.index_cast %swap3A_1694 : i32 to index
    %swap3A_1696 = arith.constant 464 : index
    %swap3A_1697 = tpu.vector_load %arg7[%swap3A_1695, %swap3A_1696] {strides = array<i32>} : memref<16x512xf32, #tpu.memory_space<vmem>>, vector<16xf32>,
    tpu.vector_store %arg7[%swap3A_1695, %swap3A_1696], %gather3A_1693 {strides = array<i32>} : memref<16x512xf32, #tpu.memory_space<vmem>>, vector<16xf32>,
    %broadcast_in_dim3A_1698 = arith.constant 13 : i32
    %broadcast_in_dim3A_1699 = vector.broadcast %broadcast_in_dim3A_1698 : i32 to vector<16xi32>
    %gather3A_1700 = tpu.vector_load_idx %arg6[%broadcast_in_dim3A_1606, %broadcast_in_dim3A_1699, %add3A_1604] : memref<3x16x2048xf32, #tpu.memory_space<vmem>>[vector<16xi32>, vector<16xi32>, vector<16xi32>], vector<16xf32>,
    %swap3A_1701 = arith.constant 13 : i32
    %swap3A_1702 = arith.index_cast %swap3A_1701 : i32 to index
    %swap3A_1703 = arith.constant 464 : index
    %swap3A_1704 = tpu.vector_load %arg7[%swap3A_1702, %swap3A_1703] {strides = array<i32>} : memref<16x512xf32, #tpu.memory_space<vmem>>, vector<16xf32>,
    tpu.vector_store %arg7[%swap3A_1702, %swap3A_1703], %gather3A_1700 {strides = array<i32>} : memref<16x512xf32, #tpu.memory_space<vmem>>, vector<16xf32>,
    %broadcast_in_dim3A_1705 = arith.constant 14 : i32
    %broadcast_in_dim3A_1706 = vector.broadcast %broadcast_in_dim3A_1705 : i32 to vector<16xi32>
    %gather3A_1707 = tpu.vector_load_idx %arg6[%broadcast_in_dim3A_1606, %broadcast_in_dim3A_1706, %add3A_1604] : memref<3x16x2048xf32, #tpu.memory_space<vmem>>[vector<16xi32>, vector<16xi32>, vector<16xi32>], vector<16xf32>,
    %swap3A_1708 = arith.constant 14 : i32
    %swap3A_1709 = arith.index_cast %swap3A_1708 : i32 to index
    %swap3A_1710 = arith.constant 464 : index
    %swap3A_1711 = tpu.vector_load %arg7[%swap3A_1709, %swap3A_1710] {strides = array<i32>} : memref<16x512xf32, #tpu.memory_space<vmem>>, vector<16xf32>,
    tpu.vector_store %arg7[%swap3A_1709, %swap3A_1710], %gather3A_1707 {strides = array<i32>} : memref<16x512xf32, #tpu.memory_space<vmem>>, vector<16xf32>,
    %broadcast_in_dim3A_1712 = arith.constant 15 : i32
    %broadcast_in_dim3A_1713 = vector.broadcast %broadcast_in_dim3A_1712 : i32 to vector<16xi32>
    %gather3A_1714 = tpu.vector_load_idx %arg6[%broadcast_in_dim3A_1606, %broadcast_in_dim3A_1713, %add3A_1604] : memref<3x16x2048xf32, #tpu.memory_space<vmem>>[vector<16xi32>, vector<16xi32>, vector<16xi32>], vector<16xf32>,
    %swap3A_1715 = arith.constant 15 : i32
    %swap3A_1716 = arith.index_cast %swap3A_1715 : i32 to index
    %swap3A_1717 = arith.constant 464 : index
    %swap3A_1718 = tpu.vector_load %arg7[%swap3A_1716, %swap3A_1717] {strides = array<i32>} : memref<16x512xf32, #tpu.memory_space<vmem>>, vector<16xf32>,
    tpu.vector_store %arg7[%swap3A_1716, %swap3A_1717], %gather3A_1714 {strides = array<i32>} : memref<16x512xf32, #tpu.memory_space<vmem>>, vector<16xf32>,
    %dma_wait3A_1719 = arith.constant 0 : i32
    %dma_wait3A_1720 = arith.constant 0 : i32
    %dma_wait3A_1721 = arith.constant 0 : i32
    %dma_wait3A_1722 = tpu.memref_slice %arg6[%dma_wait3A_1719, %dma_wait3A_1720, %dma_wait3A_1721] : memref<3x16x2048xf32, #tpu.memory_space<vmem>> -> memref<1x16x2048xf32, #tpu.memory_space<vmem>>
    %dma_wait3A_1723 = tpu.memref_squeeze %dma_wait3A_1722 : memref<1x16x2048xf32, #tpu.memory_space<vmem>> -> memref<16x2048xf32, #tpu.memory_space<vmem>>
    %dma_wait3A_1724 = arith.constant 0 : i32
    %dma_wait3A_1725 = arith.constant 0 : i32
    %dma_wait3A_1726 = tpu.memref_slice %arg2[%dma_wait3A_1724, %dma_wait3A_1725] : memref<16x1000000xf32, #tpu.memory_space<hbm>> -> memref<16x2048xf32, #tpu.memory_space<hbm>>
    %dma_wait3A_1727 = arith.constant 0 : i32
    %dma_wait3A_1728 = arith.constant 0 : i32
    %dma_wait3A_1729 = tpu.memref_slice %arg6[%dma_wait3A_1719, %dma_wait3A_1727, %dma_wait3A_1728] : memref<3x16x2048xf32, #tpu.memory_space<vmem>> -> memref<1x16x2048xf32, #tpu.memory_space<vmem>>
    %dma_wait3A_1730 = tpu.memref_squeeze %dma_wait3A_1729 : memref<1x16x2048xf32, #tpu.memory_space<vmem>> -> memref<16x2048xf32, #tpu.memory_space<vmem>>
    %dma_wait3A_1731 = arith.constant 0 : i32
    %dma_wait3A_1732 = arith.constant 0 : i32
    %dma_wait3A_1733 = tpu.memref_slice %arg2[%dma_wait3A_1731, %dma_wait3A_1732] : memref<16x1000000xf32, #tpu.memory_space<hbm>> -> memref<16x2048xf32, #tpu.memory_space<hbm>>
    tpu.wait_dma2 semaphore(%arg8 : memref<!tpu.dma_semaphore, #tpu.memory_space<semaphore_mem>>) src(%dma_wait3A_1733 : memref<16x2048xf32, #tpu.memory_space<hbm>>) dst(%dma_wait3A_1730 : memref<16x2048xf32, #tpu.memory_space<vmem>>)
    %get3A_1734 = arith.constant 480 : index
    %get3A_1735 = tpu.vector_load %arg5[%get3A_1734] {strides = array<i32>} : memref<512xi32, #tpu.memory_space<vmem>>, vector<16xi32>,
    %and3A_1736 = arith.constant 127 : i32
    %and3A_1737 = vector.broadcast %and3A_1736 : i32 to vector<16xi32>
    %and3A_1738 = arith.andi %get3A_1735, %and3A_1737 : vector<16xi32>
    %iota3A_1739 = tpu.iota {dimensions = array<i32: 0>} : vector<16xi32>
    %mul3A_1740 = arith.constant 128 : i32
    %mul3A_1741 = vector.broadcast %mul3A_1740 : i32 to vector<16xi32>
    %mul3A_1742 = arith.muli %iota3A_1739, %mul3A_1741 : vector<16xi32>
    %add3A_1743 = arith.addi %mul3A_1742, %and3A_1738 : vector<16xi32>
    %broadcast_in_dim3A_1744 = arith.constant 0 : i32
    %broadcast_in_dim3A_1745 = vector.broadcast %broadcast_in_dim3A_1744 : i32 to vector<16xi32>
    %broadcast_in_dim3A_1746 = arith.constant 0 : i32
    %broadcast_in_dim3A_1747 = vector.broadcast %broadcast_in_dim3A_1746 : i32 to vector<16xi32>
    %gather3A_1748 = tpu.vector_load_idx %arg6[%broadcast_in_dim3A_1745, %broadcast_in_dim3A_1747, %add3A_1743] : memref<3x16x2048xf32, #tpu.memory_space<vmem>>[vector<16xi32>, vector<16xi32>, vector<16xi32>], vector<16xf32>,
    %swap3A_1749 = arith.constant 0 : i32
    %swap3A_1750 = arith.index_cast %swap3A_1749 : i32 to index
    %swap3A_1751 = arith.constant 480 : index
    %swap3A_1752 = tpu.vector_load %arg7[%swap3A_1750, %swap3A_1751] {strides = array<i32>} : memref<16x512xf32, #tpu.memory_space<vmem>>, vector<16xf32>,
    tpu.vector_store %arg7[%swap3A_1750, %swap3A_1751], %gather3A_1748 {strides = array<i32>} : memref<16x512xf32, #tpu.memory_space<vmem>>, vector<16xf32>,
    %broadcast_in_dim3A_1753 = arith.constant 1 : i32
    %broadcast_in_dim3A_1754 = vector.broadcast %broadcast_in_dim3A_1753 : i32 to vector<16xi32>
    %gather3A_1755 = tpu.vector_load_idx %arg6[%broadcast_in_dim3A_1745, %broadcast_in_dim3A_1754, %add3A_1743] : memref<3x16x2048xf32, #tpu.memory_space<vmem>>[vector<16xi32>, vector<16xi32>, vector<16xi32>], vector<16xf32>,
    %swap3A_1756 = arith.constant 1 : i32
    %swap3A_1757 = arith.index_cast %swap3A_1756 : i32 to index
    %swap3A_1758 = arith.constant 480 : index
    %swap3A_1759 = tpu.vector_load %arg7[%swap3A_1757, %swap3A_1758] {strides = array<i32>} : memref<16x512xf32, #tpu.memory_space<vmem>>, vector<16xf32>,
    tpu.vector_store %arg7[%swap3A_1757, %swap3A_1758], %gather3A_1755 {strides = array<i32>} : memref<16x512xf32, #tpu.memory_space<vmem>>, vector<16xf32>,
    %broadcast_in_dim3A_1760 = arith.constant 2 : i32
    %broadcast_in_dim3A_1761 = vector.broadcast %broadcast_in_dim3A_1760 : i32 to vector<16xi32>
    %gather3A_1762 = tpu.vector_load_idx %arg6[%broadcast_in_dim3A_1745, %broadcast_in_dim3A_1761, %add3A_1743] : memref<3x16x2048xf32, #tpu.memory_space<vmem>>[vector<16xi32>, vector<16xi32>, vector<16xi32>], vector<16xf32>,
    %swap3A_1763 = arith.constant 2 : i32
    %swap3A_1764 = arith.index_cast %swap3A_1763 : i32 to index
    %swap3A_1765 = arith.constant 480 : index
    %swap3A_1766 = tpu.vector_load %arg7[%swap3A_1764, %swap3A_1765] {strides = array<i32>} : memref<16x512xf32, #tpu.memory_space<vmem>>, vector<16xf32>,
    tpu.vector_store %arg7[%swap3A_1764, %swap3A_1765], %gather3A_1762 {strides = array<i32>} : memref<16x512xf32, #tpu.memory_space<vmem>>, vector<16xf32>,
    %broadcast_in_dim3A_1767 = arith.constant 3 : i32
    %broadcast_in_dim3A_1768 = vector.broadcast %broadcast_in_dim3A_1767 : i32 to vector<16xi32>
    %gather3A_1769 = tpu.vector_load_idx %arg6[%broadcast_in_dim3A_1745, %broadcast_in_dim3A_1768, %add3A_1743] : memref<3x16x2048xf32, #tpu.memory_space<vmem>>[vector<16xi32>, vector<16xi32>, vector<16xi32>], vector<16xf32>,
    %swap3A_1770 = arith.constant 3 : i32
    %swap3A_1771 = arith.index_cast %swap3A_1770 : i32 to index
    %swap3A_1772 = arith.constant 480 : index
    %swap3A_1773 = tpu.vector_load %arg7[%swap3A_1771, %swap3A_1772] {strides = array<i32>} : memref<16x512xf32, #tpu.memory_space<vmem>>, vector<16xf32>,
    tpu.vector_store %arg7[%swap3A_1771, %swap3A_1772], %gather3A_1769 {strides = array<i32>} : memref<16x512xf32, #tpu.memory_space<vmem>>, vector<16xf32>,
    %broadcast_in_dim3A_1774 = arith.constant 4 : i32
    %broadcast_in_dim3A_1775 = vector.broadcast %broadcast_in_dim3A_1774 : i32 to vector<16xi32>
    %gather3A_1776 = tpu.vector_load_idx %arg6[%broadcast_in_dim3A_1745, %broadcast_in_dim3A_1775, %add3A_1743] : memref<3x16x2048xf32, #tpu.memory_space<vmem>>[vector<16xi32>, vector<16xi32>, vector<16xi32>], vector<16xf32>,
    %swap3A_1777 = arith.constant 4 : i32
    %swap3A_1778 = arith.index_cast %swap3A_1777 : i32 to index
    %swap3A_1779 = arith.constant 480 : index
    %swap3A_1780 = tpu.vector_load %arg7[%swap3A_1778, %swap3A_1779] {strides = array<i32>} : memref<16x512xf32, #tpu.memory_space<vmem>>, vector<16xf32>,
    tpu.vector_store %arg7[%swap3A_1778, %swap3A_1779], %gather3A_1776 {strides = array<i32>} : memref<16x512xf32, #tpu.memory_space<vmem>>, vector<16xf32>,
    %broadcast_in_dim3A_1781 = arith.constant 5 : i32
    %broadcast_in_dim3A_1782 = vector.broadcast %broadcast_in_dim3A_1781 : i32 to vector<16xi32>
    %gather3A_1783 = tpu.vector_load_idx %arg6[%broadcast_in_dim3A_1745, %broadcast_in_dim3A_1782, %add3A_1743] : memref<3x16x2048xf32, #tpu.memory_space<vmem>>[vector<16xi32>, vector<16xi32>, vector<16xi32>], vector<16xf32>,
    %swap3A_1784 = arith.constant 5 : i32
    %swap3A_1785 = arith.index_cast %swap3A_1784 : i32 to index
    %swap3A_1786 = arith.constant 480 : index
    %swap3A_1787 = tpu.vector_load %arg7[%swap3A_1785, %swap3A_1786] {strides = array<i32>} : memref<16x512xf32, #tpu.memory_space<vmem>>, vector<16xf32>,
    tpu.vector_store %arg7[%swap3A_1785, %swap3A_1786], %gather3A_1783 {strides = array<i32>} : memref<16x512xf32, #tpu.memory_space<vmem>>, vector<16xf32>,
    %broadcast_in_dim3A_1788 = arith.constant 6 : i32
    %broadcast_in_dim3A_1789 = vector.broadcast %broadcast_in_dim3A_1788 : i32 to vector<16xi32>
    %gather3A_1790 = tpu.vector_load_idx %arg6[%broadcast_in_dim3A_1745, %broadcast_in_dim3A_1789, %add3A_1743] : memref<3x16x2048xf32, #tpu.memory_space<vmem>>[vector<16xi32>, vector<16xi32>, vector<16xi32>], vector<16xf32>,
    %swap3A_1791 = arith.constant 6 : i32
    %swap3A_1792 = arith.index_cast %swap3A_1791 : i32 to index
    %swap3A_1793 = arith.constant 480 : index
    %swap3A_1794 = tpu.vector_load %arg7[%swap3A_1792, %swap3A_1793] {strides = array<i32>} : memref<16x512xf32, #tpu.memory_space<vmem>>, vector<16xf32>,
    tpu.vector_store %arg7[%swap3A_1792, %swap3A_1793], %gather3A_1790 {strides = array<i32>} : memref<16x512xf32, #tpu.memory_space<vmem>>, vector<16xf32>,
    %broadcast_in_dim3A_1795 = arith.constant 7 : i32
    %broadcast_in_dim3A_1796 = vector.broadcast %broadcast_in_dim3A_1795 : i32 to vector<16xi32>
    %gather3A_1797 = tpu.vector_load_idx %arg6[%broadcast_in_dim3A_1745, %broadcast_in_dim3A_1796, %add3A_1743] : memref<3x16x2048xf32, #tpu.memory_space<vmem>>[vector<16xi32>, vector<16xi32>, vector<16xi32>], vector<16xf32>,
    %swap3A_1798 = arith.constant 7 : i32
    %swap3A_1799 = arith.index_cast %swap3A_1798 : i32 to index
    %swap3A_1800 = arith.constant 480 : index
    %swap3A_1801 = tpu.vector_load %arg7[%swap3A_1799, %swap3A_1800] {strides = array<i32>} : memref<16x512xf32, #tpu.memory_space<vmem>>, vector<16xf32>,
    tpu.vector_store %arg7[%swap3A_1799, %swap3A_1800], %gather3A_1797 {strides = array<i32>} : memref<16x512xf32, #tpu.memory_space<vmem>>, vector<16xf32>,
    %broadcast_in_dim3A_1802 = arith.constant 8 : i32
    %broadcast_in_dim3A_1803 = vector.broadcast %broadcast_in_dim3A_1802 : i32 to vector<16xi32>
    %gather3A_1804 = tpu.vector_load_idx %arg6[%broadcast_in_dim3A_1745, %broadcast_in_dim3A_1803, %add3A_1743] : memref<3x16x2048xf32, #tpu.memory_space<vmem>>[vector<16xi32>, vector<16xi32>, vector<16xi32>], vector<16xf32>,
    %swap3A_1805 = arith.constant 8 : i32
    %swap3A_1806 = arith.index_cast %swap3A_1805 : i32 to index
    %swap3A_1807 = arith.constant 480 : index
    %swap3A_1808 = tpu.vector_load %arg7[%swap3A_1806, %swap3A_1807] {strides = array<i32>} : memref<16x512xf32, #tpu.memory_space<vmem>>, vector<16xf32>,
    tpu.vector_store %arg7[%swap3A_1806, %swap3A_1807], %gather3A_1804 {strides = array<i32>} : memref<16x512xf32, #tpu.memory_space<vmem>>, vector<16xf32>,
    %broadcast_in_dim3A_1809 = arith.constant 9 : i32
    %broadcast_in_dim3A_1810 = vector.broadcast %broadcast_in_dim3A_1809 : i32 to vector<16xi32>
    %gather3A_1811 = tpu.vector_load_idx %arg6[%broadcast_in_dim3A_1745, %broadcast_in_dim3A_1810, %add3A_1743] : memref<3x16x2048xf32, #tpu.memory_space<vmem>>[vector<16xi32>, vector<16xi32>, vector<16xi32>], vector<16xf32>,
    %swap3A_1812 = arith.constant 9 : i32
    %swap3A_1813 = arith.index_cast %swap3A_1812 : i32 to index
    %swap3A_1814 = arith.constant 480 : index
    %swap3A_1815 = tpu.vector_load %arg7[%swap3A_1813, %swap3A_1814] {strides = array<i32>} : memref<16x512xf32, #tpu.memory_space<vmem>>, vector<16xf32>,
    tpu.vector_store %arg7[%swap3A_1813, %swap3A_1814], %gather3A_1811 {strides = array<i32>} : memref<16x512xf32, #tpu.memory_space<vmem>>, vector<16xf32>,
    %broadcast_in_dim3A_1816 = arith.constant 10 : i32
    %broadcast_in_dim3A_1817 = vector.broadcast %broadcast_in_dim3A_1816 : i32 to vector<16xi32>
    %gather3A_1818 = tpu.vector_load_idx %arg6[%broadcast_in_dim3A_1745, %broadcast_in_dim3A_1817, %add3A_1743] : memref<3x16x2048xf32, #tpu.memory_space<vmem>>[vector<16xi32>, vector<16xi32>, vector<16xi32>], vector<16xf32>,
    %swap3A_1819 = arith.constant 10 : i32
    %swap3A_1820 = arith.index_cast %swap3A_1819 : i32 to index
    %swap3A_1821 = arith.constant 480 : index
    %swap3A_1822 = tpu.vector_load %arg7[%swap3A_1820, %swap3A_1821] {strides = array<i32>} : memref<16x512xf32, #tpu.memory_space<vmem>>, vector<16xf32>,
    tpu.vector_store %arg7[%swap3A_1820, %swap3A_1821], %gather3A_1818 {strides = array<i32>} : memref<16x512xf32, #tpu.memory_space<vmem>>, vector<16xf32>,
    %broadcast_in_dim3A_1823 = arith.constant 11 : i32
    %broadcast_in_dim3A_1824 = vector.broadcast %broadcast_in_dim3A_1823 : i32 to vector<16xi32>
    %gather3A_1825 = tpu.vector_load_idx %arg6[%broadcast_in_dim3A_1745, %broadcast_in_dim3A_1824, %add3A_1743] : memref<3x16x2048xf32, #tpu.memory_space<vmem>>[vector<16xi32>, vector<16xi32>, vector<16xi32>], vector<16xf32>,
    %swap3A_1826 = arith.constant 11 : i32
    %swap3A_1827 = arith.index_cast %swap3A_1826 : i32 to index
    %swap3A_1828 = arith.constant 480 : index
    %swap3A_1829 = tpu.vector_load %arg7[%swap3A_1827, %swap3A_1828] {strides = array<i32>} : memref<16x512xf32, #tpu.memory_space<vmem>>, vector<16xf32>,
    tpu.vector_store %arg7[%swap3A_1827, %swap3A_1828], %gather3A_1825 {strides = array<i32>} : memref<16x512xf32, #tpu.memory_space<vmem>>, vector<16xf32>,
    %broadcast_in_dim3A_1830 = arith.constant 12 : i32
    %broadcast_in_dim3A_1831 = vector.broadcast %broadcast_in_dim3A_1830 : i32 to vector<16xi32>
    %gather3A_1832 = tpu.vector_load_idx %arg6[%broadcast_in_dim3A_1745, %broadcast_in_dim3A_1831, %add3A_1743] : memref<3x16x2048xf32, #tpu.memory_space<vmem>>[vector<16xi32>, vector<16xi32>, vector<16xi32>], vector<16xf32>,
    %swap3A_1833 = arith.constant 12 : i32
    %swap3A_1834 = arith.index_cast %swap3A_1833 : i32 to index
    %swap3A_1835 = arith.constant 480 : index
    %swap3A_1836 = tpu.vector_load %arg7[%swap3A_1834, %swap3A_1835] {strides = array<i32>} : memref<16x512xf32, #tpu.memory_space<vmem>>, vector<16xf32>,
    tpu.vector_store %arg7[%swap3A_1834, %swap3A_1835], %gather3A_1832 {strides = array<i32>} : memref<16x512xf32, #tpu.memory_space<vmem>>, vector<16xf32>,
    %broadcast_in_dim3A_1837 = arith.constant 13 : i32
    %broadcast_in_dim3A_1838 = vector.broadcast %broadcast_in_dim3A_1837 : i32 to vector<16xi32>
    %gather3A_1839 = tpu.vector_load_idx %arg6[%broadcast_in_dim3A_1745, %broadcast_in_dim3A_1838, %add3A_1743] : memref<3x16x2048xf32, #tpu.memory_space<vmem>>[vector<16xi32>, vector<16xi32>, vector<16xi32>], vector<16xf32>,
    %swap3A_1840 = arith.constant 13 : i32
    %swap3A_1841 = arith.index_cast %swap3A_1840 : i32 to index
    %swap3A_1842 = arith.constant 480 : index
    %swap3A_1843 = tpu.vector_load %arg7[%swap3A_1841, %swap3A_1842] {strides = array<i32>} : memref<16x512xf32, #tpu.memory_space<vmem>>, vector<16xf32>,
    tpu.vector_store %arg7[%swap3A_1841, %swap3A_1842], %gather3A_1839 {strides = array<i32>} : memref<16x512xf32, #tpu.memory_space<vmem>>, vector<16xf32>,
    %broadcast_in_dim3A_1844 = arith.constant 14 : i32
    %broadcast_in_dim3A_1845 = vector.broadcast %broadcast_in_dim3A_1844 : i32 to vector<16xi32>
    %gather3A_1846 = tpu.vector_load_idx %arg6[%broadcast_in_dim3A_1745, %broadcast_in_dim3A_1845, %add3A_1743] : memref<3x16x2048xf32, #tpu.memory_space<vmem>>[vector<16xi32>, vector<16xi32>, vector<16xi32>], vector<16xf32>,
    %swap3A_1847 = arith.constant 14 : i32
    %swap3A_1848 = arith.index_cast %swap3A_1847 : i32 to index
    %swap3A_1849 = arith.constant 480 : index
    %swap3A_1850 = tpu.vector_load %arg7[%swap3A_1848, %swap3A_1849] {strides = array<i32>} : memref<16x512xf32, #tpu.memory_space<vmem>>, vector<16xf32>,
    tpu.vector_store %arg7[%swap3A_1848, %swap3A_1849], %gather3A_1846 {strides = array<i32>} : memref<16x512xf32, #tpu.memory_space<vmem>>, vector<16xf32>,
    %broadcast_in_dim3A_1851 = arith.constant 15 : i32
    %broadcast_in_dim3A_1852 = vector.broadcast %broadcast_in_dim3A_1851 : i32 to vector<16xi32>
    %gather3A_1853 = tpu.vector_load_idx %arg6[%broadcast_in_dim3A_1745, %broadcast_in_dim3A_1852, %add3A_1743] : memref<3x16x2048xf32, #tpu.memory_space<vmem>>[vector<16xi32>, vector<16xi32>, vector<16xi32>], vector<16xf32>,
    %swap3A_1854 = arith.constant 15 : i32
    %swap3A_1855 = arith.index_cast %swap3A_1854 : i32 to index
    %swap3A_1856 = arith.constant 480 : index
    %swap3A_1857 = tpu.vector_load %arg7[%swap3A_1855, %swap3A_1856] {strides = array<i32>} : memref<16x512xf32, #tpu.memory_space<vmem>>, vector<16xf32>,
    tpu.vector_store %arg7[%swap3A_1855, %swap3A_1856], %gather3A_1853 {strides = array<i32>} : memref<16x512xf32, #tpu.memory_space<vmem>>, vector<16xf32>,
    %dma_wait3A_1858 = arith.constant 1 : i32
    %dma_wait3A_1859 = arith.constant 0 : i32
    %dma_wait3A_1860 = arith.constant 0 : i32
    %dma_wait3A_1861 = tpu.memref_slice %arg6[%dma_wait3A_1858, %dma_wait3A_1859, %dma_wait3A_1860] : memref<3x16x2048xf32, #tpu.memory_space<vmem>> -> memref<1x16x2048xf32, #tpu.memory_space<vmem>>
    %dma_wait3A_1862 = tpu.memref_squeeze %dma_wait3A_1861 : memref<1x16x2048xf32, #tpu.memory_space<vmem>> -> memref<16x2048xf32, #tpu.memory_space<vmem>>
    %dma_wait3A_1863 = arith.constant 0 : i32
    %dma_wait3A_1864 = arith.constant 0 : i32
    %dma_wait3A_1865 = tpu.memref_slice %arg2[%dma_wait3A_1863, %dma_wait3A_1864] : memref<16x1000000xf32, #tpu.memory_space<hbm>> -> memref<16x2048xf32, #tpu.memory_space<hbm>>
    %dma_wait3A_1866 = arith.constant 0 : i32
    %dma_wait3A_1867 = arith.constant 0 : i32
    %dma_wait3A_1868 = tpu.memref_slice %arg6[%dma_wait3A_1858, %dma_wait3A_1866, %dma_wait3A_1867] : memref<3x16x2048xf32, #tpu.memory_space<vmem>> -> memref<1x16x2048xf32, #tpu.memory_space<vmem>>
    %dma_wait3A_1869 = tpu.memref_squeeze %dma_wait3A_1868 : memref<1x16x2048xf32, #tpu.memory_space<vmem>> -> memref<16x2048xf32, #tpu.memory_space<vmem>>
    %dma_wait3A_1870 = arith.constant 0 : i32
    %dma_wait3A_1871 = arith.constant 0 : i32
    %dma_wait3A_1872 = tpu.memref_slice %arg2[%dma_wait3A_1870, %dma_wait3A_1871] : memref<16x1000000xf32, #tpu.memory_space<hbm>> -> memref<16x2048xf32, #tpu.memory_space<hbm>>
    tpu.wait_dma2 semaphore(%arg9 : memref<!tpu.dma_semaphore, #tpu.memory_space<semaphore_mem>>) src(%dma_wait3A_1872 : memref<16x2048xf32, #tpu.memory_space<hbm>>) dst(%dma_wait3A_1869 : memref<16x2048xf32, #tpu.memory_space<vmem>>)
    %get3A_1873 = arith.constant 496 : index
    %get3A_1874 = tpu.vector_load %arg5[%get3A_1873] {strides = array<i32>} : memref<512xi32, #tpu.memory_space<vmem>>, vector<16xi32>,
    %and3A_1875 = arith.constant 127 : i32
    %and3A_1876 = vector.broadcast %and3A_1875 : i32 to vector<16xi32>
    %and3A_1877 = arith.andi %get3A_1874, %and3A_1876 : vector<16xi32>
    %iota3A_1878 = tpu.iota {dimensions = array<i32: 0>} : vector<16xi32>
    %mul3A_1879 = arith.constant 128 : i32
    %mul3A_1880 = vector.broadcast %mul3A_1879 : i32 to vector<16xi32>
    %mul3A_1881 = arith.muli %iota3A_1878, %mul3A_1880 : vector<16xi32>
    %add3A_1882 = arith.addi %mul3A_1881, %and3A_1877 : vector<16xi32>
    %broadcast_in_dim3A_1883 = arith.constant 1 : i32
    %broadcast_in_dim3A_1884 = vector.broadcast %broadcast_in_dim3A_1883 : i32 to vector<16xi32>
    %broadcast_in_dim3A_1885 = arith.constant 0 : i32
    %broadcast_in_dim3A_1886 = vector.broadcast %broadcast_in_dim3A_1885 : i32 to vector<16xi32>
    %gather3A_1887 = tpu.vector_load_idx %arg6[%broadcast_in_dim3A_1884, %broadcast_in_dim3A_1886, %add3A_1882] : memref<3x16x2048xf32, #tpu.memory_space<vmem>>[vector<16xi32>, vector<16xi32>, vector<16xi32>], vector<16xf32>,
    %swap3A_1888 = arith.constant 0 : i32
    %swap3A_1889 = arith.index_cast %swap3A_1888 : i32 to index
    %swap3A_1890 = arith.constant 496 : index
    %swap3A_1891 = tpu.vector_load %arg7[%swap3A_1889, %swap3A_1890] {strides = array<i32>} : memref<16x512xf32, #tpu.memory_space<vmem>>, vector<16xf32>,
    tpu.vector_store %arg7[%swap3A_1889, %swap3A_1890], %gather3A_1887 {strides = array<i32>} : memref<16x512xf32, #tpu.memory_space<vmem>>, vector<16xf32>,
    %broadcast_in_dim3A_1892 = arith.constant 1 : i32
    %broadcast_in_dim3A_1893 = vector.broadcast %broadcast_in_dim3A_1892 : i32 to vector<16xi32>
    %gather3A_1894 = tpu.vector_load_idx %arg6[%broadcast_in_dim3A_1884, %broadcast_in_dim3A_1893, %add3A_1882] : memref<3x16x2048xf32, #tpu.memory_space<vmem>>[vector<16xi32>, vector<16xi32>, vector<16xi32>], vector<16xf32>,
    %swap3A_1895 = arith.constant 1 : i32
    %swap3A_1896 = arith.index_cast %swap3A_1895 : i32 to index
    %swap3A_1897 = arith.constant 496 : index
    %swap3A_1898 = tpu.vector_load %arg7[%swap3A_1896, %swap3A_1897] {strides = array<i32>} : memref<16x512xf32, #tpu.memory_space<vmem>>, vector<16xf32>,
    tpu.vector_store %arg7[%swap3A_1896, %swap3A_1897], %gather3A_1894 {strides = array<i32>} : memref<16x512xf32, #tpu.memory_space<vmem>>, vector<16xf32>,
    %broadcast_in_dim3A_1899 = arith.constant 2 : i32
    %broadcast_in_dim3A_1900 = vector.broadcast %broadcast_in_dim3A_1899 : i32 to vector<16xi32>
    %gather3A_1901 = tpu.vector_load_idx %arg6[%broadcast_in_dim3A_1884, %broadcast_in_dim3A_1900, %add3A_1882] : memref<3x16x2048xf32, #tpu.memory_space<vmem>>[vector<16xi32>, vector<16xi32>, vector<16xi32>], vector<16xf32>,
    %swap3A_1902 = arith.constant 2 : i32
    %swap3A_1903 = arith.index_cast %swap3A_1902 : i32 to index
    %swap3A_1904 = arith.constant 496 : index
    %swap3A_1905 = tpu.vector_load %arg7[%swap3A_1903, %swap3A_1904] {strides = array<i32>} : memref<16x512xf32, #tpu.memory_space<vmem>>, vector<16xf32>,
    tpu.vector_store %arg7[%swap3A_1903, %swap3A_1904], %gather3A_1901 {strides = array<i32>} : memref<16x512xf32, #tpu.memory_space<vmem>>, vector<16xf32>,
    %broadcast_in_dim3A_1906 = arith.constant 3 : i32
    %broadcast_in_dim3A_1907 = vector.broadcast %broadcast_in_dim3A_1906 : i32 to vector<16xi32>
    %gather3A_1908 = tpu.vector_load_idx %arg6[%broadcast_in_dim3A_1884, %broadcast_in_dim3A_1907, %add3A_1882] : memref<3x16x2048xf32, #tpu.memory_space<vmem>>[vector<16xi32>, vector<16xi32>, vector<16xi32>], vector<16xf32>,
    %swap3A_1909 = arith.constant 3 : i32
    %swap3A_1910 = arith.index_cast %swap3A_1909 : i32 to index
    %swap3A_1911 = arith.constant 496 : index
    %swap3A_1912 = tpu.vector_load %arg7[%swap3A_1910, %swap3A_1911] {strides = array<i32>} : memref<16x512xf32, #tpu.memory_space<vmem>>, vector<16xf32>,
    tpu.vector_store %arg7[%swap3A_1910, %swap3A_1911], %gather3A_1908 {strides = array<i32>} : memref<16x512xf32, #tpu.memory_space<vmem>>, vector<16xf32>,
    %broadcast_in_dim3A_1913 = arith.constant 4 : i32
    %broadcast_in_dim3A_1914 = vector.broadcast %broadcast_in_dim3A_1913 : i32 to vector<16xi32>
    %gather3A_1915 = tpu.vector_load_idx %arg6[%broadcast_in_dim3A_1884, %broadcast_in_dim3A_1914, %add3A_1882] : memref<3x16x2048xf32, #tpu.memory_space<vmem>>[vector<16xi32>, vector<16xi32>, vector<16xi32>], vector<16xf32>,
    %swap3A_1916 = arith.constant 4 : i32
    %swap3A_1917 = arith.index_cast %swap3A_1916 : i32 to index
    %swap3A_1918 = arith.constant 496 : index
    %swap3A_1919 = tpu.vector_load %arg7[%swap3A_1917, %swap3A_1918] {strides = array<i32>} : memref<16x512xf32, #tpu.memory_space<vmem>>, vector<16xf32>,
    tpu.vector_store %arg7[%swap3A_1917, %swap3A_1918], %gather3A_1915 {strides = array<i32>} : memref<16x512xf32, #tpu.memory_space<vmem>>, vector<16xf32>,
    %broadcast_in_dim3A_1920 = arith.constant 5 : i32
    %broadcast_in_dim3A_1921 = vector.broadcast %broadcast_in_dim3A_1920 : i32 to vector<16xi32>
    %gather3A_1922 = tpu.vector_load_idx %arg6[%broadcast_in_dim3A_1884, %broadcast_in_dim3A_1921, %add3A_1882] : memref<3x16x2048xf32, #tpu.memory_space<vmem>>[vector<16xi32>, vector<16xi32>, vector<16xi32>], vector<16xf32>,
    %swap3A_1923 = arith.constant 5 : i32
    %swap3A_1924 = arith.index_cast %swap3A_1923 : i32 to index
    %swap3A_1925 = arith.constant 496 : index
    %swap3A_1926 = tpu.vector_load %arg7[%swap3A_1924, %swap3A_1925] {strides = array<i32>} : memref<16x512xf32, #tpu.memory_space<vmem>>, vector<16xf32>,
    tpu.vector_store %arg7[%swap3A_1924, %swap3A_1925], %gather3A_1922 {strides = array<i32>} : memref<16x512xf32, #tpu.memory_space<vmem>>, vector<16xf32>,
    %broadcast_in_dim3A_1927 = arith.constant 6 : i32
    %broadcast_in_dim3A_1928 = vector.broadcast %broadcast_in_dim3A_1927 : i32 to vector<16xi32>
    %gather3A_1929 = tpu.vector_load_idx %arg6[%broadcast_in_dim3A_1884, %broadcast_in_dim3A_1928, %add3A_1882] : memref<3x16x2048xf32, #tpu.memory_space<vmem>>[vector<16xi32>, vector<16xi32>, vector<16xi32>], vector<16xf32>,
    %swap3A_1930 = arith.constant 6 : i32
    %swap3A_1931 = arith.index_cast %swap3A_1930 : i32 to index
    %swap3A_1932 = arith.constant 496 : index
    %swap3A_1933 = tpu.vector_load %arg7[%swap3A_1931, %swap3A_1932] {strides = array<i32>} : memref<16x512xf32, #tpu.memory_space<vmem>>, vector<16xf32>,
    tpu.vector_store %arg7[%swap3A_1931, %swap3A_1932], %gather3A_1929 {strides = array<i32>} : memref<16x512xf32, #tpu.memory_space<vmem>>, vector<16xf32>,
    %broadcast_in_dim3A_1934 = arith.constant 7 : i32
    %broadcast_in_dim3A_1935 = vector.broadcast %broadcast_in_dim3A_1934 : i32 to vector<16xi32>
    %gather3A_1936 = tpu.vector_load_idx %arg6[%broadcast_in_dim3A_1884, %broadcast_in_dim3A_1935, %add3A_1882] : memref<3x16x2048xf32, #tpu.memory_space<vmem>>[vector<16xi32>, vector<16xi32>, vector<16xi32>], vector<16xf32>,
    %swap3A_1937 = arith.constant 7 : i32
    %swap3A_1938 = arith.index_cast %swap3A_1937 : i32 to index
    %swap3A_1939 = arith.constant 496 : index
    %swap3A_1940 = tpu.vector_load %arg7[%swap3A_1938, %swap3A_1939] {strides = array<i32>} : memref<16x512xf32, #tpu.memory_space<vmem>>, vector<16xf32>,
    tpu.vector_store %arg7[%swap3A_1938, %swap3A_1939], %gather3A_1936 {strides = array<i32>} : memref<16x512xf32, #tpu.memory_space<vmem>>, vector<16xf32>,
    %broadcast_in_dim3A_1941 = arith.constant 8 : i32
    %broadcast_in_dim3A_1942 = vector.broadcast %broadcast_in_dim3A_1941 : i32 to vector<16xi32>
    %gather3A_1943 = tpu.vector_load_idx %arg6[%broadcast_in_dim3A_1884, %broadcast_in_dim3A_1942, %add3A_1882] : memref<3x16x2048xf32, #tpu.memory_space<vmem>>[vector<16xi32>, vector<16xi32>, vector<16xi32>], vector<16xf32>,
    %swap3A_1944 = arith.constant 8 : i32
    %swap3A_1945 = arith.index_cast %swap3A_1944 : i32 to index
    %swap3A_1946 = arith.constant 496 : index
    %swap3A_1947 = tpu.vector_load %arg7[%swap3A_1945, %swap3A_1946] {strides = array<i32>} : memref<16x512xf32, #tpu.memory_space<vmem>>, vector<16xf32>,
    tpu.vector_store %arg7[%swap3A_1945, %swap3A_1946], %gather3A_1943 {strides = array<i32>} : memref<16x512xf32, #tpu.memory_space<vmem>>, vector<16xf32>,
    %broadcast_in_dim3A_1948 = arith.constant 9 : i32
    %broadcast_in_dim3A_1949 = vector.broadcast %broadcast_in_dim3A_1948 : i32 to vector<16xi32>
    %gather3A_1950 = tpu.vector_load_idx %arg6[%broadcast_in_dim3A_1884, %broadcast_in_dim3A_1949, %add3A_1882] : memref<3x16x2048xf32, #tpu.memory_space<vmem>>[vector<16xi32>, vector<16xi32>, vector<16xi32>], vector<16xf32>,
    %swap3A_1951 = arith.constant 9 : i32
    %swap3A_1952 = arith.index_cast %swap3A_1951 : i32 to index
    %swap3A_1953 = arith.constant 496 : index
    %swap3A_1954 = tpu.vector_load %arg7[%swap3A_1952, %swap3A_1953] {strides = array<i32>} : memref<16x512xf32, #tpu.memory_space<vmem>>, vector<16xf32>,
    tpu.vector_store %arg7[%swap3A_1952, %swap3A_1953], %gather3A_1950 {strides = array<i32>} : memref<16x512xf32, #tpu.memory_space<vmem>>, vector<16xf32>,
    %broadcast_in_dim3A_1955 = arith.constant 10 : i32
    %broadcast_in_dim3A_1956 = vector.broadcast %broadcast_in_dim3A_1955 : i32 to vector<16xi32>
    %gather3A_1957 = tpu.vector_load_idx %arg6[%broadcast_in_dim3A_1884, %broadcast_in_dim3A_1956, %add3A_1882] : memref<3x16x2048xf32, #tpu.memory_space<vmem>>[vector<16xi32>, vector<16xi32>, vector<16xi32>], vector<16xf32>,
    %swap3A_1958 = arith.constant 10 : i32
    %swap3A_1959 = arith.index_cast %swap3A_1958 : i32 to index
    %swap3A_1960 = arith.constant 496 : index
    %swap3A_1961 = tpu.vector_load %arg7[%swap3A_1959, %swap3A_1960] {strides = array<i32>} : memref<16x512xf32, #tpu.memory_space<vmem>>, vector<16xf32>,
    tpu.vector_store %arg7[%swap3A_1959, %swap3A_1960], %gather3A_1957 {strides = array<i32>} : memref<16x512xf32, #tpu.memory_space<vmem>>, vector<16xf32>,
    %broadcast_in_dim3A_1962 = arith.constant 11 : i32
    %broadcast_in_dim3A_1963 = vector.broadcast %broadcast_in_dim3A_1962 : i32 to vector<16xi32>
    %gather3A_1964 = tpu.vector_load_idx %arg6[%broadcast_in_dim3A_1884, %broadcast_in_dim3A_1963, %add3A_1882] : memref<3x16x2048xf32, #tpu.memory_space<vmem>>[vector<16xi32>, vector<16xi32>, vector<16xi32>], vector<16xf32>,
    %swap3A_1965 = arith.constant 11 : i32
    %swap3A_1966 = arith.index_cast %swap3A_1965 : i32 to index
    %swap3A_1967 = arith.constant 496 : index
    %swap3A_1968 = tpu.vector_load %arg7[%swap3A_1966, %swap3A_1967] {strides = array<i32>} : memref<16x512xf32, #tpu.memory_space<vmem>>, vector<16xf32>,
    tpu.vector_store %arg7[%swap3A_1966, %swap3A_1967], %gather3A_1964 {strides = array<i32>} : memref<16x512xf32, #tpu.memory_space<vmem>>, vector<16xf32>,
    %broadcast_in_dim3A_1969 = arith.constant 12 : i32
    %broadcast_in_dim3A_1970 = vector.broadcast %broadcast_in_dim3A_1969 : i32 to vector<16xi32>
    %gather3A_1971 = tpu.vector_load_idx %arg6[%broadcast_in_dim3A_1884, %broadcast_in_dim3A_1970, %add3A_1882] : memref<3x16x2048xf32, #tpu.memory_space<vmem>>[vector<16xi32>, vector<16xi32>, vector<16xi32>], vector<16xf32>,
    %swap3A_1972 = arith.constant 12 : i32
    %swap3A_1973 = arith.index_cast %swap3A_1972 : i32 to index
    %swap3A_1974 = arith.constant 496 : index
    %swap3A_1975 = tpu.vector_load %arg7[%swap3A_1973, %swap3A_1974] {strides = array<i32>} : memref<16x512xf32, #tpu.memory_space<vmem>>, vector<16xf32>,
    tpu.vector_store %arg7[%swap3A_1973, %swap3A_1974], %gather3A_1971 {strides = array<i32>} : memref<16x512xf32, #tpu.memory_space<vmem>>, vector<16xf32>,
    %broadcast_in_dim3A_1976 = arith.constant 13 : i32
    %broadcast_in_dim3A_1977 = vector.broadcast %broadcast_in_dim3A_1976 : i32 to vector<16xi32>
    %gather3A_1978 = tpu.vector_load_idx %arg6[%broadcast_in_dim3A_1884, %broadcast_in_dim3A_1977, %add3A_1882] : memref<3x16x2048xf32, #tpu.memory_space<vmem>>[vector<16xi32>, vector<16xi32>, vector<16xi32>], vector<16xf32>,
    %swap3A_1979 = arith.constant 13 : i32
    %swap3A_1980 = arith.index_cast %swap3A_1979 : i32 to index
    %swap3A_1981 = arith.constant 496 : index
    %swap3A_1982 = tpu.vector_load %arg7[%swap3A_1980, %swap3A_1981] {strides = array<i32>} : memref<16x512xf32, #tpu.memory_space<vmem>>, vector<16xf32>,
    tpu.vector_store %arg7[%swap3A_1980, %swap3A_1981], %gather3A_1978 {strides = array<i32>} : memref<16x512xf32, #tpu.memory_space<vmem>>, vector<16xf32>,
    %broadcast_in_dim3A_1983 = arith.constant 14 : i32
    %broadcast_in_dim3A_1984 = vector.broadcast %broadcast_in_dim3A_1983 : i32 to vector<16xi32>
    %gather3A_1985 = tpu.vector_load_idx %arg6[%broadcast_in_dim3A_1884, %broadcast_in_dim3A_1984, %add3A_1882] : memref<3x16x2048xf32, #tpu.memory_space<vmem>>[vector<16xi32>, vector<16xi32>, vector<16xi32>], vector<16xf32>,
    %swap3A_1986 = arith.constant 14 : i32
    %swap3A_1987 = arith.index_cast %swap3A_1986 : i32 to index
    %swap3A_1988 = arith.constant 496 : index
    %swap3A_1989 = tpu.vector_load %arg7[%swap3A_1987, %swap3A_1988] {strides = array<i32>} : memref<16x512xf32, #tpu.memory_space<vmem>>, vector<16xf32>,
    tpu.vector_store %arg7[%swap3A_1987, %swap3A_1988], %gather3A_1985 {strides = array<i32>} : memref<16x512xf32, #tpu.memory_space<vmem>>, vector<16xf32>,
    %broadcast_in_dim3A_1990 = arith.constant 15 : i32
    %broadcast_in_dim3A_1991 = vector.broadcast %broadcast_in_dim3A_1990 : i32 to vector<16xi32>
    %gather3A_1992 = tpu.vector_load_idx %arg6[%broadcast_in_dim3A_1884, %broadcast_in_dim3A_1991, %add3A_1882] : memref<3x16x2048xf32, #tpu.memory_space<vmem>>[vector<16xi32>, vector<16xi32>, vector<16xi32>], vector<16xf32>,
    %swap3A_1993 = arith.constant 15 : i32
    %swap3A_1994 = arith.index_cast %swap3A_1993 : i32 to index
    %swap3A_1995 = arith.constant 496 : index
    %swap3A_1996 = tpu.vector_load %arg7[%swap3A_1994, %swap3A_1995] {strides = array<i32>} : memref<16x512xf32, #tpu.memory_space<vmem>>, vector<16xf32>,
    tpu.vector_store %arg7[%swap3A_1994, %swap3A_1995], %gather3A_1992 {strides = array<i32>} : memref<16x512xf32, #tpu.memory_space<vmem>>, vector<16xf32>,
    "tpu.region"() ({
      %run_scoped3A = tpu.sem_alloc : memref<!tpu.dma_semaphore, #tpu.memory_space<semaphore_mem>>
      %dma_start3A_1997 = arith.constant 0 : i32
      %dma_start3A_1998 = tpu.memref_slice %arg4[%dma_start3A_1997, %mul3A_2] : memref<16x16384xf32, #tpu.memory_space<hbm>> -> memref<16x512xf32, #tpu.memory_space<hbm>>
      %dma_start3A_1999 = arith.constant 0 : i32
      %dma_start3A_2000 = tpu.memref_slice %arg4[%dma_start3A_1999, %mul3A_2] : memref<16x16384xf32, #tpu.memory_space<hbm>> -> memref<16x512xf32, #tpu.memory_space<hbm>>
      tpu.enqueue_dma source(%arg7 : memref<16x512xf32, #tpu.memory_space<vmem>>) target(%dma_start3A_2000 : memref<16x512xf32, #tpu.memory_space<hbm>>) target_semaphore(%run_scoped3A : memref<!tpu.dma_semaphore, #tpu.memory_space<semaphore_mem>>)
      %dma_wait3A_2001 = arith.constant 0 : i32
      %dma_wait3A_2002 = tpu.memref_slice %arg4[%dma_wait3A_2001, %mul3A_2] : memref<16x16384xf32, #tpu.memory_space<hbm>> -> memref<16x512xf32, #tpu.memory_space<hbm>>
      %dma_wait3A_2003 = arith.constant 0 : i32
      %dma_wait3A_2004 = tpu.memref_slice %arg4[%dma_wait3A_2003, %mul3A_2] : memref<16x16384xf32, #tpu.memory_space<hbm>> -> memref<16x512xf32, #tpu.memory_space<hbm>>
      tpu.wait_dma2 semaphore(%run_scoped3A : memref<!tpu.dma_semaphore, #tpu.memory_space<semaphore_mem>>) src(%arg7 : memref<16x512xf32, #tpu.memory_space<vmem>>) dst(%dma_wait3A_2004 : memref<16x512xf32, #tpu.memory_space<hbm>>)
      tpu.yield
    }) : () -> ()
    return
  }
}

</mosaic_0001>

<sc_bundles>
// kernel: kernel.3.cloned.1.call-start
scs
__scs_entry_jumppad:
0x0: {  	(pc) =	sbr.rel $0x88, $3  }
0x1: {  	(tag) =	ssettag $0x0;
	lr =	simm.s32 $0x1  }
0x2: {  	[smem:$0x3F9F] =	sst lr;
	_ =	strace $0xD0000000  }
0x3: {  	_ = 	snop  }
0x4: {  	_ = 	snop  }
0x5: {  	_ = 	snop  }
0x6: {  	_ = 	snop  }
0x7: {  	_ = 	snop  }
__scs_overlays_trampoline_lowered:
0x8: {  	[smem:$0x3FAE] =	sst s0  }
0x9: {  	[smem:$0x3FAF] =	sst s1  }
0xa: {  	[smem:$0x3FB0] =	sst s2  }
0xb: {  	[smem:$0x3FB1] =	sst s3  }
0xc: {  	[smem:$0x3FB2] =	sst s4  }
0xd: {  	[smem:$0x3FB3] =	sst s5  }
0xe: {  	[smem:$0x3FB4] =	sst s6  }
0xf: {  	[smem:$0x3FB5] =	sst s7  }
0x10: {  	[smem:$0x3FB6] =	sst s8  }
0x11: {  	[smem:$0x3FB7] =	sst s9;
	s0 =	simm.s32 @!p0 $0x0  }
0x12: {  	s1 =	sld [smem:$0x3F9D];
	s0 =	simm.s32 @p0 $0x1  }
0x13: {  	[smem:$0x3FB8] =	sst s0;
	s0 =	simm.s32 @!p1 $0x0  }
0x14: {  	s2 =	sld [smem:$0x3F9C];
	s0 =	simm.s32 @p1 $0x1  }
0x15: {  	[smem:$0x3FB9] =	sst s0;
	s0 =	simm.s32 @!p2 $0x0  }
0x16: {  	s3 =	sld [smem:$0x3FDB];
	s0 =	simm.s32 @p2 $0x1  }
0x17: {  	s4 =	simm.s32 $0x1BF5;
	[smem:$0x3FBB] =	sst s0  }
0x18: {  	s0 =	sld [smem:$0x3F9E];
	_ =	swait.ge [sflag:s4], $0x0  }
0x19: {  	s7 =	sld [smem:$0x3F9F]  }
0x1a: {  	s8 =	sadd.s32 $0xFFFFE003, lr  }
0x1b: {  	s9 =	sadd.s32 $0xFFFFFEF7, lr;
	s5 =	simm.s32 $0xFFFFFFFF;
	p2 =	slt.u32 s8, $0xFFFFF086  }
0x1c: {  	p1 =	slt.u32 s9, $0xF7A;
	s5 =	simm.s32 @!p2 $0x0  }
0x1d: {  	s5 =	simm.s32 @p1 $0x1;
	p0 =	seq.s32 s7, s2  }
0x1e: {  	s7 =	smul.u32 @!p0 $0xF7A, s2;
	p2 =	seq.s32 @!p0 s5, $0x0  }
0x1f: {  	s9 =	smul.u32 $0xF7A, s1;
	s8 =	simm.s32 @!p0 $0x1BF5;
	p2 =	por !p2, p0  }
0x20: {  	[sflag:s8] =	ssyncset.s32 @!p0 $0xFFFFF086;
	s6 =	sadd.s32 @!p0 s3, s7;
	s7 =	simm.s32 @!p0 $0x108  }
0x21: {  	s3 =	sadd.s32 s3, s9;
	s6 =	sadd.s32 @!p0 $0x88, s6;
	s7 =	simm.s32 @p2 $0x1082  }
0x22: {  	[simem:s7], [sflag:s8] =	dma.local @!p0 [hbm:s6], $0xF7A  }
0x23: {  	s9 =	sor.u32 $0xD0000000, s2;
	s6 =	simm.s32 $0x108;
	_ =	swait.ge @!p0 [sflag:s8], $0x0  }
0x24: {  	s3 =	sadd.s32 $0x88, s3;
	s6 =	simm.s32 @!p1 $0x1082;
	[sflag:s4] =	ssyncset.s32 $0xFFFFF086  }
0x25: {  	[simem:s6], [sflag:s4] =	dma.local [hbm:s3], $0xF7A  }
0x26: {  	[smem:$0x3F9F] =	sst s1;
	(tag) =	ssettag s2;
	_ =	strace s9  }
0x27: {  	s1 =	sld [smem:$0x3FAF]  }
0x28: {  	s2 =	sld [smem:$0x3FB0]  }
0x29: {  	s4 =	sld [smem:$0x3FB2]  }
0x2a: {  	p0 =	seq.s32 s5, $0x0;
	s5 =	sld [smem:$0x3FB3]  }
0x2b: {  	s6 =	sld [smem:$0x3FB4]  }
0x2c: {  	s7 =	sld [smem:$0x3FB5]  }
0x2d: {  	s3 =	simm.s32 $0x108;
	s8 =	sld [smem:$0x3FB6]  }
0x2e: {  	s3 =	simm.s32 @!p0 $0x1082;
	s9 =	sld [smem:$0x3FB7]  }
0x2f: {  	lr =	sadd.s32 s0, s3;
	s0 =	sld [smem:$0x3FAE]  }
0x30: {  	s3 =	sld [smem:$0x3FB1]  }
0x31: {  	[smem:$0x3FBA] =	sst s10  }
0x32: {  	s10 =	sld [smem:$0x3FB8];
	_ =	sdelay $0x3  }
0x33: {  	p0 =	seq.s32 s10, $0x1;
	s10 =	sld [smem:$0x3FBA];
	_ =	sdelay $0x3  }
0x34: {  	[smem:$0x3FBA] =	sst s10  }
0x35: {  	s10 =	sld [smem:$0x3FB9];
	_ =	sdelay $0x3  }
0x36: {  	p1 =	seq.s32 s10, $0x1;
	s10 =	sld [smem:$0x3FBA];
	_ =	sdelay $0x3  }
0x37: {  	[smem:$0x3FBA] =	sst s10  }
0x38: {  	s10 =	sld [smem:$0x3FBB]  }
0x39: {  	_ = 	snop;
	(pc) =	sbr.ind lr, $3  }
0x3a: {  	_ = 	snop  }
0x3b: {  	_ = 	snop  }
0x3c: {  	p2 =	seq.s32 s10, $0x1;
	s10 =	sld [smem:$0x3FBA]  }
0x3d: {  	_ =	shalt  }
0x3e: {  	_ =	shalt  }
0x3f: {  	_ =	shalt  }
0x40: {  	_ =	shalt  }
0x41: {  	_ =	shalt  }
0x42: {  	_ =	shalt  }
0x43: {  	_ =	shalt  }
0x44: {  	_ =	shalt  }
0x45: {  	_ =	shalt  }
0x46: {  	_ =	shalt  }
0x47: {  	_ =	shalt  }
0x48: {  	_ =	shalt  }
0x49: {  	_ =	shalt  }
0x4a: {  	_ =	shalt  }
0x4b: {  	_ =	shalt  }
0x4c: {  	_ =	shalt  }
0x4d: {  	_ =	shalt  }
0x4e: {  	_ =	shalt  }
0x4f: {  	_ =	shalt  }
0x50: {  	_ =	shalt  }
0x51: {  	_ =	shalt  }
0x52: {  	_ =	shalt  }
0x53: {  	_ =	shalt  }
0x54: {  	_ =	shalt  }
0x55: {  	_ =	shalt  }
0x56: {  	_ =	shalt  }
0x57: {  	_ =	shalt  }
0x58: {  	_ =	shalt  }
0x59: {  	_ =	shalt  }
0x5a: {  	_ =	shalt  }
0x5b: {  	_ =	shalt  }
0x5c: {  	_ =	shalt  }
0x5d: {  	_ =	shalt  }
0x5e: {  	_ =	shalt  }
0x5f: {  	_ =	shalt  }
0x60: {  	_ =	shalt  }
0x61: {  	_ =	shalt  }
0x62: {  	_ =	shalt  }
0x63: {  	_ =	shalt  }
0x64: {  	_ =	shalt  }
0x65: {  	_ =	shalt  }
0x66: {  	_ =	shalt  }
0x67: {  	_ =	shalt  }
0x68: {  	_ =	shalt  }
0x69: {  	_ =	shalt  }
0x6a: {  	_ =	shalt  }
0x6b: {  	_ =	shalt  }
0x6c: {  	_ =	shalt  }
0x6d: {  	_ =	shalt  }
0x6e: {  	_ =	shalt  }
0x6f: {  	_ =	shalt  }
0x70: {  	_ =	shalt  }
0x71: {  	_ =	shalt  }
0x72: {  	_ =	shalt  }
0x73: {  	_ =	shalt  }
0x74: {  	_ =	shalt  }
0x75: {  	_ =	shalt  }
0x76: {  	_ =	shalt  }
0x77: {  	_ =	shalt  }
0x78: {  	_ =	shalt  }
0x79: {  	_ =	shalt  }
0x7a: {  	_ =	shalt  }
0x7b: {  	_ =	shalt  }
0x7c: {  	_ =	shalt  }
0x7d: {  	_ =	shalt  }
0x7e: {  	_ =	shalt  }
0x7f: {  	_ =	shalt  }
0x80: {  	_ =	shalt  }
0x81: {  	_ =	shalt  }
0x82: {  	_ =	shalt  }
0x83: {  	_ =	shalt  }
0x84: {  	_ =	shalt  }
0x85: {  	_ =	shalt  }
0x86: {  	_ =	shalt  }
0x87: {  	_ =	shalt  }
.Lfunc_end0:
.L_simem_size_0:
called_computation_lowered:
.L_overlay_start_0:
0x88: {  	s2 =	sld [smem:$0x3FD9]  }
0x89: {  	s3 =	sld [smem:$0x3FFE];
	_ =	sdelay $0x1  }
0x8a: {  	s1 =	srdreg.scid  }
0x8b: {  	s0 =	sand.u32 $0x1, s1  }
0x8c: {  	s17 =	sshll.u32 s0, $0xA;
	s2 =	sadd.s32 s3, s2  }
0x8d: {  	s2 =	sadd.s32 s2, s17  }
0x8e: {  	[smem:$0x3FC6] =	sst s2  }
0x8f: {  	_ = 	snop  }
0x90: {  	s2 =	sld [smem:$0x3FC9]  }
0x91: {  	s18 =	sld [smem:$0x3FD0];
	(tm) =	ssettm $0x1  }
0x92: {  	s4 =	sld [smem:$0x3FFB];
	_ =	sdelay $0x3  }
0x93: {  	_ =	strace s4  }
0x94: {  	s4 =	sld [smem:$0x3FFC];
	_ =	sdelay $0x3  }
0x95: {  	_ =	strace s4  }
0x96: {  	s4 =	sld [smem:$0x3FFD];
	_ =	sdelay $0x3  }
0x97: {  	_ =	strace s4  }
0x98: {  	_ =	strace $0x8FFFFFFF  }
0x99: {  	s19 =	sld [smem:$0x3FDB];
	_ =	sdelay $0x1  }
0x9a: {  	s5 =	simm.s32 $_scs_section_size  }
0x9b: {  	s6 =	simm.s32 $_size__tile_overlayer_lowered;
	s7 =	simm.s32 $_tile_overlayer_lowered  }
0x9c: {  	s22 =	simm.s32 $0x1BFF;
	s21 =	sshll.u32 s7, $0x1;
	s4 =	sadd.s32 s5, s19  }
0x9d: {  	s8 =	simm.s32 $0x0;
	s20 =	sshll.u32 s6, $0x1;
	s6 =	sadd.s32 s21, s4  }
0x9e: {  	[timem:s8], [sflag:s22] =	dma.local [hbm:s6], s20  }
0x9f: {  	_ =	swait.ge [sflag:s22], s20  }
0xa0: {  	s5 =	ssub.s32 $0x0, s20;
	[sflag:s22] =	ssyncset.done $0x0  }
0xa1: {  	[sflag:s22] =	ssyncadd.s32 s5;
	_ =	sdelay $0x1  }
0xa2: {  	s23 =	simm.s32 $0x1B8B  }
0xa3: {  	_ =	swait.ge [sflag:s23], $0x1  }
0xa4: {  	[sflag:s23] =	ssyncset.done $0x0  }
0xa5: {  	s25 =	simm.s32 $0x1B8E;
	s24 =	sld [smem:$0x3FFE];
	[sflag:s23] =	ssyncadd.s32 $0xFFFFFFFF  }
0xa6: {  	s26 =	simm.s32 $execute0_lowered;
	[smem:$0x3FD2] =	sst s25  }
0xa7: {  	s6 =	sshll.u32 s26, $0x1;
	_ =	strace $0x80000046;
	[dreg:$0x1] =	wrdreg $0xFFFFFFFF  }
0xa8: {  	s28 =	simm.s32 $_size_execute0_lowered;
	s4 =	sadd.s32 s4, s6;
	[dreg:$0x0] =	wrdreg $0x0  }
0xa9: {  	s6 =	sshll.u32 s28, $0x1;
	[dreg:$0x2] =	wrdreg s4  }
0xaa: {  	[dreg:$0x3] =	wrdreg s6  }
0xab: {  	[dreg:$0x4] =	wrdreg $0xC0  }
0xac: {  	_ =	task [dreg:s8], $0x5FFFF  }
0xad: {  	[dreg:$0x1] =	wrdreg $0xFFFFFFFF  }
0xae: {  	[dreg:$0x0] =	wrdreg $0x60  }
0xaf: {  	[dreg:$0x2] =	wrdreg s2  }
0xb0: {  	[dreg:$0x3] =	wrdreg s24  }
0xb1: {  	[dreg:$0x4] =	wrdreg s18  }
0xb2: {  	[dreg:$0x5] =	wrdreg $0x9  }
0xb3: {  	_ =	task.clear_ibuf [dreg:s8], $0x6FFFF;
	_ =	strace $0x90000046  }
0xb4: {  	s29 =	simm.s32 $0x9;
	_ =	strace $0x80000048  }
0xb5: {  	_ =	swait.ge [sflag:s29], $0x1  }
0xb6: {  	[sflag:s29] =	ssyncadd.s32 $0xFFFFFFFF  }
0xb7: {  	_ =	strace $0x90000048  }
0xb8: {  	_ =	sfence  }
0xb9: {  	s30 =	sld [smem:$0x0];
	_ =	sdelay $0x2  }
0xba: {  	s31 =	sshll.u32 s1, $0xD;
	s1 =	sshrl.u32 s1, $0x2  }
0xbb: {  	s3 =	sand.u32 $0x4000, s31;
	s1 =	sadd.s32 s1, s30  }
0xbc: {  	s0 =	sor.u32 s3, s0;
	s1 =	sshll.u32 s1, $0x11  }
0xbd: {  	s0 =	sor.u32 s1, s0  }
0xbe: {  	s0 =	sadd.s32 $0x8F2B, s0  }
0xbf: {  	[sflag:s0] =	ssyncadd.remote.s32 $0x1  }
0xc0: {  	_ =	sfence.sel $0xFFFF  }
0xc1: {  	[dreg:$0x0] =	wrdreg $0xFFFFFFFF;
	(pc) =	sbr.abs _section_cstart, $3  }
0xc2: {  	[dreg:$0x1] =	wrdreg $0xFFFFFFFF  }
0xc3: {  	_ =	task.clear_ibuf [dreg:s8], $0x2FFFF;
	_ =	strace $0x9FFFFFFF  }
0xc4: {  	(tm) =	ssettm $0x7FFFFFFF  }
0xc5: {  	_ =	shalt  }
tec
execute0_lowered:
.L_overlay_start_1:
0x0: {  	(tag) =	ssettag $0x1  }
0x1: {  	s0 =	srdreg.scid;
	v0 =	vlaneseq.u32  }
0x2: {  	s1 =	stileid.u32;
	s4 =	rddreg [dreg:$0x1];
	v0 =	vmul.u32 $0x400, v0  }
0x3: {  	s6 =	rddreg [dreg:$0x2];
	s15 =	simm.s32 $0x4;
	s10 =	simm.s32 $0x200  }
0x4: {  	s22 =	simm.s32 $0x10200;
	s29 =	simm.s32 $0x14200;
	s16 =	simm.s32 $0x10600;
	v1 =	vor.u32 $0x80, v0;
	v2 =	vor.u32 $0x100, v0  }
0x5: {  	s18 =	simm.s32 $0x14600;
	s17 =	simm.s32 $0x10A00;
	s21 =	simm.s32 $0x14A00;
	v3 =	vor.u32 $0x180, v0;
	v4 =	vor.u32 $0x200, v0;
	v5 =	vor.u32 $0x280, v0  }
0x6: {  	s19 =	simm.s32 $0x14E00;
	s23 =	simm.s32 $0x15200;
	s7 =	simm.s32 $0x11600;
	v6 =	vor.u32 $0x300, v0;
	v7 =	vor.u32 $0x380, v0;
	v8 =	vor.u32 $0x4000, v0  }
0x7: {  	s20 =	simm.s32 $0x15600;
	s8 =	simm.s32 $0x11A00;
	s24 =	simm.s32 $0x15E00;
	v9 =	vor.u32 $0x4080, v0;
	v10 =	vor.u32 $0x4100, v0;
	v11 =	vor.u32 $0x4180, v0  }
0x8: {  	s9 =	simm.s32 $0x12600;
	s30 =	simm.s32 $0x16600;
	s31 =	simm.s32 $0x12A00;
	v12 =	vor.u32 $0x4200, v0;
	v13 =	vor.u32 $0x4280, v0;
	v14 =	vor.u32 $0x4300, v0  }
0x9: {  	s11 =	simm.s32 $0x2;
	s0 =	sand.u32 $0x1, s0;
	s2 =	sshll.u32 s1, $0x1;
	v15 =	vor.u32 $0x4380, v0;
	v16 =	vor.u32 $0x8000, v0;
	v17 =	vor.u32 $0x8080, v0  }
0xa: {  	s28 =	simm.s32 $0x3;
	s13 =	simm.s32 $0x0;
	s2 =	sor.u32 s0, s2;
	v18 =	vor.u32 $0x8100, v0;
	v19 =	vor.u32 $0x8180, v0;
	v20 =	vor.u32 $0x8200, v0  }
0xb: {  	s1 =	rddreg [dreg:$0x0];
	s0 =	ssub.s32 $0x2, s0;
	s5 =	sshll.u32 s2, $0x9;
	v21 =	vor.u32 $0x8280, v0;
	v22 =	vor.u32 $0x8300, v0;
	v23 =	vor.u32 $0x8380, v0  }
0xc: {  	s2 =	sshll.u32 s2, $0x7;
	s25 =	sshrl.u32 s0, $0x1;
	v24 =	vor.u32 $0xC000, v0;
	v25 =	vor.u32 $0xC080, v0;
	v26 =	vor.u32 $0xC100, v0;
	s3 =	sand.u32 $0x3000, s5  }
0xd: {  	v27 =	vor.u32 $0xC180, v0;
	v28 =	vor.u32 $0xC200, v0;
	v29 =	vor.u32 $0xC280, v0;
	s2 =	sand.u32 $0x380, s2;
	s0 =	ssub.s32 s0, s25;
	s26 =	sadd.s32 s6, s5  }
0xe: {  	v30 =	vor.u32 $0xC300, v0;
	v31 =	vor.u32 $0xC380, v0;
	v32 =	vor.u32 $0x10000, v0;
	s5 =	simm.s32 $0x11E00;
	s2 =	sor.u32 s2, s3;
	s3 =	simm.s32 $0x0  }
0xf: {  	v33 =	vor.u32 $0x10080, v0;
	v34 =	vor.u32 $0x10100, v0;
	v35 =	vor.u32 $0x10180, v0;
	s6 =	simm.s32 $0x12200;
	s0 =	smax.u32 s0, $0x1;
	[smem:$0x7FF] =	sst s3  }
0x10: {  	v36 =	vor.u32 $0x10200, v0;
	v37 =	vor.u32 $0x10280, v0;
	v38 =	vor.u32 $0x10300, v0;
	s2 =	sshrl.u32 s2, $0x3;
	_ =	strace $0x80000047;
	[dreg:$0x5] =	wrdreg s26  }
0x11: {  	v39 =	vor.u32 $0x10380, v0;
	v40 =	vor.u32 $0x14000, v0;
	v41 =	vor.u32 $0x14080, v0;
	s25 =	simm.s32 $0x16200;
	s2 =	sadd.s32 s2, s4;
	[dreg:$0x6] =	wrdreg s0  }
0x12: {  	v42 =	vor.u32 $0x14100, v0;
	v43 =	vor.u32 $0x14180, v0;
	v44 =	vor.u32 $0x14200, v0;
	s0 =	simm.s32 $0x11200;
	s4 =	simm.s32 $0x15A00;
	s2 =	sadd.s32 $0x400, s2  }
0x13: {  	v45 =	vor.u32 $0x14280, v0;
	v46 =	vor.u32 $0x14300, v0;
	v47 =	vor.u32 $0x14380, v0;
	s26 =	simm.s32 $0x1;
	[dreg:$0x4] =	wrdreg s2;
	s2 =	simm.s32 $0x10E00  }
.LBB2_1:
0x14: {  	[dreg:$0x7] =	wrdreg s13  }
0x15: {  	s12 =	rddreg [dreg:$0x4];
	s13 =	simm.s32 $0x80;
	s14 =	simm.s32 $0x400  }
0x16: {  	[tilespmem:s3], [sflag:$0x4] =	stream.strided.gather [hbm4b:s12+s13], $0x200, s14, s13, $0x38;
	[tilespmem:$0x1A200] =	vst v63  }
0x17: {  	_ =	swait.ge [sflag:s15], $0x200  }
0x18: {  	[sflag:s15] =	ssyncset.done $0x0  }
0x19: {  	[sflag:s15] =	ssyncadd.s32 $0xFFFFFE00  }
0x1a: {  	v48 =	vld [tilespmem:$0x0];
	_ =	sdelay $0x4  }
0x1b: {  	v48 =	vand.u32 $0xFFFFFF80, v48  }
0x1c: {  	v48 =	vadd.s32 s1, v48  }
0x1d: {  	(v2sf) =	vpush v48, $0x0;
	_ =	sdelay $0x3  }
0x1e: {  	(v2sf) =	vpush v48, $0x1;
	_ =	sdelay $0x3  }
0x1f: {  	(v2sf) =	vpush v48, $0x2;
	_ =	sdelay $0x3  }
0x20: {  	(v2sf) =	vpush v48, $0x3;
	_ =	sdelay $0x2  }
0x21: {  	s13 =	spop (v2sf)  }
0x22: {  	(v2sf) =	vpush v48, $0x4;
	[tilespmem:s10], [sflag:$0x1] =	stream.linear.gather [hbm4b:s13+s3], $0x400, $0x38;
	[tilespmem:$0x1A200] =	vst v63  }
0x23: {  	s14 =	simm.s32 $0x4200;
	s12 =	sadd.s32 $0xF4280, s13  }
0x24: {  	[tilespmem:s14], [sflag:$0x1] =	stream.linear.gather [hbm4b:s12+s3], $0x400, $0x38;
	[tilespmem:$0x1A200] =	vst v63  }
0x25: {  	s15 =	spop (v2sf);
	s14 =	simm.s32 $0x600  }
0x26: {  	(v2sf) =	vpush v48, $0x5;
	[tilespmem:s14], [sflag:$0x1] =	stream.linear.gather [hbm4b:s15+s3], $0x400, $0x38;
	[tilespmem:$0x1A200] =	vst v63  }
0x27: {  	s12 =	sadd.s32 $0xF4280, s15;
	s15 =	simm.s32 $0x4600  }
0x28: {  	[tilespmem:s15], [sflag:$0x1] =	stream.linear.gather [hbm4b:s12+s3], $0x400, $0x38;
	[tilespmem:$0x1A200] =	vst v63  }
0x29: {  	s14 =	spop (v2sf);
	s15 =	simm.s32 $0xA00  }
0x2a: {  	(v2sf) =	vpush v48, $0x6;
	[tilespmem:s15], [sflag:$0x1] =	stream.linear.gather [hbm4b:s14+s3], $0x400, $0x38;
	[tilespmem:$0x1A200] =	vst v63  }
0x2b: {  	s12 =	sadd.s32 $0xF4280, s14;
	s14 =	simm.s32 $0x4A00  }
0x2c: {  	[tilespmem:s14], [sflag:$0x1] =	stream.linear.gather [hbm4b:s12+s3], $0x400, $0x38;
	[tilespmem:$0x1A200] =	vst v63  }
0x2d: {  	s15 =	spop (v2sf);
	s14 =	simm.s32 $0xE00  }
0x2e: {  	(v2sf) =	vpush v48, $0x7;
	[tilespmem:s14], [sflag:$0x1] =	stream.linear.gather [hbm4b:s15+s3], $0x400, $0x38;
	[tilespmem:$0x1A200] =	vst v63  }
0x2f: {  	s12 =	sadd.s32 $0xF4280, s15;
	s15 =	simm.s32 $0x4E00  }
0x30: {  	[tilespmem:s15], [sflag:$0x1] =	stream.linear.gather [hbm4b:s12+s3], $0x400, $0x38;
	[tilespmem:$0x1A200] =	vst v63  }
0x31: {  	s14 =	spop (v2sf);
	s15 =	simm.s32 $0x1200  }
0x32: {  	(v2sf) =	vpush v48, $0x8;
	[tilespmem:s15], [sflag:$0x1] =	stream.linear.gather [hbm4b:s14+s3], $0x400, $0x38;
	[tilespmem:$0x1A200] =	vst v63  }
0x33: {  	s12 =	sadd.s32 $0xF4280, s14;
	s14 =	simm.s32 $0x5200  }
0x34: {  	[tilespmem:s14], [sflag:$0x1] =	stream.linear.gather [hbm4b:s12+s3], $0x400, $0x38;
	[tilespmem:$0x1A200] =	vst v63  }
0x35: {  	s15 =	spop (v2sf);
	s14 =	simm.s32 $0x1600  }
0x36: {  	(v2sf) =	vpush v48, $0x9;
	[tilespmem:s14], [sflag:$0x1] =	stream.linear.gather [hbm4b:s15+s3], $0x400, $0x38;
	[tilespmem:$0x1A200] =	vst v63  }
0x37: {  	s12 =	sadd.s32 $0xF4280, s15;
	s15 =	simm.s32 $0x5600  }
0x38: {  	[tilespmem:s15], [sflag:$0x1] =	stream.linear.gather [hbm4b:s12+s3], $0x400, $0x38;
	[tilespmem:$0x1A200] =	vst v63  }
0x39: {  	s14 =	spop (v2sf);
	s15 =	simm.s32 $0x1A00  }
0x3a: {  	(v2sf) =	vpush v48, $0xA;
	[tilespmem:s15], [sflag:$0x1] =	stream.linear.gather [hbm4b:s14+s3], $0x400, $0x38;
	[tilespmem:$0x1A200] =	vst v63  }
0x3b: {  	s12 =	sadd.s32 $0xF4280, s14;
	s14 =	simm.s32 $0x5A00  }
0x3c: {  	[tilespmem:s14], [sflag:$0x1] =	stream.linear.gather [hbm4b:s12+s3], $0x400, $0x38;
	[tilespmem:$0x1A200] =	vst v63  }
0x3d: {  	s15 =	spop (v2sf);
	s14 =	simm.s32 $0x1E00  }
0x3e: {  	(v2sf) =	vpush v48, $0xB;
	[tilespmem:s14], [sflag:$0x1] =	stream.linear.gather [hbm4b:s15+s3], $0x400, $0x38;
	[tilespmem:$0x1A200] =	vst v63  }
0x3f: {  	s12 =	sadd.s32 $0xF4280, s15;
	s15 =	simm.s32 $0x5E00  }
0x40: {  	[tilespmem:s15], [sflag:$0x1] =	stream.linear.gather [hbm4b:s12+s3], $0x400, $0x38;
	[tilespmem:$0x1A200] =	vst v63  }
0x41: {  	s14 =	spop (v2sf);
	s15 =	simm.s32 $0x2200  }
0x42: {  	(v2sf) =	vpush v48, $0xC;
	[tilespmem:s15], [sflag:$0x1] =	stream.linear.gather [hbm4b:s14+s3], $0x400, $0x38;
	[tilespmem:$0x1A200] =	vst v63  }
0x43: {  	s12 =	sadd.s32 $0xF4280, s14;
	s14 =	simm.s32 $0x6200  }
0x44: {  	[tilespmem:s14], [sflag:$0x1] =	stream.linear.gather [hbm4b:s12+s3], $0x400, $0x38;
	[tilespmem:$0x1A200] =	vst v63  }
0x45: {  	s15 =	spop (v2sf);
	s14 =	simm.s32 $0x2600  }
0x46: {  	(v2sf) =	vpush v48, $0xD;
	[tilespmem:s14], [sflag:$0x1] =	stream.linear.gather [hbm4b:s15+s3], $0x400, $0x38;
	[tilespmem:$0x1A200] =	vst v63  }
0x47: {  	s12 =	sadd.s32 $0xF4280, s15;
	s15 =	simm.s32 $0x6600  }
0x48: {  	[tilespmem:s15], [sflag:$0x1] =	stream.linear.gather [hbm4b:s12+s3], $0x400, $0x38;
	[tilespmem:$0x1A200] =	vst v63  }
0x49: {  	s14 =	spop (v2sf);
	s15 =	simm.s32 $0x2A00  }
0x4a: {  	(v2sf) =	vpush v48, $0xE;
	[tilespmem:s15], [sflag:$0x1] =	stream.linear.gather [hbm4b:s14+s3], $0x400, $0x38;
	[tilespmem:$0x1A200] =	vst v63  }
0x4b: {  	s12 =	sadd.s32 $0xF4280, s14;
	s14 =	simm.s32 $0x6A00  }
0x4c: {  	[tilespmem:s14], [sflag:$0x1] =	stream.linear.gather [hbm4b:s12+s3], $0x400, $0x38;
	[tilespmem:$0x1A200] =	vst v63  }
0x4d: {  	s15 =	spop (v2sf);
	s14 =	simm.s32 $0x2E00  }
0x4e: {  	(v2sf) =	vpush v48, $0xF;
	[tilespmem:s14], [sflag:$0x1] =	stream.linear.gather [hbm4b:s15+s3], $0x400, $0x38;
	[tilespmem:$0x1A200] =	vst v63  }
0x4f: {  	s12 =	sadd.s32 $0xF4280, s15;
	s15 =	simm.s32 $0x6E00  }
0x50: {  	[tilespmem:s15], [sflag:$0x1] =	stream.linear.gather [hbm4b:s12+s3], $0x400, $0x38;
	[tilespmem:$0x1A200] =	vst v63  }
0x51: {  	s14 =	spop (v2sf);
	s15 =	simm.s32 $0x3200  }
0x52: {  	[tilespmem:s15], [sflag:$0x1] =	stream.linear.gather [hbm4b:s14+s3], $0x400, $0x38;
	[tilespmem:$0x1A200] =	vst v63  }
0x53: {  	s12 =	sadd.s32 $0xF4280, s14;
	s14 =	simm.s32 $0x7200  }
0x54: {  	[tilespmem:s14], [sflag:$0x1] =	stream.linear.gather [hbm4b:s12+s3], $0x400, $0x38;
	[tilespmem:$0x1A200] =	vst v63  }
0x55: {  	s15 =	spop (v2sf);
	s14 =	simm.s32 $0x3600  }
0x56: {  	[tilespmem:s14], [sflag:$0x1] =	stream.linear.gather [hbm4b:s15+s3], $0x400, $0x38;
	[tilespmem:$0x1A200] =	vst v63  }
0x57: {  	s12 =	sadd.s32 $0xF4280, s15;
	s15 =	simm.s32 $0x7600  }
0x58: {  	[tilespmem:s15], [sflag:$0x1] =	stream.linear.gather [hbm4b:s12+s3], $0x400, $0x38;
	[tilespmem:$0x1A200] =	vst v63  }
0x59: {  	s14 =	spop (v2sf);
	s15 =	simm.s32 $0x3A00  }
0x5a: {  	[tilespmem:s15], [sflag:$0x1] =	stream.linear.gather [hbm4b:s14+s3], $0x400, $0x38;
	[tilespmem:$0x1A200] =	vst v63  }
0x5b: {  	s12 =	sadd.s32 $0xF4280, s14;
	s14 =	simm.s32 $0x7A00  }
0x5c: {  	[tilespmem:s14], [sflag:$0x1] =	stream.linear.gather [hbm4b:s12+s3], $0x400, $0x38;
	[tilespmem:$0x1A200] =	vst v63  }
0x5d: {  	s15 =	spop (v2sf);
	s14 =	simm.s32 $0x3E00  }
0x5e: {  	[tilespmem:s14], [sflag:$0x1] =	stream.linear.gather [hbm4b:s15+s3], $0x400, $0x38;
	[tilespmem:$0x1A200] =	vst v63  }
0x5f: {  	s12 =	sadd.s32 $0xF4280, s15;
	s15 =	simm.s32 $0x7E00  }
0x60: {  	[tilespmem:s15], [sflag:$0x1] =	stream.linear.gather [hbm4b:s12+s3], $0x400, $0x38;
	[tilespmem:$0x1A200] =	vst v63  }
0x61: {  	v62 =	vld [tilespmem:$0x10];
	_ =	sdelay $0x4  }
0x62: {  	v48 =	vand.u32 $0xFFFFFF80, v62  }
0x63: {  	v48 =	vadd.s32 s1, v48  }
0x64: {  	(v2sf) =	vpush v48, $0x0;
	_ =	sdelay $0x3  }
0x65: {  	(v2sf) =	vpush v48, $0x1;
	_ =	sdelay $0x3  }
0x66: {  	(v2sf) =	vpush v48, $0x2;
	_ =	sdelay $0x3  }
0x67: {  	(v2sf) =	vpush v48, $0x3;
	_ =	sdelay $0x2  }
0x68: {  	s15 =	simm.s32 $0x8200;
	s14 =	spop (v2sf)  }
0x69: {  	(v2sf) =	vpush v48, $0x4;
	[tilespmem:s15], [sflag:$0x2] =	stream.linear.gather [hbm4b:s14+s3], $0x400, $0x38;
	[tilespmem:$0x1A200] =	vst v63  }
0x6a: {  	s12 =	sadd.s32 $0xF4280, s14;
	s14 =	simm.s32 $0xC200  }
0x6b: {  	[tilespmem:s14], [sflag:$0x2] =	stream.linear.gather [hbm4b:s12+s3], $0x400, $0x38;
	[tilespmem:$0x1A200] =	vst v63  }
0x6c: {  	s15 =	spop (v2sf);
	s14 =	simm.s32 $0x8600  }
0x6d: {  	(v2sf) =	vpush v48, $0x5;
	[tilespmem:s14], [sflag:$0x2] =	stream.linear.gather [hbm4b:s15+s3], $0x400, $0x38;
	[tilespmem:$0x1A200] =	vst v63  }
0x6e: {  	s12 =	sadd.s32 $0xF4280, s15;
	s15 =	simm.s32 $0xC600  }
0x6f: {  	[tilespmem:s15], [sflag:$0x2] =	stream.linear.gather [hbm4b:s12+s3], $0x400, $0x38;
	[tilespmem:$0x1A200] =	vst v63  }
0x70: {  	s14 =	spop (v2sf);
	s15 =	simm.s32 $0x8A00  }
0x71: {  	(v2sf) =	vpush v48, $0x6;
	[tilespmem:s15], [sflag:$0x2] =	stream.linear.gather [hbm4b:s14+s3], $0x400, $0x38;
	[tilespmem:$0x1A200] =	vst v63  }
0x72: {  	s12 =	sadd.s32 $0xF4280, s14;
	s14 =	simm.s32 $0xCA00  }
0x73: {  	[tilespmem:s14], [sflag:$0x2] =	stream.linear.gather [hbm4b:s12+s3], $0x400, $0x38;
	[tilespmem:$0x1A200] =	vst v63  }
0x74: {  	s15 =	spop (v2sf);
	s14 =	simm.s32 $0x8E00  }
0x75: {  	(v2sf) =	vpush v48, $0x7;
	[tilespmem:s14], [sflag:$0x2] =	stream.linear.gather [hbm4b:s15+s3], $0x400, $0x38;
	[tilespmem:$0x1A200] =	vst v63  }
0x76: {  	s12 =	sadd.s32 $0xF4280, s15;
	s15 =	simm.s32 $0xCE00  }
0x77: {  	[tilespmem:s15], [sflag:$0x2] =	stream.linear.gather [hbm4b:s12+s3], $0x400, $0x38;
	[tilespmem:$0x1A200] =	vst v63  }
0x78: {  	s14 =	spop (v2sf);
	s15 =	simm.s32 $0x9200  }
0x79: {  	(v2sf) =	vpush v48, $0x8;
	[tilespmem:s15], [sflag:$0x2] =	stream.linear.gather [hbm4b:s14+s3], $0x400, $0x38;
	[tilespmem:$0x1A200] =	vst v63  }
0x7a: {  	s12 =	sadd.s32 $0xF4280, s14;
	s14 =	simm.s32 $0xD200  }
0x7b: {  	[tilespmem:s14], [sflag:$0x2] =	stream.linear.gather [hbm4b:s12+s3], $0x400, $0x38;
	[tilespmem:$0x1A200] =	vst v63  }
0x7c: {  	s15 =	spop (v2sf);
	s14 =	simm.s32 $0x9600  }
0x7d: {  	(v2sf) =	vpush v48, $0x9;
	[tilespmem:s14], [sflag:$0x2] =	stream.linear.gather [hbm4b:s15+s3], $0x400, $0x38;
	[tilespmem:$0x1A200] =	vst v63  }
0x7e: {  	s12 =	sadd.s32 $0xF4280, s15;
	s15 =	simm.s32 $0xD600  }
0x7f: {  	[tilespmem:s15], [sflag:$0x2] =	stream.linear.gather [hbm4b:s12+s3], $0x400, $0x38;
	[tilespmem:$0x1A200] =	vst v63  }
0x80: {  	s14 =	spop (v2sf);
	s15 =	simm.s32 $0x9A00  }
0x81: {  	(v2sf) =	vpush v48, $0xA;
	[tilespmem:s15], [sflag:$0x2] =	stream.linear.gather [hbm4b:s14+s3], $0x400, $0x38;
	[tilespmem:$0x1A200] =	vst v63  }
0x82: {  	s12 =	sadd.s32 $0xF4280, s14;
	s14 =	simm.s32 $0xDA00  }
0x83: {  	[tilespmem:s14], [sflag:$0x2] =	stream.linear.gather [hbm4b:s12+s3], $0x400, $0x38;
	[tilespmem:$0x1A200] =	vst v63  }
0x84: {  	s15 =	spop (v2sf);
	s14 =	simm.s32 $0x9E00  }
0x85: {  	(v2sf) =	vpush v48, $0xB;
	[tilespmem:s14], [sflag:$0x2] =	stream.linear.gather [hbm4b:s15+s3], $0x400, $0x38;
	[tilespmem:$0x1A200] =	vst v63  }
0x86: {  	s12 =	sadd.s32 $0xF4280, s15;
	s15 =	simm.s32 $0xDE00  }
0x87: {  	[tilespmem:s15], [sflag:$0x2] =	stream.linear.gather [hbm4b:s12+s3], $0x400, $0x38;
	[tilespmem:$0x1A200] =	vst v63  }
0x88: {  	s14 =	spop (v2sf);
	s15 =	simm.s32 $0xA200  }
0x89: {  	(v2sf) =	vpush v48, $0xC;
	[tilespmem:s15], [sflag:$0x2] =	stream.linear.gather [hbm4b:s14+s3], $0x400, $0x38;
	[tilespmem:$0x1A200] =	vst v63  }
0x8a: {  	s12 =	sadd.s32 $0xF4280, s14;
	s14 =	simm.s32 $0xE200  }
0x8b: {  	[tilespmem:s14], [sflag:$0x2] =	stream.linear.gather [hbm4b:s12+s3], $0x400, $0x38;
	[tilespmem:$0x1A200] =	vst v63  }
0x8c: {  	s15 =	spop (v2sf);
	s14 =	simm.s32 $0xA600  }
0x8d: {  	(v2sf) =	vpush v48, $0xD;
	[tilespmem:s14], [sflag:$0x2] =	stream.linear.gather [hbm4b:s15+s3], $0x400, $0x38;
	[tilespmem:$0x1A200] =	vst v63  }
0x8e: {  	s12 =	sadd.s32 $0xF4280, s15;
	s15 =	simm.s32 $0xE600  }
0x8f: {  	[tilespmem:s15], [sflag:$0x2] =	stream.linear.gather [hbm4b:s12+s3], $0x400, $0x38;
	[tilespmem:$0x1A200] =	vst v63  }
0x90: {  	s14 =	spop (v2sf);
	s15 =	simm.s32 $0xAA00  }
0x91: {  	(v2sf) =	vpush v48, $0xE;
	[tilespmem:s15], [sflag:$0x2] =	stream.linear.gather [hbm4b:s14+s3], $0x400, $0x38;
	[tilespmem:$0x1A200] =	vst v63  }
0x92: {  	s12 =	sadd.s32 $0xF4280, s14;
	s14 =	simm.s32 $0xEA00  }
0x93: {  	[tilespmem:s14], [sflag:$0x2] =	stream.linear.gather [hbm4b:s12+s3], $0x400, $0x38;
	[tilespmem:$0x1A200] =	vst v63  }
0x94: {  	s15 =	spop (v2sf);
	s14 =	simm.s32 $0xAE00  }
0x95: {  	(v2sf) =	vpush v48, $0xF;
	[tilespmem:s14], [sflag:$0x2] =	stream.linear.gather [hbm4b:s15+s3], $0x400, $0x38;
	[tilespmem:$0x1A200] =	vst v63  }
0x96: {  	s12 =	sadd.s32 $0xF4280, s15;
	s15 =	simm.s32 $0xEE00  }
0x97: {  	[tilespmem:s15], [sflag:$0x2] =	stream.linear.gather [hbm4b:s12+s3], $0x400, $0x38;
	[tilespmem:$0x1A200] =	vst v63  }
0x98: {  	s14 =	spop (v2sf);
	s15 =	simm.s32 $0xB200  }
0x99: {  	[tilespmem:s15], [sflag:$0x2] =	stream.linear.gather [hbm4b:s14+s3], $0x400, $0x38;
	[tilespmem:$0x1A200] =	vst v63  }
0x9a: {  	s12 =	sadd.s32 $0xF4280, s14;
	s14 =	simm.s32 $0xF200  }
0x9b: {  	[tilespmem:s14], [sflag:$0x2] =	stream.linear.gather [hbm4b:s12+s3], $0x400, $0x38;
	[tilespmem:$0x1A200] =	vst v63  }
0x9c: {  	s15 =	spop (v2sf);
	s14 =	simm.s32 $0xB600  }
0x9d: {  	[tilespmem:s14], [sflag:$0x2] =	stream.linear.gather [hbm4b:s15+s3], $0x400, $0x38;
	[tilespmem:$0x1A200] =	vst v63  }
0x9e: {  	s12 =	sadd.s32 $0xF4280, s15;
	s15 =	simm.s32 $0xF600  }
0x9f: {  	[tilespmem:s15], [sflag:$0x2] =	stream.linear.gather [hbm4b:s12+s3], $0x400, $0x38;
	[tilespmem:$0x1A200] =	vst v63  }
0xa0: {  	s14 =	spop (v2sf);
	s15 =	simm.s32 $0xBA00  }
0xa1: {  	[tilespmem:s15], [sflag:$0x2] =	stream.linear.gather [hbm4b:s14+s3], $0x400, $0x38;
	[tilespmem:$0x1A200] =	vst v63  }
0xa2: {  	s12 =	sadd.s32 $0xF4280, s14;
	s14 =	simm.s32 $0xFA00  }
0xa3: {  	[tilespmem:s14], [sflag:$0x2] =	stream.linear.gather [hbm4b:s12+s3], $0x400, $0x38;
	[tilespmem:$0x1A200] =	vst v63  }
0xa4: {  	s15 =	spop (v2sf);
	s14 =	simm.s32 $0xBE00  }
0xa5: {  	[tilespmem:s14], [sflag:$0x2] =	stream.linear.gather [hbm4b:s15+s3], $0x400, $0x38;
	[tilespmem:$0x1A200] =	vst v63  }
0xa6: {  	s12 =	sadd.s32 $0xF4280, s15;
	s15 =	simm.s32 $0xFE00  }
0xa7: {  	[tilespmem:s15], [sflag:$0x2] =	stream.linear.gather [hbm4b:s12+s3], $0x400, $0x38;
	[tilespmem:$0x1A200] =	vst v63  }
0xa8: {  	v63 =	vld [tilespmem:$0x20];
	_ =	sdelay $0x4  }
0xa9: {  	v48 =	vand.u32 $0xFFFFFF80, v63  }
0xaa: {  	v48 =	vadd.s32 s1, v48  }
0xab: {  	(v2sf) =	vpush v48, $0x0;
	_ =	sdelay $0x3  }
0xac: {  	(v2sf) =	vpush v48, $0x1;
	_ =	sdelay $0x3  }
0xad: {  	(v2sf) =	vpush v48, $0x2;
	_ =	sdelay $0x3  }
0xae: {  	(v2sf) =	vpush v48, $0x3;
	_ =	sdelay $0x2  }
0xaf: {  	s14 =	spop (v2sf)  }
0xb0: {  	(v2sf) =	vpush v48, $0x4;
	[tilespmem:s22], [sflag:$0x3] =	stream.linear.gather [hbm4b:s14+s3], $0x400, $0x38;
	[tilespmem:$0x1A200] =	vst v63  }
0xb1: {  	s12 =	sadd.s32 $0xF4280, s14  }
0xb2: {  	[tilespmem:s29], [sflag:$0x3] =	stream.linear.gather [hbm4b:s12+s3], $0x400, $0x38;
	[tilespmem:$0x1A200] =	vst v63  }
0xb3: {  	s15 =	spop (v2sf)  }
0xb4: {  	(v2sf) =	vpush v48, $0x5;
	[tilespmem:s16], [sflag:$0x3] =	stream.linear.gather [hbm4b:s15+s3], $0x400, $0x38;
	[tilespmem:$0x1A200] =	vst v63  }
0xb5: {  	s12 =	sadd.s32 $0xF4280, s15  }
0xb6: {  	[tilespmem:s18], [sflag:$0x3] =	stream.linear.gather [hbm4b:s12+s3], $0x400, $0x38;
	[tilespmem:$0x1A200] =	vst v63  }
0xb7: {  	s18 =	spop (v2sf)  }
0xb8: {  	(v2sf) =	vpush v48, $0x6;
	[tilespmem:s17], [sflag:$0x3] =	stream.linear.gather [hbm4b:s18+s3], $0x400, $0x38;
	[tilespmem:$0x1A200] =	vst v63  }
0xb9: {  	s12 =	sadd.s32 $0xF4280, s18  }
0xba: {  	[tilespmem:s21], [sflag:$0x3] =	stream.linear.gather [hbm4b:s12+s3], $0x400, $0x38;
	[tilespmem:$0x1A200] =	vst v63  }
0xbb: {  	s22 =	spop (v2sf)  }
0xbc: {  	(v2sf) =	vpush v48, $0x7;
	[tilespmem:s2], [sflag:$0x3] =	stream.linear.gather [hbm4b:s22+s3], $0x400, $0x38;
	[tilespmem:$0x1A200] =	vst v63  }
0xbd: {  	s12 =	sadd.s32 $0xF4280, s22  }
0xbe: {  	[tilespmem:s19], [sflag:$0x3] =	stream.linear.gather [hbm4b:s12+s3], $0x400, $0x38;
	[tilespmem:$0x1A200] =	vst v63  }
0xbf: {  	s29 =	spop (v2sf)  }
0xc0: {  	(v2sf) =	vpush v48, $0x8;
	[tilespmem:s0], [sflag:$0x3] =	stream.linear.gather [hbm4b:s29+s3], $0x400, $0x38;
	[tilespmem:$0x1A200] =	vst v63  }
0xc1: {  	s12 =	sadd.s32 $0xF4280, s29  }
0xc2: {  	[tilespmem:s23], [sflag:$0x3] =	stream.linear.gather [hbm4b:s12+s3], $0x400, $0x38;
	[tilespmem:$0x1A200] =	vst v63  }
0xc3: {  	s2 =	spop (v2sf)  }
0xc4: {  	(v2sf) =	vpush v48, $0x9;
	[tilespmem:s7], [sflag:$0x3] =	stream.linear.gather [hbm4b:s2+s3], $0x400, $0x38;
	[tilespmem:$0x1A200] =	vst v63  }
0xc5: {  	s12 =	sadd.s32 $0xF4280, s2  }
0xc6: {  	[tilespmem:s20], [sflag:$0x3] =	stream.linear.gather [hbm4b:s12+s3], $0x400, $0x38;
	[tilespmem:$0x1A200] =	vst v63  }
0xc7: {  	s7 =	spop (v2sf)  }
0xc8: {  	(v2sf) =	vpush v48, $0xA;
	[tilespmem:s8], [sflag:$0x3] =	stream.linear.gather [hbm4b:s7+s3], $0x400, $0x38;
	[tilespmem:$0x1A200] =	vst v63  }
0xc9: {  	s12 =	sadd.s32 $0xF4280, s7  }
0xca: {  	[tilespmem:s4], [sflag:$0x3] =	stream.linear.gather [hbm4b:s12+s3], $0x400, $0x38;
	[tilespmem:$0x1A200] =	vst v63  }
0xcb: {  	s8 =	spop (v2sf)  }
0xcc: {  	(v2sf) =	vpush v48, $0xB;
	[tilespmem:s5], [sflag:$0x3] =	stream.linear.gather [hbm4b:s8+s3], $0x400, $0x38;
	[tilespmem:$0x1A200] =	vst v63  }
0xcd: {  	s12 =	sadd.s32 $0xF4280, s8  }
0xce: {  	[tilespmem:s24], [sflag:$0x3] =	stream.linear.gather [hbm4b:s12+s3], $0x400, $0x38;
	[tilespmem:$0x1A200] =	vst v63  }
0xcf: {  	s13 =	spop (v2sf)  }
0xd0: {  	(v2sf) =	vpush v48, $0xC;
	[tilespmem:s6], [sflag:$0x3] =	stream.linear.gather [hbm4b:s13+s3], $0x400, $0x38;
	[tilespmem:$0x1A200] =	vst v63  }
0xd1: {  	s12 =	sadd.s32 $0xF4280, s13  }
0xd2: {  	[tilespmem:s25], [sflag:$0x3] =	stream.linear.gather [hbm4b:s12+s3], $0x400, $0x38;
	[tilespmem:$0x1A200] =	vst v63  }
0xd3: {  	s14 =	spop (v2sf)  }
0xd4: {  	(v2sf) =	vpush v48, $0xD;
	[tilespmem:s9], [sflag:$0x3] =	stream.linear.gather [hbm4b:s14+s3], $0x400, $0x38;
	[tilespmem:$0x1A200] =	vst v63  }
0xd5: {  	s12 =	sadd.s32 $0xF4280, s14  }
0xd6: {  	[tilespmem:s30], [sflag:$0x3] =	stream.linear.gather [hbm4b:s12+s3], $0x400, $0x38;
	[tilespmem:$0x1A200] =	vst v63  }
0xd7: {  	s16 =	simm.s32 $0x16A00;
	s18 =	simm.s32 $0x12E00;
	s15 =	spop (v2sf)  }
0xd8: {  	(v2sf) =	vpush v48, $0xE;
	[tilespmem:s31], [sflag:$0x3] =	stream.linear.gather [hbm4b:s15+s3], $0x400, $0x38;
	[tilespmem:$0x1A200] =	vst v63  }
0xd9: {  	s21 =	simm.s32 $0x13200;
	s22 =	simm.s32 $0x17200;
	s12 =	sadd.s32 $0xF4280, s15  }
0xda: {  	[tilespmem:s16], [sflag:$0x3] =	stream.linear.gather [hbm4b:s12+s3], $0x400, $0x38;
	[tilespmem:$0x1A200] =	vst v63  }
0xdb: {  	s19 =	simm.s32 $0x16E00;
	s2 =	simm.s32 $0x13E00;
	s17 =	spop (v2sf)  }
0xdc: {  	(v2sf) =	vpush v48, $0xF;
	[tilespmem:s18], [sflag:$0x3] =	stream.linear.gather [hbm4b:s17+s3], $0x400, $0x38;
	[tilespmem:$0x1A200] =	vst v63  }
0xdd: {  	s7 =	simm.s32 $0x11600;
	s4 =	simm.s32 $0x15A00;
	s12 =	sadd.s32 $0xF4280, s17  }
0xde: {  	[tilespmem:s19], [sflag:$0x3] =	stream.linear.gather [hbm4b:s12+s3], $0x400, $0x38;
	[tilespmem:$0x1A200] =	vst v63  }
0xdf: {  	s8 =	simm.s32 $0x11A00;
	s5 =	simm.s32 $0x11E00;
	s20 =	spop (v2sf)  }
0xe0: {  	[tilespmem:s21], [sflag:$0x3] =	stream.linear.gather [hbm4b:s20+s3], $0x400, $0x38;
	[tilespmem:$0x1A200] =	vst v63  }
0xe1: {  	s24 =	simm.s32 $0x13600;
	s13 =	simm.s32 $0x2;
	s12 =	sadd.s32 $0xF4280, s20  }
0xe2: {  	[tilespmem:s22], [sflag:$0x3] =	stream.linear.gather [hbm4b:s12+s3], $0x400, $0x38;
	[tilespmem:$0x1A200] =	vst v63  }
0xe3: {  	s6 =	simm.s32 $0x12200;
	s9 =	simm.s32 $0x12600;
	s23 =	spop (v2sf)  }
0xe4: {  	[tilespmem:s24], [sflag:$0x3] =	stream.linear.gather [hbm4b:s23+s3], $0x400, $0x38;
	[tilespmem:$0x1A200] =	vst v63  }
0xe5: {  	s14 =	simm.s32 $0x0;
	s16 =	simm.s32 $0x17600;
	s12 =	sadd.s32 $0xF4280, s23  }
0xe6: {  	[tilespmem:s16], [sflag:$0x3] =	stream.linear.gather [hbm4b:s12+s3], $0x400, $0x38;
	[tilespmem:$0x1A200] =	vst v63  }
0xe7: {  	s30 =	simm.s32 $0x17A00;
	s31 =	simm.s32 $0x13A00;
	s25 =	spop (v2sf)  }
0xe8: {  	[tilespmem:s31], [sflag:$0x3] =	stream.linear.gather [hbm4b:s25+s3], $0x400, $0x38;
	[tilespmem:$0x1A200] =	vst v63  }
0xe9: {  	s17 =	simm.s32 $0x16600;
	s18 =	simm.s32 $0x0;
	s12 =	sadd.s32 $0xF4280, s25  }
0xea: {  	[tilespmem:s30], [sflag:$0x3] =	stream.linear.gather [hbm4b:s12+s3], $0x400, $0x38;
	[tilespmem:$0x1A200] =	vst v63  }
0xeb: {  	s19 =	simm.s32 $0x17E00;
	s21 =	simm.s32 $0x1;
	s29 =	spop (v2sf)  }
0xec: {  	[tilespmem:s2], [sflag:$0x3] =	stream.linear.gather [hbm4b:s29+s3], $0x400, $0x38;
	[tilespmem:$0x1A200] =	vst v63  }
0xed: {  	s20 =	simm.s32 $0x15600;
	s23 =	simm.s32 $0x15200;
	s12 =	sadd.s32 $0xF4280, s29  }
0xee: {  	[tilespmem:s19], [sflag:$0x3] =	stream.linear.gather [hbm4b:s12+s3], $0x400, $0x38;
	[tilespmem:$0x1A200] =	vst v63  }
0xef: {  	s24 =	simm.s32 $0x15E00;
	s25 =	simm.s32 $0x16200;
	s12 =	simm.s32 $0x30  }
.LBB2_2:
0xf0: {  	_ =	swait.ge [sflag:s26], $0x8000  }
0xf1: {  	[sflag:s26] =	ssyncset.done $0x0  }
0xf2: {  	[sflag:s26] =	ssyncadd.s32 $0xFFFF8000  }
0xf3: {  	v48 =	vld [tilespmem:s12+$0xFFFFFFD0];
	_ =	sdelay $0x4  }
0xf4: {  	v48 =	vand.u32 $0x7F, v48  }
0xf5: {  	v49 =	vor.u32 v0, v48;
	_ =	sdelay $0x4  }
0xf6: {  	v49 =	vld.idx.msk [tilespmem:v49+s10+$0x0], $0xffff  }
0xf7: {  	v50 =	vor.u32 v1, v48;
	_ =	sdelay $0x1  }
0xf8: {  	s29 =	sand.u32 $0x70, s18;
	s15 =	sand.u32 $0x1C00, s14  }
0xf9: {  	s15 =	sor.u32 s29, s15  }
0xfa: {  	[tilespmem:s15+$0x18200] =	vst v49  }
0xfb: {  	v49 =	vld.idx.msk [tilespmem:v50+s10+$0x0], $0xffff  }
0xfc: {  	v55 =	vor.u32 v2, v48;
	_ =	sdelay $0x3  }
0xfd: {  	[tilespmem:s15+$0x18280] =	vst v49  }
0xfe: {  	v49 =	vld.idx.msk [tilespmem:v55+s10+$0x0], $0xffff  }
0xff: {  	v56 =	vor.u32 v3, v48;
	_ =	sdelay $0x3  }
0x100: {  	[tilespmem:s15+$0x18300] =	vst v49  }
0x101: {  	v49 =	vld.idx.msk [tilespmem:v56+s10+$0x0], $0xffff  }
0x102: {  	v57 =	vor.u32 v4, v48;
	_ =	sdelay $0x3  }
0x103: {  	[tilespmem:s15+$0x18380] =	vst v49  }
0x104: {  	v49 =	vld.idx.msk [tilespmem:v57+s10+$0x0], $0xffff  }
0x105: {  	v58 =	vor.u32 v5, v48;
	_ =	sdelay $0x3  }
0x106: {  	[tilespmem:s15+$0x18400] =	vst v49  }
0x107: {  	v49 =	vld.idx.msk [tilespmem:v58+s10+$0x0], $0xffff  }
0x108: {  	v59 =	vor.u32 v6, v48;
	_ =	sdelay $0x3  }
0x109: {  	[tilespmem:s15+$0x18480] =	vst v49  }
0x10a: {  	v49 =	vld.idx.msk [tilespmem:v59+s10+$0x0], $0xffff  }
0x10b: {  	v60 =	vor.u32 v7, v48;
	_ =	sdelay $0x3  }
0x10c: {  	[tilespmem:s15+$0x18500] =	vst v49  }
0x10d: {  	v49 =	vld.idx.msk [tilespmem:v60+s10+$0x0], $0xffff  }
0x10e: {  	v61 =	vor.u32 v8, v48;
	_ =	sdelay $0x1  }
0x10f: {  	s29 =	sor.u32 s14, s18  }
0x110: {  	s29 =	sor.u32 $0x380, s29  }
0x111: {  	[tilespmem:s29+$0x18200] =	vst v49  }
0x112: {  	v49 =	vld.idx.msk [tilespmem:v61+s10+$0x0], $0xffff  }
0x113: {  	v62 =	vor.u32 v9, v48;
	_ =	sdelay $0x3  }
0x114: {  	[tilespmem:s15+$0x19200] =	vst v49  }
0x115: {  	v49 =	vld.idx.msk [tilespmem:v62+s10+$0x0], $0xffff  }
0x116: {  	v63 =	vor.u32 v10, v48;
	_ =	sdelay $0x3  }
0x117: {  	[tilespmem:s15+$0x19280] =	vst v49  }
0x118: {  	v49 =	vld.idx.msk [tilespmem:v63+s10+$0x0], $0xffff  }
0x119: {  	v52 =	vor.u32 v11, v48;
	_ =	sdelay $0x3  }
0x11a: {  	[tilespmem:s15+$0x19300] =	vst v49  }
0x11b: {  	v49 =	vld.idx.msk [tilespmem:v52+s10+$0x0], $0xffff  }
0x11c: {  	v53 =	vor.u32 v12, v48;
	_ =	sdelay $0x3  }
0x11d: {  	[tilespmem:s15+$0x19380] =	vst v49  }
0x11e: {  	v49 =	vld.idx.msk [tilespmem:v53+s10+$0x0], $0xffff  }
0x11f: {  	v54 =	vor.u32 v13, v48;
	_ =	sdelay $0x3  }
0x120: {  	[tilespmem:s15+$0x19400] =	vst v49  }
0x121: {  	v49 =	vld.idx.msk [tilespmem:v54+s10+$0x0], $0xffff  }
0x122: {  	v55 =	vor.u32 v14, v48;
	_ =	sdelay $0x3  }
0x123: {  	[tilespmem:s15+$0x19480] =	vst v49  }
0x124: {  	v49 =	vld.idx.msk [tilespmem:v55+s10+$0x0], $0xffff  }
0x125: {  	v48 =	vor.u32 v15, v48;
	_ =	sdelay $0x3  }
0x126: {  	[tilespmem:s15+$0x19500] =	vst v49  }
0x127: {  	v48 =	vld.idx.msk [tilespmem:v48+s10+$0x0], $0xffff;
	_ =	sdelay $0x4  }
0x128: {  	[tilespmem:s15+$0x19580] =	vst v48  }
0x129: {  	v48 =	vld [tilespmem:s12+$0x0];
	_ =	sdelay $0x4  }
0x12a: {  	v48 =	vand.u32 $0xFFFFFF80, v48  }
0x12b: {  	v48 =	vadd.s32 s1, v48  }
0x12c: {  	(v2sf) =	vpush v48, $0x0;
	_ =	sdelay $0x3  }
0x12d: {  	(v2sf) =	vpush v48, $0x1;
	_ =	sdelay $0x3  }
0x12e: {  	(v2sf) =	vpush v48, $0x2;
	_ =	sdelay $0x3  }
0x12f: {  	(v2sf) =	vpush v48, $0x3;
	_ =	sdelay $0x2  }
0x130: {  	s22 =	spop (v2sf)  }
0x131: {  	(v2sf) =	vpush v48, $0x4;
	[tilespmem:s10], [sflag:$0x1] =	stream.linear.gather [hbm4b:s22+s3], $0x400, $0x38;
	[tilespmem:$0x1A200] =	vst v63  }
0x132: {  	s15 =	sadd.s32 $0xF4280, s22;
	s22 =	simm.s32 $0x4200  }
0x133: {  	[tilespmem:s22], [sflag:$0x1] =	stream.linear.gather [hbm4b:s15+s3], $0x400, $0x38;
	[tilespmem:$0x1A200] =	vst v63  }
0x134: {  	s0 =	simm.s32 $0x600;
	s15 =	spop (v2sf)  }
0x135: {  	(v2sf) =	vpush v48, $0x5;
	[tilespmem:s0], [sflag:$0x1] =	stream.linear.gather [hbm4b:s15+s3], $0x400, $0x38;
	[tilespmem:$0x1A200] =	vst v63  }
0x136: {  	s15 =	sadd.s32 $0xF4280, s15;
	s0 =	simm.s32 $0x4600  }
0x137: {  	[tilespmem:s0], [sflag:$0x1] =	stream.linear.gather [hbm4b:s15+s3], $0x400, $0x38;
	[tilespmem:$0x1A200] =	vst v63  }
0x138: {  	s15 =	spop (v2sf);
	s0 =	simm.s32 $0xA00  }
0x139: {  	(v2sf) =	vpush v48, $0x6;
	[tilespmem:s0], [sflag:$0x1] =	stream.linear.gather [hbm4b:s15+s3], $0x400, $0x38;
	[tilespmem:$0x1A200] =	vst v63  }
0x13a: {  	s15 =	sadd.s32 $0xF4280, s15;
	s0 =	simm.s32 $0x4A00  }
0x13b: {  	[tilespmem:s0], [sflag:$0x1] =	stream.linear.gather [hbm4b:s15+s3], $0x400, $0x38;
	[tilespmem:$0x1A200] =	vst v63  }
0x13c: {  	s15 =	spop (v2sf);
	s0 =	simm.s32 $0xE00  }
0x13d: {  	(v2sf) =	vpush v48, $0x7;
	[tilespmem:s0], [sflag:$0x1] =	stream.linear.gather [hbm4b:s15+s3], $0x400, $0x38;
	[tilespmem:$0x1A200] =	vst v63  }
0x13e: {  	s15 =	sadd.s32 $0xF4280, s15;
	s0 =	simm.s32 $0x4E00  }
0x13f: {  	[tilespmem:s0], [sflag:$0x1] =	stream.linear.gather [hbm4b:s15+s3], $0x400, $0x38;
	[tilespmem:$0x1A200] =	vst v63  }
0x140: {  	s15 =	spop (v2sf);
	s0 =	simm.s32 $0x1200  }
0x141: {  	(v2sf) =	vpush v48, $0x8;
	[tilespmem:s0], [sflag:$0x1] =	stream.linear.gather [hbm4b:s15+s3], $0x400, $0x38;
	[tilespmem:$0x1A200] =	vst v63  }
0x142: {  	s15 =	sadd.s32 $0xF4280, s15;
	s0 =	simm.s32 $0x5200  }
0x143: {  	[tilespmem:s0], [sflag:$0x1] =	stream.linear.gather [hbm4b:s15+s3], $0x400, $0x38;
	[tilespmem:$0x1A200] =	vst v63  }
0x144: {  	s15 =	spop (v2sf);
	s0 =	simm.s32 $0x1600  }
0x145: {  	(v2sf) =	vpush v48, $0x9;
	[tilespmem:s0], [sflag:$0x1] =	stream.linear.gather [hbm4b:s15+s3], $0x400, $0x38;
	[tilespmem:$0x1A200] =	vst v63  }
0x146: {  	s15 =	sadd.s32 $0xF4280, s15;
	s0 =	simm.s32 $0x5600  }
0x147: {  	[tilespmem:s0], [sflag:$0x1] =	stream.linear.gather [hbm4b:s15+s3], $0x400, $0x38;
	[tilespmem:$0x1A200] =	vst v63  }
0x148: {  	s15 =	spop (v2sf);
	s0 =	simm.s32 $0x1A00  }
0x149: {  	(v2sf) =	vpush v48, $0xA;
	[tilespmem:s0], [sflag:$0x1] =	stream.linear.gather [hbm4b:s15+s3], $0x400, $0x38;
	[tilespmem:$0x1A200] =	vst v63  }
0x14a: {  	s15 =	sadd.s32 $0xF4280, s15;
	s0 =	simm.s32 $0x5A00  }
0x14b: {  	[tilespmem:s0], [sflag:$0x1] =	stream.linear.gather [hbm4b:s15+s3], $0x400, $0x38;
	[tilespmem:$0x1A200] =	vst v63  }
0x14c: {  	s15 =	spop (v2sf);
	s0 =	simm.s32 $0x1E00  }
0x14d: {  	(v2sf) =	vpush v48, $0xB;
	[tilespmem:s0], [sflag:$0x1] =	stream.linear.gather [hbm4b:s15+s3], $0x400, $0x38;
	[tilespmem:$0x1A200] =	vst v63  }
0x14e: {  	s15 =	sadd.s32 $0xF4280, s15;
	s0 =	simm.s32 $0x5E00  }
0x14f: {  	[tilespmem:s0], [sflag:$0x1] =	stream.linear.gather [hbm4b:s15+s3], $0x400, $0x38;
	[tilespmem:$0x1A200] =	vst v63  }
0x150: {  	s15 =	spop (v2sf);
	s0 =	simm.s32 $0x2200  }
0x151: {  	(v2sf) =	vpush v48, $0xC;
	[tilespmem:s0], [sflag:$0x1] =	stream.linear.gather [hbm4b:s15+s3], $0x400, $0x38;
	[tilespmem:$0x1A200] =	vst v63  }
0x152: {  	s15 =	sadd.s32 $0xF4280, s15;
	s0 =	simm.s32 $0x6200  }
0x153: {  	[tilespmem:s0], [sflag:$0x1] =	stream.linear.gather [hbm4b:s15+s3], $0x400, $0x38;
	[tilespmem:$0x1A200] =	vst v63  }
0x154: {  	s15 =	spop (v2sf);
	s0 =	simm.s32 $0x2600  }
0x155: {  	(v2sf) =	vpush v48, $0xD;
	[tilespmem:s0], [sflag:$0x1] =	stream.linear.gather [hbm4b:s15+s3], $0x400, $0x38;
	[tilespmem:$0x1A200] =	vst v63  }
0x156: {  	s15 =	sadd.s32 $0xF4280, s15;
	s0 =	simm.s32 $0x6600  }
0x157: {  	[tilespmem:s0], [sflag:$0x1] =	stream.linear.gather [hbm4b:s15+s3], $0x400, $0x38;
	[tilespmem:$0x1A200] =	vst v63  }
0x158: {  	s15 =	spop (v2sf);
	s0 =	simm.s32 $0x2A00  }
0x159: {  	(v2sf) =	vpush v48, $0xE;
	[tilespmem:s0], [sflag:$0x1] =	stream.linear.gather [hbm4b:s15+s3], $0x400, $0x38;
	[tilespmem:$0x1A200] =	vst v63  }
0x15a: {  	s15 =	sadd.s32 $0xF4280, s15;
	s0 =	simm.s32 $0x6A00  }
0x15b: {  	[tilespmem:s0], [sflag:$0x1] =	stream.linear.gather [hbm4b:s15+s3], $0x400, $0x38;
	[tilespmem:$0x1A200] =	vst v63  }
0x15c: {  	s15 =	spop (v2sf);
	s0 =	simm.s32 $0x2E00  }
0x15d: {  	(v2sf) =	vpush v48, $0xF;
	[tilespmem:s0], [sflag:$0x1] =	stream.linear.gather [hbm4b:s15+s3], $0x400, $0x38;
	[tilespmem:$0x1A200] =	vst v63  }
0x15e: {  	s15 =	sadd.s32 $0xF4280, s15;
	s0 =	simm.s32 $0x6E00  }
0x15f: {  	[tilespmem:s0], [sflag:$0x1] =	stream.linear.gather [hbm4b:s15+s3], $0x400, $0x38;
	[tilespmem:$0x1A200] =	vst v63  }
0x160: {  	s15 =	spop (v2sf);
	s0 =	simm.s32 $0x3200  }
0x161: {  	[tilespmem:s0], [sflag:$0x1] =	stream.linear.gather [hbm4b:s15+s3], $0x400, $0x38;
	[tilespmem:$0x1A200] =	vst v63  }
0x162: {  	s15 =	sadd.s32 $0xF4280, s15;
	s0 =	simm.s32 $0x7200  }
0x163: {  	[tilespmem:s0], [sflag:$0x1] =	stream.linear.gather [hbm4b:s15+s3], $0x400, $0x38;
	[tilespmem:$0x1A200] =	vst v63  }
0x164: {  	s15 =	spop (v2sf);
	s0 =	simm.s32 $0x3600  }
0x165: {  	[tilespmem:s0], [sflag:$0x1] =	stream.linear.gather [hbm4b:s15+s3], $0x400, $0x38;
	[tilespmem:$0x1A200] =	vst v63  }
0x166: {  	s15 =	sadd.s32 $0xF4280, s15;
	s0 =	simm.s32 $0x7600  }
0x167: {  	[tilespmem:s0], [sflag:$0x1] =	stream.linear.gather [hbm4b:s15+s3], $0x400, $0x38;
	[tilespmem:$0x1A200] =	vst v63  }
0x168: {  	s15 =	spop (v2sf);
	s0 =	simm.s32 $0x3A00  }
0x169: {  	[tilespmem:s0], [sflag:$0x1] =	stream.linear.gather [hbm4b:s15+s3], $0x400, $0x38;
	[tilespmem:$0x1A200] =	vst v63  }
0x16a: {  	s15 =	sadd.s32 $0xF4280, s15;
	s0 =	simm.s32 $0x7A00  }
0x16b: {  	[tilespmem:s0], [sflag:$0x1] =	stream.linear.gather [hbm4b:s15+s3], $0x400, $0x38;
	[tilespmem:$0x1A200] =	vst v63  }
0x16c: {  	s15 =	spop (v2sf);
	s0 =	simm.s32 $0x3E00  }
0x16d: {  	[tilespmem:s0], [sflag:$0x1] =	stream.linear.gather [hbm4b:s15+s3], $0x400, $0x38;
	[tilespmem:$0x1A200] =	vst v63  }
0x16e: {  	s15 =	sadd.s32 $0xF4280, s15;
	s0 =	simm.s32 $0x7E00  }
0x16f: {  	[tilespmem:s0], [sflag:$0x1] =	stream.linear.gather [hbm4b:s15+s3], $0x400, $0x38;
	[tilespmem:$0x1A200] =	vst v63  }
0x170: {  	_ =	swait.ge [sflag:s11], $0x8000  }
0x171: {  	[sflag:s11] =	ssyncset.done $0x0  }
0x172: {  	[sflag:s11] =	ssyncadd.s32 $0xFFFF8000  }
0x173: {  	v56 =	vld [tilespmem:s12+$0xFFFFFFE0];
	_ =	sdelay $0x4  }
0x174: {  	v48 =	vand.u32 $0x7F, v56  }
0x175: {  	v57 =	vor.u32 v16, v48;
	_ =	sdelay $0x4  }
0x176: {  	v49 =	vld.idx.msk [tilespmem:v57+s10+$0x0], $0xffff  }
0x177: {  	v58 =	vor.u32 v17, v48  }
0x178: {  	s29 =	sadd.s32 $0x80, s14;
	s22 =	sadd.s32 $0x10, s18  }
0x179: {  	s15 =	sand.u32 $0x70, s22;
	s0 =	sand.u32 $0x3C00, s29  }
0x17a: {  	s15 =	sor.u32 s15, s0  }
0x17b: {  	[tilespmem:s15+$0x18200] =	vst v49  }
0x17c: {  	v49 =	vld.idx.msk [tilespmem:v58+s10+$0x0], $0xffff  }
0x17d: {  	v59 =	vor.u32 v18, v48;
	_ =	sdelay $0x3  }
0x17e: {  	[tilespmem:s15+$0x18280] =	vst v49  }
0x17f: {  	v49 =	vld.idx.msk [tilespmem:v59+s10+$0x0], $0xffff  }
0x180: {  	v60 =	vor.u32 v19, v48;
	_ =	sdelay $0x3  }
0x181: {  	[tilespmem:s15+$0x18300] =	vst v49  }
0x182: {  	v49 =	vld.idx.msk [tilespmem:v60+s10+$0x0], $0xffff  }
0x183: {  	v61 =	vor.u32 v20, v48;
	_ =	sdelay $0x3  }
0x184: {  	[tilespmem:s15+$0x18380] =	vst v49  }
0x185: {  	v49 =	vld.idx.msk [tilespmem:v61+s10+$0x0], $0xffff  }
0x186: {  	v62 =	vor.u32 v21, v48;
	_ =	sdelay $0x3  }
0x187: {  	[tilespmem:s15+$0x18400] =	vst v49  }
0x188: {  	v49 =	vld.idx.msk [tilespmem:v62+s10+$0x0], $0xffff  }
0x189: {  	v63 =	vor.u32 v22, v48;
	_ =	sdelay $0x3  }
0x18a: {  	[tilespmem:s15+$0x18480] =	vst v49  }
0x18b: {  	v49 =	vld.idx.msk [tilespmem:v63+s10+$0x0], $0xffff  }
0x18c: {  	v52 =	vor.u32 v23, v48;
	_ =	sdelay $0x3  }
0x18d: {  	[tilespmem:s15+$0x18500] =	vst v49  }
0x18e: {  	v49 =	vld.idx.msk [tilespmem:v52+s10+$0x0], $0xffff  }
0x18f: {  	s0 =	sand.u32 $0x7, s21;
	v53 =	vor.u32 v24, v48  }
0x190: {  	s22 =	sshll.u32 s0, $0x4  }
0x191: {  	s22 =	sadd.s32 s22, s29  }
0x192: {  	s22 =	sor.u32 $0x380, s22  }
0x193: {  	[tilespmem:s22+$0x18200] =	vst v49  }
0x194: {  	v49 =	vld.idx.msk [tilespmem:v53+s10+$0x0], $0xffff  }
0x195: {  	v54 =	vor.u32 v25, v48;
	_ =	sdelay $0x3  }
0x196: {  	[tilespmem:s15+$0x19200] =	vst v49  }
0x197: {  	v49 =	vld.idx.msk [tilespmem:v54+s10+$0x0], $0xffff  }
0x198: {  	v55 =	vor.u32 v26, v48;
	_ =	sdelay $0x3  }
0x199: {  	[tilespmem:s15+$0x19280] =	vst v49  }
0x19a: {  	v49 =	vld.idx.msk [tilespmem:v55+s10+$0x0], $0xffff  }
0x19b: {  	v56 =	vor.u32 v27, v48;
	_ =	sdelay $0x3  }
0x19c: {  	[tilespmem:s15+$0x19300] =	vst v49  }
0x19d: {  	v49 =	vld.idx.msk [tilespmem:v56+s10+$0x0], $0xffff  }
0x19e: {  	v57 =	vor.u32 v28, v48;
	_ =	sdelay $0x3  }
0x19f: {  	[tilespmem:s15+$0x19380] =	vst v49  }
0x1a0: {  	v49 =	vld.idx.msk [tilespmem:v57+s10+$0x0], $0xffff  }
0x1a1: {  	v58 =	vor.u32 v29, v48;
	_ =	sdelay $0x3  }
0x1a2: {  	[tilespmem:s15+$0x19400] =	vst v49  }
0x1a3: {  	v49 =	vld.idx.msk [tilespmem:v58+s10+$0x0], $0xffff  }
0x1a4: {  	v59 =	vor.u32 v30, v48;
	_ =	sdelay $0x3  }
0x1a5: {  	[tilespmem:s15+$0x19480] =	vst v49  }
0x1a6: {  	v49 =	vld.idx.msk [tilespmem:v59+s10+$0x0], $0xffff  }
0x1a7: {  	v48 =	vor.u32 v31, v48;
	_ =	sdelay $0x3  }
0x1a8: {  	[tilespmem:s15+$0x19500] =	vst v49  }
0x1a9: {  	v48 =	vld.idx.msk [tilespmem:v48+s10+$0x0], $0xffff;
	_ =	sdelay $0x4  }
0x1aa: {  	[tilespmem:s15+$0x19580] =	vst v48  }
0x1ab: {  	v48 =	vld [tilespmem:s12+$0x10];
	_ =	sdelay $0x4  }
0x1ac: {  	v48 =	vand.u32 $0xFFFFFF80, v48  }
0x1ad: {  	v48 =	vadd.s32 s1, v48  }
0x1ae: {  	(v2sf) =	vpush v48, $0x0;
	_ =	sdelay $0x3  }
0x1af: {  	(v2sf) =	vpush v48, $0x1;
	_ =	sdelay $0x3  }
0x1b0: {  	(v2sf) =	vpush v48, $0x2;
	_ =	sdelay $0x3  }
0x1b1: {  	(v2sf) =	vpush v48, $0x3;
	_ =	sdelay $0x2  }
0x1b2: {  	s0 =	simm.s32 $0x8200;
	s15 =	spop (v2sf)  }
0x1b3: {  	(v2sf) =	vpush v48, $0x4;
	[tilespmem:s0], [sflag:$0x2] =	stream.linear.gather [hbm4b:s15+s3], $0x400, $0x38;
	[tilespmem:$0x1A200] =	vst v63  }
0x1b4: {  	s15 =	sadd.s32 $0xF4280, s15;
	s0 =	simm.s32 $0xC200  }
0x1b5: {  	[tilespmem:s0], [sflag:$0x2] =	stream.linear.gather [hbm4b:s15+s3], $0x400, $0x38;
	[tilespmem:$0x1A200] =	vst v63  }
0x1b6: {  	s15 =	spop (v2sf);
	s0 =	simm.s32 $0x8600  }
0x1b7: {  	(v2sf) =	vpush v48, $0x5;
	[tilespmem:s0], [sflag:$0x2] =	stream.linear.gather [hbm4b:s15+s3], $0x400, $0x38;
	[tilespmem:$0x1A200] =	vst v63  }
0x1b8: {  	s15 =	sadd.s32 $0xF4280, s15;
	s0 =	simm.s32 $0xC600  }
0x1b9: {  	[tilespmem:s0], [sflag:$0x2] =	stream.linear.gather [hbm4b:s15+s3], $0x400, $0x38;
	[tilespmem:$0x1A200] =	vst v63  }
0x1ba: {  	s15 =	spop (v2sf);
	s0 =	simm.s32 $0x8A00  }
0x1bb: {  	(v2sf) =	vpush v48, $0x6;
	[tilespmem:s0], [sflag:$0x2] =	stream.linear.gather [hbm4b:s15+s3], $0x400, $0x38;
	[tilespmem:$0x1A200] =	vst v63  }
0x1bc: {  	s15 =	sadd.s32 $0xF4280, s15;
	s0 =	simm.s32 $0xCA00  }
0x1bd: {  	[tilespmem:s0], [sflag:$0x2] =	stream.linear.gather [hbm4b:s15+s3], $0x400, $0x38;
	[tilespmem:$0x1A200] =	vst v63  }
0x1be: {  	s15 =	spop (v2sf);
	s0 =	simm.s32 $0x8E00  }
0x1bf: {  	(v2sf) =	vpush v48, $0x7;
	[tilespmem:s0], [sflag:$0x2] =	stream.linear.gather [hbm4b:s15+s3], $0x400, $0x38;
	[tilespmem:$0x1A200] =	vst v63  }
0x1c0: {  	s15 =	sadd.s32 $0xF4280, s15;
	s0 =	simm.s32 $0xCE00  }
0x1c1: {  	[tilespmem:s0], [sflag:$0x2] =	stream.linear.gather [hbm4b:s15+s3], $0x400, $0x38;
	[tilespmem:$0x1A200] =	vst v63  }
0x1c2: {  	s15 =	spop (v2sf);
	s0 =	simm.s32 $0x9200  }
0x1c3: {  	(v2sf) =	vpush v48, $0x8;
	[tilespmem:s0], [sflag:$0x2] =	stream.linear.gather [hbm4b:s15+s3], $0x400, $0x38;
	[tilespmem:$0x1A200] =	vst v63  }
0x1c4: {  	s15 =	sadd.s32 $0xF4280, s15;
	s0 =	simm.s32 $0xD200  }
0x1c5: {  	[tilespmem:s0], [sflag:$0x2] =	stream.linear.gather [hbm4b:s15+s3], $0x400, $0x38;
	[tilespmem:$0x1A200] =	vst v63  }
0x1c6: {  	s15 =	spop (v2sf);
	s0 =	simm.s32 $0x9600  }
0x1c7: {  	(v2sf) =	vpush v48, $0x9;
	[tilespmem:s0], [sflag:$0x2] =	stream.linear.gather [hbm4b:s15+s3], $0x400, $0x38;
	[tilespmem:$0x1A200] =	vst v63  }
0x1c8: {  	s15 =	sadd.s32 $0xF4280, s15;
	s0 =	simm.s32 $0xD600  }
0x1c9: {  	[tilespmem:s0], [sflag:$0x2] =	stream.linear.gather [hbm4b:s15+s3], $0x400, $0x38;
	[tilespmem:$0x1A200] =	vst v63  }
0x1ca: {  	s15 =	spop (v2sf);
	s0 =	simm.s32 $0x9A00  }
0x1cb: {  	(v2sf) =	vpush v48, $0xA;
	[tilespmem:s0], [sflag:$0x2] =	stream.linear.gather [hbm4b:s15+s3], $0x400, $0x38;
	[tilespmem:$0x1A200] =	vst v63  }
0x1cc: {  	s15 =	sadd.s32 $0xF4280, s15;
	s0 =	simm.s32 $0xDA00  }
0x1cd: {  	[tilespmem:s0], [sflag:$0x2] =	stream.linear.gather [hbm4b:s15+s3], $0x400, $0x38;
	[tilespmem:$0x1A200] =	vst v63  }
0x1ce: {  	s15 =	spop (v2sf);
	s0 =	simm.s32 $0x9E00  }
0x1cf: {  	(v2sf) =	vpush v48, $0xB;
	[tilespmem:s0], [sflag:$0x2] =	stream.linear.gather [hbm4b:s15+s3], $0x400, $0x38;
	[tilespmem:$0x1A200] =	vst v63  }
0x1d0: {  	s15 =	sadd.s32 $0xF4280, s15;
	s0 =	simm.s32 $0xDE00  }
0x1d1: {  	[tilespmem:s0], [sflag:$0x2] =	stream.linear.gather [hbm4b:s15+s3], $0x400, $0x38;
	[tilespmem:$0x1A200] =	vst v63  }
0x1d2: {  	s15 =	spop (v2sf);
	s0 =	simm.s32 $0xA200  }
0x1d3: {  	(v2sf) =	vpush v48, $0xC;
	[tilespmem:s0], [sflag:$0x2] =	stream.linear.gather [hbm4b:s15+s3], $0x400, $0x38;
	[tilespmem:$0x1A200] =	vst v63  }
0x1d4: {  	s15 =	sadd.s32 $0xF4280, s15;
	s0 =	simm.s32 $0xE200  }
0x1d5: {  	[tilespmem:s0], [sflag:$0x2] =	stream.linear.gather [hbm4b:s15+s3], $0x400, $0x38;
	[tilespmem:$0x1A200] =	vst v63  }
0x1d6: {  	s15 =	spop (v2sf);
	s0 =	simm.s32 $0xA600  }
0x1d7: {  	(v2sf) =	vpush v48, $0xD;
	[tilespmem:s0], [sflag:$0x2] =	stream.linear.gather [hbm4b:s15+s3], $0x400, $0x38;
	[tilespmem:$0x1A200] =	vst v63  }
0x1d8: {  	s15 =	sadd.s32 $0xF4280, s15;
	s0 =	simm.s32 $0xE600  }
0x1d9: {  	[tilespmem:s0], [sflag:$0x2] =	stream.linear.gather [hbm4b:s15+s3], $0x400, $0x38;
	[tilespmem:$0x1A200] =	vst v63  }
0x1da: {  	s15 =	spop (v2sf);
	s0 =	simm.s32 $0xAA00  }
0x1db: {  	(v2sf) =	vpush v48, $0xE;
	[tilespmem:s0], [sflag:$0x2] =	stream.linear.gather [hbm4b:s15+s3], $0x400, $0x38;
	[tilespmem:$0x1A200] =	vst v63  }
0x1dc: {  	s15 =	sadd.s32 $0xF4280, s15;
	s0 =	simm.s32 $0xEA00  }
0x1dd: {  	[tilespmem:s0], [sflag:$0x2] =	stream.linear.gather [hbm4b:s15+s3], $0x400, $0x38;
	[tilespmem:$0x1A200] =	vst v63  }
0x1de: {  	s15 =	spop (v2sf);
	s0 =	simm.s32 $0xAE00  }
0x1df: {  	(v2sf) =	vpush v48, $0xF;
	[tilespmem:s0], [sflag:$0x2] =	stream.linear.gather [hbm4b:s15+s3], $0x400, $0x38;
	[tilespmem:$0x1A200] =	vst v63  }
0x1e0: {  	s15 =	sadd.s32 $0xF4280, s15;
	s0 =	simm.s32 $0xEE00  }
0x1e1: {  	[tilespmem:s0], [sflag:$0x2] =	stream.linear.gather [hbm4b:s15+s3], $0x400, $0x38;
	[tilespmem:$0x1A200] =	vst v63  }
0x1e2: {  	s15 =	spop (v2sf);
	s0 =	simm.s32 $0xB200  }
0x1e3: {  	[tilespmem:s0], [sflag:$0x2] =	stream.linear.gather [hbm4b:s15+s3], $0x400, $0x38;
	[tilespmem:$0x1A200] =	vst v63  }
0x1e4: {  	s15 =	sadd.s32 $0xF4280, s15;
	s0 =	simm.s32 $0xF200  }
0x1e5: {  	[tilespmem:s0], [sflag:$0x2] =	stream.linear.gather [hbm4b:s15+s3], $0x400, $0x38;
	[tilespmem:$0x1A200] =	vst v63  }
0x1e6: {  	s15 =	spop (v2sf);
	s0 =	simm.s32 $0xB600  }
0x1e7: {  	[tilespmem:s0], [sflag:$0x2] =	stream.linear.gather [hbm4b:s15+s3], $0x400, $0x38;
	[tilespmem:$0x1A200] =	vst v63  }
0x1e8: {  	s15 =	sadd.s32 $0xF4280, s15;
	s0 =	simm.s32 $0xF600  }
0x1e9: {  	[tilespmem:s0], [sflag:$0x2] =	stream.linear.gather [hbm4b:s15+s3], $0x400, $0x38;
	[tilespmem:$0x1A200] =	vst v63  }
0x1ea: {  	s15 =	spop (v2sf);
	s0 =	simm.s32 $0xBA00  }
0x1eb: {  	[tilespmem:s0], [sflag:$0x2] =	stream.linear.gather [hbm4b:s15+s3], $0x400, $0x38;
	[tilespmem:$0x1A200] =	vst v63  }
0x1ec: {  	s15 =	sadd.s32 $0xF4280, s15;
	s0 =	simm.s32 $0xFA00  }
0x1ed: {  	[tilespmem:s0], [sflag:$0x2] =	stream.linear.gather [hbm4b:s15+s3], $0x400, $0x38;
	[tilespmem:$0x1A200] =	vst v63  }
0x1ee: {  	s15 =	spop (v2sf);
	s0 =	simm.s32 $0xBE00  }
0x1ef: {  	[tilespmem:s0], [sflag:$0x2] =	stream.linear.gather [hbm4b:s15+s3], $0x400, $0x38;
	[tilespmem:$0x1A200] =	vst v63  }
0x1f0: {  	s15 =	sadd.s32 $0xF4280, s15;
	s0 =	simm.s32 $0xFE00  }
0x1f1: {  	[tilespmem:s0], [sflag:$0x2] =	stream.linear.gather [hbm4b:s15+s3], $0x400, $0x38;
	[tilespmem:$0x1A200] =	vst v63  }
0x1f2: {  	_ =	swait.ge [sflag:s28], $0x8000  }
0x1f3: {  	[sflag:s28] =	ssyncset.done $0x0  }
0x1f4: {  	[sflag:s28] =	ssyncadd.s32 $0xFFFF8000  }
0x1f5: {  	v60 =	vld [tilespmem:s12+$0xFFFFFFF0];
	_ =	sdelay $0x4  }
0x1f6: {  	v48 =	vand.u32 $0x7F, v60  }
0x1f7: {  	v61 =	vor.u32 v32, v48;
	_ =	sdelay $0x4  }
0x1f8: {  	v49 =	vld.idx.msk [tilespmem:v61+s10+$0x0], $0xffff  }
0x1f9: {  	v62 =	vor.u32 v33, v48  }
0x1fa: {  	s22 =	sadd.s32 $0x20, s18;
	s0 =	sadd.s32 $0x100, s14  }
0x1fb: {  	s15 =	sand.u32 $0x70, s22;
	s29 =	sand.u32 $0x3C00, s0  }
0x1fc: {  	s15 =	sor.u32 s15, s29  }
0x1fd: {  	[tilespmem:s15+$0x18200] =	vst v49  }
0x1fe: {  	v49 =	vld.idx.msk [tilespmem:v62+s10+$0x0], $0xffff  }
0x1ff: {  	v63 =	vor.u32 v34, v48;
	_ =	sdelay $0x3  }
0x200: {  	[tilespmem:s15+$0x18280] =	vst v49  }
0x201: {  	v49 =	vld.idx.msk [tilespmem:v63+s10+$0x0], $0xffff  }
0x202: {  	v52 =	vor.u32 v35, v48;
	_ =	sdelay $0x3  }
0x203: {  	[tilespmem:s15+$0x18300] =	vst v49  }
0x204: {  	v49 =	vld.idx.msk [tilespmem:v52+s10+$0x0], $0xffff  }
0x205: {  	v53 =	vor.u32 v36, v48;
	_ =	sdelay $0x3  }
0x206: {  	[tilespmem:s15+$0x18380] =	vst v49  }
0x207: {  	v49 =	vld.idx.msk [tilespmem:v53+s10+$0x0], $0xffff  }
0x208: {  	v54 =	vor.u32 v37, v48;
	_ =	sdelay $0x3  }
0x209: {  	[tilespmem:s15+$0x18400] =	vst v49  }
0x20a: {  	v49 =	vld.idx.msk [tilespmem:v54+s10+$0x0], $0xffff  }
0x20b: {  	v55 =	vor.u32 v38, v48;
	_ =	sdelay $0x3  }
0x20c: {  	[tilespmem:s15+$0x18480] =	vst v49  }
0x20d: {  	v49 =	vld.idx.msk [tilespmem:v55+s10+$0x0], $0xffff  }
0x20e: {  	v56 =	vor.u32 v39, v48;
	_ =	sdelay $0x3  }
0x20f: {  	[tilespmem:s15+$0x18500] =	vst v49  }
0x210: {  	v49 =	vld.idx.msk [tilespmem:v56+s10+$0x0], $0xffff  }
0x211: {  	s29 =	sand.u32 $0x7, s13;
	v57 =	vor.u32 v40, v48  }
0x212: {  	s29 =	sshll.u32 s29, $0x4  }
0x213: {  	s22 =	sadd.s32 s29, s0  }
0x214: {  	s22 =	sor.u32 $0x380, s22  }
0x215: {  	[tilespmem:s22+$0x18200] =	vst v49  }
0x216: {  	v49 =	vld.idx.msk [tilespmem:v57+s10+$0x0], $0xffff  }
0x217: {  	v58 =	vor.u32 v41, v48;
	_ =	sdelay $0x3  }
0x218: {  	[tilespmem:s15+$0x19200] =	vst v49  }
0x219: {  	v49 =	vld.idx.msk [tilespmem:v58+s10+$0x0], $0xffff  }
0x21a: {  	v59 =	vor.u32 v42, v48;
	_ =	sdelay $0x3  }
0x21b: {  	[tilespmem:s15+$0x19280] =	vst v49  }
0x21c: {  	v49 =	vld.idx.msk [tilespmem:v59+s10+$0x0], $0xffff  }
0x21d: {  	v60 =	vor.u32 v43, v48;
	_ =	sdelay $0x3  }
0x21e: {  	[tilespmem:s15+$0x19300] =	vst v49  }
0x21f: {  	v49 =	vld.idx.msk [tilespmem:v60+s10+$0x0], $0xffff  }
0x220: {  	v61 =	vor.u32 v44, v48;
	_ =	sdelay $0x3  }
0x221: {  	[tilespmem:s15+$0x19380] =	vst v49  }
0x222: {  	v49 =	vld.idx.msk [tilespmem:v61+s10+$0x0], $0xffff  }
0x223: {  	v62 =	vor.u32 v45, v48;
	_ =	sdelay $0x3  }
0x224: {  	[tilespmem:s15+$0x19400] =	vst v49  }
0x225: {  	v49 =	vld.idx.msk [tilespmem:v62+s10+$0x0], $0xffff  }
0x226: {  	v63 =	vor.u32 v46, v48;
	_ =	sdelay $0x3  }
0x227: {  	[tilespmem:s15+$0x19480] =	vst v49  }
0x228: {  	v49 =	vld.idx.msk [tilespmem:v63+s10+$0x0], $0xffff  }
0x229: {  	v48 =	vor.u32 v47, v48;
	_ =	sdelay $0x3  }
0x22a: {  	[tilespmem:s15+$0x19500] =	vst v49  }
0x22b: {  	v48 =	vld.idx.msk [tilespmem:v48+s10+$0x0], $0xffff;
	_ =	sdelay $0x4  }
0x22c: {  	[tilespmem:s15+$0x19580] =	vst v48  }
0x22d: {  	v48 =	vld [tilespmem:s12+$0x20];
	_ =	sdelay $0x4  }
0x22e: {  	v48 =	vand.u32 $0xFFFFFF80, v48  }
0x22f: {  	v48 =	vadd.s32 s1, v48  }
0x230: {  	(v2sf) =	vpush v48, $0x0;
	_ =	sdelay $0x3  }
0x231: {  	(v2sf) =	vpush v48, $0x1;
	_ =	sdelay $0x3  }
0x232: {  	(v2sf) =	vpush v48, $0x2;
	_ =	sdelay $0x3  }
0x233: {  	(v2sf) =	vpush v48, $0x3;
	_ =	sdelay $0x2  }
0x234: {  	s22 =	simm.s32 $0x10200;
	s0 =	spop (v2sf)  }
0x235: {  	(v2sf) =	vpush v48, $0x4;
	[tilespmem:s22], [sflag:$0x3] =	stream.linear.gather [hbm4b:s0+s3], $0x400, $0x38;
	[tilespmem:$0x1A200] =	vst v63  }
0x236: {  	s29 =	simm.s32 $0x14200;
	s15 =	sadd.s32 $0xF4280, s0  }
0x237: {  	[tilespmem:s29], [sflag:$0x3] =	stream.linear.gather [hbm4b:s15+s3], $0x400, $0x38;
	[tilespmem:$0x1A200] =	vst v63  }
0x238: {  	s0 =	simm.s32 $0x10600;
	s15 =	spop (v2sf)  }
0x239: {  	(v2sf) =	vpush v48, $0x5;
	[tilespmem:s0], [sflag:$0x3] =	stream.linear.gather [hbm4b:s15+s3], $0x400, $0x38;
	[tilespmem:$0x1A200] =	vst v63  }
0x23a: {  	s15 =	sadd.s32 $0xF4280, s15;
	s0 =	simm.s32 $0x14600  }
0x23b: {  	[tilespmem:s0], [sflag:$0x3] =	stream.linear.gather [hbm4b:s15+s3], $0x400, $0x38;
	[tilespmem:$0x1A200] =	vst v63  }
0x23c: {  	s15 =	spop (v2sf);
	s0 =	simm.s32 $0x10A00  }
0x23d: {  	(v2sf) =	vpush v48, $0x6;
	[tilespmem:s0], [sflag:$0x3] =	stream.linear.gather [hbm4b:s15+s3], $0x400, $0x38;
	[tilespmem:$0x1A200] =	vst v63  }
0x23e: {  	s15 =	sadd.s32 $0xF4280, s15;
	s0 =	simm.s32 $0x14A00  }
0x23f: {  	[tilespmem:s0], [sflag:$0x3] =	stream.linear.gather [hbm4b:s15+s3], $0x400, $0x38;
	[tilespmem:$0x1A200] =	vst v63  }
0x240: {  	s15 =	spop (v2sf);
	s0 =	simm.s32 $0x10E00  }
0x241: {  	(v2sf) =	vpush v48, $0x7;
	[tilespmem:s0], [sflag:$0x3] =	stream.linear.gather [hbm4b:s15+s3], $0x400, $0x38;
	[tilespmem:$0x1A200] =	vst v63  }
0x242: {  	s15 =	sadd.s32 $0xF4280, s15;
	s0 =	simm.s32 $0x14E00  }
0x243: {  	[tilespmem:s0], [sflag:$0x3] =	stream.linear.gather [hbm4b:s15+s3], $0x400, $0x38;
	[tilespmem:$0x1A200] =	vst v63  }
0x244: {  	s15 =	spop (v2sf);
	s0 =	simm.s32 $0x11200  }
0x245: {  	(v2sf) =	vpush v48, $0x8;
	[tilespmem:s0], [sflag:$0x3] =	stream.linear.gather [hbm4b:s15+s3], $0x400, $0x38;
	[tilespmem:$0x1A200] =	vst v63  }
0x246: {  	s15 =	sadd.s32 $0xF4280, s15  }
0x247: {  	[tilespmem:s23], [sflag:$0x3] =	stream.linear.gather [hbm4b:s15+s3], $0x400, $0x38;
	[tilespmem:$0x1A200] =	vst v63  }
0x248: {  	s0 =	spop (v2sf)  }
0x249: {  	(v2sf) =	vpush v48, $0x9;
	[tilespmem:s7], [sflag:$0x3] =	stream.linear.gather [hbm4b:s0+s3], $0x400, $0x38;
	[tilespmem:$0x1A200] =	vst v63  }
0x24a: {  	s15 =	sadd.s32 $0xF4280, s0  }
0x24b: {  	[tilespmem:s20], [sflag:$0x3] =	stream.linear.gather [hbm4b:s15+s3], $0x400, $0x38;
	[tilespmem:$0x1A200] =	vst v63  }
0x24c: {  	s0 =	spop (v2sf)  }
0x24d: {  	(v2sf) =	vpush v48, $0xA;
	[tilespmem:s8], [sflag:$0x3] =	stream.linear.gather [hbm4b:s0+s3], $0x400, $0x38;
	[tilespmem:$0x1A200] =	vst v63  }
0x24e: {  	s15 =	sadd.s32 $0xF4280, s0  }
0x24f: {  	[tilespmem:s4], [sflag:$0x3] =	stream.linear.gather [hbm4b:s15+s3], $0x400, $0x38;
	[tilespmem:$0x1A200] =	vst v63  }
0x250: {  	s0 =	spop (v2sf)  }
0x251: {  	(v2sf) =	vpush v48, $0xB;
	[tilespmem:s5], [sflag:$0x3] =	stream.linear.gather [hbm4b:s0+s3], $0x400, $0x38;
	[tilespmem:$0x1A200] =	vst v63  }
0x252: {  	s15 =	sadd.s32 $0xF4280, s0  }
0x253: {  	[tilespmem:s24], [sflag:$0x3] =	stream.linear.gather [hbm4b:s15+s3], $0x400, $0x38;
	[tilespmem:$0x1A200] =	vst v63  }
0x254: {  	s0 =	spop (v2sf)  }
0x255: {  	(v2sf) =	vpush v48, $0xC;
	[tilespmem:s6], [sflag:$0x3] =	stream.linear.gather [hbm4b:s0+s3], $0x400, $0x38;
	[tilespmem:$0x1A200] =	vst v63  }
0x256: {  	s15 =	sadd.s32 $0xF4280, s0  }
0x257: {  	[tilespmem:s25], [sflag:$0x3] =	stream.linear.gather [hbm4b:s15+s3], $0x400, $0x38;
	[tilespmem:$0x1A200] =	vst v63  }
0x258: {  	s0 =	spop (v2sf)  }
0x259: {  	(v2sf) =	vpush v48, $0xD;
	[tilespmem:s9], [sflag:$0x3] =	stream.linear.gather [hbm4b:s0+s3], $0x400, $0x38;
	[tilespmem:$0x1A200] =	vst v63  }
0x25a: {  	s15 =	sadd.s32 $0xF4280, s0  }
0x25b: {  	[tilespmem:s17], [sflag:$0x3] =	stream.linear.gather [hbm4b:s15+s3], $0x400, $0x38;
	[tilespmem:$0x1A200] =	vst v63  }
0x25c: {  	s0 =	simm.s32 $0x12A00;
	s15 =	spop (v2sf)  }
0x25d: {  	(v2sf) =	vpush v48, $0xE;
	[tilespmem:s0], [sflag:$0x3] =	stream.linear.gather [hbm4b:s15+s3], $0x400, $0x38;
	[tilespmem:$0x1A200] =	vst v63  }
0x25e: {  	s15 =	sadd.s32 $0xF4280, s15;
	s0 =	simm.s32 $0x16A00  }
0x25f: {  	[tilespmem:s0], [sflag:$0x3] =	stream.linear.gather [hbm4b:s15+s3], $0x400, $0x38;
	[tilespmem:$0x1A200] =	vst v63  }
0x260: {  	s15 =	spop (v2sf);
	s0 =	simm.s32 $0x12E00  }
0x261: {  	[tilespmem:s0], [sflag:$0x3] =	stream.linear.gather [hbm4b:s15+s3], $0x400, $0x38;
	[tilespmem:$0x1A200] =	vst v63  }
0x262: {  	(v2sf) =	vpush v48, $0xF;
	s15 =	sadd.s32 $0xF4280, s15;
	s0 =	simm.s32 $0x16E00  }
0x263: {  	[tilespmem:s0], [sflag:$0x3] =	stream.linear.gather [hbm4b:s15+s3], $0x400, $0x38;
	[tilespmem:$0x1A200] =	vst v63  }
0x264: {  	s15 =	spop (v2sf);
	s0 =	simm.s32 $0x13200  }
0x265: {  	[tilespmem:s0], [sflag:$0x3] =	stream.linear.gather [hbm4b:s15+s3], $0x400, $0x38;
	[tilespmem:$0x1A200] =	vst v63  }
0x266: {  	s15 =	sadd.s32 $0xF4280, s15;
	s0 =	simm.s32 $0x17200  }
0x267: {  	[tilespmem:s0], [sflag:$0x3] =	stream.linear.gather [hbm4b:s15+s3], $0x400, $0x38;
	[tilespmem:$0x1A200] =	vst v63  }
0x268: {  	s15 =	spop (v2sf);
	s0 =	simm.s32 $0x13600  }
0x269: {  	[tilespmem:s0], [sflag:$0x3] =	stream.linear.gather [hbm4b:s15+s3], $0x400, $0x38;
	[tilespmem:$0x1A200] =	vst v63  }
0x26a: {  	s15 =	sadd.s32 $0xF4280, s15  }
0x26b: {  	[tilespmem:s16], [sflag:$0x3] =	stream.linear.gather [hbm4b:s15+s3], $0x400, $0x38;
	[tilespmem:$0x1A200] =	vst v63  }
0x26c: {  	s0 =	spop (v2sf)  }
0x26d: {  	[tilespmem:s31], [sflag:$0x3] =	stream.linear.gather [hbm4b:s0+s3], $0x400, $0x38;
	[tilespmem:$0x1A200] =	vst v63  }
0x26e: {  	p0 =	sne.s32 s14, $0xC00;
	s15 =	sadd.s32 $0xF4280, s0  }
0x26f: {  	[tilespmem:s30], [sflag:$0x3] =	stream.linear.gather [hbm4b:s15+s3], $0x400, $0x38;
	[tilespmem:$0x1A200] =	vst v63  }
.Ltmp0:
0x270: {  	s21 =	sadd.s32 $0x3, s21;
	(pc) =	sbr.rel @p0 .LBB2_2-.Ltmp0, $4  }
0x271: {  	s18 =	sadd.s32 $0x30, s18;
	s14 =	sadd.s32 $0x180, s14;
	s0 =	spop (v2sf)  }
0x272: {  	[tilespmem:s2], [sflag:$0x3] =	stream.linear.gather [hbm4b:s0+s3], $0x400, $0x38;
	[tilespmem:$0x1A200] =	vst v63  }
0x273: {  	s13 =	sadd.s32 $0x3, s13;
	s12 =	sadd.s32 $0x30, s12;
	s15 =	sadd.s32 $0xF4280, s0  }
0x274: {  	[tilespmem:s19], [sflag:$0x3] =	stream.linear.gather [hbm4b:s15+s3], $0x400, $0x38;
	[tilespmem:$0x1A200] =	vst v63  }
0x275: {  	_ =	swait.ge [sflag:s26], $0x8000  }
0x276: {  	[sflag:s26] =	ssyncset.done $0x0  }
0x277: {  	[sflag:s26] =	ssyncadd.s32 $0xFFFF8000  }
0x278: {  	v48 =	vld [tilespmem:$0x1B0];
	_ =	sdelay $0x4  }
0x279: {  	v48 =	vand.u32 $0x7F, v48  }
0x27a: {  	v49 =	vor.u32 v0, v48;
	_ =	sdelay $0x4  }
0x27b: {  	v49 =	vld.idx.msk [tilespmem:v49+s10+$0x0], $0xffff  }
0x27c: {  	v50 =	vor.u32 v1, v48;
	_ =	sdelay $0x3  }
0x27d: {  	[tilespmem:$0x18E30] =	vst v49  }
0x27e: {  	v49 =	vld.idx.msk [tilespmem:v50+s10+$0x0], $0xffff  }
0x27f: {  	v56 =	vor.u32 v2, v48;
	_ =	sdelay $0x3  }
0x280: {  	[tilespmem:$0x18EB0] =	vst v49  }
0x281: {  	v49 =	vld.idx.msk [tilespmem:v56+s10+$0x0], $0xffff  }
0x282: {  	v57 =	vor.u32 v3, v48;
	_ =	sdelay $0x3  }
0x283: {  	[tilespmem:$0x18F30] =	vst v49  }
0x284: {  	v49 =	vld.idx.msk [tilespmem:v57+s10+$0x0], $0xffff  }
0x285: {  	v58 =	vor.u32 v4, v48;
	_ =	sdelay $0x3  }
0x286: {  	[tilespmem:$0x18FB0] =	vst v49  }
0x287: {  	v49 =	vld.idx.msk [tilespmem:v58+s10+$0x0], $0xffff  }
0x288: {  	v59 =	vor.u32 v5, v48;
	_ =	sdelay $0x3  }
0x289: {  	[tilespmem:$0x19030] =	vst v49  }
0x28a: {  	v49 =	vld.idx.msk [tilespmem:v59+s10+$0x0], $0xffff  }
0x28b: {  	v60 =	vor.u32 v6, v48;
	_ =	sdelay $0x3  }
0x28c: {  	[tilespmem:$0x190B0] =	vst v49  }
0x28d: {  	v49 =	vld.idx.msk [tilespmem:v60+s10+$0x0], $0xffff  }
0x28e: {  	v61 =	vor.u32 v7, v48;
	_ =	sdelay $0x3  }
0x28f: {  	[tilespmem:$0x19130] =	vst v49  }
0x290: {  	v49 =	vld.idx.msk [tilespmem:v61+s10+$0x0], $0xffff  }
0x291: {  	v62 =	vor.u32 v8, v48;
	_ =	sdelay $0x3  }
0x292: {  	[tilespmem:$0x191B0] =	vst v49  }
0x293: {  	v49 =	vld.idx.msk [tilespmem:v62+s10+$0x0], $0xffff  }
0x294: {  	v63 =	vor.u32 v9, v48;
	_ =	sdelay $0x3  }
0x295: {  	[tilespmem:$0x19E30] =	vst v49  }
0x296: {  	v49 =	vld.idx.msk [tilespmem:v63+s10+$0x0], $0xffff  }
0x297: {  	v52 =	vor.u32 v10, v48;
	_ =	sdelay $0x3  }
0x298: {  	[tilespmem:$0x19EB0] =	vst v49  }
0x299: {  	v49 =	vld.idx.msk [tilespmem:v52+s10+$0x0], $0xffff  }
0x29a: {  	v53 =	vor.u32 v11, v48;
	_ =	sdelay $0x3  }
0x29b: {  	[tilespmem:$0x19F30] =	vst v49  }
0x29c: {  	v49 =	vld.idx.msk [tilespmem:v53+s10+$0x0], $0xffff  }
0x29d: {  	v54 =	vor.u32 v12, v48;
	_ =	sdelay $0x3  }
0x29e: {  	[tilespmem:$0x19FB0] =	vst v49  }
0x29f: {  	v49 =	vld.idx.msk [tilespmem:v54+s10+$0x0], $0xffff  }
0x2a0: {  	v51 =	vld [tilespmem:$0x1E0];
	v55 =	vor.u32 v13, v48;
	_ =	sdelay $0x3  }
0x2a1: {  	[tilespmem:$0x1A030] =	vst v49  }
0x2a2: {  	v56 =	vand.u32 $0xFFFFFF80, v51;
	v49 =	vld.idx.msk [tilespmem:v55+s10+$0x0], $0xffff  }
0x2a3: {  	v50 =	vadd.s32 s1, v56;
	v57 =	vor.u32 v14, v48  }
0x2a4: {  	(v2sf) =	vpush v50, $0x0;
	_ =	sdelay $0x2  }
0x2a5: {  	[tilespmem:$0x1A0B0] =	vst v49  }
0x2a6: {  	(v2sf) =	vpush v50, $0x1;
	v49 =	vld.idx.msk [tilespmem:v57+s10+$0x0], $0xffff  }
0x2a7: {  	v48 =	vor.u32 v15, v48;
	_ =	sdelay $0x2  }
0x2a8: {  	(v2sf) =	vpush v50, $0x2  }
0x2a9: {  	[tilespmem:$0x1A130] =	vst v49  }
0x2aa: {  	v48 =	vld.idx.msk [tilespmem:v48+s10+$0x0], $0xffff;
	_ =	sdelay $0x1  }
0x2ab: {  	(v2sf) =	vpush v50, $0x3;
	_ =	sdelay $0x2  }
0x2ac: {  	s12 =	spop (v2sf);
	[tilespmem:$0x1A1B0] =	vst v48  }
0x2ad: {  	(v2sf) =	vpush v50, $0x4;
	[tilespmem:s10], [sflag:$0x1] =	stream.linear.gather [hbm4b:s12+s3], $0x400, $0x38;
	[tilespmem:$0x1A200] =	vst v63  }
0x2ae: {  	s13 =	simm.s32 $0x4200;
	s12 =	sadd.s32 $0xF4280, s12  }
0x2af: {  	[tilespmem:s13], [sflag:$0x1] =	stream.linear.gather [hbm4b:s12+s3], $0x400, $0x38;
	[tilespmem:$0x1A200] =	vst v63  }
0x2b0: {  	s0 =	simm.s32 $0x600;
	s25 =	spop (v2sf)  }
0x2b1: {  	(v2sf) =	vpush v50, $0x5;
	[tilespmem:s0], [sflag:$0x1] =	stream.linear.gather [hbm4b:s25+s3], $0x400, $0x38;
	[tilespmem:$0x1A200] =	vst v63  }
0x2b2: {  	s2 =	simm.s32 $0x4600;
	s12 =	sadd.s32 $0xF4280, s25  }
0x2b3: {  	[tilespmem:s2], [sflag:$0x1] =	stream.linear.gather [hbm4b:s12+s3], $0x400, $0x38;
	[tilespmem:$0x1A200] =	vst v63  }
0x2b4: {  	s5 =	simm.s32 $0xA00;
	s4 =	spop (v2sf)  }
0x2b5: {  	(v2sf) =	vpush v50, $0x6;
	[tilespmem:s5], [sflag:$0x1] =	stream.linear.gather [hbm4b:s4+s3], $0x400, $0x38;
	[tilespmem:$0x1A200] =	vst v63  }
0x2b6: {  	s6 =	simm.s32 $0x4A00;
	s12 =	sadd.s32 $0xF4280, s4  }
0x2b7: {  	[tilespmem:s6], [sflag:$0x1] =	stream.linear.gather [hbm4b:s12+s3], $0x400, $0x38;
	[tilespmem:$0x1A200] =	vst v63  }
0x2b8: {  	s8 =	simm.s32 $0xE00;
	s7 =	spop (v2sf)  }
0x2b9: {  	(v2sf) =	vpush v50, $0x7;
	[tilespmem:s8], [sflag:$0x1] =	stream.linear.gather [hbm4b:s7+s3], $0x400, $0x38;
	[tilespmem:$0x1A200] =	vst v63  }
0x2ba: {  	s9 =	simm.s32 $0x4E00;
	s12 =	sadd.s32 $0xF4280, s7  }
0x2bb: {  	[tilespmem:s9], [sflag:$0x1] =	stream.linear.gather [hbm4b:s12+s3], $0x400, $0x38;
	[tilespmem:$0x1A200] =	vst v63  }
0x2bc: {  	s15 =	simm.s32 $0x1200;
	s14 =	spop (v2sf)  }
0x2bd: {  	(v2sf) =	vpush v50, $0x8;
	[tilespmem:s15], [sflag:$0x1] =	stream.linear.gather [hbm4b:s14+s3], $0x400, $0x38;
	[tilespmem:$0x1A200] =	vst v63  }
0x2be: {  	s16 =	simm.s32 $0x5200;
	s12 =	sadd.s32 $0xF4280, s14  }
0x2bf: {  	[tilespmem:s16], [sflag:$0x1] =	stream.linear.gather [hbm4b:s12+s3], $0x400, $0x38;
	[tilespmem:$0x1A200] =	vst v63  }
0x2c0: {  	s18 =	simm.s32 $0x1600;
	s17 =	spop (v2sf)  }
0x2c1: {  	(v2sf) =	vpush v50, $0x9;
	[tilespmem:s18], [sflag:$0x1] =	stream.linear.gather [hbm4b:s17+s3], $0x400, $0x38;
	[tilespmem:$0x1A200] =	vst v63  }
0x2c2: {  	s19 =	simm.s32 $0x5600;
	s12 =	sadd.s32 $0xF4280, s17  }
0x2c3: {  	[tilespmem:s19], [sflag:$0x1] =	stream.linear.gather [hbm4b:s12+s3], $0x400, $0x38;
	[tilespmem:$0x1A200] =	vst v63  }
0x2c4: {  	s21 =	simm.s32 $0x1A00;
	s20 =	spop (v2sf)  }
0x2c5: {  	(v2sf) =	vpush v50, $0xA;
	[tilespmem:s21], [sflag:$0x1] =	stream.linear.gather [hbm4b:s20+s3], $0x400, $0x38;
	[tilespmem:$0x1A200] =	vst v63  }
0x2c6: {  	s23 =	simm.s32 $0x5A00;
	s12 =	sadd.s32 $0xF4280, s20  }
0x2c7: {  	[tilespmem:s23], [sflag:$0x1] =	stream.linear.gather [hbm4b:s12+s3], $0x400, $0x38;
	[tilespmem:$0x1A200] =	vst v63  }
0x2c8: {  	s24 =	spop (v2sf);
	s25 =	simm.s32 $0x1E00  }
0x2c9: {  	(v2sf) =	vpush v50, $0xB;
	[tilespmem:s25], [sflag:$0x1] =	stream.linear.gather [hbm4b:s24+s3], $0x400, $0x38;
	[tilespmem:$0x1A200] =	vst v63  }
0x2ca: {  	s0 =	simm.s32 $0x5E00;
	s12 =	sadd.s32 $0xF4280, s24  }
0x2cb: {  	[tilespmem:s0], [sflag:$0x1] =	stream.linear.gather [hbm4b:s12+s3], $0x400, $0x38;
	[tilespmem:$0x1A200] =	vst v63  }
0x2cc: {  	s2 =	spop (v2sf);
	s4 =	simm.s32 $0x2200  }
0x2cd: {  	(v2sf) =	vpush v50, $0xC;
	[tilespmem:s4], [sflag:$0x1] =	stream.linear.gather [hbm4b:s2+s3], $0x400, $0x38;
	[tilespmem:$0x1A200] =	vst v63  }
0x2ce: {  	s5 =	simm.s32 $0x6200;
	s12 =	sadd.s32 $0xF4280, s2  }
0x2cf: {  	[tilespmem:s5], [sflag:$0x1] =	stream.linear.gather [hbm4b:s12+s3], $0x400, $0x38;
	[tilespmem:$0x1A200] =	vst v63  }
0x2d0: {  	s6 =	spop (v2sf);
	s7 =	simm.s32 $0x2600  }
0x2d1: {  	(v2sf) =	vpush v50, $0xD;
	[tilespmem:s7], [sflag:$0x1] =	stream.linear.gather [hbm4b:s6+s3], $0x400, $0x38;
	[tilespmem:$0x1A200] =	vst v63  }
0x2d2: {  	s8 =	simm.s32 $0x6600;
	s12 =	sadd.s32 $0xF4280, s6  }
0x2d3: {  	[tilespmem:s8], [sflag:$0x1] =	stream.linear.gather [hbm4b:s12+s3], $0x400, $0x38;
	[tilespmem:$0x1A200] =	vst v63  }
0x2d4: {  	s9 =	spop (v2sf);
	s14 =	simm.s32 $0x2A00  }
0x2d5: {  	(v2sf) =	vpush v50, $0xE;
	[tilespmem:s14], [sflag:$0x1] =	stream.linear.gather [hbm4b:s9+s3], $0x400, $0x38;
	[tilespmem:$0x1A200] =	vst v63  }
0x2d6: {  	s15 =	simm.s32 $0x6A00;
	s12 =	sadd.s32 $0xF4280, s9  }
0x2d7: {  	[tilespmem:s15], [sflag:$0x1] =	stream.linear.gather [hbm4b:s12+s3], $0x400, $0x38;
	[tilespmem:$0x1A200] =	vst v63  }
0x2d8: {  	s16 =	spop (v2sf);
	s17 =	simm.s32 $0x2E00  }
0x2d9: {  	(v2sf) =	vpush v50, $0xF;
	[tilespmem:s17], [sflag:$0x1] =	stream.linear.gather [hbm4b:s16+s3], $0x400, $0x38;
	[tilespmem:$0x1A200] =	vst v63  }
0x2da: {  	s18 =	simm.s32 $0x6E00;
	s12 =	sadd.s32 $0xF4280, s16  }
0x2db: {  	[tilespmem:s18], [sflag:$0x1] =	stream.linear.gather [hbm4b:s12+s3], $0x400, $0x38;
	[tilespmem:$0x1A200] =	vst v63  }
0x2dc: {  	s19 =	spop (v2sf);
	s20 =	simm.s32 $0x3200  }
0x2dd: {  	[tilespmem:s20], [sflag:$0x1] =	stream.linear.gather [hbm4b:s19+s3], $0x400, $0x38;
	[tilespmem:$0x1A200] =	vst v63  }
0x2de: {  	s21 =	simm.s32 $0x7200;
	s12 =	sadd.s32 $0xF4280, s19  }
0x2df: {  	[tilespmem:s21], [sflag:$0x1] =	stream.linear.gather [hbm4b:s12+s3], $0x400, $0x38;
	[tilespmem:$0x1A200] =	vst v63  }
0x2e0: {  	s23 =	spop (v2sf);
	s24 =	simm.s32 $0x3600  }
0x2e1: {  	[tilespmem:s24], [sflag:$0x1] =	stream.linear.gather [hbm4b:s23+s3], $0x400, $0x38;
	[tilespmem:$0x1A200] =	vst v63  }
0x2e2: {  	s25 =	simm.s32 $0x7600;
	s12 =	sadd.s32 $0xF4280, s23  }
0x2e3: {  	[tilespmem:s25], [sflag:$0x1] =	stream.linear.gather [hbm4b:s12+s3], $0x400, $0x38;
	[tilespmem:$0x1A200] =	vst v63  }
0x2e4: {  	s0 =	spop (v2sf);
	s2 =	simm.s32 $0x3A00  }
0x2e5: {  	[tilespmem:s2], [sflag:$0x1] =	stream.linear.gather [hbm4b:s0+s3], $0x400, $0x38;
	[tilespmem:$0x1A200] =	vst v63  }
0x2e6: {  	s4 =	simm.s32 $0x7A00;
	s12 =	sadd.s32 $0xF4280, s0  }
0x2e7: {  	[tilespmem:s4], [sflag:$0x1] =	stream.linear.gather [hbm4b:s12+s3], $0x400, $0x38;
	[tilespmem:$0x1A200] =	vst v63  }
0x2e8: {  	s5 =	spop (v2sf);
	s6 =	simm.s32 $0x3E00  }
0x2e9: {  	[tilespmem:s6], [sflag:$0x1] =	stream.linear.gather [hbm4b:s5+s3], $0x400, $0x38;
	[tilespmem:$0x1A200] =	vst v63  }
0x2ea: {  	s7 =	simm.s32 $0x7E00;
	s12 =	sadd.s32 $0xF4280, s5  }
0x2eb: {  	[tilespmem:s7], [sflag:$0x1] =	stream.linear.gather [hbm4b:s12+s3], $0x400, $0x38;
	[tilespmem:$0x1A200] =	vst v63  }
0x2ec: {  	_ =	swait.ge [sflag:s11], $0x8000  }
0x2ed: {  	[sflag:s11] =	ssyncset.done $0x0  }
0x2ee: {  	[sflag:s11] =	ssyncadd.s32 $0xFFFF8000  }
0x2ef: {  	v58 =	vld [tilespmem:$0x1C0];
	_ =	sdelay $0x4  }
0x2f0: {  	v48 =	vand.u32 $0x7F, v58  }
0x2f1: {  	v59 =	vor.u32 v16, v48;
	_ =	sdelay $0x4  }
0x2f2: {  	v49 =	vld.idx.msk [tilespmem:v59+s10+$0x0], $0xffff  }
0x2f3: {  	v60 =	vor.u32 v17, v48;
	_ =	sdelay $0x3  }
0x2f4: {  	[tilespmem:$0x18E40] =	vst v49  }
0x2f5: {  	v49 =	vld.idx.msk [tilespmem:v60+s10+$0x0], $0xffff  }
0x2f6: {  	v61 =	vor.u32 v18, v48;
	_ =	sdelay $0x3  }
0x2f7: {  	[tilespmem:$0x18EC0] =	vst v49  }
0x2f8: {  	v49 =	vld.idx.msk [tilespmem:v61+s10+$0x0], $0xffff  }
0x2f9: {  	v62 =	vor.u32 v19, v48;
	_ =	sdelay $0x3  }
0x2fa: {  	[tilespmem:$0x18F40] =	vst v49  }
0x2fb: {  	v49 =	vld.idx.msk [tilespmem:v62+s10+$0x0], $0xffff  }
0x2fc: {  	v63 =	vor.u32 v20, v48;
	_ =	sdelay $0x3  }
0x2fd: {  	[tilespmem:$0x18FC0] =	vst v49  }
0x2fe: {  	v49 =	vld.idx.msk [tilespmem:v63+s10+$0x0], $0xffff  }
0x2ff: {  	v52 =	vor.u32 v21, v48;
	_ =	sdelay $0x3  }
0x300: {  	[tilespmem:$0x19040] =	vst v49  }
0x301: {  	v49 =	vld.idx.msk [tilespmem:v52+s10+$0x0], $0xffff  }
0x302: {  	v53 =	vor.u32 v22, v48;
	_ =	sdelay $0x3  }
0x303: {  	[tilespmem:$0x190C0] =	vst v49  }
0x304: {  	v49 =	vld.idx.msk [tilespmem:v53+s10+$0x0], $0xffff  }
0x305: {  	v54 =	vor.u32 v23, v48;
	_ =	sdelay $0x3  }
0x306: {  	[tilespmem:$0x19140] =	vst v49  }
0x307: {  	v49 =	vld.idx.msk [tilespmem:v54+s10+$0x0], $0xffff  }
0x308: {  	v55 =	vor.u32 v24, v48;
	_ =	sdelay $0x3  }
0x309: {  	[tilespmem:$0x191C0] =	vst v49  }
0x30a: {  	v49 =	vld.idx.msk [tilespmem:v55+s10+$0x0], $0xffff  }
0x30b: {  	v56 =	vor.u32 v25, v48;
	_ =	sdelay $0x3  }
0x30c: {  	[tilespmem:$0x19E40] =	vst v49  }
0x30d: {  	v49 =	vld.idx.msk [tilespmem:v56+s10+$0x0], $0xffff  }
0x30e: {  	v57 =	vor.u32 v26, v48;
	_ =	sdelay $0x3  }
0x30f: {  	[tilespmem:$0x19EC0] =	vst v49  }
0x310: {  	v49 =	vld.idx.msk [tilespmem:v57+s10+$0x0], $0xffff  }
0x311: {  	v58 =	vor.u32 v27, v48;
	_ =	sdelay $0x3  }
0x312: {  	[tilespmem:$0x19F40] =	vst v49  }
0x313: {  	v49 =	vld.idx.msk [tilespmem:v58+s10+$0x0], $0xffff  }
0x314: {  	v59 =	vor.u32 v28, v48;
	_ =	sdelay $0x3  }
0x315: {  	[tilespmem:$0x19FC0] =	vst v49  }
0x316: {  	v49 =	vld.idx.msk [tilespmem:v59+s10+$0x0], $0xffff  }
0x317: {  	v60 =	vor.u32 v29, v48;
	v61 =	vld [tilespmem:$0x1F0];
	_ =	sdelay $0x3  }
0x318: {  	[tilespmem:$0x1A040] =	vst v49  }
0x319: {  	v62 =	vand.u32 $0xFFFFFF80, v61;
	v49 =	vld.idx.msk [tilespmem:v60+s10+$0x0], $0xffff  }
0x31a: {  	v50 =	vadd.s32 s1, v62;
	v63 =	vor.u32 v30, v48  }
0x31b: {  	(v2sf) =	vpush v50, $0x0;
	_ =	sdelay $0x2  }
0x31c: {  	[tilespmem:$0x1A0C0] =	vst v49  }
0x31d: {  	(v2sf) =	vpush v50, $0x1;
	v49 =	vld.idx.msk [tilespmem:v63+s10+$0x0], $0xffff  }
0x31e: {  	v48 =	vor.u32 v31, v48;
	_ =	sdelay $0x2  }
0x31f: {  	(v2sf) =	vpush v50, $0x2  }
0x320: {  	[tilespmem:$0x1A140] =	vst v49  }
0x321: {  	v48 =	vld.idx.msk [tilespmem:v48+s10+$0x0], $0xffff;
	_ =	sdelay $0x1  }
0x322: {  	(v2sf) =	vpush v50, $0x3;
	_ =	sdelay $0x2  }
0x323: {  	s9 =	simm.s32 $0x8200;
	s8 =	spop (v2sf);
	[tilespmem:$0x1A1C0] =	vst v48  }
0x324: {  	(v2sf) =	vpush v50, $0x4;
	[tilespmem:s9], [sflag:$0x2] =	stream.linear.gather [hbm4b:s8+s3], $0x400, $0x38;
	[tilespmem:$0x1A200] =	vst v63  }
0x325: {  	s14 =	simm.s32 $0xC200;
	s12 =	sadd.s32 $0xF4280, s8  }
0x326: {  	[tilespmem:s14], [sflag:$0x2] =	stream.linear.gather [hbm4b:s12+s3], $0x400, $0x38;
	[tilespmem:$0x1A200] =	vst v63  }
0x327: {  	s16 =	simm.s32 $0x8600;
	s15 =	spop (v2sf)  }
0x328: {  	(v2sf) =	vpush v50, $0x5;
	[tilespmem:s16], [sflag:$0x2] =	stream.linear.gather [hbm4b:s15+s3], $0x400, $0x38;
	[tilespmem:$0x1A200] =	vst v63  }
0x329: {  	s17 =	simm.s32 $0xC600;
	s12 =	sadd.s32 $0xF4280, s15  }
0x32a: {  	[tilespmem:s17], [sflag:$0x2] =	stream.linear.gather [hbm4b:s12+s3], $0x400, $0x38;
	[tilespmem:$0x1A200] =	vst v63  }
0x32b: {  	s19 =	simm.s32 $0x8A00;
	s18 =	spop (v2sf)  }
0x32c: {  	(v2sf) =	vpush v50, $0x6;
	[tilespmem:s19], [sflag:$0x2] =	stream.linear.gather [hbm4b:s18+s3], $0x400, $0x38;
	[tilespmem:$0x1A200] =	vst v63  }
0x32d: {  	s20 =	simm.s32 $0xCA00;
	s12 =	sadd.s32 $0xF4280, s18  }
0x32e: {  	[tilespmem:s20], [sflag:$0x2] =	stream.linear.gather [hbm4b:s12+s3], $0x400, $0x38;
	[tilespmem:$0x1A200] =	vst v63  }
0x32f: {  	s23 =	simm.s32 $0x8E00;
	s21 =	spop (v2sf)  }
0x330: {  	(v2sf) =	vpush v50, $0x7;
	[tilespmem:s23], [sflag:$0x2] =	stream.linear.gather [hbm4b:s21+s3], $0x400, $0x38;
	[tilespmem:$0x1A200] =	vst v63  }
0x331: {  	s24 =	simm.s32 $0xCE00;
	s12 =	sadd.s32 $0xF4280, s21  }
0x332: {  	[tilespmem:s24], [sflag:$0x2] =	stream.linear.gather [hbm4b:s12+s3], $0x400, $0x38;
	[tilespmem:$0x1A200] =	vst v63  }
0x333: {  	s0 =	simm.s32 $0x9200;
	s25 =	spop (v2sf)  }
0x334: {  	(v2sf) =	vpush v50, $0x8;
	[tilespmem:s0], [sflag:$0x2] =	stream.linear.gather [hbm4b:s25+s3], $0x400, $0x38;
	[tilespmem:$0x1A200] =	vst v63  }
0x335: {  	s2 =	simm.s32 $0xD200;
	s12 =	sadd.s32 $0xF4280, s25  }
0x336: {  	[tilespmem:s2], [sflag:$0x2] =	stream.linear.gather [hbm4b:s12+s3], $0x400, $0x38;
	[tilespmem:$0x1A200] =	vst v63  }
0x337: {  	s5 =	simm.s32 $0x9600;
	s4 =	spop (v2sf)  }
0x338: {  	(v2sf) =	vpush v50, $0x9;
	[tilespmem:s5], [sflag:$0x2] =	stream.linear.gather [hbm4b:s4+s3], $0x400, $0x38;
	[tilespmem:$0x1A200] =	vst v63  }
0x339: {  	s6 =	simm.s32 $0xD600;
	s12 =	sadd.s32 $0xF4280, s4  }
0x33a: {  	[tilespmem:s6], [sflag:$0x2] =	stream.linear.gather [hbm4b:s12+s3], $0x400, $0x38;
	[tilespmem:$0x1A200] =	vst v63  }
0x33b: {  	s7 =	spop (v2sf);
	s8 =	simm.s32 $0x9A00  }
0x33c: {  	(v2sf) =	vpush v50, $0xA;
	[tilespmem:s8], [sflag:$0x2] =	stream.linear.gather [hbm4b:s7+s3], $0x400, $0x38;
	[tilespmem:$0x1A200] =	vst v63  }
0x33d: {  	s9 =	simm.s32 $0xDA00;
	s12 =	sadd.s32 $0xF4280, s7  }
0x33e: {  	[tilespmem:s9], [sflag:$0x2] =	stream.linear.gather [hbm4b:s12+s3], $0x400, $0x38;
	[tilespmem:$0x1A200] =	vst v63  }
0x33f: {  	s14 =	spop (v2sf);
	s15 =	simm.s32 $0x9E00  }
0x340: {  	(v2sf) =	vpush v50, $0xB;
	[tilespmem:s15], [sflag:$0x2] =	stream.linear.gather [hbm4b:s14+s3], $0x400, $0x38;
	[tilespmem:$0x1A200] =	vst v63  }
0x341: {  	s16 =	simm.s32 $0xDE00;
	s12 =	sadd.s32 $0xF4280, s14  }
0x342: {  	[tilespmem:s16], [sflag:$0x2] =	stream.linear.gather [hbm4b:s12+s3], $0x400, $0x38;
	[tilespmem:$0x1A200] =	vst v63  }
0x343: {  	s17 =	spop (v2sf);
	s18 =	simm.s32 $0xA200  }
0x344: {  	(v2sf) =	vpush v50, $0xC;
	[tilespmem:s18], [sflag:$0x2] =	stream.linear.gather [hbm4b:s17+s3], $0x400, $0x38;
	[tilespmem:$0x1A200] =	vst v63  }
0x345: {  	s19 =	simm.s32 $0xE200;
	s12 =	sadd.s32 $0xF4280, s17  }
0x346: {  	[tilespmem:s19], [sflag:$0x2] =	stream.linear.gather [hbm4b:s12+s3], $0x400, $0x38;
	[tilespmem:$0x1A200] =	vst v63  }
0x347: {  	s20 =	spop (v2sf);
	s21 =	simm.s32 $0xA600  }
0x348: {  	(v2sf) =	vpush v50, $0xD;
	[tilespmem:s21], [sflag:$0x2] =	stream.linear.gather [hbm4b:s20+s3], $0x400, $0x38;
	[tilespmem:$0x1A200] =	vst v63  }
0x349: {  	s23 =	simm.s32 $0xE600;
	s12 =	sadd.s32 $0xF4280, s20  }
0x34a: {  	[tilespmem:s23], [sflag:$0x2] =	stream.linear.gather [hbm4b:s12+s3], $0x400, $0x38;
	[tilespmem:$0x1A200] =	vst v63  }
0x34b: {  	s24 =	spop (v2sf);
	s25 =	simm.s32 $0xAA00  }
0x34c: {  	(v2sf) =	vpush v50, $0xE;
	[tilespmem:s25], [sflag:$0x2] =	stream.linear.gather [hbm4b:s24+s3], $0x400, $0x38;
	[tilespmem:$0x1A200] =	vst v63  }
0x34d: {  	s0 =	simm.s32 $0xEA00;
	s12 =	sadd.s32 $0xF4280, s24  }
0x34e: {  	[tilespmem:s0], [sflag:$0x2] =	stream.linear.gather [hbm4b:s12+s3], $0x400, $0x38;
	[tilespmem:$0x1A200] =	vst v63  }
0x34f: {  	s2 =	spop (v2sf);
	s4 =	simm.s32 $0xAE00  }
0x350: {  	(v2sf) =	vpush v50, $0xF;
	[tilespmem:s4], [sflag:$0x2] =	stream.linear.gather [hbm4b:s2+s3], $0x400, $0x38;
	[tilespmem:$0x1A200] =	vst v63  }
0x351: {  	s5 =	simm.s32 $0xEE00;
	s12 =	sadd.s32 $0xF4280, s2  }
0x352: {  	[tilespmem:s5], [sflag:$0x2] =	stream.linear.gather [hbm4b:s12+s3], $0x400, $0x38;
	[tilespmem:$0x1A200] =	vst v63  }
0x353: {  	s6 =	spop (v2sf);
	s7 =	simm.s32 $0xB200  }
0x354: {  	[tilespmem:s7], [sflag:$0x2] =	stream.linear.gather [hbm4b:s6+s3], $0x400, $0x38;
	[tilespmem:$0x1A200] =	vst v63  }
0x355: {  	s8 =	simm.s32 $0xF200;
	s12 =	sadd.s32 $0xF4280, s6  }
0x356: {  	[tilespmem:s8], [sflag:$0x2] =	stream.linear.gather [hbm4b:s12+s3], $0x400, $0x38;
	[tilespmem:$0x1A200] =	vst v63  }
0x357: {  	s9 =	spop (v2sf);
	s14 =	simm.s32 $0xB600  }
0x358: {  	[tilespmem:s14], [sflag:$0x2] =	stream.linear.gather [hbm4b:s9+s3], $0x400, $0x38;
	[tilespmem:$0x1A200] =	vst v63  }
0x359: {  	s15 =	simm.s32 $0xF600;
	s12 =	sadd.s32 $0xF4280, s9  }
0x35a: {  	[tilespmem:s15], [sflag:$0x2] =	stream.linear.gather [hbm4b:s12+s3], $0x400, $0x38;
	[tilespmem:$0x1A200] =	vst v63  }
0x35b: {  	s16 =	spop (v2sf);
	s17 =	simm.s32 $0xBA00  }
0x35c: {  	[tilespmem:s17], [sflag:$0x2] =	stream.linear.gather [hbm4b:s16+s3], $0x400, $0x38;
	[tilespmem:$0x1A200] =	vst v63  }
0x35d: {  	s18 =	simm.s32 $0xFA00;
	s12 =	sadd.s32 $0xF4280, s16  }
0x35e: {  	[tilespmem:s18], [sflag:$0x2] =	stream.linear.gather [hbm4b:s12+s3], $0x400, $0x38;
	[tilespmem:$0x1A200] =	vst v63  }
0x35f: {  	s19 =	spop (v2sf);
	s20 =	simm.s32 $0xBE00  }
0x360: {  	[tilespmem:s20], [sflag:$0x2] =	stream.linear.gather [hbm4b:s19+s3], $0x400, $0x38;
	[tilespmem:$0x1A200] =	vst v63  }
0x361: {  	s21 =	simm.s32 $0xFE00;
	s12 =	sadd.s32 $0xF4280, s19  }
0x362: {  	[tilespmem:s21], [sflag:$0x2] =	stream.linear.gather [hbm4b:s12+s3], $0x400, $0x38;
	[tilespmem:$0x1A200] =	vst v63  }
0x363: {  	_ =	swait.ge [sflag:s28], $0x8000  }
0x364: {  	[sflag:s28] =	ssyncset.done $0x0  }
0x365: {  	[sflag:s28] =	ssyncadd.s32 $0xFFFF8000  }
0x366: {  	v52 =	vld [tilespmem:$0x1D0];
	_ =	sdelay $0x4  }
0x367: {  	v48 =	vand.u32 $0x7F, v52  }
0x368: {  	v53 =	vor.u32 v32, v48;
	_ =	sdelay $0x4  }
0x369: {  	v49 =	vld.idx.msk [tilespmem:v53+s10+$0x0], $0xffff  }
0x36a: {  	v54 =	vor.u32 v33, v48;
	_ =	sdelay $0x3  }
0x36b: {  	[tilespmem:$0x18E50] =	vst v49  }
0x36c: {  	v49 =	vld.idx.msk [tilespmem:v54+s10+$0x0], $0xffff  }
0x36d: {  	v55 =	vor.u32 v34, v48;
	_ =	sdelay $0x3  }
0x36e: {  	[tilespmem:$0x18ED0] =	vst v49  }
0x36f: {  	v49 =	vld.idx.msk [tilespmem:v55+s10+$0x0], $0xffff  }
0x370: {  	v56 =	vor.u32 v35, v48;
	_ =	sdelay $0x3  }
0x371: {  	[tilespmem:$0x18F50] =	vst v49  }
0x372: {  	v49 =	vld.idx.msk [tilespmem:v56+s10+$0x0], $0xffff  }
0x373: {  	v57 =	vor.u32 v36, v48;
	_ =	sdelay $0x3  }
0x374: {  	[tilespmem:$0x18FD0] =	vst v49  }
0x375: {  	v49 =	vld.idx.msk [tilespmem:v57+s10+$0x0], $0xffff  }
0x376: {  	v58 =	vor.u32 v37, v48;
	_ =	sdelay $0x3  }
0x377: {  	[tilespmem:$0x19050] =	vst v49  }
0x378: {  	v49 =	vld.idx.msk [tilespmem:v58+s10+$0x0], $0xffff  }
0x379: {  	v59 =	vor.u32 v38, v48;
	_ =	sdelay $0x3  }
0x37a: {  	[tilespmem:$0x190D0] =	vst v49  }
0x37b: {  	v49 =	vld.idx.msk [tilespmem:v59+s10+$0x0], $0xffff  }
0x37c: {  	v60 =	vor.u32 v39, v48;
	_ =	sdelay $0x3  }
0x37d: {  	[tilespmem:$0x19150] =	vst v49  }
0x37e: {  	v49 =	vld.idx.msk [tilespmem:v60+s10+$0x0], $0xffff  }
0x37f: {  	v61 =	vor.u32 v40, v48;
	_ =	sdelay $0x3  }
0x380: {  	[tilespmem:$0x191D0] =	vst v49  }
0x381: {  	v49 =	vld.idx.msk [tilespmem:v61+s10+$0x0], $0xffff  }
0x382: {  	v62 =	vor.u32 v41, v48;
	_ =	sdelay $0x3  }
0x383: {  	[tilespmem:$0x19E50] =	vst v49  }
0x384: {  	v49 =	vld.idx.msk [tilespmem:v62+s10+$0x0], $0xffff  }
0x385: {  	v63 =	vor.u32 v42, v48;
	_ =	sdelay $0x3  }
0x386: {  	[tilespmem:$0x19ED0] =	vst v49  }
0x387: {  	v49 =	vld.idx.msk [tilespmem:v63+s10+$0x0], $0xffff  }
0x388: {  	v52 =	vor.u32 v43, v48;
	_ =	sdelay $0x3  }
0x389: {  	[tilespmem:$0x19F50] =	vst v49  }
0x38a: {  	v49 =	vld.idx.msk [tilespmem:v52+s10+$0x0], $0xffff  }
0x38b: {  	v53 =	vor.u32 v44, v48;
	_ =	sdelay $0x3  }
0x38c: {  	[tilespmem:$0x19FD0] =	vst v49  }
0x38d: {  	v49 =	vld.idx.msk [tilespmem:v53+s10+$0x0], $0xffff  }
0x38e: {  	v54 =	vor.u32 v45, v48;
	_ =	sdelay $0x3  }
0x38f: {  	[tilespmem:$0x1A050] =	vst v49  }
0x390: {  	v49 =	vld.idx.msk [tilespmem:v54+s10+$0x0], $0xffff  }
0x391: {  	v55 =	vor.u32 v46, v48;
	_ =	sdelay $0x3  }
0x392: {  	[tilespmem:$0x1A0D0] =	vst v49  }
0x393: {  	v49 =	vld.idx.msk [tilespmem:v55+s10+$0x0], $0xffff  }
0x394: {  	v48 =	vor.u32 v47, v48;
	_ =	sdelay $0x3  }
0x395: {  	[tilespmem:$0x1A150] =	vst v49  }
0x396: {  	v48 =	vld.idx.msk [tilespmem:v48+s10+$0x0], $0xffff;
	_ =	sdelay $0x4  }
0x397: {  	[tilespmem:$0x1A1D0] =	vst v48  }
0x398: {  	_ =	swait.ge [sflag:s26], $0x8000  }
0x399: {  	[sflag:s26] =	ssyncset.done $0x0  }
0x39a: {  	[sflag:s26] =	ssyncadd.s32 $0xFFFF8000  }
0x39b: {  	v56 =	vld [tilespmem:$0x1E0];
	_ =	sdelay $0x4  }
0x39c: {  	v48 =	vand.u32 $0x7F, v56  }
0x39d: {  	v57 =	vor.u32 v0, v48;
	_ =	sdelay $0x4  }
0x39e: {  	v49 =	vld.idx.msk [tilespmem:v57+s10+$0x0], $0xffff  }
0x39f: {  	v58 =	vor.u32 v1, v48;
	_ =	sdelay $0x3  }
0x3a0: {  	[tilespmem:$0x18E60] =	vst v49  }
0x3a1: {  	v49 =	vld.idx.msk [tilespmem:v58+s10+$0x0], $0xffff  }
0x3a2: {  	v59 =	vor.u32 v2, v48;
	_ =	sdelay $0x3  }
0x3a3: {  	[tilespmem:$0x18EE0] =	vst v49  }
0x3a4: {  	v49 =	vld.idx.msk [tilespmem:v59+s10+$0x0], $0xffff  }
0x3a5: {  	v60 =	vor.u32 v3, v48;
	_ =	sdelay $0x3  }
0x3a6: {  	[tilespmem:$0x18F60] =	vst v49  }
0x3a7: {  	v49 =	vld.idx.msk [tilespmem:v60+s10+$0x0], $0xffff  }
0x3a8: {  	v61 =	vor.u32 v4, v48;
	_ =	sdelay $0x3  }
0x3a9: {  	[tilespmem:$0x18FE0] =	vst v49  }
0x3aa: {  	v49 =	vld.idx.msk [tilespmem:v61+s10+$0x0], $0xffff  }
0x3ab: {  	v62 =	vor.u32 v5, v48;
	_ =	sdelay $0x3  }
0x3ac: {  	[tilespmem:$0x19060] =	vst v49  }
0x3ad: {  	v49 =	vld.idx.msk [tilespmem:v62+s10+$0x0], $0xffff  }
0x3ae: {  	v63 =	vor.u32 v6, v48;
	_ =	sdelay $0x3  }
0x3af: {  	[tilespmem:$0x190E0] =	vst v49  }
0x3b0: {  	v49 =	vld.idx.msk [tilespmem:v63+s10+$0x0], $0xffff  }
0x3b1: {  	v52 =	vor.u32 v7, v48;
	_ =	sdelay $0x3  }
0x3b2: {  	[tilespmem:$0x19160] =	vst v49  }
0x3b3: {  	v49 =	vld.idx.msk [tilespmem:v52+s10+$0x0], $0xffff  }
0x3b4: {  	v53 =	vor.u32 v8, v48;
	_ =	sdelay $0x3  }
0x3b5: {  	[tilespmem:$0x191E0] =	vst v49  }
0x3b6: {  	v49 =	vld.idx.msk [tilespmem:v53+s10+$0x0], $0xffff  }
0x3b7: {  	v54 =	vor.u32 v9, v48;
	_ =	sdelay $0x3  }
0x3b8: {  	[tilespmem:$0x19E60] =	vst v49  }
0x3b9: {  	v49 =	vld.idx.msk [tilespmem:v54+s10+$0x0], $0xffff  }
0x3ba: {  	v55 =	vor.u32 v10, v48;
	_ =	sdelay $0x3  }
0x3bb: {  	[tilespmem:$0x19EE0] =	vst v49  }
0x3bc: {  	v49 =	vld.idx.msk [tilespmem:v55+s10+$0x0], $0xffff  }
0x3bd: {  	v56 =	vor.u32 v11, v48;
	_ =	sdelay $0x3  }
0x3be: {  	[tilespmem:$0x19F60] =	vst v49  }
0x3bf: {  	v49 =	vld.idx.msk [tilespmem:v56+s10+$0x0], $0xffff  }
0x3c0: {  	v57 =	vor.u32 v12, v48;
	_ =	sdelay $0x3  }
0x3c1: {  	[tilespmem:$0x19FE0] =	vst v49  }
0x3c2: {  	v49 =	vld.idx.msk [tilespmem:v57+s10+$0x0], $0xffff  }
0x3c3: {  	v58 =	vor.u32 v13, v48;
	_ =	sdelay $0x3  }
0x3c4: {  	[tilespmem:$0x1A060] =	vst v49  }
0x3c5: {  	v49 =	vld.idx.msk [tilespmem:v58+s10+$0x0], $0xffff  }
0x3c6: {  	v59 =	vor.u32 v14, v48;
	_ =	sdelay $0x3  }
0x3c7: {  	[tilespmem:$0x1A0E0] =	vst v49  }
0x3c8: {  	v49 =	vld.idx.msk [tilespmem:v59+s10+$0x0], $0xffff  }
0x3c9: {  	v48 =	vor.u32 v15, v48;
	_ =	sdelay $0x3  }
0x3ca: {  	[tilespmem:$0x1A160] =	vst v49  }
0x3cb: {  	v48 =	vld.idx.msk [tilespmem:v48+s10+$0x0], $0xffff;
	_ =	sdelay $0x4  }
0x3cc: {  	[tilespmem:$0x1A1E0] =	vst v48  }
0x3cd: {  	_ =	swait.ge [sflag:s11], $0x8000  }
0x3ce: {  	[sflag:s11] =	ssyncset.done $0x0  }
0x3cf: {  	[sflag:s11] =	ssyncadd.s32 $0xFFFF8000  }
0x3d0: {  	v60 =	vld [tilespmem:$0x1F0];
	_ =	sdelay $0x4  }
0x3d1: {  	v48 =	vand.u32 $0x7F, v60  }
0x3d2: {  	v61 =	vor.u32 v16, v48;
	_ =	sdelay $0x4  }
0x3d3: {  	v49 =	vld.idx.msk [tilespmem:v61+s10+$0x0], $0xffff  }
0x3d4: {  	v62 =	vor.u32 v17, v48;
	_ =	sdelay $0x3  }
0x3d5: {  	[tilespmem:$0x18E70] =	vst v49  }
0x3d6: {  	v49 =	vld.idx.msk [tilespmem:v62+s10+$0x0], $0xffff  }
0x3d7: {  	v63 =	vor.u32 v18, v48;
	_ =	sdelay $0x3  }
0x3d8: {  	[tilespmem:$0x18EF0] =	vst v49  }
0x3d9: {  	v49 =	vld.idx.msk [tilespmem:v63+s10+$0x0], $0xffff  }
0x3da: {  	v52 =	vor.u32 v19, v48;
	_ =	sdelay $0x3  }
0x3db: {  	[tilespmem:$0x18F70] =	vst v49  }
0x3dc: {  	v49 =	vld.idx.msk [tilespmem:v52+s10+$0x0], $0xffff  }
0x3dd: {  	v53 =	vor.u32 v20, v48;
	_ =	sdelay $0x3  }
0x3de: {  	[tilespmem:$0x18FF0] =	vst v49  }
0x3df: {  	v49 =	vld.idx.msk [tilespmem:v53+s10+$0x0], $0xffff  }
0x3e0: {  	v54 =	vor.u32 v21, v48;
	_ =	sdelay $0x3  }
0x3e1: {  	[tilespmem:$0x19070] =	vst v49  }
0x3e2: {  	v49 =	vld.idx.msk [tilespmem:v54+s10+$0x0], $0xffff  }
0x3e3: {  	v55 =	vor.u32 v22, v48;
	_ =	sdelay $0x3  }
0x3e4: {  	[tilespmem:$0x190F0] =	vst v49  }
0x3e5: {  	v49 =	vld.idx.msk [tilespmem:v55+s10+$0x0], $0xffff  }
0x3e6: {  	v56 =	vor.u32 v23, v48;
	_ =	sdelay $0x3  }
0x3e7: {  	[tilespmem:$0x19170] =	vst v49  }
0x3e8: {  	v49 =	vld.idx.msk [tilespmem:v56+s10+$0x0], $0xffff  }
0x3e9: {  	v57 =	vor.u32 v24, v48;
	_ =	sdelay $0x3  }
0x3ea: {  	[tilespmem:$0x191F0] =	vst v49  }
0x3eb: {  	v49 =	vld.idx.msk [tilespmem:v57+s10+$0x0], $0xffff  }
0x3ec: {  	v58 =	vor.u32 v25, v48;
	_ =	sdelay $0x3  }
0x3ed: {  	[tilespmem:$0x19E70] =	vst v49  }
0x3ee: {  	v49 =	vld.idx.msk [tilespmem:v58+s10+$0x0], $0xffff  }
0x3ef: {  	v59 =	vor.u32 v26, v48;
	_ =	sdelay $0x3  }
0x3f0: {  	[tilespmem:$0x19EF0] =	vst v49  }
0x3f1: {  	v49 =	vld.idx.msk [tilespmem:v59+s10+$0x0], $0xffff  }
0x3f2: {  	v60 =	vor.u32 v27, v48;
	_ =	sdelay $0x3  }
0x3f3: {  	[tilespmem:$0x19F70] =	vst v49  }
0x3f4: {  	v49 =	vld.idx.msk [tilespmem:v60+s10+$0x0], $0xffff  }
0x3f5: {  	v61 =	vor.u32 v28, v48;
	_ =	sdelay $0x3  }
0x3f6: {  	[tilespmem:$0x19FF0] =	vst v49  }
0x3f7: {  	v49 =	vld.idx.msk [tilespmem:v61+s10+$0x0], $0xffff  }
0x3f8: {  	v62 =	vor.u32 v29, v48;
	_ =	sdelay $0x3  }
0x3f9: {  	[tilespmem:$0x1A070] =	vst v49  }
0x3fa: {  	v49 =	vld.idx.msk [tilespmem:v62+s10+$0x0], $0xffff  }
0x3fb: {  	v63 =	vor.u32 v30, v48;
	_ =	sdelay $0x3  }
0x3fc: {  	[tilespmem:$0x1A0F0] =	vst v49  }
0x3fd: {  	v49 =	vld.idx.msk [tilespmem:v63+s10+$0x0], $0xffff  }
0x3fe: {  	v48 =	vor.u32 v31, v48;
	_ =	sdelay $0x3  }
0x3ff: {  	[tilespmem:$0x1A170] =	vst v49  }
0x400: {  	v48 =	vld.idx.msk [tilespmem:v48+s10+$0x0], $0xffff;
	_ =	sdelay $0x3  }
0x401: {  	s0 =	simm.s32 $0x1000;
	s2 =	simm.s32 $0x20000  }
0x402: {  	s4 =	simm.s32 $0x18200;
	s15 =	simm.s32 $0x4;
	s23 =	rddreg [dreg:$0x5];
	[tilespmem:$0x1A1F0] =	vst v48  }
0x403: {  	[hbm4b:s23+s0] =	stream.strided.scatter [tilespmem:s4], [sflag:$0x4], $0x2000, s2, s0, $0x38;
	[tilespmem:$0x1A200] =	vst v63  }
0x404: {  	s30 =	simm.s32 $0x16600;
	s31 =	simm.s32 $0x12A00;
	_ =	swait.ge [sflag:s15], $0x2000  }
0x405: {  	s5 =	simm.s32 $0x11E00;
	s7 =	simm.s32 $0x11600;
	s24 =	rddreg [dreg:$0x7]  }
0x406: {  	s6 =	simm.s32 $0x12200;
	s25 =	rddreg [dreg:$0x6];
	s13 =	sadd.s32 $0x1, s24  }
0x407: {  	s8 =	simm.s32 $0x11A00;
	s9 =	simm.s32 $0x12600;
	p0 =	sne.s32 s13, s25  }
.Ltmp1:
0x408: {  	s16 =	simm.s32 $0x10600;
	s17 =	simm.s32 $0x10A00;
	(pc) =	sbr.rel @p0 .LBB2_1-.Ltmp1, $4  }
0x409: {  	s18 =	simm.s32 $0x14600;
	s19 =	simm.s32 $0x14E00;
	s20 =	simm.s32 $0x15600  }
0x40a: {  	s21 =	simm.s32 $0x14A00;
	s2 =	simm.s32 $0x10E00;
	s0 =	simm.s32 $0x11200  }
0x40b: {  	s23 =	simm.s32 $0x15200;
	s4 =	simm.s32 $0x15A00;
	[sflag:s15] =	ssyncset.done $0x0  }
0x40c: {  	[sflag:s15] =	ssyncadd.s32 $0xFFFFE000;
	s24 =	simm.s32 $0x15E00;
	s25 =	simm.s32 $0x16200  }
0x40d: {  	_ =	sfence.sel $0x180000  }
0x40e: {  	[bflag:$0x0] =	sbarrier.arrive $0xFFFF  }
0x40f: {  	_ =	strace $0x90000047  }
0x410: {  	s0 =	stileid.u32;
	[bflag:$0x2] =	sbarrier.arrive $0xFFFF  }
0x411: {  	p0 =	sne.s32 s0, $0x0;
	s0 =	rddreg [dreg:$0x3]  }
0x412: {  	s0 =	sadd.s32 @!p0 $0x100000, s0  }
0x413: {  	[sflag:s0] =	ssyncadd.tile.s32 @!p0 $0x1;
	_ =	shalt  }
.Lfunc_end2:
_tile_overlayer_lowered:
.L_overlay_start_2:
0x414: {  	(tag) =	ssettag $0x2  }
0x415: {  	s0 =	rddreg [dreg:$0x0];
	s2 =	stileid.u32  }
0x416: {  	s1 =	rddreg [dreg:$0x1];
	p0 =	sne.s32 s2, $0x0  }
0x417: {  	s3 =	rddreg [dreg:$0x2];
	[bflag:$0x3] =	sbarrier.arrive $0xFFFF;
	s2 =	simm.s32 @!p0 $0x1C04  }
0x418: {  	[timem:s3], [sflag:s2] =	dma.local @!p0 [hbm:s0], s1  }
0x419: {  	s0 =	simm.s32 @!p0 $0x4  }
0x41a: {  	_ =	swait.ge @!p0 [sflag:s0], s1  }
0x41b: {  	s1 =	ssub.s32 @!p0 $0x0, s1;
	[sflag:s0] =	ssyncset.done @!p0 $0x0  }
0x41c: {  	[sflag:s0] =	ssyncadd.s32 @!p0 s1  }
0x41d: {  	[bflag:$0x3] =	sbarrier.arrive $0xFFFF  }
0x41e: {  	_ =	shalt  }

</sc_bundles>
